<compile_context>
chip_gen: v7x
topology: tpu7x:2x2x1
jax: 0.10.2.dev20260603
libtpu: 0.0.44.dev20260713+nightly
codegen_flags: <defaults>
</compile_context>

<pallas_src>
import functools

import jax
import jax.numpy as jnp
from jax import lax
from jax.experimental import pallas as pl
from jax.experimental.pallas import tpu as pltpu
from jax.experimental.pallas import tpu_sc as plsc

B, N, D, C = 4, 1024, 4, 64
S = 256
L = 16

_MESH = plsc.VectorSubcoreMesh(core_axis_name="c", subcore_axis_name="s")
_NC = 2

_NW = 32
_AB_ROWS = B * S * S
_AB_PER_W = _AB_ROWS // _NW
_AB_CHUNK = 128
_AB_NCHUNK = _AB_PER_W // _AB_CHUNK
_V_ROWS = B * S
_V_PER_W = _V_ROWS // _NW


@functools.partial(
    pl.kernel,
    out_type=jax.ShapeDtypeStruct((B, S), jnp.int32),
    mesh=_MESH,
    compiler_params=pltpu.CompilerParams(
        needs_layout_passes=False, use_tc_tiling_on_sc=False
    ),
    scratch_types=[
        pltpu.VMEM((N * D,), jnp.float32),
        pltpu.VMEM((N,), jnp.float32),
        pltpu.VMEM((S,), jnp.int32),
        pltpu.VMEM((L,), jnp.int32),
    ],
)
def _fps_kernel(ab_hbm, init_hbm, q_hbm, row_v, dists_v, cents_v, init_v):
    wid = lax.axis_index("s") * _NC + lax.axis_index("c")
    lanes = jnp.arange(L, dtype=jnp.int32)

    @pl.when(wid < B)
    def _():
        b = wid
        pltpu.sync_copy(init_hbm, init_v)
        far0 = jnp.max(plsc.load_gather(init_v, [jnp.full((L,), b, jnp.int32)]))

        big = jnp.full((L,), 1.0e16, dtype=jnp.float32)
        for c in range(N // L):
            dists_v[pl.ds(c * L, L)] = big

        lane0 = lanes == 0

        lanes_d = lanes * D

        def step(s, far):
            pltpu.sync_copy(ab_hbm.at[b, far], row_v)
            plsc.store_scatter(
                cents_v,
                [jnp.full((L,), s, jnp.int32)],
                jnp.full((L,), far, jnp.int32),
                mask=lane0,
            )
            best_val = jnp.full((L,), -jnp.inf, dtype=jnp.float32)
            best_idx = jnp.zeros((L,), dtype=jnp.int32)
            for c in range(N // L):
                jvec = lanes + (c * L)
                acc = None
                for d in range(D):
                    x = plsc.load_gather(row_v, [lanes_d + (c * L * D + d)])
                    acc = x * x if acc is None else acc + x * x
                newd = jnp.minimum(acc, dists_v[pl.ds(c * L, L)])
                dists_v[pl.ds(c * L, L)] = newd
                m = newd > best_val
                best_val = jnp.where(m, newd, best_val)
                best_idx = jnp.where(m, jvec, best_idx)
            gmax = jnp.max(best_val)
            cand = jnp.where(best_val == gmax, best_idx, jnp.full((L,), N, jnp.int32))
            return jnp.min(cand)

        lax.fori_loop(0, S, step, far0)
        pltpu.sync_copy(cents_v, q_hbm.at[b])


_J_PER_W = S // (_NW // B)


@functools.partial(
    pl.kernel,
    out_type=(
        jax.ShapeDtypeStruct((B * S, S * D), jnp.float32),
        jax.ShapeDtypeStruct((_V_ROWS, C), jnp.float32),
    ),
    mesh=_MESH,
    compiler_params=pltpu.CompilerParams(
        needs_layout_passes=False, use_tc_tiling_on_sc=False
    ),
    scratch_types=[
        pltpu.VMEM((S,), jnp.int32),
        pltpu.VMEM((N * D,), jnp.float32),
        pltpu.VMEM((S, _J_PER_W * D), jnp.float32),
        pltpu.VMEM((_V_PER_W,), jnp.int32),
        pltpu.VMEM((_V_PER_W, C), jnp.float32),
        pltpu.SemaphoreType.DMA,
    ],
)
def _gather_kernel(ab_hbm, vals_hbm, q_hbm, vidx_hbm, out_ab, out_vals,
                   q_v, row_v, obuf, vidx_v, vbuf, sem):
    wid = lax.axis_index("s") * _NC + lax.axis_index("c")
    lanes = jnp.arange(L, dtype=jnp.int32)

    pltpu.sync_copy(vidx_hbm.at[pl.ds(wid * _V_PER_W, _V_PER_W)], vidx_v)
    pltpu.async_copy(vals_hbm.at[vidx_v], vbuf, sem).wait()
    pltpu.sync_copy(vbuf, out_vals.at[pl.ds(wid * _V_PER_W, _V_PER_W)])

    b = wid // (_NW // B)
    j0 = (wid % (_NW // B)) * _J_PER_W
    pltpu.sync_copy(q_hbm.at[b], q_v)

    def col(j, carry):
        qj = jnp.max(plsc.load_gather(q_v, [jnp.full((L,), j, jnp.int32)]))
        pltpu.sync_copy(ab_hbm.at[b, qj], row_v)
        jj4 = (j - j0) * D
        for c in range(S // L):
            qi16 = q_v[pl.ds(c * L, L)] * D
            rows = lanes + (c * L)
            for d in range(D):
                x = plsc.load_gather(row_v, [qi16 + d])
                plsc.store_scatter(
                    obuf, [rows, jnp.full((L,), jj4 + d, jnp.int32)], x
                )
        return carry

    lax.fori_loop(j0, j0 + _J_PER_W, col, 0)
    pltpu.sync_copy(
        obuf, out_ab.at[pl.ds(b * S, S), pl.ds(j0 * D, _J_PER_W * D)]
    )


def kernel(ab_pairs, values, mask):
    key = jax.random.key(42)
    rnd = jax.random.randint(key, (B,), 0, N)
    msum = mask.sum(-1)
    tmp_index = rnd % msum
    offsets = jnp.concatenate(
        [jnp.zeros((1,), dtype=msum.dtype), jnp.cumsum(msum)[:-1]]
    )
    flat_true = jnp.nonzero(mask.reshape(-1), size=B * N, fill_value=0)[0]
    far0 = (flat_true % N)[tmp_index + offsets].astype(jnp.int32)
    init16 = jnp.zeros((L,), jnp.int32).at[:B].set(far0)

    q = _fps_kernel(ab_pairs.reshape(B, N, N * D), init16)

    vidx = (q + (jnp.arange(B, dtype=jnp.int32) * N)[:, None]).reshape(-1)

    sub_ab, sub_vals = _gather_kernel(
        ab_pairs.reshape(B, N, N * D), values.reshape(B * N, C), q, vidx
    )
    sub_ab = sub_ab.reshape(B, S, S, D)
    sub_vals = sub_vals.reshape(B, S, C)
    sub_mask = jnp.take_along_axis(mask, q, axis=1)
    return sub_ab, sub_vals, sub_mask

# --- scband reference (transcript-rebuilt; emitter-appended) ---
"""Pipeline reference for scband-group-farther-subsample-90847148245310 (READ-ONLY COPY).

The authoritative reference and input builder live on the scoring server;
editing this copy changes nothing except your own understanding.
"""

import jax, jax.numpy as jnp
import numpy as np

B, N, D, C = 4, 1024, 4, 64
SAMPLING_FRACTION = 0.25


def _farthest_point_sample(dist_matrix, n_samples, mask):
    # dist_matrix: (B, N, N); mask: (B, N) bool -> centroids (B, n_samples) int
    Bb, Nn = dist_matrix.shape[:2]
    distances = jnp.full((Bb, Nn), 1.0e8, dtype=dist_matrix.dtype)
    key = jax.random.key(42)
    random_indices = jax.random.randint(key, (Bb,), 0, Nn)
    msum = mask.sum(-1)
    tmp_index = random_indices % msum
    offsets = jnp.concatenate([jnp.zeros((1,), dtype=msum.dtype), jnp.cumsum(msum)[:-1]])
    tmp_index = tmp_index + offsets
    # torch.where(mask)[1] == column indices of True entries in row-major order
    flat_true = jnp.nonzero(mask.reshape(-1), size=int(Bb * Nn), fill_value=0)[0]
    cols = flat_true % Nn
    farthest = cols[tmp_index]
    batch_idx = jnp.arange(Bb)

    def step(carry, _):
        far, dists = carry
        d = dist_matrix[batch_idx, far]  # gather rows (B, N)
        d = jnp.where(mask, d, -100.0 * jnp.ones_like(dists))
        dists = jnp.where(d < dists, d, dists)
        new_far = jnp.argmax(dists, axis=-1)
        return (new_far, dists), far

    (_, _), cents = jax.lax.scan(step, (farthest, distances), None, length=n_samples)
    return jnp.transpose(cents)  # (B, n_samples)


def setup_inputs(seed: int = 0) -> dict:
    key = jax.random.key(seed)
    k1, k2 = jax.random.split(key)
    ab_pairs = jax.random.normal(k1, (B, N, N, D), dtype=jnp.float32)
    values = jax.random.normal(k2, (B, N, C), dtype=jnp.float32)
    mask = jnp.ones((B, N), dtype=bool)
    return {"ab_pairs": ab_pairs, "values": values, "mask": mask}


def reference(ab_pairs, values, mask):
    # group=None -> dist(ab) = norm(ab, dim=-1)
    dist_matrix = jnp.linalg.norm(ab_pairs, axis=-1)  # (B, N, N)
    num_sampled_points = int(round(SAMPLING_FRACTION * ab_pairs.shape[1]))
    query_idx = _farthest_point_sample(jax.lax.stop_gradient(dist_matrix), num_sampled_points, mask)
    Bidx = jnp.arange(ab_pairs.shape[0])[:, None]
    subsampled_ab_pairs = ab_pairs[Bidx, query_idx][Bidx, :, query_idx]  # (B, S, S, D)
    subsampled_values = values[Bidx, query_idx]  # (B, S, C)
    subsampled_mask = mask[Bidx, query_idx]  # (B, S)
    return subsampled_ab_pairs, subsampled_values, subsampled_mask

if __name__ == "__main__":
    import jax
    _d = setup_inputs()
    print(jax.jit(kernel)(*tuple(_d.values())))

</pallas_src>

<mosaic_0001>
#map = affine_map<(d0, d1) -> (0, 0, 0)>
#map1 = affine_map<(d0, d1) -> (0)>
#map2 = affine_map<(d0, d1) -> (0, 0)>
module attributes {stable_mosaic.version = 14 : i64} {
  func.func @_fps_kernel(%arg0: i32, %arg1: i32, %arg2: memref<4x1024x4096xf32, #tpu.memory_space<hbm>>, %arg3: memref<16xi32, #tpu.memory_space<hbm>>, %arg4: memref<4x256xi32, #tpu.memory_space<hbm>>, %arg5: memref<4096xf32, #tpu.memory_space<vmem>>, %arg6: memref<1024xf32, #tpu.memory_space<vmem>>, %arg7: memref<256xi32, #tpu.memory_space<vmem>>, %arg8: memref<16xi32, #tpu.memory_space<vmem>>) attributes {dimension_semantics = [#tpu.dimension_semantics<core_parallel>, #tpu.dimension_semantics<subcore_parallel>], iteration_bounds = array<i64: 2, 16>, scalar_prefetch = 0 : i64, scratch_operands = 4 : i64, tpu.core_type = #tpu.core_type<sc_vector_subcore>, window_params = [{transform_indices = #map}, {transform_indices = #map1}, {transform_indices = #map2}]} {
    %mul3A = arith.constant 2 : i32
    %mul3A_0 = arith.muli %arg1, %mul3A : i32
    %add3A = arith.addi %mul3A_0, %arg0 : i32
    %iota3A = tpu.iota {dimensions = array<i32: 0>} : vector<16xi32>
    %lt3A = arith.constant 4 : i32
    %lt3A_1 = arith.cmpi slt, %add3A, %lt3A : i32
    %convert_element_type3A = arith.extui %lt3A_1 : i1 to i32
    %cond3A = arith.constant 0 : i32
    %cond3A_2 = arith.cmpi ne, %convert_element_type3A, %cond3A : i32
    scf.if %cond3A_2 {
      "tpu.region"() ({
        %run_scoped3A = tpu.sem_alloc : memref<!tpu.dma_semaphore, #tpu.memory_space<semaphore_mem>>
        tpu.enqueue_dma source(%arg3 : memref<16xi32, #tpu.memory_space<hbm>>) target(%arg8 : memref<16xi32, #tpu.memory_space<vmem>>) target_semaphore(%run_scoped3A : memref<!tpu.dma_semaphore, #tpu.memory_space<semaphore_mem>>)
        tpu.wait_dma2 semaphore(%run_scoped3A : memref<!tpu.dma_semaphore, #tpu.memory_space<semaphore_mem>>) src(%arg3 : memref<16xi32, #tpu.memory_space<hbm>>) dst(%arg8 : memref<16xi32, #tpu.memory_space<vmem>>)
        tpu.yield
      }) : () -> ()
      %broadcast_in_dim3A = vector.broadcast %add3A : i32 to vector<16xi32>
      %gather3A = tpu.vector_load_idx %arg8[%broadcast_in_dim3A] : memref<16xi32, #tpu.memory_space<vmem>>[vector<16xi32>], vector<16xi32>,
      %reduce_max3A = arith.constant true
      %reduce_max3A_3 = vector.broadcast %reduce_max3A : i1 to vector<16xi1>
      %reduce_max3A_4 = arith.constant -2147483648 : i32
      %reduce_max3A_5 = vector.broadcast %reduce_max3A_4 : i32 to vector<16xi32>
      %reduce_max3A_6 = arith.xori %gather3A, %reduce_max3A_5 : vector<16xi32>
      %reduce_max3A_7 = tpu.scan <max>, %reduce_max3A_6 masked %reduce_max3A_3 : vector<16xi32>, vector<16xi1> -> vector<16xi32>
      %reduce_max3A_8 = arith.xori %reduce_max3A_7, %reduce_max3A_5 : vector<16xi32>
      %reduce_max3A_9 = vector.extract %reduce_max3A_8[15] : i32 from vector<16xi32>
      %broadcast_in_dim3A_10 = arith.constant 1.000000e+16 : f32
      %broadcast_in_dim3A_11 = vector.broadcast %broadcast_in_dim3A_10 : f32 to vector<16xf32>
      %swap3A = arith.constant 0 : index
      %swap3A_12 = tpu.vector_load %arg6[%swap3A] {strides = array<i32>} : memref<1024xf32, #tpu.memory_space<vmem>>, vector<16xf32>,
      tpu.vector_store %arg6[%swap3A], %broadcast_in_dim3A_11 {strides = array<i32>} : memref<1024xf32, #tpu.memory_space<vmem>>, vector<16xf32>,
      %swap3A_13 = arith.constant 16 : index
      %swap3A_14 = tpu.vector_load %arg6[%swap3A_13] {strides = array<i32>} : memref<1024xf32, #tpu.memory_space<vmem>>, vector<16xf32>,
      tpu.vector_store %arg6[%swap3A_13], %broadcast_in_dim3A_11 {strides = array<i32>} : memref<1024xf32, #tpu.memory_space<vmem>>, vector<16xf32>,
      %swap3A_15 = arith.constant 32 : index
      %swap3A_16 = tpu.vector_load %arg6[%swap3A_15] {strides = array<i32>} : memref<1024xf32, #tpu.memory_space<vmem>>, vector<16xf32>,
      tpu.vector_store %arg6[%swap3A_15], %broadcast_in_dim3A_11 {strides = array<i32>} : memref<1024xf32, #tpu.memory_space<vmem>>, vector<16xf32>,
      %swap3A_17 = arith.constant 48 : index
      %swap3A_18 = tpu.vector_load %arg6[%swap3A_17] {strides = array<i32>} : memref<1024xf32, #tpu.memory_space<vmem>>, vector<16xf32>,
      tpu.vector_store %arg6[%swap3A_17], %broadcast_in_dim3A_11 {strides = array<i32>} : memref<1024xf32, #tpu.memory_space<vmem>>, vector<16xf32>,
      %swap3A_19 = arith.constant 64 : index
      %swap3A_20 = tpu.vector_load %arg6[%swap3A_19] {strides = array<i32>} : memref<1024xf32, #tpu.memory_space<vmem>>, vector<16xf32>,
      tpu.vector_store %arg6[%swap3A_19], %broadcast_in_dim3A_11 {strides = array<i32>} : memref<1024xf32, #tpu.memory_space<vmem>>, vector<16xf32>,
      %swap3A_21 = arith.constant 80 : index
      %swap3A_22 = tpu.vector_load %arg6[%swap3A_21] {strides = array<i32>} : memref<1024xf32, #tpu.memory_space<vmem>>, vector<16xf32>,
      tpu.vector_store %arg6[%swap3A_21], %broadcast_in_dim3A_11 {strides = array<i32>} : memref<1024xf32, #tpu.memory_space<vmem>>, vector<16xf32>,
      %swap3A_23 = arith.constant 96 : index
      %swap3A_24 = tpu.vector_load %arg6[%swap3A_23] {strides = array<i32>} : memref<1024xf32, #tpu.memory_space<vmem>>, vector<16xf32>,
      tpu.vector_store %arg6[%swap3A_23], %broadcast_in_dim3A_11 {strides = array<i32>} : memref<1024xf32, #tpu.memory_space<vmem>>, vector<16xf32>,
      %swap3A_25 = arith.constant 112 : index
      %swap3A_26 = tpu.vector_load %arg6[%swap3A_25] {strides = array<i32>} : memref<1024xf32, #tpu.memory_space<vmem>>, vector<16xf32>,
      tpu.vector_store %arg6[%swap3A_25], %broadcast_in_dim3A_11 {strides = array<i32>} : memref<1024xf32, #tpu.memory_space<vmem>>, vector<16xf32>,
      %swap3A_27 = arith.constant 128 : index
      %swap3A_28 = tpu.vector_load %arg6[%swap3A_27] {strides = array<i32>} : memref<1024xf32, #tpu.memory_space<vmem>>, vector<16xf32>,
      tpu.vector_store %arg6[%swap3A_27], %broadcast_in_dim3A_11 {strides = array<i32>} : memref<1024xf32, #tpu.memory_space<vmem>>, vector<16xf32>,
      %swap3A_29 = arith.constant 144 : index
      %swap3A_30 = tpu.vector_load %arg6[%swap3A_29] {strides = array<i32>} : memref<1024xf32, #tpu.memory_space<vmem>>, vector<16xf32>,
      tpu.vector_store %arg6[%swap3A_29], %broadcast_in_dim3A_11 {strides = array<i32>} : memref<1024xf32, #tpu.memory_space<vmem>>, vector<16xf32>,
      %swap3A_31 = arith.constant 160 : index
      %swap3A_32 = tpu.vector_load %arg6[%swap3A_31] {strides = array<i32>} : memref<1024xf32, #tpu.memory_space<vmem>>, vector<16xf32>,
      tpu.vector_store %arg6[%swap3A_31], %broadcast_in_dim3A_11 {strides = array<i32>} : memref<1024xf32, #tpu.memory_space<vmem>>, vector<16xf32>,
      %swap3A_33 = arith.constant 176 : index
      %swap3A_34 = tpu.vector_load %arg6[%swap3A_33] {strides = array<i32>} : memref<1024xf32, #tpu.memory_space<vmem>>, vector<16xf32>,
      tpu.vector_store %arg6[%swap3A_33], %broadcast_in_dim3A_11 {strides = array<i32>} : memref<1024xf32, #tpu.memory_space<vmem>>, vector<16xf32>,
      %swap3A_35 = arith.constant 192 : index
      %swap3A_36 = tpu.vector_load %arg6[%swap3A_35] {strides = array<i32>} : memref<1024xf32, #tpu.memory_space<vmem>>, vector<16xf32>,
      tpu.vector_store %arg6[%swap3A_35], %broadcast_in_dim3A_11 {strides = array<i32>} : memref<1024xf32, #tpu.memory_space<vmem>>, vector<16xf32>,
      %swap3A_37 = arith.constant 208 : index
      %swap3A_38 = tpu.vector_load %arg6[%swap3A_37] {strides = array<i32>} : memref<1024xf32, #tpu.memory_space<vmem>>, vector<16xf32>,
      tpu.vector_store %arg6[%swap3A_37], %broadcast_in_dim3A_11 {strides = array<i32>} : memref<1024xf32, #tpu.memory_space<vmem>>, vector<16xf32>,
      %swap3A_39 = arith.constant 224 : index
      %swap3A_40 = tpu.vector_load %arg6[%swap3A_39] {strides = array<i32>} : memref<1024xf32, #tpu.memory_space<vmem>>, vector<16xf32>,
      tpu.vector_store %arg6[%swap3A_39], %broadcast_in_dim3A_11 {strides = array<i32>} : memref<1024xf32, #tpu.memory_space<vmem>>, vector<16xf32>,
      %swap3A_41 = arith.constant 240 : index
      %swap3A_42 = tpu.vector_load %arg6[%swap3A_41] {strides = array<i32>} : memref<1024xf32, #tpu.memory_space<vmem>>, vector<16xf32>,
      tpu.vector_store %arg6[%swap3A_41], %broadcast_in_dim3A_11 {strides = array<i32>} : memref<1024xf32, #tpu.memory_space<vmem>>, vector<16xf32>,
      %swap3A_43 = arith.constant 256 : index
      %swap3A_44 = tpu.vector_load %arg6[%swap3A_43] {strides = array<i32>} : memref<1024xf32, #tpu.memory_space<vmem>>, vector<16xf32>,
      tpu.vector_store %arg6[%swap3A_43], %broadcast_in_dim3A_11 {strides = array<i32>} : memref<1024xf32, #tpu.memory_space<vmem>>, vector<16xf32>,
      %swap3A_45 = arith.constant 272 : index
      %swap3A_46 = tpu.vector_load %arg6[%swap3A_45] {strides = array<i32>} : memref<1024xf32, #tpu.memory_space<vmem>>, vector<16xf32>,
      tpu.vector_store %arg6[%swap3A_45], %broadcast_in_dim3A_11 {strides = array<i32>} : memref<1024xf32, #tpu.memory_space<vmem>>, vector<16xf32>,
      %swap3A_47 = arith.constant 288 : index
      %swap3A_48 = tpu.vector_load %arg6[%swap3A_47] {strides = array<i32>} : memref<1024xf32, #tpu.memory_space<vmem>>, vector<16xf32>,
      tpu.vector_store %arg6[%swap3A_47], %broadcast_in_dim3A_11 {strides = array<i32>} : memref<1024xf32, #tpu.memory_space<vmem>>, vector<16xf32>,
      %swap3A_49 = arith.constant 304 : index
      %swap3A_50 = tpu.vector_load %arg6[%swap3A_49] {strides = array<i32>} : memref<1024xf32, #tpu.memory_space<vmem>>, vector<16xf32>,
      tpu.vector_store %arg6[%swap3A_49], %broadcast_in_dim3A_11 {strides = array<i32>} : memref<1024xf32, #tpu.memory_space<vmem>>, vector<16xf32>,
      %swap3A_51 = arith.constant 320 : index
      %swap3A_52 = tpu.vector_load %arg6[%swap3A_51] {strides = array<i32>} : memref<1024xf32, #tpu.memory_space<vmem>>, vector<16xf32>,
      tpu.vector_store %arg6[%swap3A_51], %broadcast_in_dim3A_11 {strides = array<i32>} : memref<1024xf32, #tpu.memory_space<vmem>>, vector<16xf32>,
      %swap3A_53 = arith.constant 336 : index
      %swap3A_54 = tpu.vector_load %arg6[%swap3A_53] {strides = array<i32>} : memref<1024xf32, #tpu.memory_space<vmem>>, vector<16xf32>,
      tpu.vector_store %arg6[%swap3A_53], %broadcast_in_dim3A_11 {strides = array<i32>} : memref<1024xf32, #tpu.memory_space<vmem>>, vector<16xf32>,
      %swap3A_55 = arith.constant 352 : index
      %swap3A_56 = tpu.vector_load %arg6[%swap3A_55] {strides = array<i32>} : memref<1024xf32, #tpu.memory_space<vmem>>, vector<16xf32>,
      tpu.vector_store %arg6[%swap3A_55], %broadcast_in_dim3A_11 {strides = array<i32>} : memref<1024xf32, #tpu.memory_space<vmem>>, vector<16xf32>,
      %swap3A_57 = arith.constant 368 : index
      %swap3A_58 = tpu.vector_load %arg6[%swap3A_57] {strides = array<i32>} : memref<1024xf32, #tpu.memory_space<vmem>>, vector<16xf32>,
      tpu.vector_store %arg6[%swap3A_57], %broadcast_in_dim3A_11 {strides = array<i32>} : memref<1024xf32, #tpu.memory_space<vmem>>, vector<16xf32>,
      %swap3A_59 = arith.constant 384 : index
      %swap3A_60 = tpu.vector_load %arg6[%swap3A_59] {strides = array<i32>} : memref<1024xf32, #tpu.memory_space<vmem>>, vector<16xf32>,
      tpu.vector_store %arg6[%swap3A_59], %broadcast_in_dim3A_11 {strides = array<i32>} : memref<1024xf32, #tpu.memory_space<vmem>>, vector<16xf32>,
      %swap3A_61 = arith.constant 400 : index
      %swap3A_62 = tpu.vector_load %arg6[%swap3A_61] {strides = array<i32>} : memref<1024xf32, #tpu.memory_space<vmem>>, vector<16xf32>,
      tpu.vector_store %arg6[%swap3A_61], %broadcast_in_dim3A_11 {strides = array<i32>} : memref<1024xf32, #tpu.memory_space<vmem>>, vector<16xf32>,
      %swap3A_63 = arith.constant 416 : index
      %swap3A_64 = tpu.vector_load %arg6[%swap3A_63] {strides = array<i32>} : memref<1024xf32, #tpu.memory_space<vmem>>, vector<16xf32>,
      tpu.vector_store %arg6[%swap3A_63], %broadcast_in_dim3A_11 {strides = array<i32>} : memref<1024xf32, #tpu.memory_space<vmem>>, vector<16xf32>,
      %swap3A_65 = arith.constant 432 : index
      %swap3A_66 = tpu.vector_load %arg6[%swap3A_65] {strides = array<i32>} : memref<1024xf32, #tpu.memory_space<vmem>>, vector<16xf32>,
      tpu.vector_store %arg6[%swap3A_65], %broadcast_in_dim3A_11 {strides = array<i32>} : memref<1024xf32, #tpu.memory_space<vmem>>, vector<16xf32>,
      %swap3A_67 = arith.constant 448 : index
      %swap3A_68 = tpu.vector_load %arg6[%swap3A_67] {strides = array<i32>} : memref<1024xf32, #tpu.memory_space<vmem>>, vector<16xf32>,
      tpu.vector_store %arg6[%swap3A_67], %broadcast_in_dim3A_11 {strides = array<i32>} : memref<1024xf32, #tpu.memory_space<vmem>>, vector<16xf32>,
      %swap3A_69 = arith.constant 464 : index
      %swap3A_70 = tpu.vector_load %arg6[%swap3A_69] {strides = array<i32>} : memref<1024xf32, #tpu.memory_space<vmem>>, vector<16xf32>,
      tpu.vector_store %arg6[%swap3A_69], %broadcast_in_dim3A_11 {strides = array<i32>} : memref<1024xf32, #tpu.memory_space<vmem>>, vector<16xf32>,
      %swap3A_71 = arith.constant 480 : index
      %swap3A_72 = tpu.vector_load %arg6[%swap3A_71] {strides = array<i32>} : memref<1024xf32, #tpu.memory_space<vmem>>, vector<16xf32>,
      tpu.vector_store %arg6[%swap3A_71], %broadcast_in_dim3A_11 {strides = array<i32>} : memref<1024xf32, #tpu.memory_space<vmem>>, vector<16xf32>,
      %swap3A_73 = arith.constant 496 : index
      %swap3A_74 = tpu.vector_load %arg6[%swap3A_73] {strides = array<i32>} : memref<1024xf32, #tpu.memory_space<vmem>>, vector<16xf32>,
      tpu.vector_store %arg6[%swap3A_73], %broadcast_in_dim3A_11 {strides = array<i32>} : memref<1024xf32, #tpu.memory_space<vmem>>, vector<16xf32>,
      %swap3A_75 = arith.constant 512 : index
      %swap3A_76 = tpu.vector_load %arg6[%swap3A_75] {strides = array<i32>} : memref<1024xf32, #tpu.memory_space<vmem>>, vector<16xf32>,
      tpu.vector_store %arg6[%swap3A_75], %broadcast_in_dim3A_11 {strides = array<i32>} : memref<1024xf32, #tpu.memory_space<vmem>>, vector<16xf32>,
      %swap3A_77 = arith.constant 528 : index
      %swap3A_78 = tpu.vector_load %arg6[%swap3A_77] {strides = array<i32>} : memref<1024xf32, #tpu.memory_space<vmem>>, vector<16xf32>,
      tpu.vector_store %arg6[%swap3A_77], %broadcast_in_dim3A_11 {strides = array<i32>} : memref<1024xf32, #tpu.memory_space<vmem>>, vector<16xf32>,
      %swap3A_79 = arith.constant 544 : index
      %swap3A_80 = tpu.vector_load %arg6[%swap3A_79] {strides = array<i32>} : memref<1024xf32, #tpu.memory_space<vmem>>, vector<16xf32>,
      tpu.vector_store %arg6[%swap3A_79], %broadcast_in_dim3A_11 {strides = array<i32>} : memref<1024xf32, #tpu.memory_space<vmem>>, vector<16xf32>,
      %swap3A_81 = arith.constant 560 : index
      %swap3A_82 = tpu.vector_load %arg6[%swap3A_81] {strides = array<i32>} : memref<1024xf32, #tpu.memory_space<vmem>>, vector<16xf32>,
      tpu.vector_store %arg6[%swap3A_81], %broadcast_in_dim3A_11 {strides = array<i32>} : memref<1024xf32, #tpu.memory_space<vmem>>, vector<16xf32>,
      %swap3A_83 = arith.constant 576 : index
      %swap3A_84 = tpu.vector_load %arg6[%swap3A_83] {strides = array<i32>} : memref<1024xf32, #tpu.memory_space<vmem>>, vector<16xf32>,
      tpu.vector_store %arg6[%swap3A_83], %broadcast_in_dim3A_11 {strides = array<i32>} : memref<1024xf32, #tpu.memory_space<vmem>>, vector<16xf32>,
      %swap3A_85 = arith.constant 592 : index
      %swap3A_86 = tpu.vector_load %arg6[%swap3A_85] {strides = array<i32>} : memref<1024xf32, #tpu.memory_space<vmem>>, vector<16xf32>,
      tpu.vector_store %arg6[%swap3A_85], %broadcast_in_dim3A_11 {strides = array<i32>} : memref<1024xf32, #tpu.memory_space<vmem>>, vector<16xf32>,
      %swap3A_87 = arith.constant 608 : index
      %swap3A_88 = tpu.vector_load %arg6[%swap3A_87] {strides = array<i32>} : memref<1024xf32, #tpu.memory_space<vmem>>, vector<16xf32>,
      tpu.vector_store %arg6[%swap3A_87], %broadcast_in_dim3A_11 {strides = array<i32>} : memref<1024xf32, #tpu.memory_space<vmem>>, vector<16xf32>,
      %swap3A_89 = arith.constant 624 : index
      %swap3A_90 = tpu.vector_load %arg6[%swap3A_89] {strides = array<i32>} : memref<1024xf32, #tpu.memory_space<vmem>>, vector<16xf32>,
      tpu.vector_store %arg6[%swap3A_89], %broadcast_in_dim3A_11 {strides = array<i32>} : memref<1024xf32, #tpu.memory_space<vmem>>, vector<16xf32>,
      %swap3A_91 = arith.constant 640 : index
      %swap3A_92 = tpu.vector_load %arg6[%swap3A_91] {strides = array<i32>} : memref<1024xf32, #tpu.memory_space<vmem>>, vector<16xf32>,
      tpu.vector_store %arg6[%swap3A_91], %broadcast_in_dim3A_11 {strides = array<i32>} : memref<1024xf32, #tpu.memory_space<vmem>>, vector<16xf32>,
      %swap3A_93 = arith.constant 656 : index
      %swap3A_94 = tpu.vector_load %arg6[%swap3A_93] {strides = array<i32>} : memref<1024xf32, #tpu.memory_space<vmem>>, vector<16xf32>,
      tpu.vector_store %arg6[%swap3A_93], %broadcast_in_dim3A_11 {strides = array<i32>} : memref<1024xf32, #tpu.memory_space<vmem>>, vector<16xf32>,
      %swap3A_95 = arith.constant 672 : index
      %swap3A_96 = tpu.vector_load %arg6[%swap3A_95] {strides = array<i32>} : memref<1024xf32, #tpu.memory_space<vmem>>, vector<16xf32>,
      tpu.vector_store %arg6[%swap3A_95], %broadcast_in_dim3A_11 {strides = array<i32>} : memref<1024xf32, #tpu.memory_space<vmem>>, vector<16xf32>,
      %swap3A_97 = arith.constant 688 : index
      %swap3A_98 = tpu.vector_load %arg6[%swap3A_97] {strides = array<i32>} : memref<1024xf32, #tpu.memory_space<vmem>>, vector<16xf32>,
      tpu.vector_store %arg6[%swap3A_97], %broadcast_in_dim3A_11 {strides = array<i32>} : memref<1024xf32, #tpu.memory_space<vmem>>, vector<16xf32>,
      %swap3A_99 = arith.constant 704 : index
      %swap3A_100 = tpu.vector_load %arg6[%swap3A_99] {strides = array<i32>} : memref<1024xf32, #tpu.memory_space<vmem>>, vector<16xf32>,
      tpu.vector_store %arg6[%swap3A_99], %broadcast_in_dim3A_11 {strides = array<i32>} : memref<1024xf32, #tpu.memory_space<vmem>>, vector<16xf32>,
      %swap3A_101 = arith.constant 720 : index
      %swap3A_102 = tpu.vector_load %arg6[%swap3A_101] {strides = array<i32>} : memref<1024xf32, #tpu.memory_space<vmem>>, vector<16xf32>,
      tpu.vector_store %arg6[%swap3A_101], %broadcast_in_dim3A_11 {strides = array<i32>} : memref<1024xf32, #tpu.memory_space<vmem>>, vector<16xf32>,
      %swap3A_103 = arith.constant 736 : index
      %swap3A_104 = tpu.vector_load %arg6[%swap3A_103] {strides = array<i32>} : memref<1024xf32, #tpu.memory_space<vmem>>, vector<16xf32>,
      tpu.vector_store %arg6[%swap3A_103], %broadcast_in_dim3A_11 {strides = array<i32>} : memref<1024xf32, #tpu.memory_space<vmem>>, vector<16xf32>,
      %swap3A_105 = arith.constant 752 : index
      %swap3A_106 = tpu.vector_load %arg6[%swap3A_105] {strides = array<i32>} : memref<1024xf32, #tpu.memory_space<vmem>>, vector<16xf32>,
      tpu.vector_store %arg6[%swap3A_105], %broadcast_in_dim3A_11 {strides = array<i32>} : memref<1024xf32, #tpu.memory_space<vmem>>, vector<16xf32>,
      %swap3A_107 = arith.constant 768 : index
      %swap3A_108 = tpu.vector_load %arg6[%swap3A_107] {strides = array<i32>} : memref<1024xf32, #tpu.memory_space<vmem>>, vector<16xf32>,
      tpu.vector_store %arg6[%swap3A_107], %broadcast_in_dim3A_11 {strides = array<i32>} : memref<1024xf32, #tpu.memory_space<vmem>>, vector<16xf32>,
      %swap3A_109 = arith.constant 784 : index
      %swap3A_110 = tpu.vector_load %arg6[%swap3A_109] {strides = array<i32>} : memref<1024xf32, #tpu.memory_space<vmem>>, vector<16xf32>,
      tpu.vector_store %arg6[%swap3A_109], %broadcast_in_dim3A_11 {strides = array<i32>} : memref<1024xf32, #tpu.memory_space<vmem>>, vector<16xf32>,
      %swap3A_111 = arith.constant 800 : index
      %swap3A_112 = tpu.vector_load %arg6[%swap3A_111] {strides = array<i32>} : memref<1024xf32, #tpu.memory_space<vmem>>, vector<16xf32>,
      tpu.vector_store %arg6[%swap3A_111], %broadcast_in_dim3A_11 {strides = array<i32>} : memref<1024xf32, #tpu.memory_space<vmem>>, vector<16xf32>,
      %swap3A_113 = arith.constant 816 : index
      %swap3A_114 = tpu.vector_load %arg6[%swap3A_113] {strides = array<i32>} : memref<1024xf32, #tpu.memory_space<vmem>>, vector<16xf32>,
      tpu.vector_store %arg6[%swap3A_113], %broadcast_in_dim3A_11 {strides = array<i32>} : memref<1024xf32, #tpu.memory_space<vmem>>, vector<16xf32>,
      %swap3A_115 = arith.constant 832 : index
      %swap3A_116 = tpu.vector_load %arg6[%swap3A_115] {strides = array<i32>} : memref<1024xf32, #tpu.memory_space<vmem>>, vector<16xf32>,
      tpu.vector_store %arg6[%swap3A_115], %broadcast_in_dim3A_11 {strides = array<i32>} : memref<1024xf32, #tpu.memory_space<vmem>>, vector<16xf32>,
      %swap3A_117 = arith.constant 848 : index
      %swap3A_118 = tpu.vector_load %arg6[%swap3A_117] {strides = array<i32>} : memref<1024xf32, #tpu.memory_space<vmem>>, vector<16xf32>,
      tpu.vector_store %arg6[%swap3A_117], %broadcast_in_dim3A_11 {strides = array<i32>} : memref<1024xf32, #tpu.memory_space<vmem>>, vector<16xf32>,
      %swap3A_119 = arith.constant 864 : index
      %swap3A_120 = tpu.vector_load %arg6[%swap3A_119] {strides = array<i32>} : memref<1024xf32, #tpu.memory_space<vmem>>, vector<16xf32>,
      tpu.vector_store %arg6[%swap3A_119], %broadcast_in_dim3A_11 {strides = array<i32>} : memref<1024xf32, #tpu.memory_space<vmem>>, vector<16xf32>,
      %swap3A_121 = arith.constant 880 : index
      %swap3A_122 = tpu.vector_load %arg6[%swap3A_121] {strides = array<i32>} : memref<1024xf32, #tpu.memory_space<vmem>>, vector<16xf32>,
      tpu.vector_store %arg6[%swap3A_121], %broadcast_in_dim3A_11 {strides = array<i32>} : memref<1024xf32, #tpu.memory_space<vmem>>, vector<16xf32>,
      %swap3A_123 = arith.constant 896 : index
      %swap3A_124 = tpu.vector_load %arg6[%swap3A_123] {strides = array<i32>} : memref<1024xf32, #tpu.memory_space<vmem>>, vector<16xf32>,
      tpu.vector_store %arg6[%swap3A_123], %broadcast_in_dim3A_11 {strides = array<i32>} : memref<1024xf32, #tpu.memory_space<vmem>>, vector<16xf32>,
      %swap3A_125 = arith.constant 912 : index
      %swap3A_126 = tpu.vector_load %arg6[%swap3A_125] {strides = array<i32>} : memref<1024xf32, #tpu.memory_space<vmem>>, vector<16xf32>,
      tpu.vector_store %arg6[%swap3A_125], %broadcast_in_dim3A_11 {strides = array<i32>} : memref<1024xf32, #tpu.memory_space<vmem>>, vector<16xf32>,
      %swap3A_127 = arith.constant 928 : index
      %swap3A_128 = tpu.vector_load %arg6[%swap3A_127] {strides = array<i32>} : memref<1024xf32, #tpu.memory_space<vmem>>, vector<16xf32>,
      tpu.vector_store %arg6[%swap3A_127], %broadcast_in_dim3A_11 {strides = array<i32>} : memref<1024xf32, #tpu.memory_space<vmem>>, vector<16xf32>,
      %swap3A_129 = arith.constant 944 : index
      %swap3A_130 = tpu.vector_load %arg6[%swap3A_129] {strides = array<i32>} : memref<1024xf32, #tpu.memory_space<vmem>>, vector<16xf32>,
      tpu.vector_store %arg6[%swap3A_129], %broadcast_in_dim3A_11 {strides = array<i32>} : memref<1024xf32, #tpu.memory_space<vmem>>, vector<16xf32>,
      %swap3A_131 = arith.constant 960 : index
      %swap3A_132 = tpu.vector_load %arg6[%swap3A_131] {strides = array<i32>} : memref<1024xf32, #tpu.memory_space<vmem>>, vector<16xf32>,
      tpu.vector_store %arg6[%swap3A_131], %broadcast_in_dim3A_11 {strides = array<i32>} : memref<1024xf32, #tpu.memory_space<vmem>>, vector<16xf32>,
      %swap3A_133 = arith.constant 976 : index
      %swap3A_134 = tpu.vector_load %arg6[%swap3A_133] {strides = array<i32>} : memref<1024xf32, #tpu.memory_space<vmem>>, vector<16xf32>,
      tpu.vector_store %arg6[%swap3A_133], %broadcast_in_dim3A_11 {strides = array<i32>} : memref<1024xf32, #tpu.memory_space<vmem>>, vector<16xf32>,
      %swap3A_135 = arith.constant 992 : index
      %swap3A_136 = tpu.vector_load %arg6[%swap3A_135] {strides = array<i32>} : memref<1024xf32, #tpu.memory_space<vmem>>, vector<16xf32>,
      tpu.vector_store %arg6[%swap3A_135], %broadcast_in_dim3A_11 {strides = array<i32>} : memref<1024xf32, #tpu.memory_space<vmem>>, vector<16xf32>,
      %swap3A_137 = arith.constant 1008 : index
      %swap3A_138 = tpu.vector_load %arg6[%swap3A_137] {strides = array<i32>} : memref<1024xf32, #tpu.memory_space<vmem>>, vector<16xf32>,
      tpu.vector_store %arg6[%swap3A_137], %broadcast_in_dim3A_11 {strides = array<i32>} : memref<1024xf32, #tpu.memory_space<vmem>>, vector<16xf32>,
      %eq3A = arith.constant 0 : i32
      %eq3A_139 = vector.broadcast %eq3A : i32 to vector<16xi32>
      %eq3A_140 = arith.cmpi eq, %iota3A, %eq3A_139 : vector<16xi32>
      %mul3A_141 = arith.constant 4 : i32
      %mul3A_142 = vector.broadcast %mul3A_141 : i32 to vector<16xi32>
      %mul3A_143 = arith.muli %iota3A, %mul3A_142 : vector<16xi32>
      %scan3A = arith.constant 0 : i32
      %scan3A_144 = arith.constant 256 : i32
      %scan3A_145 = arith.addi %scan3A, %scan3A_144 : i32
      %scan3A_146 = arith.constant 1 : i32
      %scan3A_147 = scf.for %scan3A_149 = %scan3A to %scan3A_145 step %scan3A_146 iter_args(%scan3A_150 = %reduce_max3A_9) -> (i32)  : i32 {
        "tpu.region"() ({
          %run_scoped3A = tpu.sem_alloc : memref<!tpu.dma_semaphore, #tpu.memory_space<semaphore_mem>>
          %dma_start3A = arith.constant 0 : i32
          %dma_start3A_2345 = tpu.memref_slice %arg2[%add3A, %scan3A_150, %dma_start3A] : memref<4x1024x4096xf32, #tpu.memory_space<hbm>> -> memref<1x1x4096xf32, #tpu.memory_space<hbm>>
          %dma_start3A_2346 = tpu.memref_squeeze %dma_start3A_2345 : memref<1x1x4096xf32, #tpu.memory_space<hbm>> -> memref<4096xf32, #tpu.memory_space<hbm>>
          %dma_start3A_2347 = arith.constant 0 : i32
          %dma_start3A_2348 = tpu.memref_slice %arg2[%add3A, %scan3A_150, %dma_start3A_2347] : memref<4x1024x4096xf32, #tpu.memory_space<hbm>> -> memref<1x1x4096xf32, #tpu.memory_space<hbm>>
          %dma_start3A_2349 = tpu.memref_squeeze %dma_start3A_2348 : memref<1x1x4096xf32, #tpu.memory_space<hbm>> -> memref<4096xf32, #tpu.memory_space<hbm>>
          tpu.enqueue_dma source(%dma_start3A_2349 : memref<4096xf32, #tpu.memory_space<hbm>>) target(%arg5 : memref<4096xf32, #tpu.memory_space<vmem>>) target_semaphore(%run_scoped3A : memref<!tpu.dma_semaphore, #tpu.memory_space<semaphore_mem>>)
          %dma_wait3A = arith.constant 0 : i32
          %dma_wait3A_2350 = tpu.memref_slice %arg2[%add3A, %scan3A_150, %dma_wait3A] : memref<4x1024x4096xf32, #tpu.memory_space<hbm>> -> memref<1x1x4096xf32, #tpu.memory_space<hbm>>
          %dma_wait3A_2351 = tpu.memref_squeeze %dma_wait3A_2350 : memref<1x1x4096xf32, #tpu.memory_space<hbm>> -> memref<4096xf32, #tpu.memory_space<hbm>>
          %dma_wait3A_2352 = arith.constant 0 : i32
          %dma_wait3A_2353 = tpu.memref_slice %arg2[%add3A, %scan3A_150, %dma_wait3A_2352] : memref<4x1024x4096xf32, #tpu.memory_space<hbm>> -> memref<1x1x4096xf32, #tpu.memory_space<hbm>>
          %dma_wait3A_2354 = tpu.memref_squeeze %dma_wait3A_2353 : memref<1x1x4096xf32, #tpu.memory_space<hbm>> -> memref<4096xf32, #tpu.memory_space<hbm>>
          tpu.wait_dma2 semaphore(%run_scoped3A : memref<!tpu.dma_semaphore, #tpu.memory_space<semaphore_mem>>) src(%dma_wait3A_2354 : memref<4096xf32, #tpu.memory_space<hbm>>) dst(%arg5 : memref<4096xf32, #tpu.memory_space<vmem>>)
          tpu.yield
        }) : () -> ()
        %broadcast_in_dim3A_151 = vector.broadcast %scan3A_149 : i32 to vector<16xi32>
        %broadcast_in_dim3A_152 = vector.broadcast %scan3A_150 : i32 to vector<16xi32>
        tpu.vector_store_idx %arg7[%broadcast_in_dim3A_151], %broadcast_in_dim3A_152 masked %eq3A_140 : memref<256xi32, #tpu.memory_space<vmem>>[vector<16xi32>], vector<16xi32>, vector<16xi1>
        %broadcast_in_dim3A_153 = arith.constant 0xFF800000 : f32
        %broadcast_in_dim3A_154 = vector.broadcast %broadcast_in_dim3A_153 : f32 to vector<16xf32>
        %broadcast_in_dim3A_155 = arith.constant 0 : i32
        %broadcast_in_dim3A_156 = vector.broadcast %broadcast_in_dim3A_155 : i32 to vector<16xi32>
        %add3A_157 = arith.constant 0 : i32
        %add3A_158 = vector.broadcast %add3A_157 : i32 to vector<16xi32>
        %add3A_159 = arith.addi %iota3A, %add3A_158 : vector<16xi32>
        %add3A_160 = arith.constant 0 : i32
        %add3A_161 = vector.broadcast %add3A_160 : i32 to vector<16xi32>
        %add3A_162 = arith.addi %mul3A_143, %add3A_161 : vector<16xi32>
        %gather3A_163 = tpu.vector_load_idx %arg5[%add3A_162] : memref<4096xf32, #tpu.memory_space<vmem>>[vector<16xi32>], vector<16xf32>,
        %mul3A_164 = arith.mulf %gather3A_163, %gather3A_163 : vector<16xf32>
        %add3A_165 = arith.constant 1 : i32
        %add3A_166 = vector.broadcast %add3A_165 : i32 to vector<16xi32>
        %add3A_167 = arith.addi %mul3A_143, %add3A_166 : vector<16xi32>
        %gather3A_168 = tpu.vector_load_idx %arg5[%add3A_167] : memref<4096xf32, #tpu.memory_space<vmem>>[vector<16xi32>], vector<16xf32>,
        %mul3A_169 = arith.mulf %gather3A_168, %gather3A_168 : vector<16xf32>
        %add3A_170 = arith.addf %mul3A_164, %mul3A_169 : vector<16xf32>
        %add3A_171 = arith.constant 2 : i32
        %add3A_172 = vector.broadcast %add3A_171 : i32 to vector<16xi32>
        %add3A_173 = arith.addi %mul3A_143, %add3A_172 : vector<16xi32>
        %gather3A_174 = tpu.vector_load_idx %arg5[%add3A_173] : memref<4096xf32, #tpu.memory_space<vmem>>[vector<16xi32>], vector<16xf32>,
        %mul3A_175 = arith.mulf %gather3A_174, %gather3A_174 : vector<16xf32>
        %add3A_176 = arith.addf %add3A_170, %mul3A_175 : vector<16xf32>
        %add3A_177 = arith.constant 3 : i32
        %add3A_178 = vector.broadcast %add3A_177 : i32 to vector<16xi32>
        %add3A_179 = arith.addi %mul3A_143, %add3A_178 : vector<16xi32>
        %gather3A_180 = tpu.vector_load_idx %arg5[%add3A_179] : memref<4096xf32, #tpu.memory_space<vmem>>[vector<16xi32>], vector<16xf32>,
        %mul3A_181 = arith.mulf %gather3A_180, %gather3A_180 : vector<16xf32>
        %add3A_182 = arith.addf %add3A_176, %mul3A_181 : vector<16xf32>
        %get3A = arith.constant 0 : index
        %get3A_183 = tpu.vector_load %arg6[%get3A] {strides = array<i32>} : memref<1024xf32, #tpu.memory_space<vmem>>, vector<16xf32>,
        %min3A = arith.minimumf %add3A_182, %get3A_183 : vector<16xf32>
        %swap3A_184 = arith.constant 0 : index
        %swap3A_185 = tpu.vector_load %arg6[%swap3A_184] {strides = array<i32>} : memref<1024xf32, #tpu.memory_space<vmem>>, vector<16xf32>,
        tpu.vector_store %arg6[%swap3A_184], %min3A {strides = array<i32>} : memref<1024xf32, #tpu.memory_space<vmem>>, vector<16xf32>,
        %gt3A = arith.cmpf ogt, %min3A, %broadcast_in_dim3A_154 : vector<16xf32>
        %select_n3A = arith.select %gt3A, %min3A, %broadcast_in_dim3A_154 : vector<16xi1>, vector<16xf32>
        %select_n3A_186 = arith.select %gt3A, %add3A_159, %broadcast_in_dim3A_156 : vector<16xi1>, vector<16xi32>
        %add3A_187 = arith.constant 16 : i32
        %add3A_188 = vector.broadcast %add3A_187 : i32 to vector<16xi32>
        %add3A_189 = arith.addi %iota3A, %add3A_188 : vector<16xi32>
        %add3A_190 = arith.constant 64 : i32
        %add3A_191 = vector.broadcast %add3A_190 : i32 to vector<16xi32>
        %add3A_192 = arith.addi %mul3A_143, %add3A_191 : vector<16xi32>
        %gather3A_193 = tpu.vector_load_idx %arg5[%add3A_192] : memref<4096xf32, #tpu.memory_space<vmem>>[vector<16xi32>], vector<16xf32>,
        %mul3A_194 = arith.mulf %gather3A_193, %gather3A_193 : vector<16xf32>
        %add3A_195 = arith.constant 65 : i32
        %add3A_196 = vector.broadcast %add3A_195 : i32 to vector<16xi32>
        %add3A_197 = arith.addi %mul3A_143, %add3A_196 : vector<16xi32>
        %gather3A_198 = tpu.vector_load_idx %arg5[%add3A_197] : memref<4096xf32, #tpu.memory_space<vmem>>[vector<16xi32>], vector<16xf32>,
        %mul3A_199 = arith.mulf %gather3A_198, %gather3A_198 : vector<16xf32>
        %add3A_200 = arith.addf %mul3A_194, %mul3A_199 : vector<16xf32>
        %add3A_201 = arith.constant 66 : i32
        %add3A_202 = vector.broadcast %add3A_201 : i32 to vector<16xi32>
        %add3A_203 = arith.addi %mul3A_143, %add3A_202 : vector<16xi32>
        %gather3A_204 = tpu.vector_load_idx %arg5[%add3A_203] : memref<4096xf32, #tpu.memory_space<vmem>>[vector<16xi32>], vector<16xf32>,
        %mul3A_205 = arith.mulf %gather3A_204, %gather3A_204 : vector<16xf32>
        %add3A_206 = arith.addf %add3A_200, %mul3A_205 : vector<16xf32>
        %add3A_207 = arith.constant 67 : i32
        %add3A_208 = vector.broadcast %add3A_207 : i32 to vector<16xi32>
        %add3A_209 = arith.addi %mul3A_143, %add3A_208 : vector<16xi32>
        %gather3A_210 = tpu.vector_load_idx %arg5[%add3A_209] : memref<4096xf32, #tpu.memory_space<vmem>>[vector<16xi32>], vector<16xf32>,
        %mul3A_211 = arith.mulf %gather3A_210, %gather3A_210 : vector<16xf32>
        %add3A_212 = arith.addf %add3A_206, %mul3A_211 : vector<16xf32>
        %get3A_213 = arith.constant 16 : index
        %get3A_214 = tpu.vector_load %arg6[%get3A_213] {strides = array<i32>} : memref<1024xf32, #tpu.memory_space<vmem>>, vector<16xf32>,
        %min3A_215 = arith.minimumf %add3A_212, %get3A_214 : vector<16xf32>
        %swap3A_216 = arith.constant 16 : index
        %swap3A_217 = tpu.vector_load %arg6[%swap3A_216] {strides = array<i32>} : memref<1024xf32, #tpu.memory_space<vmem>>, vector<16xf32>,
        tpu.vector_store %arg6[%swap3A_216], %min3A_215 {strides = array<i32>} : memref<1024xf32, #tpu.memory_space<vmem>>, vector<16xf32>,
        %gt3A_218 = arith.cmpf ogt, %min3A_215, %select_n3A : vector<16xf32>
        %select_n3A_219 = arith.select %gt3A_218, %min3A_215, %select_n3A : vector<16xi1>, vector<16xf32>
        %select_n3A_220 = arith.select %gt3A_218, %add3A_189, %select_n3A_186 : vector<16xi1>, vector<16xi32>
        %add3A_221 = arith.constant 32 : i32
        %add3A_222 = vector.broadcast %add3A_221 : i32 to vector<16xi32>
        %add3A_223 = arith.addi %iota3A, %add3A_222 : vector<16xi32>
        %add3A_224 = arith.constant 128 : i32
        %add3A_225 = vector.broadcast %add3A_224 : i32 to vector<16xi32>
        %add3A_226 = arith.addi %mul3A_143, %add3A_225 : vector<16xi32>
        %gather3A_227 = tpu.vector_load_idx %arg5[%add3A_226] : memref<4096xf32, #tpu.memory_space<vmem>>[vector<16xi32>], vector<16xf32>,
        %mul3A_228 = arith.mulf %gather3A_227, %gather3A_227 : vector<16xf32>
        %add3A_229 = arith.constant 129 : i32
        %add3A_230 = vector.broadcast %add3A_229 : i32 to vector<16xi32>
        %add3A_231 = arith.addi %mul3A_143, %add3A_230 : vector<16xi32>
        %gather3A_232 = tpu.vector_load_idx %arg5[%add3A_231] : memref<4096xf32, #tpu.memory_space<vmem>>[vector<16xi32>], vector<16xf32>,
        %mul3A_233 = arith.mulf %gather3A_232, %gather3A_232 : vector<16xf32>
        %add3A_234 = arith.addf %mul3A_228, %mul3A_233 : vector<16xf32>
        %add3A_235 = arith.constant 130 : i32
        %add3A_236 = vector.broadcast %add3A_235 : i32 to vector<16xi32>
        %add3A_237 = arith.addi %mul3A_143, %add3A_236 : vector<16xi32>
        %gather3A_238 = tpu.vector_load_idx %arg5[%add3A_237] : memref<4096xf32, #tpu.memory_space<vmem>>[vector<16xi32>], vector<16xf32>,
        %mul3A_239 = arith.mulf %gather3A_238, %gather3A_238 : vector<16xf32>
        %add3A_240 = arith.addf %add3A_234, %mul3A_239 : vector<16xf32>
        %add3A_241 = arith.constant 131 : i32
        %add3A_242 = vector.broadcast %add3A_241 : i32 to vector<16xi32>
        %add3A_243 = arith.addi %mul3A_143, %add3A_242 : vector<16xi32>
        %gather3A_244 = tpu.vector_load_idx %arg5[%add3A_243] : memref<4096xf32, #tpu.memory_space<vmem>>[vector<16xi32>], vector<16xf32>,
        %mul3A_245 = arith.mulf %gather3A_244, %gather3A_244 : vector<16xf32>
        %add3A_246 = arith.addf %add3A_240, %mul3A_245 : vector<16xf32>
        %get3A_247 = arith.constant 32 : index
        %get3A_248 = tpu.vector_load %arg6[%get3A_247] {strides = array<i32>} : memref<1024xf32, #tpu.memory_space<vmem>>, vector<16xf32>,
        %min3A_249 = arith.minimumf %add3A_246, %get3A_248 : vector<16xf32>
        %swap3A_250 = arith.constant 32 : index
        %swap3A_251 = tpu.vector_load %arg6[%swap3A_250] {strides = array<i32>} : memref<1024xf32, #tpu.memory_space<vmem>>, vector<16xf32>,
        tpu.vector_store %arg6[%swap3A_250], %min3A_249 {strides = array<i32>} : memref<1024xf32, #tpu.memory_space<vmem>>, vector<16xf32>,
        %gt3A_252 = arith.cmpf ogt, %min3A_249, %select_n3A_219 : vector<16xf32>
        %select_n3A_253 = arith.select %gt3A_252, %min3A_249, %select_n3A_219 : vector<16xi1>, vector<16xf32>
        %select_n3A_254 = arith.select %gt3A_252, %add3A_223, %select_n3A_220 : vector<16xi1>, vector<16xi32>
        %add3A_255 = arith.constant 48 : i32
        %add3A_256 = vector.broadcast %add3A_255 : i32 to vector<16xi32>
        %add3A_257 = arith.addi %iota3A, %add3A_256 : vector<16xi32>
        %add3A_258 = arith.constant 192 : i32
        %add3A_259 = vector.broadcast %add3A_258 : i32 to vector<16xi32>
        %add3A_260 = arith.addi %mul3A_143, %add3A_259 : vector<16xi32>
        %gather3A_261 = tpu.vector_load_idx %arg5[%add3A_260] : memref<4096xf32, #tpu.memory_space<vmem>>[vector<16xi32>], vector<16xf32>,
        %mul3A_262 = arith.mulf %gather3A_261, %gather3A_261 : vector<16xf32>
        %add3A_263 = arith.constant 193 : i32
        %add3A_264 = vector.broadcast %add3A_263 : i32 to vector<16xi32>
        %add3A_265 = arith.addi %mul3A_143, %add3A_264 : vector<16xi32>
        %gather3A_266 = tpu.vector_load_idx %arg5[%add3A_265] : memref<4096xf32, #tpu.memory_space<vmem>>[vector<16xi32>], vector<16xf32>,
        %mul3A_267 = arith.mulf %gather3A_266, %gather3A_266 : vector<16xf32>
        %add3A_268 = arith.addf %mul3A_262, %mul3A_267 : vector<16xf32>
        %add3A_269 = arith.constant 194 : i32
        %add3A_270 = vector.broadcast %add3A_269 : i32 to vector<16xi32>
        %add3A_271 = arith.addi %mul3A_143, %add3A_270 : vector<16xi32>
        %gather3A_272 = tpu.vector_load_idx %arg5[%add3A_271] : memref<4096xf32, #tpu.memory_space<vmem>>[vector<16xi32>], vector<16xf32>,
        %mul3A_273 = arith.mulf %gather3A_272, %gather3A_272 : vector<16xf32>
        %add3A_274 = arith.addf %add3A_268, %mul3A_273 : vector<16xf32>
        %add3A_275 = arith.constant 195 : i32
        %add3A_276 = vector.broadcast %add3A_275 : i32 to vector<16xi32>
        %add3A_277 = arith.addi %mul3A_143, %add3A_276 : vector<16xi32>
        %gather3A_278 = tpu.vector_load_idx %arg5[%add3A_277] : memref<4096xf32, #tpu.memory_space<vmem>>[vector<16xi32>], vector<16xf32>,
        %mul3A_279 = arith.mulf %gather3A_278, %gather3A_278 : vector<16xf32>
        %add3A_280 = arith.addf %add3A_274, %mul3A_279 : vector<16xf32>
        %get3A_281 = arith.constant 48 : index
        %get3A_282 = tpu.vector_load %arg6[%get3A_281] {strides = array<i32>} : memref<1024xf32, #tpu.memory_space<vmem>>, vector<16xf32>,
        %min3A_283 = arith.minimumf %add3A_280, %get3A_282 : vector<16xf32>
        %swap3A_284 = arith.constant 48 : index
        %swap3A_285 = tpu.vector_load %arg6[%swap3A_284] {strides = array<i32>} : memref<1024xf32, #tpu.memory_space<vmem>>, vector<16xf32>,
        tpu.vector_store %arg6[%swap3A_284], %min3A_283 {strides = array<i32>} : memref<1024xf32, #tpu.memory_space<vmem>>, vector<16xf32>,
        %gt3A_286 = arith.cmpf ogt, %min3A_283, %select_n3A_253 : vector<16xf32>
        %select_n3A_287 = arith.select %gt3A_286, %min3A_283, %select_n3A_253 : vector<16xi1>, vector<16xf32>
        %select_n3A_288 = arith.select %gt3A_286, %add3A_257, %select_n3A_254 : vector<16xi1>, vector<16xi32>
        %add3A_289 = arith.constant 64 : i32
        %add3A_290 = vector.broadcast %add3A_289 : i32 to vector<16xi32>
        %add3A_291 = arith.addi %iota3A, %add3A_290 : vector<16xi32>
        %add3A_292 = arith.constant 256 : i32
        %add3A_293 = vector.broadcast %add3A_292 : i32 to vector<16xi32>
        %add3A_294 = arith.addi %mul3A_143, %add3A_293 : vector<16xi32>
        %gather3A_295 = tpu.vector_load_idx %arg5[%add3A_294] : memref<4096xf32, #tpu.memory_space<vmem>>[vector<16xi32>], vector<16xf32>,
        %mul3A_296 = arith.mulf %gather3A_295, %gather3A_295 : vector<16xf32>
        %add3A_297 = arith.constant 257 : i32
        %add3A_298 = vector.broadcast %add3A_297 : i32 to vector<16xi32>
        %add3A_299 = arith.addi %mul3A_143, %add3A_298 : vector<16xi32>
        %gather3A_300 = tpu.vector_load_idx %arg5[%add3A_299] : memref<4096xf32, #tpu.memory_space<vmem>>[vector<16xi32>], vector<16xf32>,
        %mul3A_301 = arith.mulf %gather3A_300, %gather3A_300 : vector<16xf32>
        %add3A_302 = arith.addf %mul3A_296, %mul3A_301 : vector<16xf32>
        %add3A_303 = arith.constant 258 : i32
        %add3A_304 = vector.broadcast %add3A_303 : i32 to vector<16xi32>
        %add3A_305 = arith.addi %mul3A_143, %add3A_304 : vector<16xi32>
        %gather3A_306 = tpu.vector_load_idx %arg5[%add3A_305] : memref<4096xf32, #tpu.memory_space<vmem>>[vector<16xi32>], vector<16xf32>,
        %mul3A_307 = arith.mulf %gather3A_306, %gather3A_306 : vector<16xf32>
        %add3A_308 = arith.addf %add3A_302, %mul3A_307 : vector<16xf32>
        %add3A_309 = arith.constant 259 : i32
        %add3A_310 = vector.broadcast %add3A_309 : i32 to vector<16xi32>
        %add3A_311 = arith.addi %mul3A_143, %add3A_310 : vector<16xi32>
        %gather3A_312 = tpu.vector_load_idx %arg5[%add3A_311] : memref<4096xf32, #tpu.memory_space<vmem>>[vector<16xi32>], vector<16xf32>,
        %mul3A_313 = arith.mulf %gather3A_312, %gather3A_312 : vector<16xf32>
        %add3A_314 = arith.addf %add3A_308, %mul3A_313 : vector<16xf32>
        %get3A_315 = arith.constant 64 : index
        %get3A_316 = tpu.vector_load %arg6[%get3A_315] {strides = array<i32>} : memref<1024xf32, #tpu.memory_space<vmem>>, vector<16xf32>,
        %min3A_317 = arith.minimumf %add3A_314, %get3A_316 : vector<16xf32>
        %swap3A_318 = arith.constant 64 : index
        %swap3A_319 = tpu.vector_load %arg6[%swap3A_318] {strides = array<i32>} : memref<1024xf32, #tpu.memory_space<vmem>>, vector<16xf32>,
        tpu.vector_store %arg6[%swap3A_318], %min3A_317 {strides = array<i32>} : memref<1024xf32, #tpu.memory_space<vmem>>, vector<16xf32>,
        %gt3A_320 = arith.cmpf ogt, %min3A_317, %select_n3A_287 : vector<16xf32>
        %select_n3A_321 = arith.select %gt3A_320, %min3A_317, %select_n3A_287 : vector<16xi1>, vector<16xf32>
        %select_n3A_322 = arith.select %gt3A_320, %add3A_291, %select_n3A_288 : vector<16xi1>, vector<16xi32>
        %add3A_323 = arith.constant 80 : i32
        %add3A_324 = vector.broadcast %add3A_323 : i32 to vector<16xi32>
        %add3A_325 = arith.addi %iota3A, %add3A_324 : vector<16xi32>
        %add3A_326 = arith.constant 320 : i32
        %add3A_327 = vector.broadcast %add3A_326 : i32 to vector<16xi32>
        %add3A_328 = arith.addi %mul3A_143, %add3A_327 : vector<16xi32>
        %gather3A_329 = tpu.vector_load_idx %arg5[%add3A_328] : memref<4096xf32, #tpu.memory_space<vmem>>[vector<16xi32>], vector<16xf32>,
        %mul3A_330 = arith.mulf %gather3A_329, %gather3A_329 : vector<16xf32>
        %add3A_331 = arith.constant 321 : i32
        %add3A_332 = vector.broadcast %add3A_331 : i32 to vector<16xi32>
        %add3A_333 = arith.addi %mul3A_143, %add3A_332 : vector<16xi32>
        %gather3A_334 = tpu.vector_load_idx %arg5[%add3A_333] : memref<4096xf32, #tpu.memory_space<vmem>>[vector<16xi32>], vector<16xf32>,
        %mul3A_335 = arith.mulf %gather3A_334, %gather3A_334 : vector<16xf32>
        %add3A_336 = arith.addf %mul3A_330, %mul3A_335 : vector<16xf32>
        %add3A_337 = arith.constant 322 : i32
        %add3A_338 = vector.broadcast %add3A_337 : i32 to vector<16xi32>
        %add3A_339 = arith.addi %mul3A_143, %add3A_338 : vector<16xi32>
        %gather3A_340 = tpu.vector_load_idx %arg5[%add3A_339] : memref<4096xf32, #tpu.memory_space<vmem>>[vector<16xi32>], vector<16xf32>,
        %mul3A_341 = arith.mulf %gather3A_340, %gather3A_340 : vector<16xf32>
        %add3A_342 = arith.addf %add3A_336, %mul3A_341 : vector<16xf32>
        %add3A_343 = arith.constant 323 : i32
        %add3A_344 = vector.broadcast %add3A_343 : i32 to vector<16xi32>
        %add3A_345 = arith.addi %mul3A_143, %add3A_344 : vector<16xi32>
        %gather3A_346 = tpu.vector_load_idx %arg5[%add3A_345] : memref<4096xf32, #tpu.memory_space<vmem>>[vector<16xi32>], vector<16xf32>,
        %mul3A_347 = arith.mulf %gather3A_346, %gather3A_346 : vector<16xf32>
        %add3A_348 = arith.addf %add3A_342, %mul3A_347 : vector<16xf32>
        %get3A_349 = arith.constant 80 : index
        %get3A_350 = tpu.vector_load %arg6[%get3A_349] {strides = array<i32>} : memref<1024xf32, #tpu.memory_space<vmem>>, vector<16xf32>,
        %min3A_351 = arith.minimumf %add3A_348, %get3A_350 : vector<16xf32>
        %swap3A_352 = arith.constant 80 : index
        %swap3A_353 = tpu.vector_load %arg6[%swap3A_352] {strides = array<i32>} : memref<1024xf32, #tpu.memory_space<vmem>>, vector<16xf32>,
        tpu.vector_store %arg6[%swap3A_352], %min3A_351 {strides = array<i32>} : memref<1024xf32, #tpu.memory_space<vmem>>, vector<16xf32>,
        %gt3A_354 = arith.cmpf ogt, %min3A_351, %select_n3A_321 : vector<16xf32>
        %select_n3A_355 = arith.select %gt3A_354, %min3A_351, %select_n3A_321 : vector<16xi1>, vector<16xf32>
        %select_n3A_356 = arith.select %gt3A_354, %add3A_325, %select_n3A_322 : vector<16xi1>, vector<16xi32>
        %add3A_357 = arith.constant 96 : i32
        %add3A_358 = vector.broadcast %add3A_357 : i32 to vector<16xi32>
        %add3A_359 = arith.addi %iota3A, %add3A_358 : vector<16xi32>
        %add3A_360 = arith.constant 384 : i32
        %add3A_361 = vector.broadcast %add3A_360 : i32 to vector<16xi32>
        %add3A_362 = arith.addi %mul3A_143, %add3A_361 : vector<16xi32>
        %gather3A_363 = tpu.vector_load_idx %arg5[%add3A_362] : memref<4096xf32, #tpu.memory_space<vmem>>[vector<16xi32>], vector<16xf32>,
        %mul3A_364 = arith.mulf %gather3A_363, %gather3A_363 : vector<16xf32>
        %add3A_365 = arith.constant 385 : i32
        %add3A_366 = vector.broadcast %add3A_365 : i32 to vector<16xi32>
        %add3A_367 = arith.addi %mul3A_143, %add3A_366 : vector<16xi32>
        %gather3A_368 = tpu.vector_load_idx %arg5[%add3A_367] : memref<4096xf32, #tpu.memory_space<vmem>>[vector<16xi32>], vector<16xf32>,
        %mul3A_369 = arith.mulf %gather3A_368, %gather3A_368 : vector<16xf32>
        %add3A_370 = arith.addf %mul3A_364, %mul3A_369 : vector<16xf32>
        %add3A_371 = arith.constant 386 : i32
        %add3A_372 = vector.broadcast %add3A_371 : i32 to vector<16xi32>
        %add3A_373 = arith.addi %mul3A_143, %add3A_372 : vector<16xi32>
        %gather3A_374 = tpu.vector_load_idx %arg5[%add3A_373] : memref<4096xf32, #tpu.memory_space<vmem>>[vector<16xi32>], vector<16xf32>,
        %mul3A_375 = arith.mulf %gather3A_374, %gather3A_374 : vector<16xf32>
        %add3A_376 = arith.addf %add3A_370, %mul3A_375 : vector<16xf32>
        %add3A_377 = arith.constant 387 : i32
        %add3A_378 = vector.broadcast %add3A_377 : i32 to vector<16xi32>
        %add3A_379 = arith.addi %mul3A_143, %add3A_378 : vector<16xi32>
        %gather3A_380 = tpu.vector_load_idx %arg5[%add3A_379] : memref<4096xf32, #tpu.memory_space<vmem>>[vector<16xi32>], vector<16xf32>,
        %mul3A_381 = arith.mulf %gather3A_380, %gather3A_380 : vector<16xf32>
        %add3A_382 = arith.addf %add3A_376, %mul3A_381 : vector<16xf32>
        %get3A_383 = arith.constant 96 : index
        %get3A_384 = tpu.vector_load %arg6[%get3A_383] {strides = array<i32>} : memref<1024xf32, #tpu.memory_space<vmem>>, vector<16xf32>,
        %min3A_385 = arith.minimumf %add3A_382, %get3A_384 : vector<16xf32>
        %swap3A_386 = arith.constant 96 : index
        %swap3A_387 = tpu.vector_load %arg6[%swap3A_386] {strides = array<i32>} : memref<1024xf32, #tpu.memory_space<vmem>>, vector<16xf32>,
        tpu.vector_store %arg6[%swap3A_386], %min3A_385 {strides = array<i32>} : memref<1024xf32, #tpu.memory_space<vmem>>, vector<16xf32>,
        %gt3A_388 = arith.cmpf ogt, %min3A_385, %select_n3A_355 : vector<16xf32>
        %select_n3A_389 = arith.select %gt3A_388, %min3A_385, %select_n3A_355 : vector<16xi1>, vector<16xf32>
        %select_n3A_390 = arith.select %gt3A_388, %add3A_359, %select_n3A_356 : vector<16xi1>, vector<16xi32>
        %add3A_391 = arith.constant 112 : i32
        %add3A_392 = vector.broadcast %add3A_391 : i32 to vector<16xi32>
        %add3A_393 = arith.addi %iota3A, %add3A_392 : vector<16xi32>
        %add3A_394 = arith.constant 448 : i32
        %add3A_395 = vector.broadcast %add3A_394 : i32 to vector<16xi32>
        %add3A_396 = arith.addi %mul3A_143, %add3A_395 : vector<16xi32>
        %gather3A_397 = tpu.vector_load_idx %arg5[%add3A_396] : memref<4096xf32, #tpu.memory_space<vmem>>[vector<16xi32>], vector<16xf32>,
        %mul3A_398 = arith.mulf %gather3A_397, %gather3A_397 : vector<16xf32>
        %add3A_399 = arith.constant 449 : i32
        %add3A_400 = vector.broadcast %add3A_399 : i32 to vector<16xi32>
        %add3A_401 = arith.addi %mul3A_143, %add3A_400 : vector<16xi32>
        %gather3A_402 = tpu.vector_load_idx %arg5[%add3A_401] : memref<4096xf32, #tpu.memory_space<vmem>>[vector<16xi32>], vector<16xf32>,
        %mul3A_403 = arith.mulf %gather3A_402, %gather3A_402 : vector<16xf32>
        %add3A_404 = arith.addf %mul3A_398, %mul3A_403 : vector<16xf32>
        %add3A_405 = arith.constant 450 : i32
        %add3A_406 = vector.broadcast %add3A_405 : i32 to vector<16xi32>
        %add3A_407 = arith.addi %mul3A_143, %add3A_406 : vector<16xi32>
        %gather3A_408 = tpu.vector_load_idx %arg5[%add3A_407] : memref<4096xf32, #tpu.memory_space<vmem>>[vector<16xi32>], vector<16xf32>,
        %mul3A_409 = arith.mulf %gather3A_408, %gather3A_408 : vector<16xf32>
        %add3A_410 = arith.addf %add3A_404, %mul3A_409 : vector<16xf32>
        %add3A_411 = arith.constant 451 : i32
        %add3A_412 = vector.broadcast %add3A_411 : i32 to vector<16xi32>
        %add3A_413 = arith.addi %mul3A_143, %add3A_412 : vector<16xi32>
        %gather3A_414 = tpu.vector_load_idx %arg5[%add3A_413] : memref<4096xf32, #tpu.memory_space<vmem>>[vector<16xi32>], vector<16xf32>,
        %mul3A_415 = arith.mulf %gather3A_414, %gather3A_414 : vector<16xf32>
        %add3A_416 = arith.addf %add3A_410, %mul3A_415 : vector<16xf32>
        %get3A_417 = arith.constant 112 : index
        %get3A_418 = tpu.vector_load %arg6[%get3A_417] {strides = array<i32>} : memref<1024xf32, #tpu.memory_space<vmem>>, vector<16xf32>,
        %min3A_419 = arith.minimumf %add3A_416, %get3A_418 : vector<16xf32>
        %swap3A_420 = arith.constant 112 : index
        %swap3A_421 = tpu.vector_load %arg6[%swap3A_420] {strides = array<i32>} : memref<1024xf32, #tpu.memory_space<vmem>>, vector<16xf32>,
        tpu.vector_store %arg6[%swap3A_420], %min3A_419 {strides = array<i32>} : memref<1024xf32, #tpu.memory_space<vmem>>, vector<16xf32>,
        %gt3A_422 = arith.cmpf ogt, %min3A_419, %select_n3A_389 : vector<16xf32>
        %select_n3A_423 = arith.select %gt3A_422, %min3A_419, %select_n3A_389 : vector<16xi1>, vector<16xf32>
        %select_n3A_424 = arith.select %gt3A_422, %add3A_393, %select_n3A_390 : vector<16xi1>, vector<16xi32>
        %add3A_425 = arith.constant 128 : i32
        %add3A_426 = vector.broadcast %add3A_425 : i32 to vector<16xi32>
        %add3A_427 = arith.addi %iota3A, %add3A_426 : vector<16xi32>
        %add3A_428 = arith.constant 512 : i32
        %add3A_429 = vector.broadcast %add3A_428 : i32 to vector<16xi32>
        %add3A_430 = arith.addi %mul3A_143, %add3A_429 : vector<16xi32>
        %gather3A_431 = tpu.vector_load_idx %arg5[%add3A_430] : memref<4096xf32, #tpu.memory_space<vmem>>[vector<16xi32>], vector<16xf32>,
        %mul3A_432 = arith.mulf %gather3A_431, %gather3A_431 : vector<16xf32>
        %add3A_433 = arith.constant 513 : i32
        %add3A_434 = vector.broadcast %add3A_433 : i32 to vector<16xi32>
        %add3A_435 = arith.addi %mul3A_143, %add3A_434 : vector<16xi32>
        %gather3A_436 = tpu.vector_load_idx %arg5[%add3A_435] : memref<4096xf32, #tpu.memory_space<vmem>>[vector<16xi32>], vector<16xf32>,
        %mul3A_437 = arith.mulf %gather3A_436, %gather3A_436 : vector<16xf32>
        %add3A_438 = arith.addf %mul3A_432, %mul3A_437 : vector<16xf32>
        %add3A_439 = arith.constant 514 : i32
        %add3A_440 = vector.broadcast %add3A_439 : i32 to vector<16xi32>
        %add3A_441 = arith.addi %mul3A_143, %add3A_440 : vector<16xi32>
        %gather3A_442 = tpu.vector_load_idx %arg5[%add3A_441] : memref<4096xf32, #tpu.memory_space<vmem>>[vector<16xi32>], vector<16xf32>,
        %mul3A_443 = arith.mulf %gather3A_442, %gather3A_442 : vector<16xf32>
        %add3A_444 = arith.addf %add3A_438, %mul3A_443 : vector<16xf32>
        %add3A_445 = arith.constant 515 : i32
        %add3A_446 = vector.broadcast %add3A_445 : i32 to vector<16xi32>
        %add3A_447 = arith.addi %mul3A_143, %add3A_446 : vector<16xi32>
        %gather3A_448 = tpu.vector_load_idx %arg5[%add3A_447] : memref<4096xf32, #tpu.memory_space<vmem>>[vector<16xi32>], vector<16xf32>,
        %mul3A_449 = arith.mulf %gather3A_448, %gather3A_448 : vector<16xf32>
        %add3A_450 = arith.addf %add3A_444, %mul3A_449 : vector<16xf32>
        %get3A_451 = arith.constant 128 : index
        %get3A_452 = tpu.vector_load %arg6[%get3A_451] {strides = array<i32>} : memref<1024xf32, #tpu.memory_space<vmem>>, vector<16xf32>,
        %min3A_453 = arith.minimumf %add3A_450, %get3A_452 : vector<16xf32>
        %swap3A_454 = arith.constant 128 : index
        %swap3A_455 = tpu.vector_load %arg6[%swap3A_454] {strides = array<i32>} : memref<1024xf32, #tpu.memory_space<vmem>>, vector<16xf32>,
        tpu.vector_store %arg6[%swap3A_454], %min3A_453 {strides = array<i32>} : memref<1024xf32, #tpu.memory_space<vmem>>, vector<16xf32>,
        %gt3A_456 = arith.cmpf ogt, %min3A_453, %select_n3A_423 : vector<16xf32>
        %select_n3A_457 = arith.select %gt3A_456, %min3A_453, %select_n3A_423 : vector<16xi1>, vector<16xf32>
        %select_n3A_458 = arith.select %gt3A_456, %add3A_427, %select_n3A_424 : vector<16xi1>, vector<16xi32>
        %add3A_459 = arith.constant 144 : i32
        %add3A_460 = vector.broadcast %add3A_459 : i32 to vector<16xi32>
        %add3A_461 = arith.addi %iota3A, %add3A_460 : vector<16xi32>
        %add3A_462 = arith.constant 576 : i32
        %add3A_463 = vector.broadcast %add3A_462 : i32 to vector<16xi32>
        %add3A_464 = arith.addi %mul3A_143, %add3A_463 : vector<16xi32>
        %gather3A_465 = tpu.vector_load_idx %arg5[%add3A_464] : memref<4096xf32, #tpu.memory_space<vmem>>[vector<16xi32>], vector<16xf32>,
        %mul3A_466 = arith.mulf %gather3A_465, %gather3A_465 : vector<16xf32>
        %add3A_467 = arith.constant 577 : i32
        %add3A_468 = vector.broadcast %add3A_467 : i32 to vector<16xi32>
        %add3A_469 = arith.addi %mul3A_143, %add3A_468 : vector<16xi32>
        %gather3A_470 = tpu.vector_load_idx %arg5[%add3A_469] : memref<4096xf32, #tpu.memory_space<vmem>>[vector<16xi32>], vector<16xf32>,
        %mul3A_471 = arith.mulf %gather3A_470, %gather3A_470 : vector<16xf32>
        %add3A_472 = arith.addf %mul3A_466, %mul3A_471 : vector<16xf32>
        %add3A_473 = arith.constant 578 : i32
        %add3A_474 = vector.broadcast %add3A_473 : i32 to vector<16xi32>
        %add3A_475 = arith.addi %mul3A_143, %add3A_474 : vector<16xi32>
        %gather3A_476 = tpu.vector_load_idx %arg5[%add3A_475] : memref<4096xf32, #tpu.memory_space<vmem>>[vector<16xi32>], vector<16xf32>,
        %mul3A_477 = arith.mulf %gather3A_476, %gather3A_476 : vector<16xf32>
        %add3A_478 = arith.addf %add3A_472, %mul3A_477 : vector<16xf32>
        %add3A_479 = arith.constant 579 : i32
        %add3A_480 = vector.broadcast %add3A_479 : i32 to vector<16xi32>
        %add3A_481 = arith.addi %mul3A_143, %add3A_480 : vector<16xi32>
        %gather3A_482 = tpu.vector_load_idx %arg5[%add3A_481] : memref<4096xf32, #tpu.memory_space<vmem>>[vector<16xi32>], vector<16xf32>,
        %mul3A_483 = arith.mulf %gather3A_482, %gather3A_482 : vector<16xf32>
        %add3A_484 = arith.addf %add3A_478, %mul3A_483 : vector<16xf32>
        %get3A_485 = arith.constant 144 : index
        %get3A_486 = tpu.vector_load %arg6[%get3A_485] {strides = array<i32>} : memref<1024xf32, #tpu.memory_space<vmem>>, vector<16xf32>,
        %min3A_487 = arith.minimumf %add3A_484, %get3A_486 : vector<16xf32>
        %swap3A_488 = arith.constant 144 : index
        %swap3A_489 = tpu.vector_load %arg6[%swap3A_488] {strides = array<i32>} : memref<1024xf32, #tpu.memory_space<vmem>>, vector<16xf32>,
        tpu.vector_store %arg6[%swap3A_488], %min3A_487 {strides = array<i32>} : memref<1024xf32, #tpu.memory_space<vmem>>, vector<16xf32>,
        %gt3A_490 = arith.cmpf ogt, %min3A_487, %select_n3A_457 : vector<16xf32>
        %select_n3A_491 = arith.select %gt3A_490, %min3A_487, %select_n3A_457 : vector<16xi1>, vector<16xf32>
        %select_n3A_492 = arith.select %gt3A_490, %add3A_461, %select_n3A_458 : vector<16xi1>, vector<16xi32>
        %add3A_493 = arith.constant 160 : i32
        %add3A_494 = vector.broadcast %add3A_493 : i32 to vector<16xi32>
        %add3A_495 = arith.addi %iota3A, %add3A_494 : vector<16xi32>
        %add3A_496 = arith.constant 640 : i32
        %add3A_497 = vector.broadcast %add3A_496 : i32 to vector<16xi32>
        %add3A_498 = arith.addi %mul3A_143, %add3A_497 : vector<16xi32>
        %gather3A_499 = tpu.vector_load_idx %arg5[%add3A_498] : memref<4096xf32, #tpu.memory_space<vmem>>[vector<16xi32>], vector<16xf32>,
        %mul3A_500 = arith.mulf %gather3A_499, %gather3A_499 : vector<16xf32>
        %add3A_501 = arith.constant 641 : i32
        %add3A_502 = vector.broadcast %add3A_501 : i32 to vector<16xi32>
        %add3A_503 = arith.addi %mul3A_143, %add3A_502 : vector<16xi32>
        %gather3A_504 = tpu.vector_load_idx %arg5[%add3A_503] : memref<4096xf32, #tpu.memory_space<vmem>>[vector<16xi32>], vector<16xf32>,
        %mul3A_505 = arith.mulf %gather3A_504, %gather3A_504 : vector<16xf32>
        %add3A_506 = arith.addf %mul3A_500, %mul3A_505 : vector<16xf32>
        %add3A_507 = arith.constant 642 : i32
        %add3A_508 = vector.broadcast %add3A_507 : i32 to vector<16xi32>
        %add3A_509 = arith.addi %mul3A_143, %add3A_508 : vector<16xi32>
        %gather3A_510 = tpu.vector_load_idx %arg5[%add3A_509] : memref<4096xf32, #tpu.memory_space<vmem>>[vector<16xi32>], vector<16xf32>,
        %mul3A_511 = arith.mulf %gather3A_510, %gather3A_510 : vector<16xf32>
        %add3A_512 = arith.addf %add3A_506, %mul3A_511 : vector<16xf32>
        %add3A_513 = arith.constant 643 : i32
        %add3A_514 = vector.broadcast %add3A_513 : i32 to vector<16xi32>
        %add3A_515 = arith.addi %mul3A_143, %add3A_514 : vector<16xi32>
        %gather3A_516 = tpu.vector_load_idx %arg5[%add3A_515] : memref<4096xf32, #tpu.memory_space<vmem>>[vector<16xi32>], vector<16xf32>,
        %mul3A_517 = arith.mulf %gather3A_516, %gather3A_516 : vector<16xf32>
        %add3A_518 = arith.addf %add3A_512, %mul3A_517 : vector<16xf32>
        %get3A_519 = arith.constant 160 : index
        %get3A_520 = tpu.vector_load %arg6[%get3A_519] {strides = array<i32>} : memref<1024xf32, #tpu.memory_space<vmem>>, vector<16xf32>,
        %min3A_521 = arith.minimumf %add3A_518, %get3A_520 : vector<16xf32>
        %swap3A_522 = arith.constant 160 : index
        %swap3A_523 = tpu.vector_load %arg6[%swap3A_522] {strides = array<i32>} : memref<1024xf32, #tpu.memory_space<vmem>>, vector<16xf32>,
        tpu.vector_store %arg6[%swap3A_522], %min3A_521 {strides = array<i32>} : memref<1024xf32, #tpu.memory_space<vmem>>, vector<16xf32>,
        %gt3A_524 = arith.cmpf ogt, %min3A_521, %select_n3A_491 : vector<16xf32>
        %select_n3A_525 = arith.select %gt3A_524, %min3A_521, %select_n3A_491 : vector<16xi1>, vector<16xf32>
        %select_n3A_526 = arith.select %gt3A_524, %add3A_495, %select_n3A_492 : vector<16xi1>, vector<16xi32>
        %add3A_527 = arith.constant 176 : i32
        %add3A_528 = vector.broadcast %add3A_527 : i32 to vector<16xi32>
        %add3A_529 = arith.addi %iota3A, %add3A_528 : vector<16xi32>
        %add3A_530 = arith.constant 704 : i32
        %add3A_531 = vector.broadcast %add3A_530 : i32 to vector<16xi32>
        %add3A_532 = arith.addi %mul3A_143, %add3A_531 : vector<16xi32>
        %gather3A_533 = tpu.vector_load_idx %arg5[%add3A_532] : memref<4096xf32, #tpu.memory_space<vmem>>[vector<16xi32>], vector<16xf32>,
        %mul3A_534 = arith.mulf %gather3A_533, %gather3A_533 : vector<16xf32>
        %add3A_535 = arith.constant 705 : i32
        %add3A_536 = vector.broadcast %add3A_535 : i32 to vector<16xi32>
        %add3A_537 = arith.addi %mul3A_143, %add3A_536 : vector<16xi32>
        %gather3A_538 = tpu.vector_load_idx %arg5[%add3A_537] : memref<4096xf32, #tpu.memory_space<vmem>>[vector<16xi32>], vector<16xf32>,
        %mul3A_539 = arith.mulf %gather3A_538, %gather3A_538 : vector<16xf32>
        %add3A_540 = arith.addf %mul3A_534, %mul3A_539 : vector<16xf32>
        %add3A_541 = arith.constant 706 : i32
        %add3A_542 = vector.broadcast %add3A_541 : i32 to vector<16xi32>
        %add3A_543 = arith.addi %mul3A_143, %add3A_542 : vector<16xi32>
        %gather3A_544 = tpu.vector_load_idx %arg5[%add3A_543] : memref<4096xf32, #tpu.memory_space<vmem>>[vector<16xi32>], vector<16xf32>,
        %mul3A_545 = arith.mulf %gather3A_544, %gather3A_544 : vector<16xf32>
        %add3A_546 = arith.addf %add3A_540, %mul3A_545 : vector<16xf32>
        %add3A_547 = arith.constant 707 : i32
        %add3A_548 = vector.broadcast %add3A_547 : i32 to vector<16xi32>
        %add3A_549 = arith.addi %mul3A_143, %add3A_548 : vector<16xi32>
        %gather3A_550 = tpu.vector_load_idx %arg5[%add3A_549] : memref<4096xf32, #tpu.memory_space<vmem>>[vector<16xi32>], vector<16xf32>,
        %mul3A_551 = arith.mulf %gather3A_550, %gather3A_550 : vector<16xf32>
        %add3A_552 = arith.addf %add3A_546, %mul3A_551 : vector<16xf32>
        %get3A_553 = arith.constant 176 : index
        %get3A_554 = tpu.vector_load %arg6[%get3A_553] {strides = array<i32>} : memref<1024xf32, #tpu.memory_space<vmem>>, vector<16xf32>,
        %min3A_555 = arith.minimumf %add3A_552, %get3A_554 : vector<16xf32>
        %swap3A_556 = arith.constant 176 : index
        %swap3A_557 = tpu.vector_load %arg6[%swap3A_556] {strides = array<i32>} : memref<1024xf32, #tpu.memory_space<vmem>>, vector<16xf32>,
        tpu.vector_store %arg6[%swap3A_556], %min3A_555 {strides = array<i32>} : memref<1024xf32, #tpu.memory_space<vmem>>, vector<16xf32>,
        %gt3A_558 = arith.cmpf ogt, %min3A_555, %select_n3A_525 : vector<16xf32>
        %select_n3A_559 = arith.select %gt3A_558, %min3A_555, %select_n3A_525 : vector<16xi1>, vector<16xf32>
        %select_n3A_560 = arith.select %gt3A_558, %add3A_529, %select_n3A_526 : vector<16xi1>, vector<16xi32>
        %add3A_561 = arith.constant 192 : i32
        %add3A_562 = vector.broadcast %add3A_561 : i32 to vector<16xi32>
        %add3A_563 = arith.addi %iota3A, %add3A_562 : vector<16xi32>
        %add3A_564 = arith.constant 768 : i32
        %add3A_565 = vector.broadcast %add3A_564 : i32 to vector<16xi32>
        %add3A_566 = arith.addi %mul3A_143, %add3A_565 : vector<16xi32>
        %gather3A_567 = tpu.vector_load_idx %arg5[%add3A_566] : memref<4096xf32, #tpu.memory_space<vmem>>[vector<16xi32>], vector<16xf32>,
        %mul3A_568 = arith.mulf %gather3A_567, %gather3A_567 : vector<16xf32>
        %add3A_569 = arith.constant 769 : i32
        %add3A_570 = vector.broadcast %add3A_569 : i32 to vector<16xi32>
        %add3A_571 = arith.addi %mul3A_143, %add3A_570 : vector<16xi32>
        %gather3A_572 = tpu.vector_load_idx %arg5[%add3A_571] : memref<4096xf32, #tpu.memory_space<vmem>>[vector<16xi32>], vector<16xf32>,
        %mul3A_573 = arith.mulf %gather3A_572, %gather3A_572 : vector<16xf32>
        %add3A_574 = arith.addf %mul3A_568, %mul3A_573 : vector<16xf32>
        %add3A_575 = arith.constant 770 : i32
        %add3A_576 = vector.broadcast %add3A_575 : i32 to vector<16xi32>
        %add3A_577 = arith.addi %mul3A_143, %add3A_576 : vector<16xi32>
        %gather3A_578 = tpu.vector_load_idx %arg5[%add3A_577] : memref<4096xf32, #tpu.memory_space<vmem>>[vector<16xi32>], vector<16xf32>,
        %mul3A_579 = arith.mulf %gather3A_578, %gather3A_578 : vector<16xf32>
        %add3A_580 = arith.addf %add3A_574, %mul3A_579 : vector<16xf32>
        %add3A_581 = arith.constant 771 : i32
        %add3A_582 = vector.broadcast %add3A_581 : i32 to vector<16xi32>
        %add3A_583 = arith.addi %mul3A_143, %add3A_582 : vector<16xi32>
        %gather3A_584 = tpu.vector_load_idx %arg5[%add3A_583] : memref<4096xf32, #tpu.memory_space<vmem>>[vector<16xi32>], vector<16xf32>,
        %mul3A_585 = arith.mulf %gather3A_584, %gather3A_584 : vector<16xf32>
        %add3A_586 = arith.addf %add3A_580, %mul3A_585 : vector<16xf32>
        %get3A_587 = arith.constant 192 : index
        %get3A_588 = tpu.vector_load %arg6[%get3A_587] {strides = array<i32>} : memref<1024xf32, #tpu.memory_space<vmem>>, vector<16xf32>,
        %min3A_589 = arith.minimumf %add3A_586, %get3A_588 : vector<16xf32>
        %swap3A_590 = arith.constant 192 : index
        %swap3A_591 = tpu.vector_load %arg6[%swap3A_590] {strides = array<i32>} : memref<1024xf32, #tpu.memory_space<vmem>>, vector<16xf32>,
        tpu.vector_store %arg6[%swap3A_590], %min3A_589 {strides = array<i32>} : memref<1024xf32, #tpu.memory_space<vmem>>, vector<16xf32>,
        %gt3A_592 = arith.cmpf ogt, %min3A_589, %select_n3A_559 : vector<16xf32>
        %select_n3A_593 = arith.select %gt3A_592, %min3A_589, %select_n3A_559 : vector<16xi1>, vector<16xf32>
        %select_n3A_594 = arith.select %gt3A_592, %add3A_563, %select_n3A_560 : vector<16xi1>, vector<16xi32>
        %add3A_595 = arith.constant 208 : i32
        %add3A_596 = vector.broadcast %add3A_595 : i32 to vector<16xi32>
        %add3A_597 = arith.addi %iota3A, %add3A_596 : vector<16xi32>
        %add3A_598 = arith.constant 832 : i32
        %add3A_599 = vector.broadcast %add3A_598 : i32 to vector<16xi32>
        %add3A_600 = arith.addi %mul3A_143, %add3A_599 : vector<16xi32>
        %gather3A_601 = tpu.vector_load_idx %arg5[%add3A_600] : memref<4096xf32, #tpu.memory_space<vmem>>[vector<16xi32>], vector<16xf32>,
        %mul3A_602 = arith.mulf %gather3A_601, %gather3A_601 : vector<16xf32>
        %add3A_603 = arith.constant 833 : i32
        %add3A_604 = vector.broadcast %add3A_603 : i32 to vector<16xi32>
        %add3A_605 = arith.addi %mul3A_143, %add3A_604 : vector<16xi32>
        %gather3A_606 = tpu.vector_load_idx %arg5[%add3A_605] : memref<4096xf32, #tpu.memory_space<vmem>>[vector<16xi32>], vector<16xf32>,
        %mul3A_607 = arith.mulf %gather3A_606, %gather3A_606 : vector<16xf32>
        %add3A_608 = arith.addf %mul3A_602, %mul3A_607 : vector<16xf32>
        %add3A_609 = arith.constant 834 : i32
        %add3A_610 = vector.broadcast %add3A_609 : i32 to vector<16xi32>
        %add3A_611 = arith.addi %mul3A_143, %add3A_610 : vector<16xi32>
        %gather3A_612 = tpu.vector_load_idx %arg5[%add3A_611] : memref<4096xf32, #tpu.memory_space<vmem>>[vector<16xi32>], vector<16xf32>,
        %mul3A_613 = arith.mulf %gather3A_612, %gather3A_612 : vector<16xf32>
        %add3A_614 = arith.addf %add3A_608, %mul3A_613 : vector<16xf32>
        %add3A_615 = arith.constant 835 : i32
        %add3A_616 = vector.broadcast %add3A_615 : i32 to vector<16xi32>
        %add3A_617 = arith.addi %mul3A_143, %add3A_616 : vector<16xi32>
        %gather3A_618 = tpu.vector_load_idx %arg5[%add3A_617] : memref<4096xf32, #tpu.memory_space<vmem>>[vector<16xi32>], vector<16xf32>,
        %mul3A_619 = arith.mulf %gather3A_618, %gather3A_618 : vector<16xf32>
        %add3A_620 = arith.addf %add3A_614, %mul3A_619 : vector<16xf32>
        %get3A_621 = arith.constant 208 : index
        %get3A_622 = tpu.vector_load %arg6[%get3A_621] {strides = array<i32>} : memref<1024xf32, #tpu.memory_space<vmem>>, vector<16xf32>,
        %min3A_623 = arith.minimumf %add3A_620, %get3A_622 : vector<16xf32>
        %swap3A_624 = arith.constant 208 : index
        %swap3A_625 = tpu.vector_load %arg6[%swap3A_624] {strides = array<i32>} : memref<1024xf32, #tpu.memory_space<vmem>>, vector<16xf32>,
        tpu.vector_store %arg6[%swap3A_624], %min3A_623 {strides = array<i32>} : memref<1024xf32, #tpu.memory_space<vmem>>, vector<16xf32>,
        %gt3A_626 = arith.cmpf ogt, %min3A_623, %select_n3A_593 : vector<16xf32>
        %select_n3A_627 = arith.select %gt3A_626, %min3A_623, %select_n3A_593 : vector<16xi1>, vector<16xf32>
        %select_n3A_628 = arith.select %gt3A_626, %add3A_597, %select_n3A_594 : vector<16xi1>, vector<16xi32>
        %add3A_629 = arith.constant 224 : i32
        %add3A_630 = vector.broadcast %add3A_629 : i32 to vector<16xi32>
        %add3A_631 = arith.addi %iota3A, %add3A_630 : vector<16xi32>
        %add3A_632 = arith.constant 896 : i32
        %add3A_633 = vector.broadcast %add3A_632 : i32 to vector<16xi32>
        %add3A_634 = arith.addi %mul3A_143, %add3A_633 : vector<16xi32>
        %gather3A_635 = tpu.vector_load_idx %arg5[%add3A_634] : memref<4096xf32, #tpu.memory_space<vmem>>[vector<16xi32>], vector<16xf32>,
        %mul3A_636 = arith.mulf %gather3A_635, %gather3A_635 : vector<16xf32>
        %add3A_637 = arith.constant 897 : i32
        %add3A_638 = vector.broadcast %add3A_637 : i32 to vector<16xi32>
        %add3A_639 = arith.addi %mul3A_143, %add3A_638 : vector<16xi32>
        %gather3A_640 = tpu.vector_load_idx %arg5[%add3A_639] : memref<4096xf32, #tpu.memory_space<vmem>>[vector<16xi32>], vector<16xf32>,
        %mul3A_641 = arith.mulf %gather3A_640, %gather3A_640 : vector<16xf32>
        %add3A_642 = arith.addf %mul3A_636, %mul3A_641 : vector<16xf32>
        %add3A_643 = arith.constant 898 : i32
        %add3A_644 = vector.broadcast %add3A_643 : i32 to vector<16xi32>
        %add3A_645 = arith.addi %mul3A_143, %add3A_644 : vector<16xi32>
        %gather3A_646 = tpu.vector_load_idx %arg5[%add3A_645] : memref<4096xf32, #tpu.memory_space<vmem>>[vector<16xi32>], vector<16xf32>,
        %mul3A_647 = arith.mulf %gather3A_646, %gather3A_646 : vector<16xf32>
        %add3A_648 = arith.addf %add3A_642, %mul3A_647 : vector<16xf32>
        %add3A_649 = arith.constant 899 : i32
        %add3A_650 = vector.broadcast %add3A_649 : i32 to vector<16xi32>
        %add3A_651 = arith.addi %mul3A_143, %add3A_650 : vector<16xi32>
        %gather3A_652 = tpu.vector_load_idx %arg5[%add3A_651] : memref<4096xf32, #tpu.memory_space<vmem>>[vector<16xi32>], vector<16xf32>,
        %mul3A_653 = arith.mulf %gather3A_652, %gather3A_652 : vector<16xf32>
        %add3A_654 = arith.addf %add3A_648, %mul3A_653 : vector<16xf32>
        %get3A_655 = arith.constant 224 : index
        %get3A_656 = tpu.vector_load %arg6[%get3A_655] {strides = array<i32>} : memref<1024xf32, #tpu.memory_space<vmem>>, vector<16xf32>,
        %min3A_657 = arith.minimumf %add3A_654, %get3A_656 : vector<16xf32>
        %swap3A_658 = arith.constant 224 : index
        %swap3A_659 = tpu.vector_load %arg6[%swap3A_658] {strides = array<i32>} : memref<1024xf32, #tpu.memory_space<vmem>>, vector<16xf32>,
        tpu.vector_store %arg6[%swap3A_658], %min3A_657 {strides = array<i32>} : memref<1024xf32, #tpu.memory_space<vmem>>, vector<16xf32>,
        %gt3A_660 = arith.cmpf ogt, %min3A_657, %select_n3A_627 : vector<16xf32>
        %select_n3A_661 = arith.select %gt3A_660, %min3A_657, %select_n3A_627 : vector<16xi1>, vector<16xf32>
        %select_n3A_662 = arith.select %gt3A_660, %add3A_631, %select_n3A_628 : vector<16xi1>, vector<16xi32>
        %add3A_663 = arith.constant 240 : i32
        %add3A_664 = vector.broadcast %add3A_663 : i32 to vector<16xi32>
        %add3A_665 = arith.addi %iota3A, %add3A_664 : vector<16xi32>
        %add3A_666 = arith.constant 960 : i32
        %add3A_667 = vector.broadcast %add3A_666 : i32 to vector<16xi32>
        %add3A_668 = arith.addi %mul3A_143, %add3A_667 : vector<16xi32>
        %gather3A_669 = tpu.vector_load_idx %arg5[%add3A_668] : memref<4096xf32, #tpu.memory_space<vmem>>[vector<16xi32>], vector<16xf32>,
        %mul3A_670 = arith.mulf %gather3A_669, %gather3A_669 : vector<16xf32>
        %add3A_671 = arith.constant 961 : i32
        %add3A_672 = vector.broadcast %add3A_671 : i32 to vector<16xi32>
        %add3A_673 = arith.addi %mul3A_143, %add3A_672 : vector<16xi32>
        %gather3A_674 = tpu.vector_load_idx %arg5[%add3A_673] : memref<4096xf32, #tpu.memory_space<vmem>>[vector<16xi32>], vector<16xf32>,
        %mul3A_675 = arith.mulf %gather3A_674, %gather3A_674 : vector<16xf32>
        %add3A_676 = arith.addf %mul3A_670, %mul3A_675 : vector<16xf32>
        %add3A_677 = arith.constant 962 : i32
        %add3A_678 = vector.broadcast %add3A_677 : i32 to vector<16xi32>
        %add3A_679 = arith.addi %mul3A_143, %add3A_678 : vector<16xi32>
        %gather3A_680 = tpu.vector_load_idx %arg5[%add3A_679] : memref<4096xf32, #tpu.memory_space<vmem>>[vector<16xi32>], vector<16xf32>,
        %mul3A_681 = arith.mulf %gather3A_680, %gather3A_680 : vector<16xf32>
        %add3A_682 = arith.addf %add3A_676, %mul3A_681 : vector<16xf32>
        %add3A_683 = arith.constant 963 : i32
        %add3A_684 = vector.broadcast %add3A_683 : i32 to vector<16xi32>
        %add3A_685 = arith.addi %mul3A_143, %add3A_684 : vector<16xi32>
        %gather3A_686 = tpu.vector_load_idx %arg5[%add3A_685] : memref<4096xf32, #tpu.memory_space<vmem>>[vector<16xi32>], vector<16xf32>,
        %mul3A_687 = arith.mulf %gather3A_686, %gather3A_686 : vector<16xf32>
        %add3A_688 = arith.addf %add3A_682, %mul3A_687 : vector<16xf32>
        %get3A_689 = arith.constant 240 : index
        %get3A_690 = tpu.vector_load %arg6[%get3A_689] {strides = array<i32>} : memref<1024xf32, #tpu.memory_space<vmem>>, vector<16xf32>,
        %min3A_691 = arith.minimumf %add3A_688, %get3A_690 : vector<16xf32>
        %swap3A_692 = arith.constant 240 : index
        %swap3A_693 = tpu.vector_load %arg6[%swap3A_692] {strides = array<i32>} : memref<1024xf32, #tpu.memory_space<vmem>>, vector<16xf32>,
        tpu.vector_store %arg6[%swap3A_692], %min3A_691 {strides = array<i32>} : memref<1024xf32, #tpu.memory_space<vmem>>, vector<16xf32>,
        %gt3A_694 = arith.cmpf ogt, %min3A_691, %select_n3A_661 : vector<16xf32>
        %select_n3A_695 = arith.select %gt3A_694, %min3A_691, %select_n3A_661 : vector<16xi1>, vector<16xf32>
        %select_n3A_696 = arith.select %gt3A_694, %add3A_665, %select_n3A_662 : vector<16xi1>, vector<16xi32>
        %add3A_697 = arith.constant 256 : i32
        %add3A_698 = vector.broadcast %add3A_697 : i32 to vector<16xi32>
        %add3A_699 = arith.addi %iota3A, %add3A_698 : vector<16xi32>
        %add3A_700 = arith.constant 1024 : i32
        %add3A_701 = vector.broadcast %add3A_700 : i32 to vector<16xi32>
        %add3A_702 = arith.addi %mul3A_143, %add3A_701 : vector<16xi32>
        %gather3A_703 = tpu.vector_load_idx %arg5[%add3A_702] : memref<4096xf32, #tpu.memory_space<vmem>>[vector<16xi32>], vector<16xf32>,
        %mul3A_704 = arith.mulf %gather3A_703, %gather3A_703 : vector<16xf32>
        %add3A_705 = arith.constant 1025 : i32
        %add3A_706 = vector.broadcast %add3A_705 : i32 to vector<16xi32>
        %add3A_707 = arith.addi %mul3A_143, %add3A_706 : vector<16xi32>
        %gather3A_708 = tpu.vector_load_idx %arg5[%add3A_707] : memref<4096xf32, #tpu.memory_space<vmem>>[vector<16xi32>], vector<16xf32>,
        %mul3A_709 = arith.mulf %gather3A_708, %gather3A_708 : vector<16xf32>
        %add3A_710 = arith.addf %mul3A_704, %mul3A_709 : vector<16xf32>
        %add3A_711 = arith.constant 1026 : i32
        %add3A_712 = vector.broadcast %add3A_711 : i32 to vector<16xi32>
        %add3A_713 = arith.addi %mul3A_143, %add3A_712 : vector<16xi32>
        %gather3A_714 = tpu.vector_load_idx %arg5[%add3A_713] : memref<4096xf32, #tpu.memory_space<vmem>>[vector<16xi32>], vector<16xf32>,
        %mul3A_715 = arith.mulf %gather3A_714, %gather3A_714 : vector<16xf32>
        %add3A_716 = arith.addf %add3A_710, %mul3A_715 : vector<16xf32>
        %add3A_717 = arith.constant 1027 : i32
        %add3A_718 = vector.broadcast %add3A_717 : i32 to vector<16xi32>
        %add3A_719 = arith.addi %mul3A_143, %add3A_718 : vector<16xi32>
        %gather3A_720 = tpu.vector_load_idx %arg5[%add3A_719] : memref<4096xf32, #tpu.memory_space<vmem>>[vector<16xi32>], vector<16xf32>,
        %mul3A_721 = arith.mulf %gather3A_720, %gather3A_720 : vector<16xf32>
        %add3A_722 = arith.addf %add3A_716, %mul3A_721 : vector<16xf32>
        %get3A_723 = arith.constant 256 : index
        %get3A_724 = tpu.vector_load %arg6[%get3A_723] {strides = array<i32>} : memref<1024xf32, #tpu.memory_space<vmem>>, vector<16xf32>,
        %min3A_725 = arith.minimumf %add3A_722, %get3A_724 : vector<16xf32>
        %swap3A_726 = arith.constant 256 : index
        %swap3A_727 = tpu.vector_load %arg6[%swap3A_726] {strides = array<i32>} : memref<1024xf32, #tpu.memory_space<vmem>>, vector<16xf32>,
        tpu.vector_store %arg6[%swap3A_726], %min3A_725 {strides = array<i32>} : memref<1024xf32, #tpu.memory_space<vmem>>, vector<16xf32>,
        %gt3A_728 = arith.cmpf ogt, %min3A_725, %select_n3A_695 : vector<16xf32>
        %select_n3A_729 = arith.select %gt3A_728, %min3A_725, %select_n3A_695 : vector<16xi1>, vector<16xf32>
        %select_n3A_730 = arith.select %gt3A_728, %add3A_699, %select_n3A_696 : vector<16xi1>, vector<16xi32>
        %add3A_731 = arith.constant 272 : i32
        %add3A_732 = vector.broadcast %add3A_731 : i32 to vector<16xi32>
        %add3A_733 = arith.addi %iota3A, %add3A_732 : vector<16xi32>
        %add3A_734 = arith.constant 1088 : i32
        %add3A_735 = vector.broadcast %add3A_734 : i32 to vector<16xi32>
        %add3A_736 = arith.addi %mul3A_143, %add3A_735 : vector<16xi32>
        %gather3A_737 = tpu.vector_load_idx %arg5[%add3A_736] : memref<4096xf32, #tpu.memory_space<vmem>>[vector<16xi32>], vector<16xf32>,
        %mul3A_738 = arith.mulf %gather3A_737, %gather3A_737 : vector<16xf32>
        %add3A_739 = arith.constant 1089 : i32
        %add3A_740 = vector.broadcast %add3A_739 : i32 to vector<16xi32>
        %add3A_741 = arith.addi %mul3A_143, %add3A_740 : vector<16xi32>
        %gather3A_742 = tpu.vector_load_idx %arg5[%add3A_741] : memref<4096xf32, #tpu.memory_space<vmem>>[vector<16xi32>], vector<16xf32>,
        %mul3A_743 = arith.mulf %gather3A_742, %gather3A_742 : vector<16xf32>
        %add3A_744 = arith.addf %mul3A_738, %mul3A_743 : vector<16xf32>
        %add3A_745 = arith.constant 1090 : i32
        %add3A_746 = vector.broadcast %add3A_745 : i32 to vector<16xi32>
        %add3A_747 = arith.addi %mul3A_143, %add3A_746 : vector<16xi32>
        %gather3A_748 = tpu.vector_load_idx %arg5[%add3A_747] : memref<4096xf32, #tpu.memory_space<vmem>>[vector<16xi32>], vector<16xf32>,
        %mul3A_749 = arith.mulf %gather3A_748, %gather3A_748 : vector<16xf32>
        %add3A_750 = arith.addf %add3A_744, %mul3A_749 : vector<16xf32>
        %add3A_751 = arith.constant 1091 : i32
        %add3A_752 = vector.broadcast %add3A_751 : i32 to vector<16xi32>
        %add3A_753 = arith.addi %mul3A_143, %add3A_752 : vector<16xi32>
        %gather3A_754 = tpu.vector_load_idx %arg5[%add3A_753] : memref<4096xf32, #tpu.memory_space<vmem>>[vector<16xi32>], vector<16xf32>,
        %mul3A_755 = arith.mulf %gather3A_754, %gather3A_754 : vector<16xf32>
        %add3A_756 = arith.addf %add3A_750, %mul3A_755 : vector<16xf32>
        %get3A_757 = arith.constant 272 : index
        %get3A_758 = tpu.vector_load %arg6[%get3A_757] {strides = array<i32>} : memref<1024xf32, #tpu.memory_space<vmem>>, vector<16xf32>,
        %min3A_759 = arith.minimumf %add3A_756, %get3A_758 : vector<16xf32>
        %swap3A_760 = arith.constant 272 : index
        %swap3A_761 = tpu.vector_load %arg6[%swap3A_760] {strides = array<i32>} : memref<1024xf32, #tpu.memory_space<vmem>>, vector<16xf32>,
        tpu.vector_store %arg6[%swap3A_760], %min3A_759 {strides = array<i32>} : memref<1024xf32, #tpu.memory_space<vmem>>, vector<16xf32>,
        %gt3A_762 = arith.cmpf ogt, %min3A_759, %select_n3A_729 : vector<16xf32>
        %select_n3A_763 = arith.select %gt3A_762, %min3A_759, %select_n3A_729 : vector<16xi1>, vector<16xf32>
        %select_n3A_764 = arith.select %gt3A_762, %add3A_733, %select_n3A_730 : vector<16xi1>, vector<16xi32>
        %add3A_765 = arith.constant 288 : i32
        %add3A_766 = vector.broadcast %add3A_765 : i32 to vector<16xi32>
        %add3A_767 = arith.addi %iota3A, %add3A_766 : vector<16xi32>
        %add3A_768 = arith.constant 1152 : i32
        %add3A_769 = vector.broadcast %add3A_768 : i32 to vector<16xi32>
        %add3A_770 = arith.addi %mul3A_143, %add3A_769 : vector<16xi32>
        %gather3A_771 = tpu.vector_load_idx %arg5[%add3A_770] : memref<4096xf32, #tpu.memory_space<vmem>>[vector<16xi32>], vector<16xf32>,
        %mul3A_772 = arith.mulf %gather3A_771, %gather3A_771 : vector<16xf32>
        %add3A_773 = arith.constant 1153 : i32
        %add3A_774 = vector.broadcast %add3A_773 : i32 to vector<16xi32>
        %add3A_775 = arith.addi %mul3A_143, %add3A_774 : vector<16xi32>
        %gather3A_776 = tpu.vector_load_idx %arg5[%add3A_775] : memref<4096xf32, #tpu.memory_space<vmem>>[vector<16xi32>], vector<16xf32>,
        %mul3A_777 = arith.mulf %gather3A_776, %gather3A_776 : vector<16xf32>
        %add3A_778 = arith.addf %mul3A_772, %mul3A_777 : vector<16xf32>
        %add3A_779 = arith.constant 1154 : i32
        %add3A_780 = vector.broadcast %add3A_779 : i32 to vector<16xi32>
        %add3A_781 = arith.addi %mul3A_143, %add3A_780 : vector<16xi32>
        %gather3A_782 = tpu.vector_load_idx %arg5[%add3A_781] : memref<4096xf32, #tpu.memory_space<vmem>>[vector<16xi32>], vector<16xf32>,
        %mul3A_783 = arith.mulf %gather3A_782, %gather3A_782 : vector<16xf32>
        %add3A_784 = arith.addf %add3A_778, %mul3A_783 : vector<16xf32>
        %add3A_785 = arith.constant 1155 : i32
        %add3A_786 = vector.broadcast %add3A_785 : i32 to vector<16xi32>
        %add3A_787 = arith.addi %mul3A_143, %add3A_786 : vector<16xi32>
        %gather3A_788 = tpu.vector_load_idx %arg5[%add3A_787] : memref<4096xf32, #tpu.memory_space<vmem>>[vector<16xi32>], vector<16xf32>,
        %mul3A_789 = arith.mulf %gather3A_788, %gather3A_788 : vector<16xf32>
        %add3A_790 = arith.addf %add3A_784, %mul3A_789 : vector<16xf32>
        %get3A_791 = arith.constant 288 : index
        %get3A_792 = tpu.vector_load %arg6[%get3A_791] {strides = array<i32>} : memref<1024xf32, #tpu.memory_space<vmem>>, vector<16xf32>,
        %min3A_793 = arith.minimumf %add3A_790, %get3A_792 : vector<16xf32>
        %swap3A_794 = arith.constant 288 : index
        %swap3A_795 = tpu.vector_load %arg6[%swap3A_794] {strides = array<i32>} : memref<1024xf32, #tpu.memory_space<vmem>>, vector<16xf32>,
        tpu.vector_store %arg6[%swap3A_794], %min3A_793 {strides = array<i32>} : memref<1024xf32, #tpu.memory_space<vmem>>, vector<16xf32>,
        %gt3A_796 = arith.cmpf ogt, %min3A_793, %select_n3A_763 : vector<16xf32>
        %select_n3A_797 = arith.select %gt3A_796, %min3A_793, %select_n3A_763 : vector<16xi1>, vector<16xf32>
        %select_n3A_798 = arith.select %gt3A_796, %add3A_767, %select_n3A_764 : vector<16xi1>, vector<16xi32>
        %add3A_799 = arith.constant 304 : i32
        %add3A_800 = vector.broadcast %add3A_799 : i32 to vector<16xi32>
        %add3A_801 = arith.addi %iota3A, %add3A_800 : vector<16xi32>
        %add3A_802 = arith.constant 1216 : i32
        %add3A_803 = vector.broadcast %add3A_802 : i32 to vector<16xi32>
        %add3A_804 = arith.addi %mul3A_143, %add3A_803 : vector<16xi32>
        %gather3A_805 = tpu.vector_load_idx %arg5[%add3A_804] : memref<4096xf32, #tpu.memory_space<vmem>>[vector<16xi32>], vector<16xf32>,
        %mul3A_806 = arith.mulf %gather3A_805, %gather3A_805 : vector<16xf32>
        %add3A_807 = arith.constant 1217 : i32
        %add3A_808 = vector.broadcast %add3A_807 : i32 to vector<16xi32>
        %add3A_809 = arith.addi %mul3A_143, %add3A_808 : vector<16xi32>
        %gather3A_810 = tpu.vector_load_idx %arg5[%add3A_809] : memref<4096xf32, #tpu.memory_space<vmem>>[vector<16xi32>], vector<16xf32>,
        %mul3A_811 = arith.mulf %gather3A_810, %gather3A_810 : vector<16xf32>
        %add3A_812 = arith.addf %mul3A_806, %mul3A_811 : vector<16xf32>
        %add3A_813 = arith.constant 1218 : i32
        %add3A_814 = vector.broadcast %add3A_813 : i32 to vector<16xi32>
        %add3A_815 = arith.addi %mul3A_143, %add3A_814 : vector<16xi32>
        %gather3A_816 = tpu.vector_load_idx %arg5[%add3A_815] : memref<4096xf32, #tpu.memory_space<vmem>>[vector<16xi32>], vector<16xf32>,
        %mul3A_817 = arith.mulf %gather3A_816, %gather3A_816 : vector<16xf32>
        %add3A_818 = arith.addf %add3A_812, %mul3A_817 : vector<16xf32>
        %add3A_819 = arith.constant 1219 : i32
        %add3A_820 = vector.broadcast %add3A_819 : i32 to vector<16xi32>
        %add3A_821 = arith.addi %mul3A_143, %add3A_820 : vector<16xi32>
        %gather3A_822 = tpu.vector_load_idx %arg5[%add3A_821] : memref<4096xf32, #tpu.memory_space<vmem>>[vector<16xi32>], vector<16xf32>,
        %mul3A_823 = arith.mulf %gather3A_822, %gather3A_822 : vector<16xf32>
        %add3A_824 = arith.addf %add3A_818, %mul3A_823 : vector<16xf32>
        %get3A_825 = arith.constant 304 : index
        %get3A_826 = tpu.vector_load %arg6[%get3A_825] {strides = array<i32>} : memref<1024xf32, #tpu.memory_space<vmem>>, vector<16xf32>,
        %min3A_827 = arith.minimumf %add3A_824, %get3A_826 : vector<16xf32>
        %swap3A_828 = arith.constant 304 : index
        %swap3A_829 = tpu.vector_load %arg6[%swap3A_828] {strides = array<i32>} : memref<1024xf32, #tpu.memory_space<vmem>>, vector<16xf32>,
        tpu.vector_store %arg6[%swap3A_828], %min3A_827 {strides = array<i32>} : memref<1024xf32, #tpu.memory_space<vmem>>, vector<16xf32>,
        %gt3A_830 = arith.cmpf ogt, %min3A_827, %select_n3A_797 : vector<16xf32>
        %select_n3A_831 = arith.select %gt3A_830, %min3A_827, %select_n3A_797 : vector<16xi1>, vector<16xf32>
        %select_n3A_832 = arith.select %gt3A_830, %add3A_801, %select_n3A_798 : vector<16xi1>, vector<16xi32>
        %add3A_833 = arith.constant 320 : i32
        %add3A_834 = vector.broadcast %add3A_833 : i32 to vector<16xi32>
        %add3A_835 = arith.addi %iota3A, %add3A_834 : vector<16xi32>
        %add3A_836 = arith.constant 1280 : i32
        %add3A_837 = vector.broadcast %add3A_836 : i32 to vector<16xi32>
        %add3A_838 = arith.addi %mul3A_143, %add3A_837 : vector<16xi32>
        %gather3A_839 = tpu.vector_load_idx %arg5[%add3A_838] : memref<4096xf32, #tpu.memory_space<vmem>>[vector<16xi32>], vector<16xf32>,
        %mul3A_840 = arith.mulf %gather3A_839, %gather3A_839 : vector<16xf32>
        %add3A_841 = arith.constant 1281 : i32
        %add3A_842 = vector.broadcast %add3A_841 : i32 to vector<16xi32>
        %add3A_843 = arith.addi %mul3A_143, %add3A_842 : vector<16xi32>
        %gather3A_844 = tpu.vector_load_idx %arg5[%add3A_843] : memref<4096xf32, #tpu.memory_space<vmem>>[vector<16xi32>], vector<16xf32>,
        %mul3A_845 = arith.mulf %gather3A_844, %gather3A_844 : vector<16xf32>
        %add3A_846 = arith.addf %mul3A_840, %mul3A_845 : vector<16xf32>
        %add3A_847 = arith.constant 1282 : i32
        %add3A_848 = vector.broadcast %add3A_847 : i32 to vector<16xi32>
        %add3A_849 = arith.addi %mul3A_143, %add3A_848 : vector<16xi32>
        %gather3A_850 = tpu.vector_load_idx %arg5[%add3A_849] : memref<4096xf32, #tpu.memory_space<vmem>>[vector<16xi32>], vector<16xf32>,
        %mul3A_851 = arith.mulf %gather3A_850, %gather3A_850 : vector<16xf32>
        %add3A_852 = arith.addf %add3A_846, %mul3A_851 : vector<16xf32>
        %add3A_853 = arith.constant 1283 : i32
        %add3A_854 = vector.broadcast %add3A_853 : i32 to vector<16xi32>
        %add3A_855 = arith.addi %mul3A_143, %add3A_854 : vector<16xi32>
        %gather3A_856 = tpu.vector_load_idx %arg5[%add3A_855] : memref<4096xf32, #tpu.memory_space<vmem>>[vector<16xi32>], vector<16xf32>,
        %mul3A_857 = arith.mulf %gather3A_856, %gather3A_856 : vector<16xf32>
        %add3A_858 = arith.addf %add3A_852, %mul3A_857 : vector<16xf32>
        %get3A_859 = arith.constant 320 : index
        %get3A_860 = tpu.vector_load %arg6[%get3A_859] {strides = array<i32>} : memref<1024xf32, #tpu.memory_space<vmem>>, vector<16xf32>,
        %min3A_861 = arith.minimumf %add3A_858, %get3A_860 : vector<16xf32>
        %swap3A_862 = arith.constant 320 : index
        %swap3A_863 = tpu.vector_load %arg6[%swap3A_862] {strides = array<i32>} : memref<1024xf32, #tpu.memory_space<vmem>>, vector<16xf32>,
        tpu.vector_store %arg6[%swap3A_862], %min3A_861 {strides = array<i32>} : memref<1024xf32, #tpu.memory_space<vmem>>, vector<16xf32>,
        %gt3A_864 = arith.cmpf ogt, %min3A_861, %select_n3A_831 : vector<16xf32>
        %select_n3A_865 = arith.select %gt3A_864, %min3A_861, %select_n3A_831 : vector<16xi1>, vector<16xf32>
        %select_n3A_866 = arith.select %gt3A_864, %add3A_835, %select_n3A_832 : vector<16xi1>, vector<16xi32>
        %add3A_867 = arith.constant 336 : i32
        %add3A_868 = vector.broadcast %add3A_867 : i32 to vector<16xi32>
        %add3A_869 = arith.addi %iota3A, %add3A_868 : vector<16xi32>
        %add3A_870 = arith.constant 1344 : i32
        %add3A_871 = vector.broadcast %add3A_870 : i32 to vector<16xi32>
        %add3A_872 = arith.addi %mul3A_143, %add3A_871 : vector<16xi32>
        %gather3A_873 = tpu.vector_load_idx %arg5[%add3A_872] : memref<4096xf32, #tpu.memory_space<vmem>>[vector<16xi32>], vector<16xf32>,
        %mul3A_874 = arith.mulf %gather3A_873, %gather3A_873 : vector<16xf32>
        %add3A_875 = arith.constant 1345 : i32
        %add3A_876 = vector.broadcast %add3A_875 : i32 to vector<16xi32>
        %add3A_877 = arith.addi %mul3A_143, %add3A_876 : vector<16xi32>
        %gather3A_878 = tpu.vector_load_idx %arg5[%add3A_877] : memref<4096xf32, #tpu.memory_space<vmem>>[vector<16xi32>], vector<16xf32>,
        %mul3A_879 = arith.mulf %gather3A_878, %gather3A_878 : vector<16xf32>
        %add3A_880 = arith.addf %mul3A_874, %mul3A_879 : vector<16xf32>
        %add3A_881 = arith.constant 1346 : i32
        %add3A_882 = vector.broadcast %add3A_881 : i32 to vector<16xi32>
        %add3A_883 = arith.addi %mul3A_143, %add3A_882 : vector<16xi32>
        %gather3A_884 = tpu.vector_load_idx %arg5[%add3A_883] : memref<4096xf32, #tpu.memory_space<vmem>>[vector<16xi32>], vector<16xf32>,
        %mul3A_885 = arith.mulf %gather3A_884, %gather3A_884 : vector<16xf32>
        %add3A_886 = arith.addf %add3A_880, %mul3A_885 : vector<16xf32>
        %add3A_887 = arith.constant 1347 : i32
        %add3A_888 = vector.broadcast %add3A_887 : i32 to vector<16xi32>
        %add3A_889 = arith.addi %mul3A_143, %add3A_888 : vector<16xi32>
        %gather3A_890 = tpu.vector_load_idx %arg5[%add3A_889] : memref<4096xf32, #tpu.memory_space<vmem>>[vector<16xi32>], vector<16xf32>,
        %mul3A_891 = arith.mulf %gather3A_890, %gather3A_890 : vector<16xf32>
        %add3A_892 = arith.addf %add3A_886, %mul3A_891 : vector<16xf32>
        %get3A_893 = arith.constant 336 : index
        %get3A_894 = tpu.vector_load %arg6[%get3A_893] {strides = array<i32>} : memref<1024xf32, #tpu.memory_space<vmem>>, vector<16xf32>,
        %min3A_895 = arith.minimumf %add3A_892, %get3A_894 : vector<16xf32>
        %swap3A_896 = arith.constant 336 : index
        %swap3A_897 = tpu.vector_load %arg6[%swap3A_896] {strides = array<i32>} : memref<1024xf32, #tpu.memory_space<vmem>>, vector<16xf32>,
        tpu.vector_store %arg6[%swap3A_896], %min3A_895 {strides = array<i32>} : memref<1024xf32, #tpu.memory_space<vmem>>, vector<16xf32>,
        %gt3A_898 = arith.cmpf ogt, %min3A_895, %select_n3A_865 : vector<16xf32>
        %select_n3A_899 = arith.select %gt3A_898, %min3A_895, %select_n3A_865 : vector<16xi1>, vector<16xf32>
        %select_n3A_900 = arith.select %gt3A_898, %add3A_869, %select_n3A_866 : vector<16xi1>, vector<16xi32>
        %add3A_901 = arith.constant 352 : i32
        %add3A_902 = vector.broadcast %add3A_901 : i32 to vector<16xi32>
        %add3A_903 = arith.addi %iota3A, %add3A_902 : vector<16xi32>
        %add3A_904 = arith.constant 1408 : i32
        %add3A_905 = vector.broadcast %add3A_904 : i32 to vector<16xi32>
        %add3A_906 = arith.addi %mul3A_143, %add3A_905 : vector<16xi32>
        %gather3A_907 = tpu.vector_load_idx %arg5[%add3A_906] : memref<4096xf32, #tpu.memory_space<vmem>>[vector<16xi32>], vector<16xf32>,
        %mul3A_908 = arith.mulf %gather3A_907, %gather3A_907 : vector<16xf32>
        %add3A_909 = arith.constant 1409 : i32
        %add3A_910 = vector.broadcast %add3A_909 : i32 to vector<16xi32>
        %add3A_911 = arith.addi %mul3A_143, %add3A_910 : vector<16xi32>
        %gather3A_912 = tpu.vector_load_idx %arg5[%add3A_911] : memref<4096xf32, #tpu.memory_space<vmem>>[vector<16xi32>], vector<16xf32>,
        %mul3A_913 = arith.mulf %gather3A_912, %gather3A_912 : vector<16xf32>
        %add3A_914 = arith.addf %mul3A_908, %mul3A_913 : vector<16xf32>
        %add3A_915 = arith.constant 1410 : i32
        %add3A_916 = vector.broadcast %add3A_915 : i32 to vector<16xi32>
        %add3A_917 = arith.addi %mul3A_143, %add3A_916 : vector<16xi32>
        %gather3A_918 = tpu.vector_load_idx %arg5[%add3A_917] : memref<4096xf32, #tpu.memory_space<vmem>>[vector<16xi32>], vector<16xf32>,
        %mul3A_919 = arith.mulf %gather3A_918, %gather3A_918 : vector<16xf32>
        %add3A_920 = arith.addf %add3A_914, %mul3A_919 : vector<16xf32>
        %add3A_921 = arith.constant 1411 : i32
        %add3A_922 = vector.broadcast %add3A_921 : i32 to vector<16xi32>
        %add3A_923 = arith.addi %mul3A_143, %add3A_922 : vector<16xi32>
        %gather3A_924 = tpu.vector_load_idx %arg5[%add3A_923] : memref<4096xf32, #tpu.memory_space<vmem>>[vector<16xi32>], vector<16xf32>,
        %mul3A_925 = arith.mulf %gather3A_924, %gather3A_924 : vector<16xf32>
        %add3A_926 = arith.addf %add3A_920, %mul3A_925 : vector<16xf32>
        %get3A_927 = arith.constant 352 : index
        %get3A_928 = tpu.vector_load %arg6[%get3A_927] {strides = array<i32>} : memref<1024xf32, #tpu.memory_space<vmem>>, vector<16xf32>,
        %min3A_929 = arith.minimumf %add3A_926, %get3A_928 : vector<16xf32>
        %swap3A_930 = arith.constant 352 : index
        %swap3A_931 = tpu.vector_load %arg6[%swap3A_930] {strides = array<i32>} : memref<1024xf32, #tpu.memory_space<vmem>>, vector<16xf32>,
        tpu.vector_store %arg6[%swap3A_930], %min3A_929 {strides = array<i32>} : memref<1024xf32, #tpu.memory_space<vmem>>, vector<16xf32>,
        %gt3A_932 = arith.cmpf ogt, %min3A_929, %select_n3A_899 : vector<16xf32>
        %select_n3A_933 = arith.select %gt3A_932, %min3A_929, %select_n3A_899 : vector<16xi1>, vector<16xf32>
        %select_n3A_934 = arith.select %gt3A_932, %add3A_903, %select_n3A_900 : vector<16xi1>, vector<16xi32>
        %add3A_935 = arith.constant 368 : i32
        %add3A_936 = vector.broadcast %add3A_935 : i32 to vector<16xi32>
        %add3A_937 = arith.addi %iota3A, %add3A_936 : vector<16xi32>
        %add3A_938 = arith.constant 1472 : i32
        %add3A_939 = vector.broadcast %add3A_938 : i32 to vector<16xi32>
        %add3A_940 = arith.addi %mul3A_143, %add3A_939 : vector<16xi32>
        %gather3A_941 = tpu.vector_load_idx %arg5[%add3A_940] : memref<4096xf32, #tpu.memory_space<vmem>>[vector<16xi32>], vector<16xf32>,
        %mul3A_942 = arith.mulf %gather3A_941, %gather3A_941 : vector<16xf32>
        %add3A_943 = arith.constant 1473 : i32
        %add3A_944 = vector.broadcast %add3A_943 : i32 to vector<16xi32>
        %add3A_945 = arith.addi %mul3A_143, %add3A_944 : vector<16xi32>
        %gather3A_946 = tpu.vector_load_idx %arg5[%add3A_945] : memref<4096xf32, #tpu.memory_space<vmem>>[vector<16xi32>], vector<16xf32>,
        %mul3A_947 = arith.mulf %gather3A_946, %gather3A_946 : vector<16xf32>
        %add3A_948 = arith.addf %mul3A_942, %mul3A_947 : vector<16xf32>
        %add3A_949 = arith.constant 1474 : i32
        %add3A_950 = vector.broadcast %add3A_949 : i32 to vector<16xi32>
        %add3A_951 = arith.addi %mul3A_143, %add3A_950 : vector<16xi32>
        %gather3A_952 = tpu.vector_load_idx %arg5[%add3A_951] : memref<4096xf32, #tpu.memory_space<vmem>>[vector<16xi32>], vector<16xf32>,
        %mul3A_953 = arith.mulf %gather3A_952, %gather3A_952 : vector<16xf32>
        %add3A_954 = arith.addf %add3A_948, %mul3A_953 : vector<16xf32>
        %add3A_955 = arith.constant 1475 : i32
        %add3A_956 = vector.broadcast %add3A_955 : i32 to vector<16xi32>
        %add3A_957 = arith.addi %mul3A_143, %add3A_956 : vector<16xi32>
        %gather3A_958 = tpu.vector_load_idx %arg5[%add3A_957] : memref<4096xf32, #tpu.memory_space<vmem>>[vector<16xi32>], vector<16xf32>,
        %mul3A_959 = arith.mulf %gather3A_958, %gather3A_958 : vector<16xf32>
        %add3A_960 = arith.addf %add3A_954, %mul3A_959 : vector<16xf32>
        %get3A_961 = arith.constant 368 : index
        %get3A_962 = tpu.vector_load %arg6[%get3A_961] {strides = array<i32>} : memref<1024xf32, #tpu.memory_space<vmem>>, vector<16xf32>,
        %min3A_963 = arith.minimumf %add3A_960, %get3A_962 : vector<16xf32>
        %swap3A_964 = arith.constant 368 : index
        %swap3A_965 = tpu.vector_load %arg6[%swap3A_964] {strides = array<i32>} : memref<1024xf32, #tpu.memory_space<vmem>>, vector<16xf32>,
        tpu.vector_store %arg6[%swap3A_964], %min3A_963 {strides = array<i32>} : memref<1024xf32, #tpu.memory_space<vmem>>, vector<16xf32>,
        %gt3A_966 = arith.cmpf ogt, %min3A_963, %select_n3A_933 : vector<16xf32>
        %select_n3A_967 = arith.select %gt3A_966, %min3A_963, %select_n3A_933 : vector<16xi1>, vector<16xf32>
        %select_n3A_968 = arith.select %gt3A_966, %add3A_937, %select_n3A_934 : vector<16xi1>, vector<16xi32>
        %add3A_969 = arith.constant 384 : i32
        %add3A_970 = vector.broadcast %add3A_969 : i32 to vector<16xi32>
        %add3A_971 = arith.addi %iota3A, %add3A_970 : vector<16xi32>
        %add3A_972 = arith.constant 1536 : i32
        %add3A_973 = vector.broadcast %add3A_972 : i32 to vector<16xi32>
        %add3A_974 = arith.addi %mul3A_143, %add3A_973 : vector<16xi32>
        %gather3A_975 = tpu.vector_load_idx %arg5[%add3A_974] : memref<4096xf32, #tpu.memory_space<vmem>>[vector<16xi32>], vector<16xf32>,
        %mul3A_976 = arith.mulf %gather3A_975, %gather3A_975 : vector<16xf32>
        %add3A_977 = arith.constant 1537 : i32
        %add3A_978 = vector.broadcast %add3A_977 : i32 to vector<16xi32>
        %add3A_979 = arith.addi %mul3A_143, %add3A_978 : vector<16xi32>
        %gather3A_980 = tpu.vector_load_idx %arg5[%add3A_979] : memref<4096xf32, #tpu.memory_space<vmem>>[vector<16xi32>], vector<16xf32>,
        %mul3A_981 = arith.mulf %gather3A_980, %gather3A_980 : vector<16xf32>
        %add3A_982 = arith.addf %mul3A_976, %mul3A_981 : vector<16xf32>
        %add3A_983 = arith.constant 1538 : i32
        %add3A_984 = vector.broadcast %add3A_983 : i32 to vector<16xi32>
        %add3A_985 = arith.addi %mul3A_143, %add3A_984 : vector<16xi32>
        %gather3A_986 = tpu.vector_load_idx %arg5[%add3A_985] : memref<4096xf32, #tpu.memory_space<vmem>>[vector<16xi32>], vector<16xf32>,
        %mul3A_987 = arith.mulf %gather3A_986, %gather3A_986 : vector<16xf32>
        %add3A_988 = arith.addf %add3A_982, %mul3A_987 : vector<16xf32>
        %add3A_989 = arith.constant 1539 : i32
        %add3A_990 = vector.broadcast %add3A_989 : i32 to vector<16xi32>
        %add3A_991 = arith.addi %mul3A_143, %add3A_990 : vector<16xi32>
        %gather3A_992 = tpu.vector_load_idx %arg5[%add3A_991] : memref<4096xf32, #tpu.memory_space<vmem>>[vector<16xi32>], vector<16xf32>,
        %mul3A_993 = arith.mulf %gather3A_992, %gather3A_992 : vector<16xf32>
        %add3A_994 = arith.addf %add3A_988, %mul3A_993 : vector<16xf32>
        %get3A_995 = arith.constant 384 : index
        %get3A_996 = tpu.vector_load %arg6[%get3A_995] {strides = array<i32>} : memref<1024xf32, #tpu.memory_space<vmem>>, vector<16xf32>,
        %min3A_997 = arith.minimumf %add3A_994, %get3A_996 : vector<16xf32>
        %swap3A_998 = arith.constant 384 : index
        %swap3A_999 = tpu.vector_load %arg6[%swap3A_998] {strides = array<i32>} : memref<1024xf32, #tpu.memory_space<vmem>>, vector<16xf32>,
        tpu.vector_store %arg6[%swap3A_998], %min3A_997 {strides = array<i32>} : memref<1024xf32, #tpu.memory_space<vmem>>, vector<16xf32>,
        %gt3A_1000 = arith.cmpf ogt, %min3A_997, %select_n3A_967 : vector<16xf32>
        %select_n3A_1001 = arith.select %gt3A_1000, %min3A_997, %select_n3A_967 : vector<16xi1>, vector<16xf32>
        %select_n3A_1002 = arith.select %gt3A_1000, %add3A_971, %select_n3A_968 : vector<16xi1>, vector<16xi32>
        %add3A_1003 = arith.constant 400 : i32
        %add3A_1004 = vector.broadcast %add3A_1003 : i32 to vector<16xi32>
        %add3A_1005 = arith.addi %iota3A, %add3A_1004 : vector<16xi32>
        %add3A_1006 = arith.constant 1600 : i32
        %add3A_1007 = vector.broadcast %add3A_1006 : i32 to vector<16xi32>
        %add3A_1008 = arith.addi %mul3A_143, %add3A_1007 : vector<16xi32>
        %gather3A_1009 = tpu.vector_load_idx %arg5[%add3A_1008] : memref<4096xf32, #tpu.memory_space<vmem>>[vector<16xi32>], vector<16xf32>,
        %mul3A_1010 = arith.mulf %gather3A_1009, %gather3A_1009 : vector<16xf32>
        %add3A_1011 = arith.constant 1601 : i32
        %add3A_1012 = vector.broadcast %add3A_1011 : i32 to vector<16xi32>
        %add3A_1013 = arith.addi %mul3A_143, %add3A_1012 : vector<16xi32>
        %gather3A_1014 = tpu.vector_load_idx %arg5[%add3A_1013] : memref<4096xf32, #tpu.memory_space<vmem>>[vector<16xi32>], vector<16xf32>,
        %mul3A_1015 = arith.mulf %gather3A_1014, %gather3A_1014 : vector<16xf32>
        %add3A_1016 = arith.addf %mul3A_1010, %mul3A_1015 : vector<16xf32>
        %add3A_1017 = arith.constant 1602 : i32
        %add3A_1018 = vector.broadcast %add3A_1017 : i32 to vector<16xi32>
        %add3A_1019 = arith.addi %mul3A_143, %add3A_1018 : vector<16xi32>
        %gather3A_1020 = tpu.vector_load_idx %arg5[%add3A_1019] : memref<4096xf32, #tpu.memory_space<vmem>>[vector<16xi32>], vector<16xf32>,
        %mul3A_1021 = arith.mulf %gather3A_1020, %gather3A_1020 : vector<16xf32>
        %add3A_1022 = arith.addf %add3A_1016, %mul3A_1021 : vector<16xf32>
        %add3A_1023 = arith.constant 1603 : i32
        %add3A_1024 = vector.broadcast %add3A_1023 : i32 to vector<16xi32>
        %add3A_1025 = arith.addi %mul3A_143, %add3A_1024 : vector<16xi32>
        %gather3A_1026 = tpu.vector_load_idx %arg5[%add3A_1025] : memref<4096xf32, #tpu.memory_space<vmem>>[vector<16xi32>], vector<16xf32>,
        %mul3A_1027 = arith.mulf %gather3A_1026, %gather3A_1026 : vector<16xf32>
        %add3A_1028 = arith.addf %add3A_1022, %mul3A_1027 : vector<16xf32>
        %get3A_1029 = arith.constant 400 : index
        %get3A_1030 = tpu.vector_load %arg6[%get3A_1029] {strides = array<i32>} : memref<1024xf32, #tpu.memory_space<vmem>>, vector<16xf32>,
        %min3A_1031 = arith.minimumf %add3A_1028, %get3A_1030 : vector<16xf32>
        %swap3A_1032 = arith.constant 400 : index
        %swap3A_1033 = tpu.vector_load %arg6[%swap3A_1032] {strides = array<i32>} : memref<1024xf32, #tpu.memory_space<vmem>>, vector<16xf32>,
        tpu.vector_store %arg6[%swap3A_1032], %min3A_1031 {strides = array<i32>} : memref<1024xf32, #tpu.memory_space<vmem>>, vector<16xf32>,
        %gt3A_1034 = arith.cmpf ogt, %min3A_1031, %select_n3A_1001 : vector<16xf32>
        %select_n3A_1035 = arith.select %gt3A_1034, %min3A_1031, %select_n3A_1001 : vector<16xi1>, vector<16xf32>
        %select_n3A_1036 = arith.select %gt3A_1034, %add3A_1005, %select_n3A_1002 : vector<16xi1>, vector<16xi32>
        %add3A_1037 = arith.constant 416 : i32
        %add3A_1038 = vector.broadcast %add3A_1037 : i32 to vector<16xi32>
        %add3A_1039 = arith.addi %iota3A, %add3A_1038 : vector<16xi32>
        %add3A_1040 = arith.constant 1664 : i32
        %add3A_1041 = vector.broadcast %add3A_1040 : i32 to vector<16xi32>
        %add3A_1042 = arith.addi %mul3A_143, %add3A_1041 : vector<16xi32>
        %gather3A_1043 = tpu.vector_load_idx %arg5[%add3A_1042] : memref<4096xf32, #tpu.memory_space<vmem>>[vector<16xi32>], vector<16xf32>,
        %mul3A_1044 = arith.mulf %gather3A_1043, %gather3A_1043 : vector<16xf32>
        %add3A_1045 = arith.constant 1665 : i32
        %add3A_1046 = vector.broadcast %add3A_1045 : i32 to vector<16xi32>
        %add3A_1047 = arith.addi %mul3A_143, %add3A_1046 : vector<16xi32>
        %gather3A_1048 = tpu.vector_load_idx %arg5[%add3A_1047] : memref<4096xf32, #tpu.memory_space<vmem>>[vector<16xi32>], vector<16xf32>,
        %mul3A_1049 = arith.mulf %gather3A_1048, %gather3A_1048 : vector<16xf32>
        %add3A_1050 = arith.addf %mul3A_1044, %mul3A_1049 : vector<16xf32>
        %add3A_1051 = arith.constant 1666 : i32
        %add3A_1052 = vector.broadcast %add3A_1051 : i32 to vector<16xi32>
        %add3A_1053 = arith.addi %mul3A_143, %add3A_1052 : vector<16xi32>
        %gather3A_1054 = tpu.vector_load_idx %arg5[%add3A_1053] : memref<4096xf32, #tpu.memory_space<vmem>>[vector<16xi32>], vector<16xf32>,
        %mul3A_1055 = arith.mulf %gather3A_1054, %gather3A_1054 : vector<16xf32>
        %add3A_1056 = arith.addf %add3A_1050, %mul3A_1055 : vector<16xf32>
        %add3A_1057 = arith.constant 1667 : i32
        %add3A_1058 = vector.broadcast %add3A_1057 : i32 to vector<16xi32>
        %add3A_1059 = arith.addi %mul3A_143, %add3A_1058 : vector<16xi32>
        %gather3A_1060 = tpu.vector_load_idx %arg5[%add3A_1059] : memref<4096xf32, #tpu.memory_space<vmem>>[vector<16xi32>], vector<16xf32>,
        %mul3A_1061 = arith.mulf %gather3A_1060, %gather3A_1060 : vector<16xf32>
        %add3A_1062 = arith.addf %add3A_1056, %mul3A_1061 : vector<16xf32>
        %get3A_1063 = arith.constant 416 : index
        %get3A_1064 = tpu.vector_load %arg6[%get3A_1063] {strides = array<i32>} : memref<1024xf32, #tpu.memory_space<vmem>>, vector<16xf32>,
        %min3A_1065 = arith.minimumf %add3A_1062, %get3A_1064 : vector<16xf32>
        %swap3A_1066 = arith.constant 416 : index
        %swap3A_1067 = tpu.vector_load %arg6[%swap3A_1066] {strides = array<i32>} : memref<1024xf32, #tpu.memory_space<vmem>>, vector<16xf32>,
        tpu.vector_store %arg6[%swap3A_1066], %min3A_1065 {strides = array<i32>} : memref<1024xf32, #tpu.memory_space<vmem>>, vector<16xf32>,
        %gt3A_1068 = arith.cmpf ogt, %min3A_1065, %select_n3A_1035 : vector<16xf32>
        %select_n3A_1069 = arith.select %gt3A_1068, %min3A_1065, %select_n3A_1035 : vector<16xi1>, vector<16xf32>
        %select_n3A_1070 = arith.select %gt3A_1068, %add3A_1039, %select_n3A_1036 : vector<16xi1>, vector<16xi32>
        %add3A_1071 = arith.constant 432 : i32
        %add3A_1072 = vector.broadcast %add3A_1071 : i32 to vector<16xi32>
        %add3A_1073 = arith.addi %iota3A, %add3A_1072 : vector<16xi32>
        %add3A_1074 = arith.constant 1728 : i32
        %add3A_1075 = vector.broadcast %add3A_1074 : i32 to vector<16xi32>
        %add3A_1076 = arith.addi %mul3A_143, %add3A_1075 : vector<16xi32>
        %gather3A_1077 = tpu.vector_load_idx %arg5[%add3A_1076] : memref<4096xf32, #tpu.memory_space<vmem>>[vector<16xi32>], vector<16xf32>,
        %mul3A_1078 = arith.mulf %gather3A_1077, %gather3A_1077 : vector<16xf32>
        %add3A_1079 = arith.constant 1729 : i32
        %add3A_1080 = vector.broadcast %add3A_1079 : i32 to vector<16xi32>
        %add3A_1081 = arith.addi %mul3A_143, %add3A_1080 : vector<16xi32>
        %gather3A_1082 = tpu.vector_load_idx %arg5[%add3A_1081] : memref<4096xf32, #tpu.memory_space<vmem>>[vector<16xi32>], vector<16xf32>,
        %mul3A_1083 = arith.mulf %gather3A_1082, %gather3A_1082 : vector<16xf32>
        %add3A_1084 = arith.addf %mul3A_1078, %mul3A_1083 : vector<16xf32>
        %add3A_1085 = arith.constant 1730 : i32
        %add3A_1086 = vector.broadcast %add3A_1085 : i32 to vector<16xi32>
        %add3A_1087 = arith.addi %mul3A_143, %add3A_1086 : vector<16xi32>
        %gather3A_1088 = tpu.vector_load_idx %arg5[%add3A_1087] : memref<4096xf32, #tpu.memory_space<vmem>>[vector<16xi32>], vector<16xf32>,
        %mul3A_1089 = arith.mulf %gather3A_1088, %gather3A_1088 : vector<16xf32>
        %add3A_1090 = arith.addf %add3A_1084, %mul3A_1089 : vector<16xf32>
        %add3A_1091 = arith.constant 1731 : i32
        %add3A_1092 = vector.broadcast %add3A_1091 : i32 to vector<16xi32>
        %add3A_1093 = arith.addi %mul3A_143, %add3A_1092 : vector<16xi32>
        %gather3A_1094 = tpu.vector_load_idx %arg5[%add3A_1093] : memref<4096xf32, #tpu.memory_space<vmem>>[vector<16xi32>], vector<16xf32>,
        %mul3A_1095 = arith.mulf %gather3A_1094, %gather3A_1094 : vector<16xf32>
        %add3A_1096 = arith.addf %add3A_1090, %mul3A_1095 : vector<16xf32>
        %get3A_1097 = arith.constant 432 : index
        %get3A_1098 = tpu.vector_load %arg6[%get3A_1097] {strides = array<i32>} : memref<1024xf32, #tpu.memory_space<vmem>>, vector<16xf32>,
        %min3A_1099 = arith.minimumf %add3A_1096, %get3A_1098 : vector<16xf32>
        %swap3A_1100 = arith.constant 432 : index
        %swap3A_1101 = tpu.vector_load %arg6[%swap3A_1100] {strides = array<i32>} : memref<1024xf32, #tpu.memory_space<vmem>>, vector<16xf32>,
        tpu.vector_store %arg6[%swap3A_1100], %min3A_1099 {strides = array<i32>} : memref<1024xf32, #tpu.memory_space<vmem>>, vector<16xf32>,
        %gt3A_1102 = arith.cmpf ogt, %min3A_1099, %select_n3A_1069 : vector<16xf32>
        %select_n3A_1103 = arith.select %gt3A_1102, %min3A_1099, %select_n3A_1069 : vector<16xi1>, vector<16xf32>
        %select_n3A_1104 = arith.select %gt3A_1102, %add3A_1073, %select_n3A_1070 : vector<16xi1>, vector<16xi32>
        %add3A_1105 = arith.constant 448 : i32
        %add3A_1106 = vector.broadcast %add3A_1105 : i32 to vector<16xi32>
        %add3A_1107 = arith.addi %iota3A, %add3A_1106 : vector<16xi32>
        %add3A_1108 = arith.constant 1792 : i32
        %add3A_1109 = vector.broadcast %add3A_1108 : i32 to vector<16xi32>
        %add3A_1110 = arith.addi %mul3A_143, %add3A_1109 : vector<16xi32>
        %gather3A_1111 = tpu.vector_load_idx %arg5[%add3A_1110] : memref<4096xf32, #tpu.memory_space<vmem>>[vector<16xi32>], vector<16xf32>,
        %mul3A_1112 = arith.mulf %gather3A_1111, %gather3A_1111 : vector<16xf32>
        %add3A_1113 = arith.constant 1793 : i32
        %add3A_1114 = vector.broadcast %add3A_1113 : i32 to vector<16xi32>
        %add3A_1115 = arith.addi %mul3A_143, %add3A_1114 : vector<16xi32>
        %gather3A_1116 = tpu.vector_load_idx %arg5[%add3A_1115] : memref<4096xf32, #tpu.memory_space<vmem>>[vector<16xi32>], vector<16xf32>,
        %mul3A_1117 = arith.mulf %gather3A_1116, %gather3A_1116 : vector<16xf32>
        %add3A_1118 = arith.addf %mul3A_1112, %mul3A_1117 : vector<16xf32>
        %add3A_1119 = arith.constant 1794 : i32
        %add3A_1120 = vector.broadcast %add3A_1119 : i32 to vector<16xi32>
        %add3A_1121 = arith.addi %mul3A_143, %add3A_1120 : vector<16xi32>
        %gather3A_1122 = tpu.vector_load_idx %arg5[%add3A_1121] : memref<4096xf32, #tpu.memory_space<vmem>>[vector<16xi32>], vector<16xf32>,
        %mul3A_1123 = arith.mulf %gather3A_1122, %gather3A_1122 : vector<16xf32>
        %add3A_1124 = arith.addf %add3A_1118, %mul3A_1123 : vector<16xf32>
        %add3A_1125 = arith.constant 1795 : i32
        %add3A_1126 = vector.broadcast %add3A_1125 : i32 to vector<16xi32>
        %add3A_1127 = arith.addi %mul3A_143, %add3A_1126 : vector<16xi32>
        %gather3A_1128 = tpu.vector_load_idx %arg5[%add3A_1127] : memref<4096xf32, #tpu.memory_space<vmem>>[vector<16xi32>], vector<16xf32>,
        %mul3A_1129 = arith.mulf %gather3A_1128, %gather3A_1128 : vector<16xf32>
        %add3A_1130 = arith.addf %add3A_1124, %mul3A_1129 : vector<16xf32>
        %get3A_1131 = arith.constant 448 : index
        %get3A_1132 = tpu.vector_load %arg6[%get3A_1131] {strides = array<i32>} : memref<1024xf32, #tpu.memory_space<vmem>>, vector<16xf32>,
        %min3A_1133 = arith.minimumf %add3A_1130, %get3A_1132 : vector<16xf32>
        %swap3A_1134 = arith.constant 448 : index
        %swap3A_1135 = tpu.vector_load %arg6[%swap3A_1134] {strides = array<i32>} : memref<1024xf32, #tpu.memory_space<vmem>>, vector<16xf32>,
        tpu.vector_store %arg6[%swap3A_1134], %min3A_1133 {strides = array<i32>} : memref<1024xf32, #tpu.memory_space<vmem>>, vector<16xf32>,
        %gt3A_1136 = arith.cmpf ogt, %min3A_1133, %select_n3A_1103 : vector<16xf32>
        %select_n3A_1137 = arith.select %gt3A_1136, %min3A_1133, %select_n3A_1103 : vector<16xi1>, vector<16xf32>
        %select_n3A_1138 = arith.select %gt3A_1136, %add3A_1107, %select_n3A_1104 : vector<16xi1>, vector<16xi32>
        %add3A_1139 = arith.constant 464 : i32
        %add3A_1140 = vector.broadcast %add3A_1139 : i32 to vector<16xi32>
        %add3A_1141 = arith.addi %iota3A, %add3A_1140 : vector<16xi32>
        %add3A_1142 = arith.constant 1856 : i32
        %add3A_1143 = vector.broadcast %add3A_1142 : i32 to vector<16xi32>
        %add3A_1144 = arith.addi %mul3A_143, %add3A_1143 : vector<16xi32>
        %gather3A_1145 = tpu.vector_load_idx %arg5[%add3A_1144] : memref<4096xf32, #tpu.memory_space<vmem>>[vector<16xi32>], vector<16xf32>,
        %mul3A_1146 = arith.mulf %gather3A_1145, %gather3A_1145 : vector<16xf32>
        %add3A_1147 = arith.constant 1857 : i32
        %add3A_1148 = vector.broadcast %add3A_1147 : i32 to vector<16xi32>
        %add3A_1149 = arith.addi %mul3A_143, %add3A_1148 : vector<16xi32>
        %gather3A_1150 = tpu.vector_load_idx %arg5[%add3A_1149] : memref<4096xf32, #tpu.memory_space<vmem>>[vector<16xi32>], vector<16xf32>,
        %mul3A_1151 = arith.mulf %gather3A_1150, %gather3A_1150 : vector<16xf32>
        %add3A_1152 = arith.addf %mul3A_1146, %mul3A_1151 : vector<16xf32>
        %add3A_1153 = arith.constant 1858 : i32
        %add3A_1154 = vector.broadcast %add3A_1153 : i32 to vector<16xi32>
        %add3A_1155 = arith.addi %mul3A_143, %add3A_1154 : vector<16xi32>
        %gather3A_1156 = tpu.vector_load_idx %arg5[%add3A_1155] : memref<4096xf32, #tpu.memory_space<vmem>>[vector<16xi32>], vector<16xf32>,
        %mul3A_1157 = arith.mulf %gather3A_1156, %gather3A_1156 : vector<16xf32>
        %add3A_1158 = arith.addf %add3A_1152, %mul3A_1157 : vector<16xf32>
        %add3A_1159 = arith.constant 1859 : i32
        %add3A_1160 = vector.broadcast %add3A_1159 : i32 to vector<16xi32>
        %add3A_1161 = arith.addi %mul3A_143, %add3A_1160 : vector<16xi32>
        %gather3A_1162 = tpu.vector_load_idx %arg5[%add3A_1161] : memref<4096xf32, #tpu.memory_space<vmem>>[vector<16xi32>], vector<16xf32>,
        %mul3A_1163 = arith.mulf %gather3A_1162, %gather3A_1162 : vector<16xf32>
        %add3A_1164 = arith.addf %add3A_1158, %mul3A_1163 : vector<16xf32>
        %get3A_1165 = arith.constant 464 : index
        %get3A_1166 = tpu.vector_load %arg6[%get3A_1165] {strides = array<i32>} : memref<1024xf32, #tpu.memory_space<vmem>>, vector<16xf32>,
        %min3A_1167 = arith.minimumf %add3A_1164, %get3A_1166 : vector<16xf32>
        %swap3A_1168 = arith.constant 464 : index
        %swap3A_1169 = tpu.vector_load %arg6[%swap3A_1168] {strides = array<i32>} : memref<1024xf32, #tpu.memory_space<vmem>>, vector<16xf32>,
        tpu.vector_store %arg6[%swap3A_1168], %min3A_1167 {strides = array<i32>} : memref<1024xf32, #tpu.memory_space<vmem>>, vector<16xf32>,
        %gt3A_1170 = arith.cmpf ogt, %min3A_1167, %select_n3A_1137 : vector<16xf32>
        %select_n3A_1171 = arith.select %gt3A_1170, %min3A_1167, %select_n3A_1137 : vector<16xi1>, vector<16xf32>
        %select_n3A_1172 = arith.select %gt3A_1170, %add3A_1141, %select_n3A_1138 : vector<16xi1>, vector<16xi32>
        %add3A_1173 = arith.constant 480 : i32
        %add3A_1174 = vector.broadcast %add3A_1173 : i32 to vector<16xi32>
        %add3A_1175 = arith.addi %iota3A, %add3A_1174 : vector<16xi32>
        %add3A_1176 = arith.constant 1920 : i32
        %add3A_1177 = vector.broadcast %add3A_1176 : i32 to vector<16xi32>
        %add3A_1178 = arith.addi %mul3A_143, %add3A_1177 : vector<16xi32>
        %gather3A_1179 = tpu.vector_load_idx %arg5[%add3A_1178] : memref<4096xf32, #tpu.memory_space<vmem>>[vector<16xi32>], vector<16xf32>,
        %mul3A_1180 = arith.mulf %gather3A_1179, %gather3A_1179 : vector<16xf32>
        %add3A_1181 = arith.constant 1921 : i32
        %add3A_1182 = vector.broadcast %add3A_1181 : i32 to vector<16xi32>
        %add3A_1183 = arith.addi %mul3A_143, %add3A_1182 : vector<16xi32>
        %gather3A_1184 = tpu.vector_load_idx %arg5[%add3A_1183] : memref<4096xf32, #tpu.memory_space<vmem>>[vector<16xi32>], vector<16xf32>,
        %mul3A_1185 = arith.mulf %gather3A_1184, %gather3A_1184 : vector<16xf32>
        %add3A_1186 = arith.addf %mul3A_1180, %mul3A_1185 : vector<16xf32>
        %add3A_1187 = arith.constant 1922 : i32
        %add3A_1188 = vector.broadcast %add3A_1187 : i32 to vector<16xi32>
        %add3A_1189 = arith.addi %mul3A_143, %add3A_1188 : vector<16xi32>
        %gather3A_1190 = tpu.vector_load_idx %arg5[%add3A_1189] : memref<4096xf32, #tpu.memory_space<vmem>>[vector<16xi32>], vector<16xf32>,
        %mul3A_1191 = arith.mulf %gather3A_1190, %gather3A_1190 : vector<16xf32>
        %add3A_1192 = arith.addf %add3A_1186, %mul3A_1191 : vector<16xf32>
        %add3A_1193 = arith.constant 1923 : i32
        %add3A_1194 = vector.broadcast %add3A_1193 : i32 to vector<16xi32>
        %add3A_1195 = arith.addi %mul3A_143, %add3A_1194 : vector<16xi32>
        %gather3A_1196 = tpu.vector_load_idx %arg5[%add3A_1195] : memref<4096xf32, #tpu.memory_space<vmem>>[vector<16xi32>], vector<16xf32>,
        %mul3A_1197 = arith.mulf %gather3A_1196, %gather3A_1196 : vector<16xf32>
        %add3A_1198 = arith.addf %add3A_1192, %mul3A_1197 : vector<16xf32>
        %get3A_1199 = arith.constant 480 : index
        %get3A_1200 = tpu.vector_load %arg6[%get3A_1199] {strides = array<i32>} : memref<1024xf32, #tpu.memory_space<vmem>>, vector<16xf32>,
        %min3A_1201 = arith.minimumf %add3A_1198, %get3A_1200 : vector<16xf32>
        %swap3A_1202 = arith.constant 480 : index
        %swap3A_1203 = tpu.vector_load %arg6[%swap3A_1202] {strides = array<i32>} : memref<1024xf32, #tpu.memory_space<vmem>>, vector<16xf32>,
        tpu.vector_store %arg6[%swap3A_1202], %min3A_1201 {strides = array<i32>} : memref<1024xf32, #tpu.memory_space<vmem>>, vector<16xf32>,
        %gt3A_1204 = arith.cmpf ogt, %min3A_1201, %select_n3A_1171 : vector<16xf32>
        %select_n3A_1205 = arith.select %gt3A_1204, %min3A_1201, %select_n3A_1171 : vector<16xi1>, vector<16xf32>
        %select_n3A_1206 = arith.select %gt3A_1204, %add3A_1175, %select_n3A_1172 : vector<16xi1>, vector<16xi32>
        %add3A_1207 = arith.constant 496 : i32
        %add3A_1208 = vector.broadcast %add3A_1207 : i32 to vector<16xi32>
        %add3A_1209 = arith.addi %iota3A, %add3A_1208 : vector<16xi32>
        %add3A_1210 = arith.constant 1984 : i32
        %add3A_1211 = vector.broadcast %add3A_1210 : i32 to vector<16xi32>
        %add3A_1212 = arith.addi %mul3A_143, %add3A_1211 : vector<16xi32>
        %gather3A_1213 = tpu.vector_load_idx %arg5[%add3A_1212] : memref<4096xf32, #tpu.memory_space<vmem>>[vector<16xi32>], vector<16xf32>,
        %mul3A_1214 = arith.mulf %gather3A_1213, %gather3A_1213 : vector<16xf32>
        %add3A_1215 = arith.constant 1985 : i32
        %add3A_1216 = vector.broadcast %add3A_1215 : i32 to vector<16xi32>
        %add3A_1217 = arith.addi %mul3A_143, %add3A_1216 : vector<16xi32>
        %gather3A_1218 = tpu.vector_load_idx %arg5[%add3A_1217] : memref<4096xf32, #tpu.memory_space<vmem>>[vector<16xi32>], vector<16xf32>,
        %mul3A_1219 = arith.mulf %gather3A_1218, %gather3A_1218 : vector<16xf32>
        %add3A_1220 = arith.addf %mul3A_1214, %mul3A_1219 : vector<16xf32>
        %add3A_1221 = arith.constant 1986 : i32
        %add3A_1222 = vector.broadcast %add3A_1221 : i32 to vector<16xi32>
        %add3A_1223 = arith.addi %mul3A_143, %add3A_1222 : vector<16xi32>
        %gather3A_1224 = tpu.vector_load_idx %arg5[%add3A_1223] : memref<4096xf32, #tpu.memory_space<vmem>>[vector<16xi32>], vector<16xf32>,
        %mul3A_1225 = arith.mulf %gather3A_1224, %gather3A_1224 : vector<16xf32>
        %add3A_1226 = arith.addf %add3A_1220, %mul3A_1225 : vector<16xf32>
        %add3A_1227 = arith.constant 1987 : i32
        %add3A_1228 = vector.broadcast %add3A_1227 : i32 to vector<16xi32>
        %add3A_1229 = arith.addi %mul3A_143, %add3A_1228 : vector<16xi32>
        %gather3A_1230 = tpu.vector_load_idx %arg5[%add3A_1229] : memref<4096xf32, #tpu.memory_space<vmem>>[vector<16xi32>], vector<16xf32>,
        %mul3A_1231 = arith.mulf %gather3A_1230, %gather3A_1230 : vector<16xf32>
        %add3A_1232 = arith.addf %add3A_1226, %mul3A_1231 : vector<16xf32>
        %get3A_1233 = arith.constant 496 : index
        %get3A_1234 = tpu.vector_load %arg6[%get3A_1233] {strides = array<i32>} : memref<1024xf32, #tpu.memory_space<vmem>>, vector<16xf32>,
        %min3A_1235 = arith.minimumf %add3A_1232, %get3A_1234 : vector<16xf32>
        %swap3A_1236 = arith.constant 496 : index
        %swap3A_1237 = tpu.vector_load %arg6[%swap3A_1236] {strides = array<i32>} : memref<1024xf32, #tpu.memory_space<vmem>>, vector<16xf32>,
        tpu.vector_store %arg6[%swap3A_1236], %min3A_1235 {strides = array<i32>} : memref<1024xf32, #tpu.memory_space<vmem>>, vector<16xf32>,
        %gt3A_1238 = arith.cmpf ogt, %min3A_1235, %select_n3A_1205 : vector<16xf32>
        %select_n3A_1239 = arith.select %gt3A_1238, %min3A_1235, %select_n3A_1205 : vector<16xi1>, vector<16xf32>
        %select_n3A_1240 = arith.select %gt3A_1238, %add3A_1209, %select_n3A_1206 : vector<16xi1>, vector<16xi32>
        %add3A_1241 = arith.constant 512 : i32
        %add3A_1242 = vector.broadcast %add3A_1241 : i32 to vector<16xi32>
        %add3A_1243 = arith.addi %iota3A, %add3A_1242 : vector<16xi32>
        %add3A_1244 = arith.constant 2048 : i32
        %add3A_1245 = vector.broadcast %add3A_1244 : i32 to vector<16xi32>
        %add3A_1246 = arith.addi %mul3A_143, %add3A_1245 : vector<16xi32>
        %gather3A_1247 = tpu.vector_load_idx %arg5[%add3A_1246] : memref<4096xf32, #tpu.memory_space<vmem>>[vector<16xi32>], vector<16xf32>,
        %mul3A_1248 = arith.mulf %gather3A_1247, %gather3A_1247 : vector<16xf32>
        %add3A_1249 = arith.constant 2049 : i32
        %add3A_1250 = vector.broadcast %add3A_1249 : i32 to vector<16xi32>
        %add3A_1251 = arith.addi %mul3A_143, %add3A_1250 : vector<16xi32>
        %gather3A_1252 = tpu.vector_load_idx %arg5[%add3A_1251] : memref<4096xf32, #tpu.memory_space<vmem>>[vector<16xi32>], vector<16xf32>,
        %mul3A_1253 = arith.mulf %gather3A_1252, %gather3A_1252 : vector<16xf32>
        %add3A_1254 = arith.addf %mul3A_1248, %mul3A_1253 : vector<16xf32>
        %add3A_1255 = arith.constant 2050 : i32
        %add3A_1256 = vector.broadcast %add3A_1255 : i32 to vector<16xi32>
        %add3A_1257 = arith.addi %mul3A_143, %add3A_1256 : vector<16xi32>
        %gather3A_1258 = tpu.vector_load_idx %arg5[%add3A_1257] : memref<4096xf32, #tpu.memory_space<vmem>>[vector<16xi32>], vector<16xf32>,
        %mul3A_1259 = arith.mulf %gather3A_1258, %gather3A_1258 : vector<16xf32>
        %add3A_1260 = arith.addf %add3A_1254, %mul3A_1259 : vector<16xf32>
        %add3A_1261 = arith.constant 2051 : i32
        %add3A_1262 = vector.broadcast %add3A_1261 : i32 to vector<16xi32>
        %add3A_1263 = arith.addi %mul3A_143, %add3A_1262 : vector<16xi32>
        %gather3A_1264 = tpu.vector_load_idx %arg5[%add3A_1263] : memref<4096xf32, #tpu.memory_space<vmem>>[vector<16xi32>], vector<16xf32>,
        %mul3A_1265 = arith.mulf %gather3A_1264, %gather3A_1264 : vector<16xf32>
        %add3A_1266 = arith.addf %add3A_1260, %mul3A_1265 : vector<16xf32>
        %get3A_1267 = arith.constant 512 : index
        %get3A_1268 = tpu.vector_load %arg6[%get3A_1267] {strides = array<i32>} : memref<1024xf32, #tpu.memory_space<vmem>>, vector<16xf32>,
        %min3A_1269 = arith.minimumf %add3A_1266, %get3A_1268 : vector<16xf32>
        %swap3A_1270 = arith.constant 512 : index
        %swap3A_1271 = tpu.vector_load %arg6[%swap3A_1270] {strides = array<i32>} : memref<1024xf32, #tpu.memory_space<vmem>>, vector<16xf32>,
        tpu.vector_store %arg6[%swap3A_1270], %min3A_1269 {strides = array<i32>} : memref<1024xf32, #tpu.memory_space<vmem>>, vector<16xf32>,
        %gt3A_1272 = arith.cmpf ogt, %min3A_1269, %select_n3A_1239 : vector<16xf32>
        %select_n3A_1273 = arith.select %gt3A_1272, %min3A_1269, %select_n3A_1239 : vector<16xi1>, vector<16xf32>
        %select_n3A_1274 = arith.select %gt3A_1272, %add3A_1243, %select_n3A_1240 : vector<16xi1>, vector<16xi32>
        %add3A_1275 = arith.constant 528 : i32
        %add3A_1276 = vector.broadcast %add3A_1275 : i32 to vector<16xi32>
        %add3A_1277 = arith.addi %iota3A, %add3A_1276 : vector<16xi32>
        %add3A_1278 = arith.constant 2112 : i32
        %add3A_1279 = vector.broadcast %add3A_1278 : i32 to vector<16xi32>
        %add3A_1280 = arith.addi %mul3A_143, %add3A_1279 : vector<16xi32>
        %gather3A_1281 = tpu.vector_load_idx %arg5[%add3A_1280] : memref<4096xf32, #tpu.memory_space<vmem>>[vector<16xi32>], vector<16xf32>,
        %mul3A_1282 = arith.mulf %gather3A_1281, %gather3A_1281 : vector<16xf32>
        %add3A_1283 = arith.constant 2113 : i32
        %add3A_1284 = vector.broadcast %add3A_1283 : i32 to vector<16xi32>
        %add3A_1285 = arith.addi %mul3A_143, %add3A_1284 : vector<16xi32>
        %gather3A_1286 = tpu.vector_load_idx %arg5[%add3A_1285] : memref<4096xf32, #tpu.memory_space<vmem>>[vector<16xi32>], vector<16xf32>,
        %mul3A_1287 = arith.mulf %gather3A_1286, %gather3A_1286 : vector<16xf32>
        %add3A_1288 = arith.addf %mul3A_1282, %mul3A_1287 : vector<16xf32>
        %add3A_1289 = arith.constant 2114 : i32
        %add3A_1290 = vector.broadcast %add3A_1289 : i32 to vector<16xi32>
        %add3A_1291 = arith.addi %mul3A_143, %add3A_1290 : vector<16xi32>
        %gather3A_1292 = tpu.vector_load_idx %arg5[%add3A_1291] : memref<4096xf32, #tpu.memory_space<vmem>>[vector<16xi32>], vector<16xf32>,
        %mul3A_1293 = arith.mulf %gather3A_1292, %gather3A_1292 : vector<16xf32>
        %add3A_1294 = arith.addf %add3A_1288, %mul3A_1293 : vector<16xf32>
        %add3A_1295 = arith.constant 2115 : i32
        %add3A_1296 = vector.broadcast %add3A_1295 : i32 to vector<16xi32>
        %add3A_1297 = arith.addi %mul3A_143, %add3A_1296 : vector<16xi32>
        %gather3A_1298 = tpu.vector_load_idx %arg5[%add3A_1297] : memref<4096xf32, #tpu.memory_space<vmem>>[vector<16xi32>], vector<16xf32>,
        %mul3A_1299 = arith.mulf %gather3A_1298, %gather3A_1298 : vector<16xf32>
        %add3A_1300 = arith.addf %add3A_1294, %mul3A_1299 : vector<16xf32>
        %get3A_1301 = arith.constant 528 : index
        %get3A_1302 = tpu.vector_load %arg6[%get3A_1301] {strides = array<i32>} : memref<1024xf32, #tpu.memory_space<vmem>>, vector<16xf32>,
        %min3A_1303 = arith.minimumf %add3A_1300, %get3A_1302 : vector<16xf32>
        %swap3A_1304 = arith.constant 528 : index
        %swap3A_1305 = tpu.vector_load %arg6[%swap3A_1304] {strides = array<i32>} : memref<1024xf32, #tpu.memory_space<vmem>>, vector<16xf32>,
        tpu.vector_store %arg6[%swap3A_1304], %min3A_1303 {strides = array<i32>} : memref<1024xf32, #tpu.memory_space<vmem>>, vector<16xf32>,
        %gt3A_1306 = arith.cmpf ogt, %min3A_1303, %select_n3A_1273 : vector<16xf32>
        %select_n3A_1307 = arith.select %gt3A_1306, %min3A_1303, %select_n3A_1273 : vector<16xi1>, vector<16xf32>
        %select_n3A_1308 = arith.select %gt3A_1306, %add3A_1277, %select_n3A_1274 : vector<16xi1>, vector<16xi32>
        %add3A_1309 = arith.constant 544 : i32
        %add3A_1310 = vector.broadcast %add3A_1309 : i32 to vector<16xi32>
        %add3A_1311 = arith.addi %iota3A, %add3A_1310 : vector<16xi32>
        %add3A_1312 = arith.constant 2176 : i32
        %add3A_1313 = vector.broadcast %add3A_1312 : i32 to vector<16xi32>
        %add3A_1314 = arith.addi %mul3A_143, %add3A_1313 : vector<16xi32>
        %gather3A_1315 = tpu.vector_load_idx %arg5[%add3A_1314] : memref<4096xf32, #tpu.memory_space<vmem>>[vector<16xi32>], vector<16xf32>,
        %mul3A_1316 = arith.mulf %gather3A_1315, %gather3A_1315 : vector<16xf32>
        %add3A_1317 = arith.constant 2177 : i32
        %add3A_1318 = vector.broadcast %add3A_1317 : i32 to vector<16xi32>
        %add3A_1319 = arith.addi %mul3A_143, %add3A_1318 : vector<16xi32>
        %gather3A_1320 = tpu.vector_load_idx %arg5[%add3A_1319] : memref<4096xf32, #tpu.memory_space<vmem>>[vector<16xi32>], vector<16xf32>,
        %mul3A_1321 = arith.mulf %gather3A_1320, %gather3A_1320 : vector<16xf32>
        %add3A_1322 = arith.addf %mul3A_1316, %mul3A_1321 : vector<16xf32>
        %add3A_1323 = arith.constant 2178 : i32
        %add3A_1324 = vector.broadcast %add3A_1323 : i32 to vector<16xi32>
        %add3A_1325 = arith.addi %mul3A_143, %add3A_1324 : vector<16xi32>
        %gather3A_1326 = tpu.vector_load_idx %arg5[%add3A_1325] : memref<4096xf32, #tpu.memory_space<vmem>>[vector<16xi32>], vector<16xf32>,
        %mul3A_1327 = arith.mulf %gather3A_1326, %gather3A_1326 : vector<16xf32>
        %add3A_1328 = arith.addf %add3A_1322, %mul3A_1327 : vector<16xf32>
        %add3A_1329 = arith.constant 2179 : i32
        %add3A_1330 = vector.broadcast %add3A_1329 : i32 to vector<16xi32>
        %add3A_1331 = arith.addi %mul3A_143, %add3A_1330 : vector<16xi32>
        %gather3A_1332 = tpu.vector_load_idx %arg5[%add3A_1331] : memref<4096xf32, #tpu.memory_space<vmem>>[vector<16xi32>], vector<16xf32>,
        %mul3A_1333 = arith.mulf %gather3A_1332, %gather3A_1332 : vector<16xf32>
        %add3A_1334 = arith.addf %add3A_1328, %mul3A_1333 : vector<16xf32>
        %get3A_1335 = arith.constant 544 : index
        %get3A_1336 = tpu.vector_load %arg6[%get3A_1335] {strides = array<i32>} : memref<1024xf32, #tpu.memory_space<vmem>>, vector<16xf32>,
        %min3A_1337 = arith.minimumf %add3A_1334, %get3A_1336 : vector<16xf32>
        %swap3A_1338 = arith.constant 544 : index
        %swap3A_1339 = tpu.vector_load %arg6[%swap3A_1338] {strides = array<i32>} : memref<1024xf32, #tpu.memory_space<vmem>>, vector<16xf32>,
        tpu.vector_store %arg6[%swap3A_1338], %min3A_1337 {strides = array<i32>} : memref<1024xf32, #tpu.memory_space<vmem>>, vector<16xf32>,
        %gt3A_1340 = arith.cmpf ogt, %min3A_1337, %select_n3A_1307 : vector<16xf32>
        %select_n3A_1341 = arith.select %gt3A_1340, %min3A_1337, %select_n3A_1307 : vector<16xi1>, vector<16xf32>
        %select_n3A_1342 = arith.select %gt3A_1340, %add3A_1311, %select_n3A_1308 : vector<16xi1>, vector<16xi32>
        %add3A_1343 = arith.constant 560 : i32
        %add3A_1344 = vector.broadcast %add3A_1343 : i32 to vector<16xi32>
        %add3A_1345 = arith.addi %iota3A, %add3A_1344 : vector<16xi32>
        %add3A_1346 = arith.constant 2240 : i32
        %add3A_1347 = vector.broadcast %add3A_1346 : i32 to vector<16xi32>
        %add3A_1348 = arith.addi %mul3A_143, %add3A_1347 : vector<16xi32>
        %gather3A_1349 = tpu.vector_load_idx %arg5[%add3A_1348] : memref<4096xf32, #tpu.memory_space<vmem>>[vector<16xi32>], vector<16xf32>,
        %mul3A_1350 = arith.mulf %gather3A_1349, %gather3A_1349 : vector<16xf32>
        %add3A_1351 = arith.constant 2241 : i32
        %add3A_1352 = vector.broadcast %add3A_1351 : i32 to vector<16xi32>
        %add3A_1353 = arith.addi %mul3A_143, %add3A_1352 : vector<16xi32>
        %gather3A_1354 = tpu.vector_load_idx %arg5[%add3A_1353] : memref<4096xf32, #tpu.memory_space<vmem>>[vector<16xi32>], vector<16xf32>,
        %mul3A_1355 = arith.mulf %gather3A_1354, %gather3A_1354 : vector<16xf32>
        %add3A_1356 = arith.addf %mul3A_1350, %mul3A_1355 : vector<16xf32>
        %add3A_1357 = arith.constant 2242 : i32
        %add3A_1358 = vector.broadcast %add3A_1357 : i32 to vector<16xi32>
        %add3A_1359 = arith.addi %mul3A_143, %add3A_1358 : vector<16xi32>
        %gather3A_1360 = tpu.vector_load_idx %arg5[%add3A_1359] : memref<4096xf32, #tpu.memory_space<vmem>>[vector<16xi32>], vector<16xf32>,
        %mul3A_1361 = arith.mulf %gather3A_1360, %gather3A_1360 : vector<16xf32>
        %add3A_1362 = arith.addf %add3A_1356, %mul3A_1361 : vector<16xf32>
        %add3A_1363 = arith.constant 2243 : i32
        %add3A_1364 = vector.broadcast %add3A_1363 : i32 to vector<16xi32>
        %add3A_1365 = arith.addi %mul3A_143, %add3A_1364 : vector<16xi32>
        %gather3A_1366 = tpu.vector_load_idx %arg5[%add3A_1365] : memref<4096xf32, #tpu.memory_space<vmem>>[vector<16xi32>], vector<16xf32>,
        %mul3A_1367 = arith.mulf %gather3A_1366, %gather3A_1366 : vector<16xf32>
        %add3A_1368 = arith.addf %add3A_1362, %mul3A_1367 : vector<16xf32>
        %get3A_1369 = arith.constant 560 : index
        %get3A_1370 = tpu.vector_load %arg6[%get3A_1369] {strides = array<i32>} : memref<1024xf32, #tpu.memory_space<vmem>>, vector<16xf32>,
        %min3A_1371 = arith.minimumf %add3A_1368, %get3A_1370 : vector<16xf32>
        %swap3A_1372 = arith.constant 560 : index
        %swap3A_1373 = tpu.vector_load %arg6[%swap3A_1372] {strides = array<i32>} : memref<1024xf32, #tpu.memory_space<vmem>>, vector<16xf32>,
        tpu.vector_store %arg6[%swap3A_1372], %min3A_1371 {strides = array<i32>} : memref<1024xf32, #tpu.memory_space<vmem>>, vector<16xf32>,
        %gt3A_1374 = arith.cmpf ogt, %min3A_1371, %select_n3A_1341 : vector<16xf32>
        %select_n3A_1375 = arith.select %gt3A_1374, %min3A_1371, %select_n3A_1341 : vector<16xi1>, vector<16xf32>
        %select_n3A_1376 = arith.select %gt3A_1374, %add3A_1345, %select_n3A_1342 : vector<16xi1>, vector<16xi32>
        %add3A_1377 = arith.constant 576 : i32
        %add3A_1378 = vector.broadcast %add3A_1377 : i32 to vector<16xi32>
        %add3A_1379 = arith.addi %iota3A, %add3A_1378 : vector<16xi32>
        %add3A_1380 = arith.constant 2304 : i32
        %add3A_1381 = vector.broadcast %add3A_1380 : i32 to vector<16xi32>
        %add3A_1382 = arith.addi %mul3A_143, %add3A_1381 : vector<16xi32>
        %gather3A_1383 = tpu.vector_load_idx %arg5[%add3A_1382] : memref<4096xf32, #tpu.memory_space<vmem>>[vector<16xi32>], vector<16xf32>,
        %mul3A_1384 = arith.mulf %gather3A_1383, %gather3A_1383 : vector<16xf32>
        %add3A_1385 = arith.constant 2305 : i32
        %add3A_1386 = vector.broadcast %add3A_1385 : i32 to vector<16xi32>
        %add3A_1387 = arith.addi %mul3A_143, %add3A_1386 : vector<16xi32>
        %gather3A_1388 = tpu.vector_load_idx %arg5[%add3A_1387] : memref<4096xf32, #tpu.memory_space<vmem>>[vector<16xi32>], vector<16xf32>,
        %mul3A_1389 = arith.mulf %gather3A_1388, %gather3A_1388 : vector<16xf32>
        %add3A_1390 = arith.addf %mul3A_1384, %mul3A_1389 : vector<16xf32>
        %add3A_1391 = arith.constant 2306 : i32
        %add3A_1392 = vector.broadcast %add3A_1391 : i32 to vector<16xi32>
        %add3A_1393 = arith.addi %mul3A_143, %add3A_1392 : vector<16xi32>
        %gather3A_1394 = tpu.vector_load_idx %arg5[%add3A_1393] : memref<4096xf32, #tpu.memory_space<vmem>>[vector<16xi32>], vector<16xf32>,
        %mul3A_1395 = arith.mulf %gather3A_1394, %gather3A_1394 : vector<16xf32>
        %add3A_1396 = arith.addf %add3A_1390, %mul3A_1395 : vector<16xf32>
        %add3A_1397 = arith.constant 2307 : i32
        %add3A_1398 = vector.broadcast %add3A_1397 : i32 to vector<16xi32>
        %add3A_1399 = arith.addi %mul3A_143, %add3A_1398 : vector<16xi32>
        %gather3A_1400 = tpu.vector_load_idx %arg5[%add3A_1399] : memref<4096xf32, #tpu.memory_space<vmem>>[vector<16xi32>], vector<16xf32>,
        %mul3A_1401 = arith.mulf %gather3A_1400, %gather3A_1400 : vector<16xf32>
        %add3A_1402 = arith.addf %add3A_1396, %mul3A_1401 : vector<16xf32>
        %get3A_1403 = arith.constant 576 : index
        %get3A_1404 = tpu.vector_load %arg6[%get3A_1403] {strides = array<i32>} : memref<1024xf32, #tpu.memory_space<vmem>>, vector<16xf32>,
        %min3A_1405 = arith.minimumf %add3A_1402, %get3A_1404 : vector<16xf32>
        %swap3A_1406 = arith.constant 576 : index
        %swap3A_1407 = tpu.vector_load %arg6[%swap3A_1406] {strides = array<i32>} : memref<1024xf32, #tpu.memory_space<vmem>>, vector<16xf32>,
        tpu.vector_store %arg6[%swap3A_1406], %min3A_1405 {strides = array<i32>} : memref<1024xf32, #tpu.memory_space<vmem>>, vector<16xf32>,
        %gt3A_1408 = arith.cmpf ogt, %min3A_1405, %select_n3A_1375 : vector<16xf32>
        %select_n3A_1409 = arith.select %gt3A_1408, %min3A_1405, %select_n3A_1375 : vector<16xi1>, vector<16xf32>
        %select_n3A_1410 = arith.select %gt3A_1408, %add3A_1379, %select_n3A_1376 : vector<16xi1>, vector<16xi32>
        %add3A_1411 = arith.constant 592 : i32
        %add3A_1412 = vector.broadcast %add3A_1411 : i32 to vector<16xi32>
        %add3A_1413 = arith.addi %iota3A, %add3A_1412 : vector<16xi32>
        %add3A_1414 = arith.constant 2368 : i32
        %add3A_1415 = vector.broadcast %add3A_1414 : i32 to vector<16xi32>
        %add3A_1416 = arith.addi %mul3A_143, %add3A_1415 : vector<16xi32>
        %gather3A_1417 = tpu.vector_load_idx %arg5[%add3A_1416] : memref<4096xf32, #tpu.memory_space<vmem>>[vector<16xi32>], vector<16xf32>,
        %mul3A_1418 = arith.mulf %gather3A_1417, %gather3A_1417 : vector<16xf32>
        %add3A_1419 = arith.constant 2369 : i32
        %add3A_1420 = vector.broadcast %add3A_1419 : i32 to vector<16xi32>
        %add3A_1421 = arith.addi %mul3A_143, %add3A_1420 : vector<16xi32>
        %gather3A_1422 = tpu.vector_load_idx %arg5[%add3A_1421] : memref<4096xf32, #tpu.memory_space<vmem>>[vector<16xi32>], vector<16xf32>,
        %mul3A_1423 = arith.mulf %gather3A_1422, %gather3A_1422 : vector<16xf32>
        %add3A_1424 = arith.addf %mul3A_1418, %mul3A_1423 : vector<16xf32>
        %add3A_1425 = arith.constant 2370 : i32
        %add3A_1426 = vector.broadcast %add3A_1425 : i32 to vector<16xi32>
        %add3A_1427 = arith.addi %mul3A_143, %add3A_1426 : vector<16xi32>
        %gather3A_1428 = tpu.vector_load_idx %arg5[%add3A_1427] : memref<4096xf32, #tpu.memory_space<vmem>>[vector<16xi32>], vector<16xf32>,
        %mul3A_1429 = arith.mulf %gather3A_1428, %gather3A_1428 : vector<16xf32>
        %add3A_1430 = arith.addf %add3A_1424, %mul3A_1429 : vector<16xf32>
        %add3A_1431 = arith.constant 2371 : i32
        %add3A_1432 = vector.broadcast %add3A_1431 : i32 to vector<16xi32>
        %add3A_1433 = arith.addi %mul3A_143, %add3A_1432 : vector<16xi32>
        %gather3A_1434 = tpu.vector_load_idx %arg5[%add3A_1433] : memref<4096xf32, #tpu.memory_space<vmem>>[vector<16xi32>], vector<16xf32>,
        %mul3A_1435 = arith.mulf %gather3A_1434, %gather3A_1434 : vector<16xf32>
        %add3A_1436 = arith.addf %add3A_1430, %mul3A_1435 : vector<16xf32>
        %get3A_1437 = arith.constant 592 : index
        %get3A_1438 = tpu.vector_load %arg6[%get3A_1437] {strides = array<i32>} : memref<1024xf32, #tpu.memory_space<vmem>>, vector<16xf32>,
        %min3A_1439 = arith.minimumf %add3A_1436, %get3A_1438 : vector<16xf32>
        %swap3A_1440 = arith.constant 592 : index
        %swap3A_1441 = tpu.vector_load %arg6[%swap3A_1440] {strides = array<i32>} : memref<1024xf32, #tpu.memory_space<vmem>>, vector<16xf32>,
        tpu.vector_store %arg6[%swap3A_1440], %min3A_1439 {strides = array<i32>} : memref<1024xf32, #tpu.memory_space<vmem>>, vector<16xf32>,
        %gt3A_1442 = arith.cmpf ogt, %min3A_1439, %select_n3A_1409 : vector<16xf32>
        %select_n3A_1443 = arith.select %gt3A_1442, %min3A_1439, %select_n3A_1409 : vector<16xi1>, vector<16xf32>
        %select_n3A_1444 = arith.select %gt3A_1442, %add3A_1413, %select_n3A_1410 : vector<16xi1>, vector<16xi32>
        %add3A_1445 = arith.constant 608 : i32
        %add3A_1446 = vector.broadcast %add3A_1445 : i32 to vector<16xi32>
        %add3A_1447 = arith.addi %iota3A, %add3A_1446 : vector<16xi32>
        %add3A_1448 = arith.constant 2432 : i32
        %add3A_1449 = vector.broadcast %add3A_1448 : i32 to vector<16xi32>
        %add3A_1450 = arith.addi %mul3A_143, %add3A_1449 : vector<16xi32>
        %gather3A_1451 = tpu.vector_load_idx %arg5[%add3A_1450] : memref<4096xf32, #tpu.memory_space<vmem>>[vector<16xi32>], vector<16xf32>,
        %mul3A_1452 = arith.mulf %gather3A_1451, %gather3A_1451 : vector<16xf32>
        %add3A_1453 = arith.constant 2433 : i32
        %add3A_1454 = vector.broadcast %add3A_1453 : i32 to vector<16xi32>
        %add3A_1455 = arith.addi %mul3A_143, %add3A_1454 : vector<16xi32>
        %gather3A_1456 = tpu.vector_load_idx %arg5[%add3A_1455] : memref<4096xf32, #tpu.memory_space<vmem>>[vector<16xi32>], vector<16xf32>,
        %mul3A_1457 = arith.mulf %gather3A_1456, %gather3A_1456 : vector<16xf32>
        %add3A_1458 = arith.addf %mul3A_1452, %mul3A_1457 : vector<16xf32>
        %add3A_1459 = arith.constant 2434 : i32
        %add3A_1460 = vector.broadcast %add3A_1459 : i32 to vector<16xi32>
        %add3A_1461 = arith.addi %mul3A_143, %add3A_1460 : vector<16xi32>
        %gather3A_1462 = tpu.vector_load_idx %arg5[%add3A_1461] : memref<4096xf32, #tpu.memory_space<vmem>>[vector<16xi32>], vector<16xf32>,
        %mul3A_1463 = arith.mulf %gather3A_1462, %gather3A_1462 : vector<16xf32>
        %add3A_1464 = arith.addf %add3A_1458, %mul3A_1463 : vector<16xf32>
        %add3A_1465 = arith.constant 2435 : i32
        %add3A_1466 = vector.broadcast %add3A_1465 : i32 to vector<16xi32>
        %add3A_1467 = arith.addi %mul3A_143, %add3A_1466 : vector<16xi32>
        %gather3A_1468 = tpu.vector_load_idx %arg5[%add3A_1467] : memref<4096xf32, #tpu.memory_space<vmem>>[vector<16xi32>], vector<16xf32>,
        %mul3A_1469 = arith.mulf %gather3A_1468, %gather3A_1468 : vector<16xf32>
        %add3A_1470 = arith.addf %add3A_1464, %mul3A_1469 : vector<16xf32>
        %get3A_1471 = arith.constant 608 : index
        %get3A_1472 = tpu.vector_load %arg6[%get3A_1471] {strides = array<i32>} : memref<1024xf32, #tpu.memory_space<vmem>>, vector<16xf32>,
        %min3A_1473 = arith.minimumf %add3A_1470, %get3A_1472 : vector<16xf32>
        %swap3A_1474 = arith.constant 608 : index
        %swap3A_1475 = tpu.vector_load %arg6[%swap3A_1474] {strides = array<i32>} : memref<1024xf32, #tpu.memory_space<vmem>>, vector<16xf32>,
        tpu.vector_store %arg6[%swap3A_1474], %min3A_1473 {strides = array<i32>} : memref<1024xf32, #tpu.memory_space<vmem>>, vector<16xf32>,
        %gt3A_1476 = arith.cmpf ogt, %min3A_1473, %select_n3A_1443 : vector<16xf32>
        %select_n3A_1477 = arith.select %gt3A_1476, %min3A_1473, %select_n3A_1443 : vector<16xi1>, vector<16xf32>
        %select_n3A_1478 = arith.select %gt3A_1476, %add3A_1447, %select_n3A_1444 : vector<16xi1>, vector<16xi32>
        %add3A_1479 = arith.constant 624 : i32
        %add3A_1480 = vector.broadcast %add3A_1479 : i32 to vector<16xi32>
        %add3A_1481 = arith.addi %iota3A, %add3A_1480 : vector<16xi32>
        %add3A_1482 = arith.constant 2496 : i32
        %add3A_1483 = vector.broadcast %add3A_1482 : i32 to vector<16xi32>
        %add3A_1484 = arith.addi %mul3A_143, %add3A_1483 : vector<16xi32>
        %gather3A_1485 = tpu.vector_load_idx %arg5[%add3A_1484] : memref<4096xf32, #tpu.memory_space<vmem>>[vector<16xi32>], vector<16xf32>,
        %mul3A_1486 = arith.mulf %gather3A_1485, %gather3A_1485 : vector<16xf32>
        %add3A_1487 = arith.constant 2497 : i32
        %add3A_1488 = vector.broadcast %add3A_1487 : i32 to vector<16xi32>
        %add3A_1489 = arith.addi %mul3A_143, %add3A_1488 : vector<16xi32>
        %gather3A_1490 = tpu.vector_load_idx %arg5[%add3A_1489] : memref<4096xf32, #tpu.memory_space<vmem>>[vector<16xi32>], vector<16xf32>,
        %mul3A_1491 = arith.mulf %gather3A_1490, %gather3A_1490 : vector<16xf32>
        %add3A_1492 = arith.addf %mul3A_1486, %mul3A_1491 : vector<16xf32>
        %add3A_1493 = arith.constant 2498 : i32
        %add3A_1494 = vector.broadcast %add3A_1493 : i32 to vector<16xi32>
        %add3A_1495 = arith.addi %mul3A_143, %add3A_1494 : vector<16xi32>
        %gather3A_1496 = tpu.vector_load_idx %arg5[%add3A_1495] : memref<4096xf32, #tpu.memory_space<vmem>>[vector<16xi32>], vector<16xf32>,
        %mul3A_1497 = arith.mulf %gather3A_1496, %gather3A_1496 : vector<16xf32>
        %add3A_1498 = arith.addf %add3A_1492, %mul3A_1497 : vector<16xf32>
        %add3A_1499 = arith.constant 2499 : i32
        %add3A_1500 = vector.broadcast %add3A_1499 : i32 to vector<16xi32>
        %add3A_1501 = arith.addi %mul3A_143, %add3A_1500 : vector<16xi32>
        %gather3A_1502 = tpu.vector_load_idx %arg5[%add3A_1501] : memref<4096xf32, #tpu.memory_space<vmem>>[vector<16xi32>], vector<16xf32>,
        %mul3A_1503 = arith.mulf %gather3A_1502, %gather3A_1502 : vector<16xf32>
        %add3A_1504 = arith.addf %add3A_1498, %mul3A_1503 : vector<16xf32>
        %get3A_1505 = arith.constant 624 : index
        %get3A_1506 = tpu.vector_load %arg6[%get3A_1505] {strides = array<i32>} : memref<1024xf32, #tpu.memory_space<vmem>>, vector<16xf32>,
        %min3A_1507 = arith.minimumf %add3A_1504, %get3A_1506 : vector<16xf32>
        %swap3A_1508 = arith.constant 624 : index
        %swap3A_1509 = tpu.vector_load %arg6[%swap3A_1508] {strides = array<i32>} : memref<1024xf32, #tpu.memory_space<vmem>>, vector<16xf32>,
        tpu.vector_store %arg6[%swap3A_1508], %min3A_1507 {strides = array<i32>} : memref<1024xf32, #tpu.memory_space<vmem>>, vector<16xf32>,
        %gt3A_1510 = arith.cmpf ogt, %min3A_1507, %select_n3A_1477 : vector<16xf32>
        %select_n3A_1511 = arith.select %gt3A_1510, %min3A_1507, %select_n3A_1477 : vector<16xi1>, vector<16xf32>
        %select_n3A_1512 = arith.select %gt3A_1510, %add3A_1481, %select_n3A_1478 : vector<16xi1>, vector<16xi32>
        %add3A_1513 = arith.constant 640 : i32
        %add3A_1514 = vector.broadcast %add3A_1513 : i32 to vector<16xi32>
        %add3A_1515 = arith.addi %iota3A, %add3A_1514 : vector<16xi32>
        %add3A_1516 = arith.constant 2560 : i32
        %add3A_1517 = vector.broadcast %add3A_1516 : i32 to vector<16xi32>
        %add3A_1518 = arith.addi %mul3A_143, %add3A_1517 : vector<16xi32>
        %gather3A_1519 = tpu.vector_load_idx %arg5[%add3A_1518] : memref<4096xf32, #tpu.memory_space<vmem>>[vector<16xi32>], vector<16xf32>,
        %mul3A_1520 = arith.mulf %gather3A_1519, %gather3A_1519 : vector<16xf32>
        %add3A_1521 = arith.constant 2561 : i32
        %add3A_1522 = vector.broadcast %add3A_1521 : i32 to vector<16xi32>
        %add3A_1523 = arith.addi %mul3A_143, %add3A_1522 : vector<16xi32>
        %gather3A_1524 = tpu.vector_load_idx %arg5[%add3A_1523] : memref<4096xf32, #tpu.memory_space<vmem>>[vector<16xi32>], vector<16xf32>,
        %mul3A_1525 = arith.mulf %gather3A_1524, %gather3A_1524 : vector<16xf32>
        %add3A_1526 = arith.addf %mul3A_1520, %mul3A_1525 : vector<16xf32>
        %add3A_1527 = arith.constant 2562 : i32
        %add3A_1528 = vector.broadcast %add3A_1527 : i32 to vector<16xi32>
        %add3A_1529 = arith.addi %mul3A_143, %add3A_1528 : vector<16xi32>
        %gather3A_1530 = tpu.vector_load_idx %arg5[%add3A_1529] : memref<4096xf32, #tpu.memory_space<vmem>>[vector<16xi32>], vector<16xf32>,
        %mul3A_1531 = arith.mulf %gather3A_1530, %gather3A_1530 : vector<16xf32>
        %add3A_1532 = arith.addf %add3A_1526, %mul3A_1531 : vector<16xf32>
        %add3A_1533 = arith.constant 2563 : i32
        %add3A_1534 = vector.broadcast %add3A_1533 : i32 to vector<16xi32>
        %add3A_1535 = arith.addi %mul3A_143, %add3A_1534 : vector<16xi32>
        %gather3A_1536 = tpu.vector_load_idx %arg5[%add3A_1535] : memref<4096xf32, #tpu.memory_space<vmem>>[vector<16xi32>], vector<16xf32>,
        %mul3A_1537 = arith.mulf %gather3A_1536, %gather3A_1536 : vector<16xf32>
        %add3A_1538 = arith.addf %add3A_1532, %mul3A_1537 : vector<16xf32>
        %get3A_1539 = arith.constant 640 : index
        %get3A_1540 = tpu.vector_load %arg6[%get3A_1539] {strides = array<i32>} : memref<1024xf32, #tpu.memory_space<vmem>>, vector<16xf32>,
        %min3A_1541 = arith.minimumf %add3A_1538, %get3A_1540 : vector<16xf32>
        %swap3A_1542 = arith.constant 640 : index
        %swap3A_1543 = tpu.vector_load %arg6[%swap3A_1542] {strides = array<i32>} : memref<1024xf32, #tpu.memory_space<vmem>>, vector<16xf32>,
        tpu.vector_store %arg6[%swap3A_1542], %min3A_1541 {strides = array<i32>} : memref<1024xf32, #tpu.memory_space<vmem>>, vector<16xf32>,
        %gt3A_1544 = arith.cmpf ogt, %min3A_1541, %select_n3A_1511 : vector<16xf32>
        %select_n3A_1545 = arith.select %gt3A_1544, %min3A_1541, %select_n3A_1511 : vector<16xi1>, vector<16xf32>
        %select_n3A_1546 = arith.select %gt3A_1544, %add3A_1515, %select_n3A_1512 : vector<16xi1>, vector<16xi32>
        %add3A_1547 = arith.constant 656 : i32
        %add3A_1548 = vector.broadcast %add3A_1547 : i32 to vector<16xi32>
        %add3A_1549 = arith.addi %iota3A, %add3A_1548 : vector<16xi32>
        %add3A_1550 = arith.constant 2624 : i32
        %add3A_1551 = vector.broadcast %add3A_1550 : i32 to vector<16xi32>
        %add3A_1552 = arith.addi %mul3A_143, %add3A_1551 : vector<16xi32>
        %gather3A_1553 = tpu.vector_load_idx %arg5[%add3A_1552] : memref<4096xf32, #tpu.memory_space<vmem>>[vector<16xi32>], vector<16xf32>,
        %mul3A_1554 = arith.mulf %gather3A_1553, %gather3A_1553 : vector<16xf32>
        %add3A_1555 = arith.constant 2625 : i32
        %add3A_1556 = vector.broadcast %add3A_1555 : i32 to vector<16xi32>
        %add3A_1557 = arith.addi %mul3A_143, %add3A_1556 : vector<16xi32>
        %gather3A_1558 = tpu.vector_load_idx %arg5[%add3A_1557] : memref<4096xf32, #tpu.memory_space<vmem>>[vector<16xi32>], vector<16xf32>,
        %mul3A_1559 = arith.mulf %gather3A_1558, %gather3A_1558 : vector<16xf32>
        %add3A_1560 = arith.addf %mul3A_1554, %mul3A_1559 : vector<16xf32>
        %add3A_1561 = arith.constant 2626 : i32
        %add3A_1562 = vector.broadcast %add3A_1561 : i32 to vector<16xi32>
        %add3A_1563 = arith.addi %mul3A_143, %add3A_1562 : vector<16xi32>
        %gather3A_1564 = tpu.vector_load_idx %arg5[%add3A_1563] : memref<4096xf32, #tpu.memory_space<vmem>>[vector<16xi32>], vector<16xf32>,
        %mul3A_1565 = arith.mulf %gather3A_1564, %gather3A_1564 : vector<16xf32>
        %add3A_1566 = arith.addf %add3A_1560, %mul3A_1565 : vector<16xf32>
        %add3A_1567 = arith.constant 2627 : i32
        %add3A_1568 = vector.broadcast %add3A_1567 : i32 to vector<16xi32>
        %add3A_1569 = arith.addi %mul3A_143, %add3A_1568 : vector<16xi32>
        %gather3A_1570 = tpu.vector_load_idx %arg5[%add3A_1569] : memref<4096xf32, #tpu.memory_space<vmem>>[vector<16xi32>], vector<16xf32>,
        %mul3A_1571 = arith.mulf %gather3A_1570, %gather3A_1570 : vector<16xf32>
        %add3A_1572 = arith.addf %add3A_1566, %mul3A_1571 : vector<16xf32>
        %get3A_1573 = arith.constant 656 : index
        %get3A_1574 = tpu.vector_load %arg6[%get3A_1573] {strides = array<i32>} : memref<1024xf32, #tpu.memory_space<vmem>>, vector<16xf32>,
        %min3A_1575 = arith.minimumf %add3A_1572, %get3A_1574 : vector<16xf32>
        %swap3A_1576 = arith.constant 656 : index
        %swap3A_1577 = tpu.vector_load %arg6[%swap3A_1576] {strides = array<i32>} : memref<1024xf32, #tpu.memory_space<vmem>>, vector<16xf32>,
        tpu.vector_store %arg6[%swap3A_1576], %min3A_1575 {strides = array<i32>} : memref<1024xf32, #tpu.memory_space<vmem>>, vector<16xf32>,
        %gt3A_1578 = arith.cmpf ogt, %min3A_1575, %select_n3A_1545 : vector<16xf32>
        %select_n3A_1579 = arith.select %gt3A_1578, %min3A_1575, %select_n3A_1545 : vector<16xi1>, vector<16xf32>
        %select_n3A_1580 = arith.select %gt3A_1578, %add3A_1549, %select_n3A_1546 : vector<16xi1>, vector<16xi32>
        %add3A_1581 = arith.constant 672 : i32
        %add3A_1582 = vector.broadcast %add3A_1581 : i32 to vector<16xi32>
        %add3A_1583 = arith.addi %iota3A, %add3A_1582 : vector<16xi32>
        %add3A_1584 = arith.constant 2688 : i32
        %add3A_1585 = vector.broadcast %add3A_1584 : i32 to vector<16xi32>
        %add3A_1586 = arith.addi %mul3A_143, %add3A_1585 : vector<16xi32>
        %gather3A_1587 = tpu.vector_load_idx %arg5[%add3A_1586] : memref<4096xf32, #tpu.memory_space<vmem>>[vector<16xi32>], vector<16xf32>,
        %mul3A_1588 = arith.mulf %gather3A_1587, %gather3A_1587 : vector<16xf32>
        %add3A_1589 = arith.constant 2689 : i32
        %add3A_1590 = vector.broadcast %add3A_1589 : i32 to vector<16xi32>
        %add3A_1591 = arith.addi %mul3A_143, %add3A_1590 : vector<16xi32>
        %gather3A_1592 = tpu.vector_load_idx %arg5[%add3A_1591] : memref<4096xf32, #tpu.memory_space<vmem>>[vector<16xi32>], vector<16xf32>,
        %mul3A_1593 = arith.mulf %gather3A_1592, %gather3A_1592 : vector<16xf32>
        %add3A_1594 = arith.addf %mul3A_1588, %mul3A_1593 : vector<16xf32>
        %add3A_1595 = arith.constant 2690 : i32
        %add3A_1596 = vector.broadcast %add3A_1595 : i32 to vector<16xi32>
        %add3A_1597 = arith.addi %mul3A_143, %add3A_1596 : vector<16xi32>
        %gather3A_1598 = tpu.vector_load_idx %arg5[%add3A_1597] : memref<4096xf32, #tpu.memory_space<vmem>>[vector<16xi32>], vector<16xf32>,
        %mul3A_1599 = arith.mulf %gather3A_1598, %gather3A_1598 : vector<16xf32>
        %add3A_1600 = arith.addf %add3A_1594, %mul3A_1599 : vector<16xf32>
        %add3A_1601 = arith.constant 2691 : i32
        %add3A_1602 = vector.broadcast %add3A_1601 : i32 to vector<16xi32>
        %add3A_1603 = arith.addi %mul3A_143, %add3A_1602 : vector<16xi32>
        %gather3A_1604 = tpu.vector_load_idx %arg5[%add3A_1603] : memref<4096xf32, #tpu.memory_space<vmem>>[vector<16xi32>], vector<16xf32>,
        %mul3A_1605 = arith.mulf %gather3A_1604, %gather3A_1604 : vector<16xf32>
        %add3A_1606 = arith.addf %add3A_1600, %mul3A_1605 : vector<16xf32>
        %get3A_1607 = arith.constant 672 : index
        %get3A_1608 = tpu.vector_load %arg6[%get3A_1607] {strides = array<i32>} : memref<1024xf32, #tpu.memory_space<vmem>>, vector<16xf32>,
        %min3A_1609 = arith.minimumf %add3A_1606, %get3A_1608 : vector<16xf32>
        %swap3A_1610 = arith.constant 672 : index
        %swap3A_1611 = tpu.vector_load %arg6[%swap3A_1610] {strides = array<i32>} : memref<1024xf32, #tpu.memory_space<vmem>>, vector<16xf32>,
        tpu.vector_store %arg6[%swap3A_1610], %min3A_1609 {strides = array<i32>} : memref<1024xf32, #tpu.memory_space<vmem>>, vector<16xf32>,
        %gt3A_1612 = arith.cmpf ogt, %min3A_1609, %select_n3A_1579 : vector<16xf32>
        %select_n3A_1613 = arith.select %gt3A_1612, %min3A_1609, %select_n3A_1579 : vector<16xi1>, vector<16xf32>
        %select_n3A_1614 = arith.select %gt3A_1612, %add3A_1583, %select_n3A_1580 : vector<16xi1>, vector<16xi32>
        %add3A_1615 = arith.constant 688 : i32
        %add3A_1616 = vector.broadcast %add3A_1615 : i32 to vector<16xi32>
        %add3A_1617 = arith.addi %iota3A, %add3A_1616 : vector<16xi32>
        %add3A_1618 = arith.constant 2752 : i32
        %add3A_1619 = vector.broadcast %add3A_1618 : i32 to vector<16xi32>
        %add3A_1620 = arith.addi %mul3A_143, %add3A_1619 : vector<16xi32>
        %gather3A_1621 = tpu.vector_load_idx %arg5[%add3A_1620] : memref<4096xf32, #tpu.memory_space<vmem>>[vector<16xi32>], vector<16xf32>,
        %mul3A_1622 = arith.mulf %gather3A_1621, %gather3A_1621 : vector<16xf32>
        %add3A_1623 = arith.constant 2753 : i32
        %add3A_1624 = vector.broadcast %add3A_1623 : i32 to vector<16xi32>
        %add3A_1625 = arith.addi %mul3A_143, %add3A_1624 : vector<16xi32>
        %gather3A_1626 = tpu.vector_load_idx %arg5[%add3A_1625] : memref<4096xf32, #tpu.memory_space<vmem>>[vector<16xi32>], vector<16xf32>,
        %mul3A_1627 = arith.mulf %gather3A_1626, %gather3A_1626 : vector<16xf32>
        %add3A_1628 = arith.addf %mul3A_1622, %mul3A_1627 : vector<16xf32>
        %add3A_1629 = arith.constant 2754 : i32
        %add3A_1630 = vector.broadcast %add3A_1629 : i32 to vector<16xi32>
        %add3A_1631 = arith.addi %mul3A_143, %add3A_1630 : vector<16xi32>
        %gather3A_1632 = tpu.vector_load_idx %arg5[%add3A_1631] : memref<4096xf32, #tpu.memory_space<vmem>>[vector<16xi32>], vector<16xf32>,
        %mul3A_1633 = arith.mulf %gather3A_1632, %gather3A_1632 : vector<16xf32>
        %add3A_1634 = arith.addf %add3A_1628, %mul3A_1633 : vector<16xf32>
        %add3A_1635 = arith.constant 2755 : i32
        %add3A_1636 = vector.broadcast %add3A_1635 : i32 to vector<16xi32>
        %add3A_1637 = arith.addi %mul3A_143, %add3A_1636 : vector<16xi32>
        %gather3A_1638 = tpu.vector_load_idx %arg5[%add3A_1637] : memref<4096xf32, #tpu.memory_space<vmem>>[vector<16xi32>], vector<16xf32>,
        %mul3A_1639 = arith.mulf %gather3A_1638, %gather3A_1638 : vector<16xf32>
        %add3A_1640 = arith.addf %add3A_1634, %mul3A_1639 : vector<16xf32>
        %get3A_1641 = arith.constant 688 : index
        %get3A_1642 = tpu.vector_load %arg6[%get3A_1641] {strides = array<i32>} : memref<1024xf32, #tpu.memory_space<vmem>>, vector<16xf32>,
        %min3A_1643 = arith.minimumf %add3A_1640, %get3A_1642 : vector<16xf32>
        %swap3A_1644 = arith.constant 688 : index
        %swap3A_1645 = tpu.vector_load %arg6[%swap3A_1644] {strides = array<i32>} : memref<1024xf32, #tpu.memory_space<vmem>>, vector<16xf32>,
        tpu.vector_store %arg6[%swap3A_1644], %min3A_1643 {strides = array<i32>} : memref<1024xf32, #tpu.memory_space<vmem>>, vector<16xf32>,
        %gt3A_1646 = arith.cmpf ogt, %min3A_1643, %select_n3A_1613 : vector<16xf32>
        %select_n3A_1647 = arith.select %gt3A_1646, %min3A_1643, %select_n3A_1613 : vector<16xi1>, vector<16xf32>
        %select_n3A_1648 = arith.select %gt3A_1646, %add3A_1617, %select_n3A_1614 : vector<16xi1>, vector<16xi32>
        %add3A_1649 = arith.constant 704 : i32
        %add3A_1650 = vector.broadcast %add3A_1649 : i32 to vector<16xi32>
        %add3A_1651 = arith.addi %iota3A, %add3A_1650 : vector<16xi32>
        %add3A_1652 = arith.constant 2816 : i32
        %add3A_1653 = vector.broadcast %add3A_1652 : i32 to vector<16xi32>
        %add3A_1654 = arith.addi %mul3A_143, %add3A_1653 : vector<16xi32>
        %gather3A_1655 = tpu.vector_load_idx %arg5[%add3A_1654] : memref<4096xf32, #tpu.memory_space<vmem>>[vector<16xi32>], vector<16xf32>,
        %mul3A_1656 = arith.mulf %gather3A_1655, %gather3A_1655 : vector<16xf32>
        %add3A_1657 = arith.constant 2817 : i32
        %add3A_1658 = vector.broadcast %add3A_1657 : i32 to vector<16xi32>
        %add3A_1659 = arith.addi %mul3A_143, %add3A_1658 : vector<16xi32>
        %gather3A_1660 = tpu.vector_load_idx %arg5[%add3A_1659] : memref<4096xf32, #tpu.memory_space<vmem>>[vector<16xi32>], vector<16xf32>,
        %mul3A_1661 = arith.mulf %gather3A_1660, %gather3A_1660 : vector<16xf32>
        %add3A_1662 = arith.addf %mul3A_1656, %mul3A_1661 : vector<16xf32>
        %add3A_1663 = arith.constant 2818 : i32
        %add3A_1664 = vector.broadcast %add3A_1663 : i32 to vector<16xi32>
        %add3A_1665 = arith.addi %mul3A_143, %add3A_1664 : vector<16xi32>
        %gather3A_1666 = tpu.vector_load_idx %arg5[%add3A_1665] : memref<4096xf32, #tpu.memory_space<vmem>>[vector<16xi32>], vector<16xf32>,
        %mul3A_1667 = arith.mulf %gather3A_1666, %gather3A_1666 : vector<16xf32>
        %add3A_1668 = arith.addf %add3A_1662, %mul3A_1667 : vector<16xf32>
        %add3A_1669 = arith.constant 2819 : i32
        %add3A_1670 = vector.broadcast %add3A_1669 : i32 to vector<16xi32>
        %add3A_1671 = arith.addi %mul3A_143, %add3A_1670 : vector<16xi32>
        %gather3A_1672 = tpu.vector_load_idx %arg5[%add3A_1671] : memref<4096xf32, #tpu.memory_space<vmem>>[vector<16xi32>], vector<16xf32>,
        %mul3A_1673 = arith.mulf %gather3A_1672, %gather3A_1672 : vector<16xf32>
        %add3A_1674 = arith.addf %add3A_1668, %mul3A_1673 : vector<16xf32>
        %get3A_1675 = arith.constant 704 : index
        %get3A_1676 = tpu.vector_load %arg6[%get3A_1675] {strides = array<i32>} : memref<1024xf32, #tpu.memory_space<vmem>>, vector<16xf32>,
        %min3A_1677 = arith.minimumf %add3A_1674, %get3A_1676 : vector<16xf32>
        %swap3A_1678 = arith.constant 704 : index
        %swap3A_1679 = tpu.vector_load %arg6[%swap3A_1678] {strides = array<i32>} : memref<1024xf32, #tpu.memory_space<vmem>>, vector<16xf32>,
        tpu.vector_store %arg6[%swap3A_1678], %min3A_1677 {strides = array<i32>} : memref<1024xf32, #tpu.memory_space<vmem>>, vector<16xf32>,
        %gt3A_1680 = arith.cmpf ogt, %min3A_1677, %select_n3A_1647 : vector<16xf32>
        %select_n3A_1681 = arith.select %gt3A_1680, %min3A_1677, %select_n3A_1647 : vector<16xi1>, vector<16xf32>
        %select_n3A_1682 = arith.select %gt3A_1680, %add3A_1651, %select_n3A_1648 : vector<16xi1>, vector<16xi32>
        %add3A_1683 = arith.constant 720 : i32
        %add3A_1684 = vector.broadcast %add3A_1683 : i32 to vector<16xi32>
        %add3A_1685 = arith.addi %iota3A, %add3A_1684 : vector<16xi32>
        %add3A_1686 = arith.constant 2880 : i32
        %add3A_1687 = vector.broadcast %add3A_1686 : i32 to vector<16xi32>
        %add3A_1688 = arith.addi %mul3A_143, %add3A_1687 : vector<16xi32>
        %gather3A_1689 = tpu.vector_load_idx %arg5[%add3A_1688] : memref<4096xf32, #tpu.memory_space<vmem>>[vector<16xi32>], vector<16xf32>,
        %mul3A_1690 = arith.mulf %gather3A_1689, %gather3A_1689 : vector<16xf32>
        %add3A_1691 = arith.constant 2881 : i32
        %add3A_1692 = vector.broadcast %add3A_1691 : i32 to vector<16xi32>
        %add3A_1693 = arith.addi %mul3A_143, %add3A_1692 : vector<16xi32>
        %gather3A_1694 = tpu.vector_load_idx %arg5[%add3A_1693] : memref<4096xf32, #tpu.memory_space<vmem>>[vector<16xi32>], vector<16xf32>,
        %mul3A_1695 = arith.mulf %gather3A_1694, %gather3A_1694 : vector<16xf32>
        %add3A_1696 = arith.addf %mul3A_1690, %mul3A_1695 : vector<16xf32>
        %add3A_1697 = arith.constant 2882 : i32
        %add3A_1698 = vector.broadcast %add3A_1697 : i32 to vector<16xi32>
        %add3A_1699 = arith.addi %mul3A_143, %add3A_1698 : vector<16xi32>
        %gather3A_1700 = tpu.vector_load_idx %arg5[%add3A_1699] : memref<4096xf32, #tpu.memory_space<vmem>>[vector<16xi32>], vector<16xf32>,
        %mul3A_1701 = arith.mulf %gather3A_1700, %gather3A_1700 : vector<16xf32>
        %add3A_1702 = arith.addf %add3A_1696, %mul3A_1701 : vector<16xf32>
        %add3A_1703 = arith.constant 2883 : i32
        %add3A_1704 = vector.broadcast %add3A_1703 : i32 to vector<16xi32>
        %add3A_1705 = arith.addi %mul3A_143, %add3A_1704 : vector<16xi32>
        %gather3A_1706 = tpu.vector_load_idx %arg5[%add3A_1705] : memref<4096xf32, #tpu.memory_space<vmem>>[vector<16xi32>], vector<16xf32>,
        %mul3A_1707 = arith.mulf %gather3A_1706, %gather3A_1706 : vector<16xf32>
        %add3A_1708 = arith.addf %add3A_1702, %mul3A_1707 : vector<16xf32>
        %get3A_1709 = arith.constant 720 : index
        %get3A_1710 = tpu.vector_load %arg6[%get3A_1709] {strides = array<i32>} : memref<1024xf32, #tpu.memory_space<vmem>>, vector<16xf32>,
        %min3A_1711 = arith.minimumf %add3A_1708, %get3A_1710 : vector<16xf32>
        %swap3A_1712 = arith.constant 720 : index
        %swap3A_1713 = tpu.vector_load %arg6[%swap3A_1712] {strides = array<i32>} : memref<1024xf32, #tpu.memory_space<vmem>>, vector<16xf32>,
        tpu.vector_store %arg6[%swap3A_1712], %min3A_1711 {strides = array<i32>} : memref<1024xf32, #tpu.memory_space<vmem>>, vector<16xf32>,
        %gt3A_1714 = arith.cmpf ogt, %min3A_1711, %select_n3A_1681 : vector<16xf32>
        %select_n3A_1715 = arith.select %gt3A_1714, %min3A_1711, %select_n3A_1681 : vector<16xi1>, vector<16xf32>
        %select_n3A_1716 = arith.select %gt3A_1714, %add3A_1685, %select_n3A_1682 : vector<16xi1>, vector<16xi32>
        %add3A_1717 = arith.constant 736 : i32
        %add3A_1718 = vector.broadcast %add3A_1717 : i32 to vector<16xi32>
        %add3A_1719 = arith.addi %iota3A, %add3A_1718 : vector<16xi32>
        %add3A_1720 = arith.constant 2944 : i32
        %add3A_1721 = vector.broadcast %add3A_1720 : i32 to vector<16xi32>
        %add3A_1722 = arith.addi %mul3A_143, %add3A_1721 : vector<16xi32>
        %gather3A_1723 = tpu.vector_load_idx %arg5[%add3A_1722] : memref<4096xf32, #tpu.memory_space<vmem>>[vector<16xi32>], vector<16xf32>,
        %mul3A_1724 = arith.mulf %gather3A_1723, %gather3A_1723 : vector<16xf32>
        %add3A_1725 = arith.constant 2945 : i32
        %add3A_1726 = vector.broadcast %add3A_1725 : i32 to vector<16xi32>
        %add3A_1727 = arith.addi %mul3A_143, %add3A_1726 : vector<16xi32>
        %gather3A_1728 = tpu.vector_load_idx %arg5[%add3A_1727] : memref<4096xf32, #tpu.memory_space<vmem>>[vector<16xi32>], vector<16xf32>,
        %mul3A_1729 = arith.mulf %gather3A_1728, %gather3A_1728 : vector<16xf32>
        %add3A_1730 = arith.addf %mul3A_1724, %mul3A_1729 : vector<16xf32>
        %add3A_1731 = arith.constant 2946 : i32
        %add3A_1732 = vector.broadcast %add3A_1731 : i32 to vector<16xi32>
        %add3A_1733 = arith.addi %mul3A_143, %add3A_1732 : vector<16xi32>
        %gather3A_1734 = tpu.vector_load_idx %arg5[%add3A_1733] : memref<4096xf32, #tpu.memory_space<vmem>>[vector<16xi32>], vector<16xf32>,
        %mul3A_1735 = arith.mulf %gather3A_1734, %gather3A_1734 : vector<16xf32>
        %add3A_1736 = arith.addf %add3A_1730, %mul3A_1735 : vector<16xf32>
        %add3A_1737 = arith.constant 2947 : i32
        %add3A_1738 = vector.broadcast %add3A_1737 : i32 to vector<16xi32>
        %add3A_1739 = arith.addi %mul3A_143, %add3A_1738 : vector<16xi32>
        %gather3A_1740 = tpu.vector_load_idx %arg5[%add3A_1739] : memref<4096xf32, #tpu.memory_space<vmem>>[vector<16xi32>], vector<16xf32>,
        %mul3A_1741 = arith.mulf %gather3A_1740, %gather3A_1740 : vector<16xf32>
        %add3A_1742 = arith.addf %add3A_1736, %mul3A_1741 : vector<16xf32>
        %get3A_1743 = arith.constant 736 : index
        %get3A_1744 = tpu.vector_load %arg6[%get3A_1743] {strides = array<i32>} : memref<1024xf32, #tpu.memory_space<vmem>>, vector<16xf32>,
        %min3A_1745 = arith.minimumf %add3A_1742, %get3A_1744 : vector<16xf32>
        %swap3A_1746 = arith.constant 736 : index
        %swap3A_1747 = tpu.vector_load %arg6[%swap3A_1746] {strides = array<i32>} : memref<1024xf32, #tpu.memory_space<vmem>>, vector<16xf32>,
        tpu.vector_store %arg6[%swap3A_1746], %min3A_1745 {strides = array<i32>} : memref<1024xf32, #tpu.memory_space<vmem>>, vector<16xf32>,
        %gt3A_1748 = arith.cmpf ogt, %min3A_1745, %select_n3A_1715 : vector<16xf32>
        %select_n3A_1749 = arith.select %gt3A_1748, %min3A_1745, %select_n3A_1715 : vector<16xi1>, vector<16xf32>
        %select_n3A_1750 = arith.select %gt3A_1748, %add3A_1719, %select_n3A_1716 : vector<16xi1>, vector<16xi32>
        %add3A_1751 = arith.constant 752 : i32
        %add3A_1752 = vector.broadcast %add3A_1751 : i32 to vector<16xi32>
        %add3A_1753 = arith.addi %iota3A, %add3A_1752 : vector<16xi32>
        %add3A_1754 = arith.constant 3008 : i32
        %add3A_1755 = vector.broadcast %add3A_1754 : i32 to vector<16xi32>
        %add3A_1756 = arith.addi %mul3A_143, %add3A_1755 : vector<16xi32>
        %gather3A_1757 = tpu.vector_load_idx %arg5[%add3A_1756] : memref<4096xf32, #tpu.memory_space<vmem>>[vector<16xi32>], vector<16xf32>,
        %mul3A_1758 = arith.mulf %gather3A_1757, %gather3A_1757 : vector<16xf32>
        %add3A_1759 = arith.constant 3009 : i32
        %add3A_1760 = vector.broadcast %add3A_1759 : i32 to vector<16xi32>
        %add3A_1761 = arith.addi %mul3A_143, %add3A_1760 : vector<16xi32>
        %gather3A_1762 = tpu.vector_load_idx %arg5[%add3A_1761] : memref<4096xf32, #tpu.memory_space<vmem>>[vector<16xi32>], vector<16xf32>,
        %mul3A_1763 = arith.mulf %gather3A_1762, %gather3A_1762 : vector<16xf32>
        %add3A_1764 = arith.addf %mul3A_1758, %mul3A_1763 : vector<16xf32>
        %add3A_1765 = arith.constant 3010 : i32
        %add3A_1766 = vector.broadcast %add3A_1765 : i32 to vector<16xi32>
        %add3A_1767 = arith.addi %mul3A_143, %add3A_1766 : vector<16xi32>
        %gather3A_1768 = tpu.vector_load_idx %arg5[%add3A_1767] : memref<4096xf32, #tpu.memory_space<vmem>>[vector<16xi32>], vector<16xf32>,
        %mul3A_1769 = arith.mulf %gather3A_1768, %gather3A_1768 : vector<16xf32>
        %add3A_1770 = arith.addf %add3A_1764, %mul3A_1769 : vector<16xf32>
        %add3A_1771 = arith.constant 3011 : i32
        %add3A_1772 = vector.broadcast %add3A_1771 : i32 to vector<16xi32>
        %add3A_1773 = arith.addi %mul3A_143, %add3A_1772 : vector<16xi32>
        %gather3A_1774 = tpu.vector_load_idx %arg5[%add3A_1773] : memref<4096xf32, #tpu.memory_space<vmem>>[vector<16xi32>], vector<16xf32>,
        %mul3A_1775 = arith.mulf %gather3A_1774, %gather3A_1774 : vector<16xf32>
        %add3A_1776 = arith.addf %add3A_1770, %mul3A_1775 : vector<16xf32>
        %get3A_1777 = arith.constant 752 : index
        %get3A_1778 = tpu.vector_load %arg6[%get3A_1777] {strides = array<i32>} : memref<1024xf32, #tpu.memory_space<vmem>>, vector<16xf32>,
        %min3A_1779 = arith.minimumf %add3A_1776, %get3A_1778 : vector<16xf32>
        %swap3A_1780 = arith.constant 752 : index
        %swap3A_1781 = tpu.vector_load %arg6[%swap3A_1780] {strides = array<i32>} : memref<1024xf32, #tpu.memory_space<vmem>>, vector<16xf32>,
        tpu.vector_store %arg6[%swap3A_1780], %min3A_1779 {strides = array<i32>} : memref<1024xf32, #tpu.memory_space<vmem>>, vector<16xf32>,
        %gt3A_1782 = arith.cmpf ogt, %min3A_1779, %select_n3A_1749 : vector<16xf32>
        %select_n3A_1783 = arith.select %gt3A_1782, %min3A_1779, %select_n3A_1749 : vector<16xi1>, vector<16xf32>
        %select_n3A_1784 = arith.select %gt3A_1782, %add3A_1753, %select_n3A_1750 : vector<16xi1>, vector<16xi32>
        %add3A_1785 = arith.constant 768 : i32
        %add3A_1786 = vector.broadcast %add3A_1785 : i32 to vector<16xi32>
        %add3A_1787 = arith.addi %iota3A, %add3A_1786 : vector<16xi32>
        %add3A_1788 = arith.constant 3072 : i32
        %add3A_1789 = vector.broadcast %add3A_1788 : i32 to vector<16xi32>
        %add3A_1790 = arith.addi %mul3A_143, %add3A_1789 : vector<16xi32>
        %gather3A_1791 = tpu.vector_load_idx %arg5[%add3A_1790] : memref<4096xf32, #tpu.memory_space<vmem>>[vector<16xi32>], vector<16xf32>,
        %mul3A_1792 = arith.mulf %gather3A_1791, %gather3A_1791 : vector<16xf32>
        %add3A_1793 = arith.constant 3073 : i32
        %add3A_1794 = vector.broadcast %add3A_1793 : i32 to vector<16xi32>
        %add3A_1795 = arith.addi %mul3A_143, %add3A_1794 : vector<16xi32>
        %gather3A_1796 = tpu.vector_load_idx %arg5[%add3A_1795] : memref<4096xf32, #tpu.memory_space<vmem>>[vector<16xi32>], vector<16xf32>,
        %mul3A_1797 = arith.mulf %gather3A_1796, %gather3A_1796 : vector<16xf32>
        %add3A_1798 = arith.addf %mul3A_1792, %mul3A_1797 : vector<16xf32>
        %add3A_1799 = arith.constant 3074 : i32
        %add3A_1800 = vector.broadcast %add3A_1799 : i32 to vector<16xi32>
        %add3A_1801 = arith.addi %mul3A_143, %add3A_1800 : vector<16xi32>
        %gather3A_1802 = tpu.vector_load_idx %arg5[%add3A_1801] : memref<4096xf32, #tpu.memory_space<vmem>>[vector<16xi32>], vector<16xf32>,
        %mul3A_1803 = arith.mulf %gather3A_1802, %gather3A_1802 : vector<16xf32>
        %add3A_1804 = arith.addf %add3A_1798, %mul3A_1803 : vector<16xf32>
        %add3A_1805 = arith.constant 3075 : i32
        %add3A_1806 = vector.broadcast %add3A_1805 : i32 to vector<16xi32>
        %add3A_1807 = arith.addi %mul3A_143, %add3A_1806 : vector<16xi32>
        %gather3A_1808 = tpu.vector_load_idx %arg5[%add3A_1807] : memref<4096xf32, #tpu.memory_space<vmem>>[vector<16xi32>], vector<16xf32>,
        %mul3A_1809 = arith.mulf %gather3A_1808, %gather3A_1808 : vector<16xf32>
        %add3A_1810 = arith.addf %add3A_1804, %mul3A_1809 : vector<16xf32>
        %get3A_1811 = arith.constant 768 : index
        %get3A_1812 = tpu.vector_load %arg6[%get3A_1811] {strides = array<i32>} : memref<1024xf32, #tpu.memory_space<vmem>>, vector<16xf32>,
        %min3A_1813 = arith.minimumf %add3A_1810, %get3A_1812 : vector<16xf32>
        %swap3A_1814 = arith.constant 768 : index
        %swap3A_1815 = tpu.vector_load %arg6[%swap3A_1814] {strides = array<i32>} : memref<1024xf32, #tpu.memory_space<vmem>>, vector<16xf32>,
        tpu.vector_store %arg6[%swap3A_1814], %min3A_1813 {strides = array<i32>} : memref<1024xf32, #tpu.memory_space<vmem>>, vector<16xf32>,
        %gt3A_1816 = arith.cmpf ogt, %min3A_1813, %select_n3A_1783 : vector<16xf32>
        %select_n3A_1817 = arith.select %gt3A_1816, %min3A_1813, %select_n3A_1783 : vector<16xi1>, vector<16xf32>
        %select_n3A_1818 = arith.select %gt3A_1816, %add3A_1787, %select_n3A_1784 : vector<16xi1>, vector<16xi32>
        %add3A_1819 = arith.constant 784 : i32
        %add3A_1820 = vector.broadcast %add3A_1819 : i32 to vector<16xi32>
        %add3A_1821 = arith.addi %iota3A, %add3A_1820 : vector<16xi32>
        %add3A_1822 = arith.constant 3136 : i32
        %add3A_1823 = vector.broadcast %add3A_1822 : i32 to vector<16xi32>
        %add3A_1824 = arith.addi %mul3A_143, %add3A_1823 : vector<16xi32>
        %gather3A_1825 = tpu.vector_load_idx %arg5[%add3A_1824] : memref<4096xf32, #tpu.memory_space<vmem>>[vector<16xi32>], vector<16xf32>,
        %mul3A_1826 = arith.mulf %gather3A_1825, %gather3A_1825 : vector<16xf32>
        %add3A_1827 = arith.constant 3137 : i32
        %add3A_1828 = vector.broadcast %add3A_1827 : i32 to vector<16xi32>
        %add3A_1829 = arith.addi %mul3A_143, %add3A_1828 : vector<16xi32>
        %gather3A_1830 = tpu.vector_load_idx %arg5[%add3A_1829] : memref<4096xf32, #tpu.memory_space<vmem>>[vector<16xi32>], vector<16xf32>,
        %mul3A_1831 = arith.mulf %gather3A_1830, %gather3A_1830 : vector<16xf32>
        %add3A_1832 = arith.addf %mul3A_1826, %mul3A_1831 : vector<16xf32>
        %add3A_1833 = arith.constant 3138 : i32
        %add3A_1834 = vector.broadcast %add3A_1833 : i32 to vector<16xi32>
        %add3A_1835 = arith.addi %mul3A_143, %add3A_1834 : vector<16xi32>
        %gather3A_1836 = tpu.vector_load_idx %arg5[%add3A_1835] : memref<4096xf32, #tpu.memory_space<vmem>>[vector<16xi32>], vector<16xf32>,
        %mul3A_1837 = arith.mulf %gather3A_1836, %gather3A_1836 : vector<16xf32>
        %add3A_1838 = arith.addf %add3A_1832, %mul3A_1837 : vector<16xf32>
        %add3A_1839 = arith.constant 3139 : i32
        %add3A_1840 = vector.broadcast %add3A_1839 : i32 to vector<16xi32>
        %add3A_1841 = arith.addi %mul3A_143, %add3A_1840 : vector<16xi32>
        %gather3A_1842 = tpu.vector_load_idx %arg5[%add3A_1841] : memref<4096xf32, #tpu.memory_space<vmem>>[vector<16xi32>], vector<16xf32>,
        %mul3A_1843 = arith.mulf %gather3A_1842, %gather3A_1842 : vector<16xf32>
        %add3A_1844 = arith.addf %add3A_1838, %mul3A_1843 : vector<16xf32>
        %get3A_1845 = arith.constant 784 : index
        %get3A_1846 = tpu.vector_load %arg6[%get3A_1845] {strides = array<i32>} : memref<1024xf32, #tpu.memory_space<vmem>>, vector<16xf32>,
        %min3A_1847 = arith.minimumf %add3A_1844, %get3A_1846 : vector<16xf32>
        %swap3A_1848 = arith.constant 784 : index
        %swap3A_1849 = tpu.vector_load %arg6[%swap3A_1848] {strides = array<i32>} : memref<1024xf32, #tpu.memory_space<vmem>>, vector<16xf32>,
        tpu.vector_store %arg6[%swap3A_1848], %min3A_1847 {strides = array<i32>} : memref<1024xf32, #tpu.memory_space<vmem>>, vector<16xf32>,
        %gt3A_1850 = arith.cmpf ogt, %min3A_1847, %select_n3A_1817 : vector<16xf32>
        %select_n3A_1851 = arith.select %gt3A_1850, %min3A_1847, %select_n3A_1817 : vector<16xi1>, vector<16xf32>
        %select_n3A_1852 = arith.select %gt3A_1850, %add3A_1821, %select_n3A_1818 : vector<16xi1>, vector<16xi32>
        %add3A_1853 = arith.constant 800 : i32
        %add3A_1854 = vector.broadcast %add3A_1853 : i32 to vector<16xi32>
        %add3A_1855 = arith.addi %iota3A, %add3A_1854 : vector<16xi32>
        %add3A_1856 = arith.constant 3200 : i32
        %add3A_1857 = vector.broadcast %add3A_1856 : i32 to vector<16xi32>
        %add3A_1858 = arith.addi %mul3A_143, %add3A_1857 : vector<16xi32>
        %gather3A_1859 = tpu.vector_load_idx %arg5[%add3A_1858] : memref<4096xf32, #tpu.memory_space<vmem>>[vector<16xi32>], vector<16xf32>,
        %mul3A_1860 = arith.mulf %gather3A_1859, %gather3A_1859 : vector<16xf32>
        %add3A_1861 = arith.constant 3201 : i32
        %add3A_1862 = vector.broadcast %add3A_1861 : i32 to vector<16xi32>
        %add3A_1863 = arith.addi %mul3A_143, %add3A_1862 : vector<16xi32>
        %gather3A_1864 = tpu.vector_load_idx %arg5[%add3A_1863] : memref<4096xf32, #tpu.memory_space<vmem>>[vector<16xi32>], vector<16xf32>,
        %mul3A_1865 = arith.mulf %gather3A_1864, %gather3A_1864 : vector<16xf32>
        %add3A_1866 = arith.addf %mul3A_1860, %mul3A_1865 : vector<16xf32>
        %add3A_1867 = arith.constant 3202 : i32
        %add3A_1868 = vector.broadcast %add3A_1867 : i32 to vector<16xi32>
        %add3A_1869 = arith.addi %mul3A_143, %add3A_1868 : vector<16xi32>
        %gather3A_1870 = tpu.vector_load_idx %arg5[%add3A_1869] : memref<4096xf32, #tpu.memory_space<vmem>>[vector<16xi32>], vector<16xf32>,
        %mul3A_1871 = arith.mulf %gather3A_1870, %gather3A_1870 : vector<16xf32>
        %add3A_1872 = arith.addf %add3A_1866, %mul3A_1871 : vector<16xf32>
        %add3A_1873 = arith.constant 3203 : i32
        %add3A_1874 = vector.broadcast %add3A_1873 : i32 to vector<16xi32>
        %add3A_1875 = arith.addi %mul3A_143, %add3A_1874 : vector<16xi32>
        %gather3A_1876 = tpu.vector_load_idx %arg5[%add3A_1875] : memref<4096xf32, #tpu.memory_space<vmem>>[vector<16xi32>], vector<16xf32>,
        %mul3A_1877 = arith.mulf %gather3A_1876, %gather3A_1876 : vector<16xf32>
        %add3A_1878 = arith.addf %add3A_1872, %mul3A_1877 : vector<16xf32>
        %get3A_1879 = arith.constant 800 : index
        %get3A_1880 = tpu.vector_load %arg6[%get3A_1879] {strides = array<i32>} : memref<1024xf32, #tpu.memory_space<vmem>>, vector<16xf32>,
        %min3A_1881 = arith.minimumf %add3A_1878, %get3A_1880 : vector<16xf32>
        %swap3A_1882 = arith.constant 800 : index
        %swap3A_1883 = tpu.vector_load %arg6[%swap3A_1882] {strides = array<i32>} : memref<1024xf32, #tpu.memory_space<vmem>>, vector<16xf32>,
        tpu.vector_store %arg6[%swap3A_1882], %min3A_1881 {strides = array<i32>} : memref<1024xf32, #tpu.memory_space<vmem>>, vector<16xf32>,
        %gt3A_1884 = arith.cmpf ogt, %min3A_1881, %select_n3A_1851 : vector<16xf32>
        %select_n3A_1885 = arith.select %gt3A_1884, %min3A_1881, %select_n3A_1851 : vector<16xi1>, vector<16xf32>
        %select_n3A_1886 = arith.select %gt3A_1884, %add3A_1855, %select_n3A_1852 : vector<16xi1>, vector<16xi32>
        %add3A_1887 = arith.constant 816 : i32
        %add3A_1888 = vector.broadcast %add3A_1887 : i32 to vector<16xi32>
        %add3A_1889 = arith.addi %iota3A, %add3A_1888 : vector<16xi32>
        %add3A_1890 = arith.constant 3264 : i32
        %add3A_1891 = vector.broadcast %add3A_1890 : i32 to vector<16xi32>
        %add3A_1892 = arith.addi %mul3A_143, %add3A_1891 : vector<16xi32>
        %gather3A_1893 = tpu.vector_load_idx %arg5[%add3A_1892] : memref<4096xf32, #tpu.memory_space<vmem>>[vector<16xi32>], vector<16xf32>,
        %mul3A_1894 = arith.mulf %gather3A_1893, %gather3A_1893 : vector<16xf32>
        %add3A_1895 = arith.constant 3265 : i32
        %add3A_1896 = vector.broadcast %add3A_1895 : i32 to vector<16xi32>
        %add3A_1897 = arith.addi %mul3A_143, %add3A_1896 : vector<16xi32>
        %gather3A_1898 = tpu.vector_load_idx %arg5[%add3A_1897] : memref<4096xf32, #tpu.memory_space<vmem>>[vector<16xi32>], vector<16xf32>,
        %mul3A_1899 = arith.mulf %gather3A_1898, %gather3A_1898 : vector<16xf32>
        %add3A_1900 = arith.addf %mul3A_1894, %mul3A_1899 : vector<16xf32>
        %add3A_1901 = arith.constant 3266 : i32
        %add3A_1902 = vector.broadcast %add3A_1901 : i32 to vector<16xi32>
        %add3A_1903 = arith.addi %mul3A_143, %add3A_1902 : vector<16xi32>
        %gather3A_1904 = tpu.vector_load_idx %arg5[%add3A_1903] : memref<4096xf32, #tpu.memory_space<vmem>>[vector<16xi32>], vector<16xf32>,
        %mul3A_1905 = arith.mulf %gather3A_1904, %gather3A_1904 : vector<16xf32>
        %add3A_1906 = arith.addf %add3A_1900, %mul3A_1905 : vector<16xf32>
        %add3A_1907 = arith.constant 3267 : i32
        %add3A_1908 = vector.broadcast %add3A_1907 : i32 to vector<16xi32>
        %add3A_1909 = arith.addi %mul3A_143, %add3A_1908 : vector<16xi32>
        %gather3A_1910 = tpu.vector_load_idx %arg5[%add3A_1909] : memref<4096xf32, #tpu.memory_space<vmem>>[vector<16xi32>], vector<16xf32>,
        %mul3A_1911 = arith.mulf %gather3A_1910, %gather3A_1910 : vector<16xf32>
        %add3A_1912 = arith.addf %add3A_1906, %mul3A_1911 : vector<16xf32>
        %get3A_1913 = arith.constant 816 : index
        %get3A_1914 = tpu.vector_load %arg6[%get3A_1913] {strides = array<i32>} : memref<1024xf32, #tpu.memory_space<vmem>>, vector<16xf32>,
        %min3A_1915 = arith.minimumf %add3A_1912, %get3A_1914 : vector<16xf32>
        %swap3A_1916 = arith.constant 816 : index
        %swap3A_1917 = tpu.vector_load %arg6[%swap3A_1916] {strides = array<i32>} : memref<1024xf32, #tpu.memory_space<vmem>>, vector<16xf32>,
        tpu.vector_store %arg6[%swap3A_1916], %min3A_1915 {strides = array<i32>} : memref<1024xf32, #tpu.memory_space<vmem>>, vector<16xf32>,
        %gt3A_1918 = arith.cmpf ogt, %min3A_1915, %select_n3A_1885 : vector<16xf32>
        %select_n3A_1919 = arith.select %gt3A_1918, %min3A_1915, %select_n3A_1885 : vector<16xi1>, vector<16xf32>
        %select_n3A_1920 = arith.select %gt3A_1918, %add3A_1889, %select_n3A_1886 : vector<16xi1>, vector<16xi32>
        %add3A_1921 = arith.constant 832 : i32
        %add3A_1922 = vector.broadcast %add3A_1921 : i32 to vector<16xi32>
        %add3A_1923 = arith.addi %iota3A, %add3A_1922 : vector<16xi32>
        %add3A_1924 = arith.constant 3328 : i32
        %add3A_1925 = vector.broadcast %add3A_1924 : i32 to vector<16xi32>
        %add3A_1926 = arith.addi %mul3A_143, %add3A_1925 : vector<16xi32>
        %gather3A_1927 = tpu.vector_load_idx %arg5[%add3A_1926] : memref<4096xf32, #tpu.memory_space<vmem>>[vector<16xi32>], vector<16xf32>,
        %mul3A_1928 = arith.mulf %gather3A_1927, %gather3A_1927 : vector<16xf32>
        %add3A_1929 = arith.constant 3329 : i32
        %add3A_1930 = vector.broadcast %add3A_1929 : i32 to vector<16xi32>
        %add3A_1931 = arith.addi %mul3A_143, %add3A_1930 : vector<16xi32>
        %gather3A_1932 = tpu.vector_load_idx %arg5[%add3A_1931] : memref<4096xf32, #tpu.memory_space<vmem>>[vector<16xi32>], vector<16xf32>,
        %mul3A_1933 = arith.mulf %gather3A_1932, %gather3A_1932 : vector<16xf32>
        %add3A_1934 = arith.addf %mul3A_1928, %mul3A_1933 : vector<16xf32>
        %add3A_1935 = arith.constant 3330 : i32
        %add3A_1936 = vector.broadcast %add3A_1935 : i32 to vector<16xi32>
        %add3A_1937 = arith.addi %mul3A_143, %add3A_1936 : vector<16xi32>
        %gather3A_1938 = tpu.vector_load_idx %arg5[%add3A_1937] : memref<4096xf32, #tpu.memory_space<vmem>>[vector<16xi32>], vector<16xf32>,
        %mul3A_1939 = arith.mulf %gather3A_1938, %gather3A_1938 : vector<16xf32>
        %add3A_1940 = arith.addf %add3A_1934, %mul3A_1939 : vector<16xf32>
        %add3A_1941 = arith.constant 3331 : i32
        %add3A_1942 = vector.broadcast %add3A_1941 : i32 to vector<16xi32>
        %add3A_1943 = arith.addi %mul3A_143, %add3A_1942 : vector<16xi32>
        %gather3A_1944 = tpu.vector_load_idx %arg5[%add3A_1943] : memref<4096xf32, #tpu.memory_space<vmem>>[vector<16xi32>], vector<16xf32>,
        %mul3A_1945 = arith.mulf %gather3A_1944, %gather3A_1944 : vector<16xf32>
        %add3A_1946 = arith.addf %add3A_1940, %mul3A_1945 : vector<16xf32>
        %get3A_1947 = arith.constant 832 : index
        %get3A_1948 = tpu.vector_load %arg6[%get3A_1947] {strides = array<i32>} : memref<1024xf32, #tpu.memory_space<vmem>>, vector<16xf32>,
        %min3A_1949 = arith.minimumf %add3A_1946, %get3A_1948 : vector<16xf32>
        %swap3A_1950 = arith.constant 832 : index
        %swap3A_1951 = tpu.vector_load %arg6[%swap3A_1950] {strides = array<i32>} : memref<1024xf32, #tpu.memory_space<vmem>>, vector<16xf32>,
        tpu.vector_store %arg6[%swap3A_1950], %min3A_1949 {strides = array<i32>} : memref<1024xf32, #tpu.memory_space<vmem>>, vector<16xf32>,
        %gt3A_1952 = arith.cmpf ogt, %min3A_1949, %select_n3A_1919 : vector<16xf32>
        %select_n3A_1953 = arith.select %gt3A_1952, %min3A_1949, %select_n3A_1919 : vector<16xi1>, vector<16xf32>
        %select_n3A_1954 = arith.select %gt3A_1952, %add3A_1923, %select_n3A_1920 : vector<16xi1>, vector<16xi32>
        %add3A_1955 = arith.constant 848 : i32
        %add3A_1956 = vector.broadcast %add3A_1955 : i32 to vector<16xi32>
        %add3A_1957 = arith.addi %iota3A, %add3A_1956 : vector<16xi32>
        %add3A_1958 = arith.constant 3392 : i32
        %add3A_1959 = vector.broadcast %add3A_1958 : i32 to vector<16xi32>
        %add3A_1960 = arith.addi %mul3A_143, %add3A_1959 : vector<16xi32>
        %gather3A_1961 = tpu.vector_load_idx %arg5[%add3A_1960] : memref<4096xf32, #tpu.memory_space<vmem>>[vector<16xi32>], vector<16xf32>,
        %mul3A_1962 = arith.mulf %gather3A_1961, %gather3A_1961 : vector<16xf32>
        %add3A_1963 = arith.constant 3393 : i32
        %add3A_1964 = vector.broadcast %add3A_1963 : i32 to vector<16xi32>
        %add3A_1965 = arith.addi %mul3A_143, %add3A_1964 : vector<16xi32>
        %gather3A_1966 = tpu.vector_load_idx %arg5[%add3A_1965] : memref<4096xf32, #tpu.memory_space<vmem>>[vector<16xi32>], vector<16xf32>,
        %mul3A_1967 = arith.mulf %gather3A_1966, %gather3A_1966 : vector<16xf32>
        %add3A_1968 = arith.addf %mul3A_1962, %mul3A_1967 : vector<16xf32>
        %add3A_1969 = arith.constant 3394 : i32
        %add3A_1970 = vector.broadcast %add3A_1969 : i32 to vector<16xi32>
        %add3A_1971 = arith.addi %mul3A_143, %add3A_1970 : vector<16xi32>
        %gather3A_1972 = tpu.vector_load_idx %arg5[%add3A_1971] : memref<4096xf32, #tpu.memory_space<vmem>>[vector<16xi32>], vector<16xf32>,
        %mul3A_1973 = arith.mulf %gather3A_1972, %gather3A_1972 : vector<16xf32>
        %add3A_1974 = arith.addf %add3A_1968, %mul3A_1973 : vector<16xf32>
        %add3A_1975 = arith.constant 3395 : i32
        %add3A_1976 = vector.broadcast %add3A_1975 : i32 to vector<16xi32>
        %add3A_1977 = arith.addi %mul3A_143, %add3A_1976 : vector<16xi32>
        %gather3A_1978 = tpu.vector_load_idx %arg5[%add3A_1977] : memref<4096xf32, #tpu.memory_space<vmem>>[vector<16xi32>], vector<16xf32>,
        %mul3A_1979 = arith.mulf %gather3A_1978, %gather3A_1978 : vector<16xf32>
        %add3A_1980 = arith.addf %add3A_1974, %mul3A_1979 : vector<16xf32>
        %get3A_1981 = arith.constant 848 : index
        %get3A_1982 = tpu.vector_load %arg6[%get3A_1981] {strides = array<i32>} : memref<1024xf32, #tpu.memory_space<vmem>>, vector<16xf32>,
        %min3A_1983 = arith.minimumf %add3A_1980, %get3A_1982 : vector<16xf32>
        %swap3A_1984 = arith.constant 848 : index
        %swap3A_1985 = tpu.vector_load %arg6[%swap3A_1984] {strides = array<i32>} : memref<1024xf32, #tpu.memory_space<vmem>>, vector<16xf32>,
        tpu.vector_store %arg6[%swap3A_1984], %min3A_1983 {strides = array<i32>} : memref<1024xf32, #tpu.memory_space<vmem>>, vector<16xf32>,
        %gt3A_1986 = arith.cmpf ogt, %min3A_1983, %select_n3A_1953 : vector<16xf32>
        %select_n3A_1987 = arith.select %gt3A_1986, %min3A_1983, %select_n3A_1953 : vector<16xi1>, vector<16xf32>
        %select_n3A_1988 = arith.select %gt3A_1986, %add3A_1957, %select_n3A_1954 : vector<16xi1>, vector<16xi32>
        %add3A_1989 = arith.constant 864 : i32
        %add3A_1990 = vector.broadcast %add3A_1989 : i32 to vector<16xi32>
        %add3A_1991 = arith.addi %iota3A, %add3A_1990 : vector<16xi32>
        %add3A_1992 = arith.constant 3456 : i32
        %add3A_1993 = vector.broadcast %add3A_1992 : i32 to vector<16xi32>
        %add3A_1994 = arith.addi %mul3A_143, %add3A_1993 : vector<16xi32>
        %gather3A_1995 = tpu.vector_load_idx %arg5[%add3A_1994] : memref<4096xf32, #tpu.memory_space<vmem>>[vector<16xi32>], vector<16xf32>,
        %mul3A_1996 = arith.mulf %gather3A_1995, %gather3A_1995 : vector<16xf32>
        %add3A_1997 = arith.constant 3457 : i32
        %add3A_1998 = vector.broadcast %add3A_1997 : i32 to vector<16xi32>
        %add3A_1999 = arith.addi %mul3A_143, %add3A_1998 : vector<16xi32>
        %gather3A_2000 = tpu.vector_load_idx %arg5[%add3A_1999] : memref<4096xf32, #tpu.memory_space<vmem>>[vector<16xi32>], vector<16xf32>,
        %mul3A_2001 = arith.mulf %gather3A_2000, %gather3A_2000 : vector<16xf32>
        %add3A_2002 = arith.addf %mul3A_1996, %mul3A_2001 : vector<16xf32>
        %add3A_2003 = arith.constant 3458 : i32
        %add3A_2004 = vector.broadcast %add3A_2003 : i32 to vector<16xi32>
        %add3A_2005 = arith.addi %mul3A_143, %add3A_2004 : vector<16xi32>
        %gather3A_2006 = tpu.vector_load_idx %arg5[%add3A_2005] : memref<4096xf32, #tpu.memory_space<vmem>>[vector<16xi32>], vector<16xf32>,
        %mul3A_2007 = arith.mulf %gather3A_2006, %gather3A_2006 : vector<16xf32>
        %add3A_2008 = arith.addf %add3A_2002, %mul3A_2007 : vector<16xf32>
        %add3A_2009 = arith.constant 3459 : i32
        %add3A_2010 = vector.broadcast %add3A_2009 : i32 to vector<16xi32>
        %add3A_2011 = arith.addi %mul3A_143, %add3A_2010 : vector<16xi32>
        %gather3A_2012 = tpu.vector_load_idx %arg5[%add3A_2011] : memref<4096xf32, #tpu.memory_space<vmem>>[vector<16xi32>], vector<16xf32>,
        %mul3A_2013 = arith.mulf %gather3A_2012, %gather3A_2012 : vector<16xf32>
        %add3A_2014 = arith.addf %add3A_2008, %mul3A_2013 : vector<16xf32>
        %get3A_2015 = arith.constant 864 : index
        %get3A_2016 = tpu.vector_load %arg6[%get3A_2015] {strides = array<i32>} : memref<1024xf32, #tpu.memory_space<vmem>>, vector<16xf32>,
        %min3A_2017 = arith.minimumf %add3A_2014, %get3A_2016 : vector<16xf32>
        %swap3A_2018 = arith.constant 864 : index
        %swap3A_2019 = tpu.vector_load %arg6[%swap3A_2018] {strides = array<i32>} : memref<1024xf32, #tpu.memory_space<vmem>>, vector<16xf32>,
        tpu.vector_store %arg6[%swap3A_2018], %min3A_2017 {strides = array<i32>} : memref<1024xf32, #tpu.memory_space<vmem>>, vector<16xf32>,
        %gt3A_2020 = arith.cmpf ogt, %min3A_2017, %select_n3A_1987 : vector<16xf32>
        %select_n3A_2021 = arith.select %gt3A_2020, %min3A_2017, %select_n3A_1987 : vector<16xi1>, vector<16xf32>
        %select_n3A_2022 = arith.select %gt3A_2020, %add3A_1991, %select_n3A_1988 : vector<16xi1>, vector<16xi32>
        %add3A_2023 = arith.constant 880 : i32
        %add3A_2024 = vector.broadcast %add3A_2023 : i32 to vector<16xi32>
        %add3A_2025 = arith.addi %iota3A, %add3A_2024 : vector<16xi32>
        %add3A_2026 = arith.constant 3520 : i32
        %add3A_2027 = vector.broadcast %add3A_2026 : i32 to vector<16xi32>
        %add3A_2028 = arith.addi %mul3A_143, %add3A_2027 : vector<16xi32>
        %gather3A_2029 = tpu.vector_load_idx %arg5[%add3A_2028] : memref<4096xf32, #tpu.memory_space<vmem>>[vector<16xi32>], vector<16xf32>,
        %mul3A_2030 = arith.mulf %gather3A_2029, %gather3A_2029 : vector<16xf32>
        %add3A_2031 = arith.constant 3521 : i32
        %add3A_2032 = vector.broadcast %add3A_2031 : i32 to vector<16xi32>
        %add3A_2033 = arith.addi %mul3A_143, %add3A_2032 : vector<16xi32>
        %gather3A_2034 = tpu.vector_load_idx %arg5[%add3A_2033] : memref<4096xf32, #tpu.memory_space<vmem>>[vector<16xi32>], vector<16xf32>,
        %mul3A_2035 = arith.mulf %gather3A_2034, %gather3A_2034 : vector<16xf32>
        %add3A_2036 = arith.addf %mul3A_2030, %mul3A_2035 : vector<16xf32>
        %add3A_2037 = arith.constant 3522 : i32
        %add3A_2038 = vector.broadcast %add3A_2037 : i32 to vector<16xi32>
        %add3A_2039 = arith.addi %mul3A_143, %add3A_2038 : vector<16xi32>
        %gather3A_2040 = tpu.vector_load_idx %arg5[%add3A_2039] : memref<4096xf32, #tpu.memory_space<vmem>>[vector<16xi32>], vector<16xf32>,
        %mul3A_2041 = arith.mulf %gather3A_2040, %gather3A_2040 : vector<16xf32>
        %add3A_2042 = arith.addf %add3A_2036, %mul3A_2041 : vector<16xf32>
        %add3A_2043 = arith.constant 3523 : i32
        %add3A_2044 = vector.broadcast %add3A_2043 : i32 to vector<16xi32>
        %add3A_2045 = arith.addi %mul3A_143, %add3A_2044 : vector<16xi32>
        %gather3A_2046 = tpu.vector_load_idx %arg5[%add3A_2045] : memref<4096xf32, #tpu.memory_space<vmem>>[vector<16xi32>], vector<16xf32>,
        %mul3A_2047 = arith.mulf %gather3A_2046, %gather3A_2046 : vector<16xf32>
        %add3A_2048 = arith.addf %add3A_2042, %mul3A_2047 : vector<16xf32>
        %get3A_2049 = arith.constant 880 : index
        %get3A_2050 = tpu.vector_load %arg6[%get3A_2049] {strides = array<i32>} : memref<1024xf32, #tpu.memory_space<vmem>>, vector<16xf32>,
        %min3A_2051 = arith.minimumf %add3A_2048, %get3A_2050 : vector<16xf32>
        %swap3A_2052 = arith.constant 880 : index
        %swap3A_2053 = tpu.vector_load %arg6[%swap3A_2052] {strides = array<i32>} : memref<1024xf32, #tpu.memory_space<vmem>>, vector<16xf32>,
        tpu.vector_store %arg6[%swap3A_2052], %min3A_2051 {strides = array<i32>} : memref<1024xf32, #tpu.memory_space<vmem>>, vector<16xf32>,
        %gt3A_2054 = arith.cmpf ogt, %min3A_2051, %select_n3A_2021 : vector<16xf32>
        %select_n3A_2055 = arith.select %gt3A_2054, %min3A_2051, %select_n3A_2021 : vector<16xi1>, vector<16xf32>
        %select_n3A_2056 = arith.select %gt3A_2054, %add3A_2025, %select_n3A_2022 : vector<16xi1>, vector<16xi32>
        %add3A_2057 = arith.constant 896 : i32
        %add3A_2058 = vector.broadcast %add3A_2057 : i32 to vector<16xi32>
        %add3A_2059 = arith.addi %iota3A, %add3A_2058 : vector<16xi32>
        %add3A_2060 = arith.constant 3584 : i32
        %add3A_2061 = vector.broadcast %add3A_2060 : i32 to vector<16xi32>
        %add3A_2062 = arith.addi %mul3A_143, %add3A_2061 : vector<16xi32>
        %gather3A_2063 = tpu.vector_load_idx %arg5[%add3A_2062] : memref<4096xf32, #tpu.memory_space<vmem>>[vector<16xi32>], vector<16xf32>,
        %mul3A_2064 = arith.mulf %gather3A_2063, %gather3A_2063 : vector<16xf32>
        %add3A_2065 = arith.constant 3585 : i32
        %add3A_2066 = vector.broadcast %add3A_2065 : i32 to vector<16xi32>
        %add3A_2067 = arith.addi %mul3A_143, %add3A_2066 : vector<16xi32>
        %gather3A_2068 = tpu.vector_load_idx %arg5[%add3A_2067] : memref<4096xf32, #tpu.memory_space<vmem>>[vector<16xi32>], vector<16xf32>,
        %mul3A_2069 = arith.mulf %gather3A_2068, %gather3A_2068 : vector<16xf32>
        %add3A_2070 = arith.addf %mul3A_2064, %mul3A_2069 : vector<16xf32>
        %add3A_2071 = arith.constant 3586 : i32
        %add3A_2072 = vector.broadcast %add3A_2071 : i32 to vector<16xi32>
        %add3A_2073 = arith.addi %mul3A_143, %add3A_2072 : vector<16xi32>
        %gather3A_2074 = tpu.vector_load_idx %arg5[%add3A_2073] : memref<4096xf32, #tpu.memory_space<vmem>>[vector<16xi32>], vector<16xf32>,
        %mul3A_2075 = arith.mulf %gather3A_2074, %gather3A_2074 : vector<16xf32>
        %add3A_2076 = arith.addf %add3A_2070, %mul3A_2075 : vector<16xf32>
        %add3A_2077 = arith.constant 3587 : i32
        %add3A_2078 = vector.broadcast %add3A_2077 : i32 to vector<16xi32>
        %add3A_2079 = arith.addi %mul3A_143, %add3A_2078 : vector<16xi32>
        %gather3A_2080 = tpu.vector_load_idx %arg5[%add3A_2079] : memref<4096xf32, #tpu.memory_space<vmem>>[vector<16xi32>], vector<16xf32>,
        %mul3A_2081 = arith.mulf %gather3A_2080, %gather3A_2080 : vector<16xf32>
        %add3A_2082 = arith.addf %add3A_2076, %mul3A_2081 : vector<16xf32>
        %get3A_2083 = arith.constant 896 : index
        %get3A_2084 = tpu.vector_load %arg6[%get3A_2083] {strides = array<i32>} : memref<1024xf32, #tpu.memory_space<vmem>>, vector<16xf32>,
        %min3A_2085 = arith.minimumf %add3A_2082, %get3A_2084 : vector<16xf32>
        %swap3A_2086 = arith.constant 896 : index
        %swap3A_2087 = tpu.vector_load %arg6[%swap3A_2086] {strides = array<i32>} : memref<1024xf32, #tpu.memory_space<vmem>>, vector<16xf32>,
        tpu.vector_store %arg6[%swap3A_2086], %min3A_2085 {strides = array<i32>} : memref<1024xf32, #tpu.memory_space<vmem>>, vector<16xf32>,
        %gt3A_2088 = arith.cmpf ogt, %min3A_2085, %select_n3A_2055 : vector<16xf32>
        %select_n3A_2089 = arith.select %gt3A_2088, %min3A_2085, %select_n3A_2055 : vector<16xi1>, vector<16xf32>
        %select_n3A_2090 = arith.select %gt3A_2088, %add3A_2059, %select_n3A_2056 : vector<16xi1>, vector<16xi32>
        %add3A_2091 = arith.constant 912 : i32
        %add3A_2092 = vector.broadcast %add3A_2091 : i32 to vector<16xi32>
        %add3A_2093 = arith.addi %iota3A, %add3A_2092 : vector<16xi32>
        %add3A_2094 = arith.constant 3648 : i32
        %add3A_2095 = vector.broadcast %add3A_2094 : i32 to vector<16xi32>
        %add3A_2096 = arith.addi %mul3A_143, %add3A_2095 : vector<16xi32>
        %gather3A_2097 = tpu.vector_load_idx %arg5[%add3A_2096] : memref<4096xf32, #tpu.memory_space<vmem>>[vector<16xi32>], vector<16xf32>,
        %mul3A_2098 = arith.mulf %gather3A_2097, %gather3A_2097 : vector<16xf32>
        %add3A_2099 = arith.constant 3649 : i32
        %add3A_2100 = vector.broadcast %add3A_2099 : i32 to vector<16xi32>
        %add3A_2101 = arith.addi %mul3A_143, %add3A_2100 : vector<16xi32>
        %gather3A_2102 = tpu.vector_load_idx %arg5[%add3A_2101] : memref<4096xf32, #tpu.memory_space<vmem>>[vector<16xi32>], vector<16xf32>,
        %mul3A_2103 = arith.mulf %gather3A_2102, %gather3A_2102 : vector<16xf32>
        %add3A_2104 = arith.addf %mul3A_2098, %mul3A_2103 : vector<16xf32>
        %add3A_2105 = arith.constant 3650 : i32
        %add3A_2106 = vector.broadcast %add3A_2105 : i32 to vector<16xi32>
        %add3A_2107 = arith.addi %mul3A_143, %add3A_2106 : vector<16xi32>
        %gather3A_2108 = tpu.vector_load_idx %arg5[%add3A_2107] : memref<4096xf32, #tpu.memory_space<vmem>>[vector<16xi32>], vector<16xf32>,
        %mul3A_2109 = arith.mulf %gather3A_2108, %gather3A_2108 : vector<16xf32>
        %add3A_2110 = arith.addf %add3A_2104, %mul3A_2109 : vector<16xf32>
        %add3A_2111 = arith.constant 3651 : i32
        %add3A_2112 = vector.broadcast %add3A_2111 : i32 to vector<16xi32>
        %add3A_2113 = arith.addi %mul3A_143, %add3A_2112 : vector<16xi32>
        %gather3A_2114 = tpu.vector_load_idx %arg5[%add3A_2113] : memref<4096xf32, #tpu.memory_space<vmem>>[vector<16xi32>], vector<16xf32>,
        %mul3A_2115 = arith.mulf %gather3A_2114, %gather3A_2114 : vector<16xf32>
        %add3A_2116 = arith.addf %add3A_2110, %mul3A_2115 : vector<16xf32>
        %get3A_2117 = arith.constant 912 : index
        %get3A_2118 = tpu.vector_load %arg6[%get3A_2117] {strides = array<i32>} : memref<1024xf32, #tpu.memory_space<vmem>>, vector<16xf32>,
        %min3A_2119 = arith.minimumf %add3A_2116, %get3A_2118 : vector<16xf32>
        %swap3A_2120 = arith.constant 912 : index
        %swap3A_2121 = tpu.vector_load %arg6[%swap3A_2120] {strides = array<i32>} : memref<1024xf32, #tpu.memory_space<vmem>>, vector<16xf32>,
        tpu.vector_store %arg6[%swap3A_2120], %min3A_2119 {strides = array<i32>} : memref<1024xf32, #tpu.memory_space<vmem>>, vector<16xf32>,
        %gt3A_2122 = arith.cmpf ogt, %min3A_2119, %select_n3A_2089 : vector<16xf32>
        %select_n3A_2123 = arith.select %gt3A_2122, %min3A_2119, %select_n3A_2089 : vector<16xi1>, vector<16xf32>
        %select_n3A_2124 = arith.select %gt3A_2122, %add3A_2093, %select_n3A_2090 : vector<16xi1>, vector<16xi32>
        %add3A_2125 = arith.constant 928 : i32
        %add3A_2126 = vector.broadcast %add3A_2125 : i32 to vector<16xi32>
        %add3A_2127 = arith.addi %iota3A, %add3A_2126 : vector<16xi32>
        %add3A_2128 = arith.constant 3712 : i32
        %add3A_2129 = vector.broadcast %add3A_2128 : i32 to vector<16xi32>
        %add3A_2130 = arith.addi %mul3A_143, %add3A_2129 : vector<16xi32>
        %gather3A_2131 = tpu.vector_load_idx %arg5[%add3A_2130] : memref<4096xf32, #tpu.memory_space<vmem>>[vector<16xi32>], vector<16xf32>,
        %mul3A_2132 = arith.mulf %gather3A_2131, %gather3A_2131 : vector<16xf32>
        %add3A_2133 = arith.constant 3713 : i32
        %add3A_2134 = vector.broadcast %add3A_2133 : i32 to vector<16xi32>
        %add3A_2135 = arith.addi %mul3A_143, %add3A_2134 : vector<16xi32>
        %gather3A_2136 = tpu.vector_load_idx %arg5[%add3A_2135] : memref<4096xf32, #tpu.memory_space<vmem>>[vector<16xi32>], vector<16xf32>,
        %mul3A_2137 = arith.mulf %gather3A_2136, %gather3A_2136 : vector<16xf32>
        %add3A_2138 = arith.addf %mul3A_2132, %mul3A_2137 : vector<16xf32>
        %add3A_2139 = arith.constant 3714 : i32
        %add3A_2140 = vector.broadcast %add3A_2139 : i32 to vector<16xi32>
        %add3A_2141 = arith.addi %mul3A_143, %add3A_2140 : vector<16xi32>
        %gather3A_2142 = tpu.vector_load_idx %arg5[%add3A_2141] : memref<4096xf32, #tpu.memory_space<vmem>>[vector<16xi32>], vector<16xf32>,
        %mul3A_2143 = arith.mulf %gather3A_2142, %gather3A_2142 : vector<16xf32>
        %add3A_2144 = arith.addf %add3A_2138, %mul3A_2143 : vector<16xf32>
        %add3A_2145 = arith.constant 3715 : i32
        %add3A_2146 = vector.broadcast %add3A_2145 : i32 to vector<16xi32>
        %add3A_2147 = arith.addi %mul3A_143, %add3A_2146 : vector<16xi32>
        %gather3A_2148 = tpu.vector_load_idx %arg5[%add3A_2147] : memref<4096xf32, #tpu.memory_space<vmem>>[vector<16xi32>], vector<16xf32>,
        %mul3A_2149 = arith.mulf %gather3A_2148, %gather3A_2148 : vector<16xf32>
        %add3A_2150 = arith.addf %add3A_2144, %mul3A_2149 : vector<16xf32>
        %get3A_2151 = arith.constant 928 : index
        %get3A_2152 = tpu.vector_load %arg6[%get3A_2151] {strides = array<i32>} : memref<1024xf32, #tpu.memory_space<vmem>>, vector<16xf32>,
        %min3A_2153 = arith.minimumf %add3A_2150, %get3A_2152 : vector<16xf32>
        %swap3A_2154 = arith.constant 928 : index
        %swap3A_2155 = tpu.vector_load %arg6[%swap3A_2154] {strides = array<i32>} : memref<1024xf32, #tpu.memory_space<vmem>>, vector<16xf32>,
        tpu.vector_store %arg6[%swap3A_2154], %min3A_2153 {strides = array<i32>} : memref<1024xf32, #tpu.memory_space<vmem>>, vector<16xf32>,
        %gt3A_2156 = arith.cmpf ogt, %min3A_2153, %select_n3A_2123 : vector<16xf32>
        %select_n3A_2157 = arith.select %gt3A_2156, %min3A_2153, %select_n3A_2123 : vector<16xi1>, vector<16xf32>
        %select_n3A_2158 = arith.select %gt3A_2156, %add3A_2127, %select_n3A_2124 : vector<16xi1>, vector<16xi32>
        %add3A_2159 = arith.constant 944 : i32
        %add3A_2160 = vector.broadcast %add3A_2159 : i32 to vector<16xi32>
        %add3A_2161 = arith.addi %iota3A, %add3A_2160 : vector<16xi32>
        %add3A_2162 = arith.constant 3776 : i32
        %add3A_2163 = vector.broadcast %add3A_2162 : i32 to vector<16xi32>
        %add3A_2164 = arith.addi %mul3A_143, %add3A_2163 : vector<16xi32>
        %gather3A_2165 = tpu.vector_load_idx %arg5[%add3A_2164] : memref<4096xf32, #tpu.memory_space<vmem>>[vector<16xi32>], vector<16xf32>,
        %mul3A_2166 = arith.mulf %gather3A_2165, %gather3A_2165 : vector<16xf32>
        %add3A_2167 = arith.constant 3777 : i32
        %add3A_2168 = vector.broadcast %add3A_2167 : i32 to vector<16xi32>
        %add3A_2169 = arith.addi %mul3A_143, %add3A_2168 : vector<16xi32>
        %gather3A_2170 = tpu.vector_load_idx %arg5[%add3A_2169] : memref<4096xf32, #tpu.memory_space<vmem>>[vector<16xi32>], vector<16xf32>,
        %mul3A_2171 = arith.mulf %gather3A_2170, %gather3A_2170 : vector<16xf32>
        %add3A_2172 = arith.addf %mul3A_2166, %mul3A_2171 : vector<16xf32>
        %add3A_2173 = arith.constant 3778 : i32
        %add3A_2174 = vector.broadcast %add3A_2173 : i32 to vector<16xi32>
        %add3A_2175 = arith.addi %mul3A_143, %add3A_2174 : vector<16xi32>
        %gather3A_2176 = tpu.vector_load_idx %arg5[%add3A_2175] : memref<4096xf32, #tpu.memory_space<vmem>>[vector<16xi32>], vector<16xf32>,
        %mul3A_2177 = arith.mulf %gather3A_2176, %gather3A_2176 : vector<16xf32>
        %add3A_2178 = arith.addf %add3A_2172, %mul3A_2177 : vector<16xf32>
        %add3A_2179 = arith.constant 3779 : i32
        %add3A_2180 = vector.broadcast %add3A_2179 : i32 to vector<16xi32>
        %add3A_2181 = arith.addi %mul3A_143, %add3A_2180 : vector<16xi32>
        %gather3A_2182 = tpu.vector_load_idx %arg5[%add3A_2181] : memref<4096xf32, #tpu.memory_space<vmem>>[vector<16xi32>], vector<16xf32>,
        %mul3A_2183 = arith.mulf %gather3A_2182, %gather3A_2182 : vector<16xf32>
        %add3A_2184 = arith.addf %add3A_2178, %mul3A_2183 : vector<16xf32>
        %get3A_2185 = arith.constant 944 : index
        %get3A_2186 = tpu.vector_load %arg6[%get3A_2185] {strides = array<i32>} : memref<1024xf32, #tpu.memory_space<vmem>>, vector<16xf32>,
        %min3A_2187 = arith.minimumf %add3A_2184, %get3A_2186 : vector<16xf32>
        %swap3A_2188 = arith.constant 944 : index
        %swap3A_2189 = tpu.vector_load %arg6[%swap3A_2188] {strides = array<i32>} : memref<1024xf32, #tpu.memory_space<vmem>>, vector<16xf32>,
        tpu.vector_store %arg6[%swap3A_2188], %min3A_2187 {strides = array<i32>} : memref<1024xf32, #tpu.memory_space<vmem>>, vector<16xf32>,
        %gt3A_2190 = arith.cmpf ogt, %min3A_2187, %select_n3A_2157 : vector<16xf32>
        %select_n3A_2191 = arith.select %gt3A_2190, %min3A_2187, %select_n3A_2157 : vector<16xi1>, vector<16xf32>
        %select_n3A_2192 = arith.select %gt3A_2190, %add3A_2161, %select_n3A_2158 : vector<16xi1>, vector<16xi32>
        %add3A_2193 = arith.constant 960 : i32
        %add3A_2194 = vector.broadcast %add3A_2193 : i32 to vector<16xi32>
        %add3A_2195 = arith.addi %iota3A, %add3A_2194 : vector<16xi32>
        %add3A_2196 = arith.constant 3840 : i32
        %add3A_2197 = vector.broadcast %add3A_2196 : i32 to vector<16xi32>
        %add3A_2198 = arith.addi %mul3A_143, %add3A_2197 : vector<16xi32>
        %gather3A_2199 = tpu.vector_load_idx %arg5[%add3A_2198] : memref<4096xf32, #tpu.memory_space<vmem>>[vector<16xi32>], vector<16xf32>,
        %mul3A_2200 = arith.mulf %gather3A_2199, %gather3A_2199 : vector<16xf32>
        %add3A_2201 = arith.constant 3841 : i32
        %add3A_2202 = vector.broadcast %add3A_2201 : i32 to vector<16xi32>
        %add3A_2203 = arith.addi %mul3A_143, %add3A_2202 : vector<16xi32>
        %gather3A_2204 = tpu.vector_load_idx %arg5[%add3A_2203] : memref<4096xf32, #tpu.memory_space<vmem>>[vector<16xi32>], vector<16xf32>,
        %mul3A_2205 = arith.mulf %gather3A_2204, %gather3A_2204 : vector<16xf32>
        %add3A_2206 = arith.addf %mul3A_2200, %mul3A_2205 : vector<16xf32>
        %add3A_2207 = arith.constant 3842 : i32
        %add3A_2208 = vector.broadcast %add3A_2207 : i32 to vector<16xi32>
        %add3A_2209 = arith.addi %mul3A_143, %add3A_2208 : vector<16xi32>
        %gather3A_2210 = tpu.vector_load_idx %arg5[%add3A_2209] : memref<4096xf32, #tpu.memory_space<vmem>>[vector<16xi32>], vector<16xf32>,
        %mul3A_2211 = arith.mulf %gather3A_2210, %gather3A_2210 : vector<16xf32>
        %add3A_2212 = arith.addf %add3A_2206, %mul3A_2211 : vector<16xf32>
        %add3A_2213 = arith.constant 3843 : i32
        %add3A_2214 = vector.broadcast %add3A_2213 : i32 to vector<16xi32>
        %add3A_2215 = arith.addi %mul3A_143, %add3A_2214 : vector<16xi32>
        %gather3A_2216 = tpu.vector_load_idx %arg5[%add3A_2215] : memref<4096xf32, #tpu.memory_space<vmem>>[vector<16xi32>], vector<16xf32>,
        %mul3A_2217 = arith.mulf %gather3A_2216, %gather3A_2216 : vector<16xf32>
        %add3A_2218 = arith.addf %add3A_2212, %mul3A_2217 : vector<16xf32>
        %get3A_2219 = arith.constant 960 : index
        %get3A_2220 = tpu.vector_load %arg6[%get3A_2219] {strides = array<i32>} : memref<1024xf32, #tpu.memory_space<vmem>>, vector<16xf32>,
        %min3A_2221 = arith.minimumf %add3A_2218, %get3A_2220 : vector<16xf32>
        %swap3A_2222 = arith.constant 960 : index
        %swap3A_2223 = tpu.vector_load %arg6[%swap3A_2222] {strides = array<i32>} : memref<1024xf32, #tpu.memory_space<vmem>>, vector<16xf32>,
        tpu.vector_store %arg6[%swap3A_2222], %min3A_2221 {strides = array<i32>} : memref<1024xf32, #tpu.memory_space<vmem>>, vector<16xf32>,
        %gt3A_2224 = arith.cmpf ogt, %min3A_2221, %select_n3A_2191 : vector<16xf32>
        %select_n3A_2225 = arith.select %gt3A_2224, %min3A_2221, %select_n3A_2191 : vector<16xi1>, vector<16xf32>
        %select_n3A_2226 = arith.select %gt3A_2224, %add3A_2195, %select_n3A_2192 : vector<16xi1>, vector<16xi32>
        %add3A_2227 = arith.constant 976 : i32
        %add3A_2228 = vector.broadcast %add3A_2227 : i32 to vector<16xi32>
        %add3A_2229 = arith.addi %iota3A, %add3A_2228 : vector<16xi32>
        %add3A_2230 = arith.constant 3904 : i32
        %add3A_2231 = vector.broadcast %add3A_2230 : i32 to vector<16xi32>
        %add3A_2232 = arith.addi %mul3A_143, %add3A_2231 : vector<16xi32>
        %gather3A_2233 = tpu.vector_load_idx %arg5[%add3A_2232] : memref<4096xf32, #tpu.memory_space<vmem>>[vector<16xi32>], vector<16xf32>,
        %mul3A_2234 = arith.mulf %gather3A_2233, %gather3A_2233 : vector<16xf32>
        %add3A_2235 = arith.constant 3905 : i32
        %add3A_2236 = vector.broadcast %add3A_2235 : i32 to vector<16xi32>
        %add3A_2237 = arith.addi %mul3A_143, %add3A_2236 : vector<16xi32>
        %gather3A_2238 = tpu.vector_load_idx %arg5[%add3A_2237] : memref<4096xf32, #tpu.memory_space<vmem>>[vector<16xi32>], vector<16xf32>,
        %mul3A_2239 = arith.mulf %gather3A_2238, %gather3A_2238 : vector<16xf32>
        %add3A_2240 = arith.addf %mul3A_2234, %mul3A_2239 : vector<16xf32>
        %add3A_2241 = arith.constant 3906 : i32
        %add3A_2242 = vector.broadcast %add3A_2241 : i32 to vector<16xi32>
        %add3A_2243 = arith.addi %mul3A_143, %add3A_2242 : vector<16xi32>
        %gather3A_2244 = tpu.vector_load_idx %arg5[%add3A_2243] : memref<4096xf32, #tpu.memory_space<vmem>>[vector<16xi32>], vector<16xf32>,
        %mul3A_2245 = arith.mulf %gather3A_2244, %gather3A_2244 : vector<16xf32>
        %add3A_2246 = arith.addf %add3A_2240, %mul3A_2245 : vector<16xf32>
        %add3A_2247 = arith.constant 3907 : i32
        %add3A_2248 = vector.broadcast %add3A_2247 : i32 to vector<16xi32>
        %add3A_2249 = arith.addi %mul3A_143, %add3A_2248 : vector<16xi32>
        %gather3A_2250 = tpu.vector_load_idx %arg5[%add3A_2249] : memref<4096xf32, #tpu.memory_space<vmem>>[vector<16xi32>], vector<16xf32>,
        %mul3A_2251 = arith.mulf %gather3A_2250, %gather3A_2250 : vector<16xf32>
        %add3A_2252 = arith.addf %add3A_2246, %mul3A_2251 : vector<16xf32>
        %get3A_2253 = arith.constant 976 : index
        %get3A_2254 = tpu.vector_load %arg6[%get3A_2253] {strides = array<i32>} : memref<1024xf32, #tpu.memory_space<vmem>>, vector<16xf32>,
        %min3A_2255 = arith.minimumf %add3A_2252, %get3A_2254 : vector<16xf32>
        %swap3A_2256 = arith.constant 976 : index
        %swap3A_2257 = tpu.vector_load %arg6[%swap3A_2256] {strides = array<i32>} : memref<1024xf32, #tpu.memory_space<vmem>>, vector<16xf32>,
        tpu.vector_store %arg6[%swap3A_2256], %min3A_2255 {strides = array<i32>} : memref<1024xf32, #tpu.memory_space<vmem>>, vector<16xf32>,
        %gt3A_2258 = arith.cmpf ogt, %min3A_2255, %select_n3A_2225 : vector<16xf32>
        %select_n3A_2259 = arith.select %gt3A_2258, %min3A_2255, %select_n3A_2225 : vector<16xi1>, vector<16xf32>
        %select_n3A_2260 = arith.select %gt3A_2258, %add3A_2229, %select_n3A_2226 : vector<16xi1>, vector<16xi32>
        %add3A_2261 = arith.constant 992 : i32
        %add3A_2262 = vector.broadcast %add3A_2261 : i32 to vector<16xi32>
        %add3A_2263 = arith.addi %iota3A, %add3A_2262 : vector<16xi32>
        %add3A_2264 = arith.constant 3968 : i32
        %add3A_2265 = vector.broadcast %add3A_2264 : i32 to vector<16xi32>
        %add3A_2266 = arith.addi %mul3A_143, %add3A_2265 : vector<16xi32>
        %gather3A_2267 = tpu.vector_load_idx %arg5[%add3A_2266] : memref<4096xf32, #tpu.memory_space<vmem>>[vector<16xi32>], vector<16xf32>,
        %mul3A_2268 = arith.mulf %gather3A_2267, %gather3A_2267 : vector<16xf32>
        %add3A_2269 = arith.constant 3969 : i32
        %add3A_2270 = vector.broadcast %add3A_2269 : i32 to vector<16xi32>
        %add3A_2271 = arith.addi %mul3A_143, %add3A_2270 : vector<16xi32>
        %gather3A_2272 = tpu.vector_load_idx %arg5[%add3A_2271] : memref<4096xf32, #tpu.memory_space<vmem>>[vector<16xi32>], vector<16xf32>,
        %mul3A_2273 = arith.mulf %gather3A_2272, %gather3A_2272 : vector<16xf32>
        %add3A_2274 = arith.addf %mul3A_2268, %mul3A_2273 : vector<16xf32>
        %add3A_2275 = arith.constant 3970 : i32
        %add3A_2276 = vector.broadcast %add3A_2275 : i32 to vector<16xi32>
        %add3A_2277 = arith.addi %mul3A_143, %add3A_2276 : vector<16xi32>
        %gather3A_2278 = tpu.vector_load_idx %arg5[%add3A_2277] : memref<4096xf32, #tpu.memory_space<vmem>>[vector<16xi32>], vector<16xf32>,
        %mul3A_2279 = arith.mulf %gather3A_2278, %gather3A_2278 : vector<16xf32>
        %add3A_2280 = arith.addf %add3A_2274, %mul3A_2279 : vector<16xf32>
        %add3A_2281 = arith.constant 3971 : i32
        %add3A_2282 = vector.broadcast %add3A_2281 : i32 to vector<16xi32>
        %add3A_2283 = arith.addi %mul3A_143, %add3A_2282 : vector<16xi32>
        %gather3A_2284 = tpu.vector_load_idx %arg5[%add3A_2283] : memref<4096xf32, #tpu.memory_space<vmem>>[vector<16xi32>], vector<16xf32>,
        %mul3A_2285 = arith.mulf %gather3A_2284, %gather3A_2284 : vector<16xf32>
        %add3A_2286 = arith.addf %add3A_2280, %mul3A_2285 : vector<16xf32>
        %get3A_2287 = arith.constant 992 : index
        %get3A_2288 = tpu.vector_load %arg6[%get3A_2287] {strides = array<i32>} : memref<1024xf32, #tpu.memory_space<vmem>>, vector<16xf32>,
        %min3A_2289 = arith.minimumf %add3A_2286, %get3A_2288 : vector<16xf32>
        %swap3A_2290 = arith.constant 992 : index
        %swap3A_2291 = tpu.vector_load %arg6[%swap3A_2290] {strides = array<i32>} : memref<1024xf32, #tpu.memory_space<vmem>>, vector<16xf32>,
        tpu.vector_store %arg6[%swap3A_2290], %min3A_2289 {strides = array<i32>} : memref<1024xf32, #tpu.memory_space<vmem>>, vector<16xf32>,
        %gt3A_2292 = arith.cmpf ogt, %min3A_2289, %select_n3A_2259 : vector<16xf32>
        %select_n3A_2293 = arith.select %gt3A_2292, %min3A_2289, %select_n3A_2259 : vector<16xi1>, vector<16xf32>
        %select_n3A_2294 = arith.select %gt3A_2292, %add3A_2263, %select_n3A_2260 : vector<16xi1>, vector<16xi32>
        %add3A_2295 = arith.constant 1008 : i32
        %add3A_2296 = vector.broadcast %add3A_2295 : i32 to vector<16xi32>
        %add3A_2297 = arith.addi %iota3A, %add3A_2296 : vector<16xi32>
        %add3A_2298 = arith.constant 4032 : i32
        %add3A_2299 = vector.broadcast %add3A_2298 : i32 to vector<16xi32>
        %add3A_2300 = arith.addi %mul3A_143, %add3A_2299 : vector<16xi32>
        %gather3A_2301 = tpu.vector_load_idx %arg5[%add3A_2300] : memref<4096xf32, #tpu.memory_space<vmem>>[vector<16xi32>], vector<16xf32>,
        %mul3A_2302 = arith.mulf %gather3A_2301, %gather3A_2301 : vector<16xf32>
        %add3A_2303 = arith.constant 4033 : i32
        %add3A_2304 = vector.broadcast %add3A_2303 : i32 to vector<16xi32>
        %add3A_2305 = arith.addi %mul3A_143, %add3A_2304 : vector<16xi32>
        %gather3A_2306 = tpu.vector_load_idx %arg5[%add3A_2305] : memref<4096xf32, #tpu.memory_space<vmem>>[vector<16xi32>], vector<16xf32>,
        %mul3A_2307 = arith.mulf %gather3A_2306, %gather3A_2306 : vector<16xf32>
        %add3A_2308 = arith.addf %mul3A_2302, %mul3A_2307 : vector<16xf32>
        %add3A_2309 = arith.constant 4034 : i32
        %add3A_2310 = vector.broadcast %add3A_2309 : i32 to vector<16xi32>
        %add3A_2311 = arith.addi %mul3A_143, %add3A_2310 : vector<16xi32>
        %gather3A_2312 = tpu.vector_load_idx %arg5[%add3A_2311] : memref<4096xf32, #tpu.memory_space<vmem>>[vector<16xi32>], vector<16xf32>,
        %mul3A_2313 = arith.mulf %gather3A_2312, %gather3A_2312 : vector<16xf32>
        %add3A_2314 = arith.addf %add3A_2308, %mul3A_2313 : vector<16xf32>
        %add3A_2315 = arith.constant 4035 : i32
        %add3A_2316 = vector.broadcast %add3A_2315 : i32 to vector<16xi32>
        %add3A_2317 = arith.addi %mul3A_143, %add3A_2316 : vector<16xi32>
        %gather3A_2318 = tpu.vector_load_idx %arg5[%add3A_2317] : memref<4096xf32, #tpu.memory_space<vmem>>[vector<16xi32>], vector<16xf32>,
        %mul3A_2319 = arith.mulf %gather3A_2318, %gather3A_2318 : vector<16xf32>
        %add3A_2320 = arith.addf %add3A_2314, %mul3A_2319 : vector<16xf32>
        %get3A_2321 = arith.constant 1008 : index
        %get3A_2322 = tpu.vector_load %arg6[%get3A_2321] {strides = array<i32>} : memref<1024xf32, #tpu.memory_space<vmem>>, vector<16xf32>,
        %min3A_2323 = arith.minimumf %add3A_2320, %get3A_2322 : vector<16xf32>
        %swap3A_2324 = arith.constant 1008 : index
        %swap3A_2325 = tpu.vector_load %arg6[%swap3A_2324] {strides = array<i32>} : memref<1024xf32, #tpu.memory_space<vmem>>, vector<16xf32>,
        tpu.vector_store %arg6[%swap3A_2324], %min3A_2323 {strides = array<i32>} : memref<1024xf32, #tpu.memory_space<vmem>>, vector<16xf32>,
        %gt3A_2326 = arith.cmpf ogt, %min3A_2323, %select_n3A_2293 : vector<16xf32>
        %select_n3A_2327 = arith.select %gt3A_2326, %min3A_2323, %select_n3A_2293 : vector<16xi1>, vector<16xf32>
        %select_n3A_2328 = arith.select %gt3A_2326, %add3A_2297, %select_n3A_2294 : vector<16xi1>, vector<16xi32>
        %reduce_max3A_2329 = arith.constant true
        %reduce_max3A_2330 = vector.broadcast %reduce_max3A_2329 : i1 to vector<16xi1>
        %reduce_max3A_2331 = tpu.scan <max>, %select_n3A_2327 masked %reduce_max3A_2330 : vector<16xf32>, vector<16xi1> -> vector<16xf32>
        %reduce_max3A_2332 = vector.extract %reduce_max3A_2331[15] : f32 from vector<16xf32>
        %eq3A_2333 = vector.broadcast %reduce_max3A_2332 : f32 to vector<16xf32>
        %eq3A_2334 = arith.cmpf oeq, %select_n3A_2327, %eq3A_2333 : vector<16xf32>
        %broadcast_in_dim3A_2335 = arith.constant 1024 : i32
        %broadcast_in_dim3A_2336 = vector.broadcast %broadcast_in_dim3A_2335 : i32 to vector<16xi32>
        %select_n3A_2337 = arith.select %eq3A_2334, %select_n3A_2328, %broadcast_in_dim3A_2336 : vector<16xi1>, vector<16xi32>
        %reduce_min3A = arith.constant true
        %reduce_min3A_2338 = vector.broadcast %reduce_min3A : i1 to vector<16xi1>
        %reduce_min3A_2339 = arith.constant -2147483648 : i32
        %reduce_min3A_2340 = vector.broadcast %reduce_min3A_2339 : i32 to vector<16xi32>
        %reduce_min3A_2341 = arith.xori %select_n3A_2337, %reduce_min3A_2340 : vector<16xi32>
        %reduce_min3A_2342 = tpu.scan <min>, %reduce_min3A_2341 masked %reduce_min3A_2338 : vector<16xi32>, vector<16xi1> -> vector<16xi32>
        %reduce_min3A_2343 = arith.xori %reduce_min3A_2342, %reduce_min3A_2340 : vector<16xi32>
        %reduce_min3A_2344 = vector.extract %reduce_min3A_2343[15] : i32 from vector<16xi32>
        scf.yield %reduce_min3A_2344 : i32
      }
      %scan3A_148 = arith.constant 256 : i32
      "tpu.region"() ({
        %run_scoped3A = tpu.sem_alloc : memref<!tpu.dma_semaphore, #tpu.memory_space<semaphore_mem>>
        %dma_start3A = arith.constant 0 : i32
        %dma_start3A_149 = tpu.memref_slice %arg4[%add3A, %dma_start3A] : memref<4x256xi32, #tpu.memory_space<hbm>> -> memref<1x256xi32, #tpu.memory_space<hbm>>
        %dma_start3A_150 = tpu.memref_squeeze %dma_start3A_149 : memref<1x256xi32, #tpu.memory_space<hbm>> -> memref<256xi32, #tpu.memory_space<hbm>>
        %dma_start3A_151 = arith.constant 0 : i32
        %dma_start3A_152 = tpu.memref_slice %arg4[%add3A, %dma_start3A_151] : memref<4x256xi32, #tpu.memory_space<hbm>> -> memref<1x256xi32, #tpu.memory_space<hbm>>
        %dma_start3A_153 = tpu.memref_squeeze %dma_start3A_152 : memref<1x256xi32, #tpu.memory_space<hbm>> -> memref<256xi32, #tpu.memory_space<hbm>>
        tpu.enqueue_dma source(%arg7 : memref<256xi32, #tpu.memory_space<vmem>>) target(%dma_start3A_153 : memref<256xi32, #tpu.memory_space<hbm>>) target_semaphore(%run_scoped3A : memref<!tpu.dma_semaphore, #tpu.memory_space<semaphore_mem>>)
        %dma_wait3A = arith.constant 0 : i32
        %dma_wait3A_154 = tpu.memref_slice %arg4[%add3A, %dma_wait3A] : memref<4x256xi32, #tpu.memory_space<hbm>> -> memref<1x256xi32, #tpu.memory_space<hbm>>
        %dma_wait3A_155 = tpu.memref_squeeze %dma_wait3A_154 : memref<1x256xi32, #tpu.memory_space<hbm>> -> memref<256xi32, #tpu.memory_space<hbm>>
        %dma_wait3A_156 = arith.constant 0 : i32
        %dma_wait3A_157 = tpu.memref_slice %arg4[%add3A, %dma_wait3A_156] : memref<4x256xi32, #tpu.memory_space<hbm>> -> memref<1x256xi32, #tpu.memory_space<hbm>>
        %dma_wait3A_158 = tpu.memref_squeeze %dma_wait3A_157 : memref<1x256xi32, #tpu.memory_space<hbm>> -> memref<256xi32, #tpu.memory_space<hbm>>
        tpu.wait_dma2 semaphore(%run_scoped3A : memref<!tpu.dma_semaphore, #tpu.memory_space<semaphore_mem>>) src(%arg7 : memref<256xi32, #tpu.memory_space<vmem>>) dst(%dma_wait3A_158 : memref<256xi32, #tpu.memory_space<hbm>>)
        tpu.yield
      }) : () -> ()
    } else {
    }
    return
  }
}

#map = affine_map<(d0, d1) -> (0, 0, 0)>
#map1 = affine_map<(d0, d1) -> (0, 0)>
#map2 = affine_map<(d0, d1) -> (0)>
module attributes {stable_mosaic.version = 14 : i64} {
  func.func @_gather_kernel(%arg0: i32, %arg1: i32, %arg2: memref<4x1024x4096xf32, #tpu.memory_space<hbm>>, %arg3: memref<4096x64xf32, #tpu.memory_space<hbm>>, %arg4: memref<4x256xi32, #tpu.memory_space<hbm>>, %arg5: memref<1024xi32, #tpu.memory_space<hbm>>, %arg6: memref<1024x1024xf32, #tpu.memory_space<hbm>>, %arg7: memref<1024x64xf32, #tpu.memory_space<hbm>>, %arg8: memref<256xi32, #tpu.memory_space<vmem>>, %arg9: memref<4096xf32, #tpu.memory_space<vmem>>, %arg10: memref<256x128xf32, #tpu.memory_space<vmem>>, %arg11: memref<32xi32, #tpu.memory_space<vmem>>, %arg12: memref<32x64xf32, #tpu.memory_space<vmem>>, %arg13: memref<!tpu.dma_semaphore, #tpu.memory_space<semaphore_mem>>) attributes {dimension_semantics = [#tpu.dimension_semantics<core_parallel>, #tpu.dimension_semantics<subcore_parallel>], iteration_bounds = array<i64: 2, 16>, scalar_prefetch = 0 : i64, scratch_operands = 6 : i64, tpu.core_type = #tpu.core_type<sc_vector_subcore>, window_params = [{transform_indices = #map}, {transform_indices = #map1}, {transform_indices = #map1}, {transform_indices = #map2}, {transform_indices = #map1}, {transform_indices = #map1}]} {
    %mul3A = arith.constant 2 : i32
    %mul3A_0 = arith.muli %arg1, %mul3A : i32
    %add3A = arith.addi %mul3A_0, %arg0 : i32
    %iota3A = tpu.iota {dimensions = array<i32: 0>} : vector<16xi32>
    %mul3A_1 = arith.constant 32 : i32
    %mul3A_2 = arith.muli %add3A, %mul3A_1 : i32
    "tpu.region"() ({
      %run_scoped3A = tpu.sem_alloc : memref<!tpu.dma_semaphore, #tpu.memory_space<semaphore_mem>>
      %dma_start3A_55 = tpu.memref_slice %arg5[%mul3A_2] : memref<1024xi32, #tpu.memory_space<hbm>> -> memref<32xi32, #tpu.memory_space<hbm>>
      %dma_start3A_56 = tpu.memref_slice %arg5[%mul3A_2] : memref<1024xi32, #tpu.memory_space<hbm>> -> memref<32xi32, #tpu.memory_space<hbm>>
      tpu.enqueue_dma source(%dma_start3A_56 : memref<32xi32, #tpu.memory_space<hbm>>) target(%arg11 : memref<32xi32, #tpu.memory_space<vmem>>) target_semaphore(%run_scoped3A : memref<!tpu.dma_semaphore, #tpu.memory_space<semaphore_mem>>)
      %dma_wait3A_57 = tpu.memref_slice %arg5[%mul3A_2] : memref<1024xi32, #tpu.memory_space<hbm>> -> memref<32xi32, #tpu.memory_space<hbm>>
      %dma_wait3A_58 = tpu.memref_slice %arg5[%mul3A_2] : memref<1024xi32, #tpu.memory_space<hbm>> -> memref<32xi32, #tpu.memory_space<hbm>>
      tpu.wait_dma2 semaphore(%run_scoped3A : memref<!tpu.dma_semaphore, #tpu.memory_space<semaphore_mem>>) src(%dma_wait3A_58 : memref<32xi32, #tpu.memory_space<hbm>>) dst(%arg11 : memref<32xi32, #tpu.memory_space<vmem>>)
      tpu.yield
    }) : () -> ()
    %dma_start3A = arith.constant 0 : i32
    %dma_start3A_3 = arith.constant 0 : i32
    %dma_start3A_4 = tpu.memref_slice %arg3[%dma_start3A, %dma_start3A_3] : memref<4096x64xf32, #tpu.memory_space<hbm>> -> memref<4096x64xf32, #tpu.memory_space<hbm>>
    tpu.enqueue_indirect_dma source(%dma_start3A_4 : memref<4096x64xf32, #tpu.memory_space<hbm>>) target(%arg12 : memref<32x64xf32, #tpu.memory_space<vmem>>) offsets(%arg11 : memref<32xi32, #tpu.memory_space<vmem>>) semaphore(%arg13 : memref<!tpu.dma_semaphore, #tpu.memory_space<semaphore_mem>>)
    %dma_wait3A = arith.constant 0 : i32
    %dma_wait3A_5 = arith.constant 0 : i32
    %dma_wait3A_6 = tpu.memref_slice %arg3[%dma_wait3A, %dma_wait3A_5] : memref<4096x64xf32, #tpu.memory_space<hbm>> -> memref<4096x64xf32, #tpu.memory_space<hbm>>
    tpu.wait_indirect_dma semaphore(%arg13 : memref<!tpu.dma_semaphore, #tpu.memory_space<semaphore_mem>>) src(%dma_wait3A_6 : memref<4096x64xf32, #tpu.memory_space<hbm>>) dst(%arg12 : memref<32x64xf32, #tpu.memory_space<vmem>>)
    %mul3A_7 = arith.constant 32 : i32
    %mul3A_8 = arith.muli %add3A, %mul3A_7 : i32
    "tpu.region"() ({
      %run_scoped3A = tpu.sem_alloc : memref<!tpu.dma_semaphore, #tpu.memory_space<semaphore_mem>>
      %dma_start3A_55 = arith.constant 0 : i32
      %dma_start3A_56 = tpu.memref_slice %arg7[%mul3A_8, %dma_start3A_55] : memref<1024x64xf32, #tpu.memory_space<hbm>> -> memref<32x64xf32, #tpu.memory_space<hbm>>
      %dma_start3A_57 = arith.constant 0 : i32
      %dma_start3A_58 = tpu.memref_slice %arg7[%mul3A_8, %dma_start3A_57] : memref<1024x64xf32, #tpu.memory_space<hbm>> -> memref<32x64xf32, #tpu.memory_space<hbm>>
      tpu.enqueue_dma source(%arg12 : memref<32x64xf32, #tpu.memory_space<vmem>>) target(%dma_start3A_58 : memref<32x64xf32, #tpu.memory_space<hbm>>) target_semaphore(%run_scoped3A : memref<!tpu.dma_semaphore, #tpu.memory_space<semaphore_mem>>)
      %dma_wait3A_59 = arith.constant 0 : i32
      %dma_wait3A_60 = tpu.memref_slice %arg7[%mul3A_8, %dma_wait3A_59] : memref<1024x64xf32, #tpu.memory_space<hbm>> -> memref<32x64xf32, #tpu.memory_space<hbm>>
      %dma_wait3A_61 = arith.constant 0 : i32
      %dma_wait3A_62 = tpu.memref_slice %arg7[%mul3A_8, %dma_wait3A_61] : memref<1024x64xf32, #tpu.memory_space<hbm>> -> memref<32x64xf32, #tpu.memory_space<hbm>>
      tpu.wait_dma2 semaphore(%run_scoped3A : memref<!tpu.dma_semaphore, #tpu.memory_space<semaphore_mem>>) src(%arg12 : memref<32x64xf32, #tpu.memory_space<vmem>>) dst(%dma_wait3A_62 : memref<32x64xf32, #tpu.memory_space<hbm>>)
      tpu.yield
    }) : () -> ()
    %jit3A = arith.constant 8 : i32
    %div3A = arith.divsi %add3A, %jit3A : i32
    %sign3A = arith.constant 0 : i32
    %sign3A_9 = arith.cmpi sgt, %add3A, %sign3A : i32
    %sign3A_10 = arith.extui %sign3A_9 : i1 to i32
    %sign3A_11 = arith.constant 0 : i32
    %sign3A_12 = arith.cmpi slt, %add3A, %sign3A_11 : i32
    %sign3A_13 = arith.extui %sign3A_12 : i1 to i32
    %sign3A_14 = arith.subi %sign3A_10, %sign3A_13 : i32
    %sign3A_15 = arith.constant 0 : i32
    %sign3A_16 = arith.cmpi sgt, %jit3A, %sign3A_15 : i32
    %sign3A_17 = arith.extui %sign3A_16 : i1 to i32
    %sign3A_18 = arith.constant 0 : i32
    %sign3A_19 = arith.cmpi slt, %jit3A, %sign3A_18 : i32
    %sign3A_20 = arith.extui %sign3A_19 : i1 to i32
    %sign3A_21 = arith.subi %sign3A_17, %sign3A_20 : i32
    %ne3A = arith.cmpi ne, %sign3A_14, %sign3A_21 : i32
    %rem3A = arith.remsi %add3A, %jit3A : i32
    %ne3A_22 = arith.constant 0 : i32
    %ne3A_23 = arith.cmpi ne, %rem3A, %ne3A_22 : i32
    %and3A = arith.andi %ne3A, %ne3A_23 : i1
    %sub3A = arith.constant 1 : i32
    %sub3A_24 = arith.subi %div3A, %sub3A : i32
    %select_n3A = arith.select %and3A, %sub3A_24, %div3A : i32
    %jit3A_25 = arith.constant 8 : i32
    %eq3A = arith.constant 0 : i32
    %eq3A_26 = arith.cmpi eq, %jit3A_25, %eq3A : i32
    %jit3A_27 = arith.constant 1 : i32
    %select_n3A_28 = arith.select %eq3A_26, %jit3A_27, %jit3A_25 : i32
    %rem3A_29 = arith.remsi %add3A, %select_n3A_28 : i32
    %ne3A_30 = arith.constant 0 : i32
    %ne3A_31 = arith.cmpi ne, %rem3A_29, %ne3A_30 : i32
    %lt3A = arith.constant 0 : i32
    %lt3A_32 = arith.cmpi slt, %rem3A_29, %lt3A : i32
    %lt3A_33 = arith.constant 0 : i32
    %lt3A_34 = arith.cmpi slt, %select_n3A_28, %lt3A_33 : i32
    %ne3A_35 = arith.xori %lt3A_32, %lt3A_34 : i1
    %and3A_36 = arith.andi %ne3A_35, %ne3A_31 : i1
    %add3A_37 = arith.addi %rem3A_29, %select_n3A_28 : i32
    %select_n3A_38 = arith.select %and3A_36, %add3A_37, %rem3A_29 : i32
    %mul3A_39 = arith.constant 32 : i32
    %mul3A_40 = arith.muli %select_n3A_38, %mul3A_39 : i32
    "tpu.region"() ({
      %run_scoped3A = tpu.sem_alloc : memref<!tpu.dma_semaphore, #tpu.memory_space<semaphore_mem>>
      %dma_start3A_55 = arith.constant 0 : i32
      %dma_start3A_56 = tpu.memref_slice %arg4[%select_n3A, %dma_start3A_55] : memref<4x256xi32, #tpu.memory_space<hbm>> -> memref<1x256xi32, #tpu.memory_space<hbm>>
      %dma_start3A_57 = tpu.memref_squeeze %dma_start3A_56 : memref<1x256xi32, #tpu.memory_space<hbm>> -> memref<256xi32, #tpu.memory_space<hbm>>
      %dma_start3A_58 = arith.constant 0 : i32
      %dma_start3A_59 = tpu.memref_slice %arg4[%select_n3A, %dma_start3A_58] : memref<4x256xi32, #tpu.memory_space<hbm>> -> memref<1x256xi32, #tpu.memory_space<hbm>>
      %dma_start3A_60 = tpu.memref_squeeze %dma_start3A_59 : memref<1x256xi32, #tpu.memory_space<hbm>> -> memref<256xi32, #tpu.memory_space<hbm>>
      tpu.enqueue_dma source(%dma_start3A_60 : memref<256xi32, #tpu.memory_space<hbm>>) target(%arg8 : memref<256xi32, #tpu.memory_space<vmem>>) target_semaphore(%run_scoped3A : memref<!tpu.dma_semaphore, #tpu.memory_space<semaphore_mem>>)
      %dma_wait3A_61 = arith.constant 0 : i32
      %dma_wait3A_62 = tpu.memref_slice %arg4[%select_n3A, %dma_wait3A_61] : memref<4x256xi32, #tpu.memory_space<hbm>> -> memref<1x256xi32, #tpu.memory_space<hbm>>
      %dma_wait3A_63 = tpu.memref_squeeze %dma_wait3A_62 : memref<1x256xi32, #tpu.memory_space<hbm>> -> memref<256xi32, #tpu.memory_space<hbm>>
      %dma_wait3A_64 = arith.constant 0 : i32
      %dma_wait3A_65 = tpu.memref_slice %arg4[%select_n3A, %dma_wait3A_64] : memref<4x256xi32, #tpu.memory_space<hbm>> -> memref<1x256xi32, #tpu.memory_space<hbm>>
      %dma_wait3A_66 = tpu.memref_squeeze %dma_wait3A_65 : memref<1x256xi32, #tpu.memory_space<hbm>> -> memref<256xi32, #tpu.memory_space<hbm>>
      tpu.wait_dma2 semaphore(%run_scoped3A : memref<!tpu.dma_semaphore, #tpu.memory_space<semaphore_mem>>) src(%dma_wait3A_66 : memref<256xi32, #tpu.memory_space<hbm>>) dst(%arg8 : memref<256xi32, #tpu.memory_space<vmem>>)
      tpu.yield
    }) : () -> ()
    %add3A_41 = arith.constant 32 : i32
    %add3A_42 = arith.addi %mul3A_40, %add3A_41 : i32
    %while3A = arith.constant 0 : i32
    %while3A_43 = arith.subi %add3A_42, %mul3A_40 : i32
    %while3A_44 = arith.addi %mul3A_40, %while3A_43 : i32
    %while3A_45 = arith.constant 1 : i32
    %while3A_46 = arith.divsi %while3A_43, %while3A_45 : i32
    %while3A_47 = arith.muli %while3A_46, %while3A_45 : i32
    %while3A_48 = arith.addi %mul3A_40, %while3A_47 : i32
    %while3A_49 = arith.constant 1 : i32
    scf.for %while3A_55 = %mul3A_40 to %while3A_48 step %while3A_49  : i32 {
      %broadcast_in_dim3A = vector.broadcast %while3A_55 : i32 to vector<16xi32>
      %gather3A = tpu.vector_load_idx %arg8[%broadcast_in_dim3A] : memref<256xi32, #tpu.memory_space<vmem>>[vector<16xi32>], vector<16xi32>,
      %reduce_max3A = arith.constant true
      %reduce_max3A_56 = vector.broadcast %reduce_max3A : i1 to vector<16xi1>
      %reduce_max3A_57 = arith.constant -2147483648 : i32
      %reduce_max3A_58 = vector.broadcast %reduce_max3A_57 : i32 to vector<16xi32>
      %reduce_max3A_59 = arith.xori %gather3A, %reduce_max3A_58 : vector<16xi32>
      %reduce_max3A_60 = tpu.scan <max>, %reduce_max3A_59 masked %reduce_max3A_56 : vector<16xi32>, vector<16xi1> -> vector<16xi32>
      %reduce_max3A_61 = arith.xori %reduce_max3A_60, %reduce_max3A_58 : vector<16xi32>
      %reduce_max3A_62 = vector.extract %reduce_max3A_61[15] : i32 from vector<16xi32>
      "tpu.region"() ({
        %run_scoped3A = tpu.sem_alloc : memref<!tpu.dma_semaphore, #tpu.memory_space<semaphore_mem>>
        %dma_start3A_641 = arith.constant 0 : i32
        %dma_start3A_642 = tpu.memref_slice %arg2[%select_n3A, %reduce_max3A_62, %dma_start3A_641] : memref<4x1024x4096xf32, #tpu.memory_space<hbm>> -> memref<1x1x4096xf32, #tpu.memory_space<hbm>>
        %dma_start3A_643 = tpu.memref_squeeze %dma_start3A_642 : memref<1x1x4096xf32, #tpu.memory_space<hbm>> -> memref<4096xf32, #tpu.memory_space<hbm>>
        %dma_start3A_644 = arith.constant 0 : i32
        %dma_start3A_645 = tpu.memref_slice %arg2[%select_n3A, %reduce_max3A_62, %dma_start3A_644] : memref<4x1024x4096xf32, #tpu.memory_space<hbm>> -> memref<1x1x4096xf32, #tpu.memory_space<hbm>>
        %dma_start3A_646 = tpu.memref_squeeze %dma_start3A_645 : memref<1x1x4096xf32, #tpu.memory_space<hbm>> -> memref<4096xf32, #tpu.memory_space<hbm>>
        tpu.enqueue_dma source(%dma_start3A_646 : memref<4096xf32, #tpu.memory_space<hbm>>) target(%arg9 : memref<4096xf32, #tpu.memory_space<vmem>>) target_semaphore(%run_scoped3A : memref<!tpu.dma_semaphore, #tpu.memory_space<semaphore_mem>>)
        %dma_wait3A_647 = arith.constant 0 : i32
        %dma_wait3A_648 = tpu.memref_slice %arg2[%select_n3A, %reduce_max3A_62, %dma_wait3A_647] : memref<4x1024x4096xf32, #tpu.memory_space<hbm>> -> memref<1x1x4096xf32, #tpu.memory_space<hbm>>
        %dma_wait3A_649 = tpu.memref_squeeze %dma_wait3A_648 : memref<1x1x4096xf32, #tpu.memory_space<hbm>> -> memref<4096xf32, #tpu.memory_space<hbm>>
        %dma_wait3A_650 = arith.constant 0 : i32
        %dma_wait3A_651 = tpu.memref_slice %arg2[%select_n3A, %reduce_max3A_62, %dma_wait3A_650] : memref<4x1024x4096xf32, #tpu.memory_space<hbm>> -> memref<1x1x4096xf32, #tpu.memory_space<hbm>>
        %dma_wait3A_652 = tpu.memref_squeeze %dma_wait3A_651 : memref<1x1x4096xf32, #tpu.memory_space<hbm>> -> memref<4096xf32, #tpu.memory_space<hbm>>
        tpu.wait_dma2 semaphore(%run_scoped3A : memref<!tpu.dma_semaphore, #tpu.memory_space<semaphore_mem>>) src(%dma_wait3A_652 : memref<4096xf32, #tpu.memory_space<hbm>>) dst(%arg9 : memref<4096xf32, #tpu.memory_space<vmem>>)
        tpu.yield
      }) : () -> ()
      %sub3A_63 = arith.subi %while3A_55, %mul3A_40 : i32
      %mul3A_64 = arith.constant 4 : i32
      %mul3A_65 = arith.muli %sub3A_63, %mul3A_64 : i32
      %get3A = arith.constant 0 : index
      %get3A_66 = tpu.vector_load %arg8[%get3A] {strides = array<i32>} : memref<256xi32, #tpu.memory_space<vmem>>, vector<16xi32>,
      %mul3A_67 = arith.constant 4 : i32
      %mul3A_68 = vector.broadcast %mul3A_67 : i32 to vector<16xi32>
      %mul3A_69 = arith.muli %get3A_66, %mul3A_68 : vector<16xi32>
      %add3A_70 = arith.constant 0 : i32
      %add3A_71 = vector.broadcast %add3A_70 : i32 to vector<16xi32>
      %add3A_72 = arith.addi %iota3A, %add3A_71 : vector<16xi32>
      %add3A_73 = arith.constant 0 : i32
      %add3A_74 = vector.broadcast %add3A_73 : i32 to vector<16xi32>
      %add3A_75 = arith.addi %mul3A_69, %add3A_74 : vector<16xi32>
      %gather3A_76 = tpu.vector_load_idx %arg9[%add3A_75] : memref<4096xf32, #tpu.memory_space<vmem>>[vector<16xi32>], vector<16xf32>,
      %add3A_77 = arith.constant 0 : i32
      %add3A_78 = arith.addi %mul3A_65, %add3A_77 : i32
      %broadcast_in_dim3A_79 = vector.broadcast %add3A_78 : i32 to vector<16xi32>
      tpu.vector_store_idx %arg10[%add3A_72, %broadcast_in_dim3A_79], %gather3A_76 : memref<256x128xf32, #tpu.memory_space<vmem>>[vector<16xi32>, vector<16xi32>], vector<16xf32>,
      %add3A_80 = arith.constant 1 : i32
      %add3A_81 = vector.broadcast %add3A_80 : i32 to vector<16xi32>
      %add3A_82 = arith.addi %mul3A_69, %add3A_81 : vector<16xi32>
      %gather3A_83 = tpu.vector_load_idx %arg9[%add3A_82] : memref<4096xf32, #tpu.memory_space<vmem>>[vector<16xi32>], vector<16xf32>,
      %add3A_84 = arith.constant 1 : i32
      %add3A_85 = arith.addi %mul3A_65, %add3A_84 : i32
      %broadcast_in_dim3A_86 = vector.broadcast %add3A_85 : i32 to vector<16xi32>
      tpu.vector_store_idx %arg10[%add3A_72, %broadcast_in_dim3A_86], %gather3A_83 : memref<256x128xf32, #tpu.memory_space<vmem>>[vector<16xi32>, vector<16xi32>], vector<16xf32>,
      %add3A_87 = arith.constant 2 : i32
      %add3A_88 = vector.broadcast %add3A_87 : i32 to vector<16xi32>
      %add3A_89 = arith.addi %mul3A_69, %add3A_88 : vector<16xi32>
      %gather3A_90 = tpu.vector_load_idx %arg9[%add3A_89] : memref<4096xf32, #tpu.memory_space<vmem>>[vector<16xi32>], vector<16xf32>,
      %add3A_91 = arith.constant 2 : i32
      %add3A_92 = arith.addi %mul3A_65, %add3A_91 : i32
      %broadcast_in_dim3A_93 = vector.broadcast %add3A_92 : i32 to vector<16xi32>
      tpu.vector_store_idx %arg10[%add3A_72, %broadcast_in_dim3A_93], %gather3A_90 : memref<256x128xf32, #tpu.memory_space<vmem>>[vector<16xi32>, vector<16xi32>], vector<16xf32>,
      %add3A_94 = arith.constant 3 : i32
      %add3A_95 = vector.broadcast %add3A_94 : i32 to vector<16xi32>
      %add3A_96 = arith.addi %mul3A_69, %add3A_95 : vector<16xi32>
      %gather3A_97 = tpu.vector_load_idx %arg9[%add3A_96] : memref<4096xf32, #tpu.memory_space<vmem>>[vector<16xi32>], vector<16xf32>,
      %add3A_98 = arith.constant 3 : i32
      %add3A_99 = arith.addi %mul3A_65, %add3A_98 : i32
      %broadcast_in_dim3A_100 = vector.broadcast %add3A_99 : i32 to vector<16xi32>
      tpu.vector_store_idx %arg10[%add3A_72, %broadcast_in_dim3A_100], %gather3A_97 : memref<256x128xf32, #tpu.memory_space<vmem>>[vector<16xi32>, vector<16xi32>], vector<16xf32>,
      %get3A_101 = arith.constant 16 : index
      %get3A_102 = tpu.vector_load %arg8[%get3A_101] {strides = array<i32>} : memref<256xi32, #tpu.memory_space<vmem>>, vector<16xi32>,
      %mul3A_103 = arith.constant 4 : i32
      %mul3A_104 = vector.broadcast %mul3A_103 : i32 to vector<16xi32>
      %mul3A_105 = arith.muli %get3A_102, %mul3A_104 : vector<16xi32>
      %add3A_106 = arith.constant 16 : i32
      %add3A_107 = vector.broadcast %add3A_106 : i32 to vector<16xi32>
      %add3A_108 = arith.addi %iota3A, %add3A_107 : vector<16xi32>
      %add3A_109 = arith.constant 0 : i32
      %add3A_110 = vector.broadcast %add3A_109 : i32 to vector<16xi32>
      %add3A_111 = arith.addi %mul3A_105, %add3A_110 : vector<16xi32>
      %gather3A_112 = tpu.vector_load_idx %arg9[%add3A_111] : memref<4096xf32, #tpu.memory_space<vmem>>[vector<16xi32>], vector<16xf32>,
      %add3A_113 = arith.constant 0 : i32
      %add3A_114 = arith.addi %mul3A_65, %add3A_113 : i32
      %broadcast_in_dim3A_115 = vector.broadcast %add3A_114 : i32 to vector<16xi32>
      tpu.vector_store_idx %arg10[%add3A_108, %broadcast_in_dim3A_115], %gather3A_112 : memref<256x128xf32, #tpu.memory_space<vmem>>[vector<16xi32>, vector<16xi32>], vector<16xf32>,
      %add3A_116 = arith.constant 1 : i32
      %add3A_117 = vector.broadcast %add3A_116 : i32 to vector<16xi32>
      %add3A_118 = arith.addi %mul3A_105, %add3A_117 : vector<16xi32>
      %gather3A_119 = tpu.vector_load_idx %arg9[%add3A_118] : memref<4096xf32, #tpu.memory_space<vmem>>[vector<16xi32>], vector<16xf32>,
      %add3A_120 = arith.constant 1 : i32
      %add3A_121 = arith.addi %mul3A_65, %add3A_120 : i32
      %broadcast_in_dim3A_122 = vector.broadcast %add3A_121 : i32 to vector<16xi32>
      tpu.vector_store_idx %arg10[%add3A_108, %broadcast_in_dim3A_122], %gather3A_119 : memref<256x128xf32, #tpu.memory_space<vmem>>[vector<16xi32>, vector<16xi32>], vector<16xf32>,
      %add3A_123 = arith.constant 2 : i32
      %add3A_124 = vector.broadcast %add3A_123 : i32 to vector<16xi32>
      %add3A_125 = arith.addi %mul3A_105, %add3A_124 : vector<16xi32>
      %gather3A_126 = tpu.vector_load_idx %arg9[%add3A_125] : memref<4096xf32, #tpu.memory_space<vmem>>[vector<16xi32>], vector<16xf32>,
      %add3A_127 = arith.constant 2 : i32
      %add3A_128 = arith.addi %mul3A_65, %add3A_127 : i32
      %broadcast_in_dim3A_129 = vector.broadcast %add3A_128 : i32 to vector<16xi32>
      tpu.vector_store_idx %arg10[%add3A_108, %broadcast_in_dim3A_129], %gather3A_126 : memref<256x128xf32, #tpu.memory_space<vmem>>[vector<16xi32>, vector<16xi32>], vector<16xf32>,
      %add3A_130 = arith.constant 3 : i32
      %add3A_131 = vector.broadcast %add3A_130 : i32 to vector<16xi32>
      %add3A_132 = arith.addi %mul3A_105, %add3A_131 : vector<16xi32>
      %gather3A_133 = tpu.vector_load_idx %arg9[%add3A_132] : memref<4096xf32, #tpu.memory_space<vmem>>[vector<16xi32>], vector<16xf32>,
      %add3A_134 = arith.constant 3 : i32
      %add3A_135 = arith.addi %mul3A_65, %add3A_134 : i32
      %broadcast_in_dim3A_136 = vector.broadcast %add3A_135 : i32 to vector<16xi32>
      tpu.vector_store_idx %arg10[%add3A_108, %broadcast_in_dim3A_136], %gather3A_133 : memref<256x128xf32, #tpu.memory_space<vmem>>[vector<16xi32>, vector<16xi32>], vector<16xf32>,
      %get3A_137 = arith.constant 32 : index
      %get3A_138 = tpu.vector_load %arg8[%get3A_137] {strides = array<i32>} : memref<256xi32, #tpu.memory_space<vmem>>, vector<16xi32>,
      %mul3A_139 = arith.constant 4 : i32
      %mul3A_140 = vector.broadcast %mul3A_139 : i32 to vector<16xi32>
      %mul3A_141 = arith.muli %get3A_138, %mul3A_140 : vector<16xi32>
      %add3A_142 = arith.constant 32 : i32
      %add3A_143 = vector.broadcast %add3A_142 : i32 to vector<16xi32>
      %add3A_144 = arith.addi %iota3A, %add3A_143 : vector<16xi32>
      %add3A_145 = arith.constant 0 : i32
      %add3A_146 = vector.broadcast %add3A_145 : i32 to vector<16xi32>
      %add3A_147 = arith.addi %mul3A_141, %add3A_146 : vector<16xi32>
      %gather3A_148 = tpu.vector_load_idx %arg9[%add3A_147] : memref<4096xf32, #tpu.memory_space<vmem>>[vector<16xi32>], vector<16xf32>,
      %add3A_149 = arith.constant 0 : i32
      %add3A_150 = arith.addi %mul3A_65, %add3A_149 : i32
      %broadcast_in_dim3A_151 = vector.broadcast %add3A_150 : i32 to vector<16xi32>
      tpu.vector_store_idx %arg10[%add3A_144, %broadcast_in_dim3A_151], %gather3A_148 : memref<256x128xf32, #tpu.memory_space<vmem>>[vector<16xi32>, vector<16xi32>], vector<16xf32>,
      %add3A_152 = arith.constant 1 : i32
      %add3A_153 = vector.broadcast %add3A_152 : i32 to vector<16xi32>
      %add3A_154 = arith.addi %mul3A_141, %add3A_153 : vector<16xi32>
      %gather3A_155 = tpu.vector_load_idx %arg9[%add3A_154] : memref<4096xf32, #tpu.memory_space<vmem>>[vector<16xi32>], vector<16xf32>,
      %add3A_156 = arith.constant 1 : i32
      %add3A_157 = arith.addi %mul3A_65, %add3A_156 : i32
      %broadcast_in_dim3A_158 = vector.broadcast %add3A_157 : i32 to vector<16xi32>
      tpu.vector_store_idx %arg10[%add3A_144, %broadcast_in_dim3A_158], %gather3A_155 : memref<256x128xf32, #tpu.memory_space<vmem>>[vector<16xi32>, vector<16xi32>], vector<16xf32>,
      %add3A_159 = arith.constant 2 : i32
      %add3A_160 = vector.broadcast %add3A_159 : i32 to vector<16xi32>
      %add3A_161 = arith.addi %mul3A_141, %add3A_160 : vector<16xi32>
      %gather3A_162 = tpu.vector_load_idx %arg9[%add3A_161] : memref<4096xf32, #tpu.memory_space<vmem>>[vector<16xi32>], vector<16xf32>,
      %add3A_163 = arith.constant 2 : i32
      %add3A_164 = arith.addi %mul3A_65, %add3A_163 : i32
      %broadcast_in_dim3A_165 = vector.broadcast %add3A_164 : i32 to vector<16xi32>
      tpu.vector_store_idx %arg10[%add3A_144, %broadcast_in_dim3A_165], %gather3A_162 : memref<256x128xf32, #tpu.memory_space<vmem>>[vector<16xi32>, vector<16xi32>], vector<16xf32>,
      %add3A_166 = arith.constant 3 : i32
      %add3A_167 = vector.broadcast %add3A_166 : i32 to vector<16xi32>
      %add3A_168 = arith.addi %mul3A_141, %add3A_167 : vector<16xi32>
      %gather3A_169 = tpu.vector_load_idx %arg9[%add3A_168] : memref<4096xf32, #tpu.memory_space<vmem>>[vector<16xi32>], vector<16xf32>,
      %add3A_170 = arith.constant 3 : i32
      %add3A_171 = arith.addi %mul3A_65, %add3A_170 : i32
      %broadcast_in_dim3A_172 = vector.broadcast %add3A_171 : i32 to vector<16xi32>
      tpu.vector_store_idx %arg10[%add3A_144, %broadcast_in_dim3A_172], %gather3A_169 : memref<256x128xf32, #tpu.memory_space<vmem>>[vector<16xi32>, vector<16xi32>], vector<16xf32>,
      %get3A_173 = arith.constant 48 : index
      %get3A_174 = tpu.vector_load %arg8[%get3A_173] {strides = array<i32>} : memref<256xi32, #tpu.memory_space<vmem>>, vector<16xi32>,
      %mul3A_175 = arith.constant 4 : i32
      %mul3A_176 = vector.broadcast %mul3A_175 : i32 to vector<16xi32>
      %mul3A_177 = arith.muli %get3A_174, %mul3A_176 : vector<16xi32>
      %add3A_178 = arith.constant 48 : i32
      %add3A_179 = vector.broadcast %add3A_178 : i32 to vector<16xi32>
      %add3A_180 = arith.addi %iota3A, %add3A_179 : vector<16xi32>
      %add3A_181 = arith.constant 0 : i32
      %add3A_182 = vector.broadcast %add3A_181 : i32 to vector<16xi32>
      %add3A_183 = arith.addi %mul3A_177, %add3A_182 : vector<16xi32>
      %gather3A_184 = tpu.vector_load_idx %arg9[%add3A_183] : memref<4096xf32, #tpu.memory_space<vmem>>[vector<16xi32>], vector<16xf32>,
      %add3A_185 = arith.constant 0 : i32
      %add3A_186 = arith.addi %mul3A_65, %add3A_185 : i32
      %broadcast_in_dim3A_187 = vector.broadcast %add3A_186 : i32 to vector<16xi32>
      tpu.vector_store_idx %arg10[%add3A_180, %broadcast_in_dim3A_187], %gather3A_184 : memref<256x128xf32, #tpu.memory_space<vmem>>[vector<16xi32>, vector<16xi32>], vector<16xf32>,
      %add3A_188 = arith.constant 1 : i32
      %add3A_189 = vector.broadcast %add3A_188 : i32 to vector<16xi32>
      %add3A_190 = arith.addi %mul3A_177, %add3A_189 : vector<16xi32>
      %gather3A_191 = tpu.vector_load_idx %arg9[%add3A_190] : memref<4096xf32, #tpu.memory_space<vmem>>[vector<16xi32>], vector<16xf32>,
      %add3A_192 = arith.constant 1 : i32
      %add3A_193 = arith.addi %mul3A_65, %add3A_192 : i32
      %broadcast_in_dim3A_194 = vector.broadcast %add3A_193 : i32 to vector<16xi32>
      tpu.vector_store_idx %arg10[%add3A_180, %broadcast_in_dim3A_194], %gather3A_191 : memref<256x128xf32, #tpu.memory_space<vmem>>[vector<16xi32>, vector<16xi32>], vector<16xf32>,
      %add3A_195 = arith.constant 2 : i32
      %add3A_196 = vector.broadcast %add3A_195 : i32 to vector<16xi32>
      %add3A_197 = arith.addi %mul3A_177, %add3A_196 : vector<16xi32>
      %gather3A_198 = tpu.vector_load_idx %arg9[%add3A_197] : memref<4096xf32, #tpu.memory_space<vmem>>[vector<16xi32>], vector<16xf32>,
      %add3A_199 = arith.constant 2 : i32
      %add3A_200 = arith.addi %mul3A_65, %add3A_199 : i32
      %broadcast_in_dim3A_201 = vector.broadcast %add3A_200 : i32 to vector<16xi32>
      tpu.vector_store_idx %arg10[%add3A_180, %broadcast_in_dim3A_201], %gather3A_198 : memref<256x128xf32, #tpu.memory_space<vmem>>[vector<16xi32>, vector<16xi32>], vector<16xf32>,
      %add3A_202 = arith.constant 3 : i32
      %add3A_203 = vector.broadcast %add3A_202 : i32 to vector<16xi32>
      %add3A_204 = arith.addi %mul3A_177, %add3A_203 : vector<16xi32>
      %gather3A_205 = tpu.vector_load_idx %arg9[%add3A_204] : memref<4096xf32, #tpu.memory_space<vmem>>[vector<16xi32>], vector<16xf32>,
      %add3A_206 = arith.constant 3 : i32
      %add3A_207 = arith.addi %mul3A_65, %add3A_206 : i32
      %broadcast_in_dim3A_208 = vector.broadcast %add3A_207 : i32 to vector<16xi32>
      tpu.vector_store_idx %arg10[%add3A_180, %broadcast_in_dim3A_208], %gather3A_205 : memref<256x128xf32, #tpu.memory_space<vmem>>[vector<16xi32>, vector<16xi32>], vector<16xf32>,
      %get3A_209 = arith.constant 64 : index
      %get3A_210 = tpu.vector_load %arg8[%get3A_209] {strides = array<i32>} : memref<256xi32, #tpu.memory_space<vmem>>, vector<16xi32>,
      %mul3A_211 = arith.constant 4 : i32
      %mul3A_212 = vector.broadcast %mul3A_211 : i32 to vector<16xi32>
      %mul3A_213 = arith.muli %get3A_210, %mul3A_212 : vector<16xi32>
      %add3A_214 = arith.constant 64 : i32
      %add3A_215 = vector.broadcast %add3A_214 : i32 to vector<16xi32>
      %add3A_216 = arith.addi %iota3A, %add3A_215 : vector<16xi32>
      %add3A_217 = arith.constant 0 : i32
      %add3A_218 = vector.broadcast %add3A_217 : i32 to vector<16xi32>
      %add3A_219 = arith.addi %mul3A_213, %add3A_218 : vector<16xi32>
      %gather3A_220 = tpu.vector_load_idx %arg9[%add3A_219] : memref<4096xf32, #tpu.memory_space<vmem>>[vector<16xi32>], vector<16xf32>,
      %add3A_221 = arith.constant 0 : i32
      %add3A_222 = arith.addi %mul3A_65, %add3A_221 : i32
      %broadcast_in_dim3A_223 = vector.broadcast %add3A_222 : i32 to vector<16xi32>
      tpu.vector_store_idx %arg10[%add3A_216, %broadcast_in_dim3A_223], %gather3A_220 : memref<256x128xf32, #tpu.memory_space<vmem>>[vector<16xi32>, vector<16xi32>], vector<16xf32>,
      %add3A_224 = arith.constant 1 : i32
      %add3A_225 = vector.broadcast %add3A_224 : i32 to vector<16xi32>
      %add3A_226 = arith.addi %mul3A_213, %add3A_225 : vector<16xi32>
      %gather3A_227 = tpu.vector_load_idx %arg9[%add3A_226] : memref<4096xf32, #tpu.memory_space<vmem>>[vector<16xi32>], vector<16xf32>,
      %add3A_228 = arith.constant 1 : i32
      %add3A_229 = arith.addi %mul3A_65, %add3A_228 : i32
      %broadcast_in_dim3A_230 = vector.broadcast %add3A_229 : i32 to vector<16xi32>
      tpu.vector_store_idx %arg10[%add3A_216, %broadcast_in_dim3A_230], %gather3A_227 : memref<256x128xf32, #tpu.memory_space<vmem>>[vector<16xi32>, vector<16xi32>], vector<16xf32>,
      %add3A_231 = arith.constant 2 : i32
      %add3A_232 = vector.broadcast %add3A_231 : i32 to vector<16xi32>
      %add3A_233 = arith.addi %mul3A_213, %add3A_232 : vector<16xi32>
      %gather3A_234 = tpu.vector_load_idx %arg9[%add3A_233] : memref<4096xf32, #tpu.memory_space<vmem>>[vector<16xi32>], vector<16xf32>,
      %add3A_235 = arith.constant 2 : i32
      %add3A_236 = arith.addi %mul3A_65, %add3A_235 : i32
      %broadcast_in_dim3A_237 = vector.broadcast %add3A_236 : i32 to vector<16xi32>
      tpu.vector_store_idx %arg10[%add3A_216, %broadcast_in_dim3A_237], %gather3A_234 : memref<256x128xf32, #tpu.memory_space<vmem>>[vector<16xi32>, vector<16xi32>], vector<16xf32>,
      %add3A_238 = arith.constant 3 : i32
      %add3A_239 = vector.broadcast %add3A_238 : i32 to vector<16xi32>
      %add3A_240 = arith.addi %mul3A_213, %add3A_239 : vector<16xi32>
      %gather3A_241 = tpu.vector_load_idx %arg9[%add3A_240] : memref<4096xf32, #tpu.memory_space<vmem>>[vector<16xi32>], vector<16xf32>,
      %add3A_242 = arith.constant 3 : i32
      %add3A_243 = arith.addi %mul3A_65, %add3A_242 : i32
      %broadcast_in_dim3A_244 = vector.broadcast %add3A_243 : i32 to vector<16xi32>
      tpu.vector_store_idx %arg10[%add3A_216, %broadcast_in_dim3A_244], %gather3A_241 : memref<256x128xf32, #tpu.memory_space<vmem>>[vector<16xi32>, vector<16xi32>], vector<16xf32>,
      %get3A_245 = arith.constant 80 : index
      %get3A_246 = tpu.vector_load %arg8[%get3A_245] {strides = array<i32>} : memref<256xi32, #tpu.memory_space<vmem>>, vector<16xi32>,
      %mul3A_247 = arith.constant 4 : i32
      %mul3A_248 = vector.broadcast %mul3A_247 : i32 to vector<16xi32>
      %mul3A_249 = arith.muli %get3A_246, %mul3A_248 : vector<16xi32>
      %add3A_250 = arith.constant 80 : i32
      %add3A_251 = vector.broadcast %add3A_250 : i32 to vector<16xi32>
      %add3A_252 = arith.addi %iota3A, %add3A_251 : vector<16xi32>
      %add3A_253 = arith.constant 0 : i32
      %add3A_254 = vector.broadcast %add3A_253 : i32 to vector<16xi32>
      %add3A_255 = arith.addi %mul3A_249, %add3A_254 : vector<16xi32>
      %gather3A_256 = tpu.vector_load_idx %arg9[%add3A_255] : memref<4096xf32, #tpu.memory_space<vmem>>[vector<16xi32>], vector<16xf32>,
      %add3A_257 = arith.constant 0 : i32
      %add3A_258 = arith.addi %mul3A_65, %add3A_257 : i32
      %broadcast_in_dim3A_259 = vector.broadcast %add3A_258 : i32 to vector<16xi32>
      tpu.vector_store_idx %arg10[%add3A_252, %broadcast_in_dim3A_259], %gather3A_256 : memref<256x128xf32, #tpu.memory_space<vmem>>[vector<16xi32>, vector<16xi32>], vector<16xf32>,
      %add3A_260 = arith.constant 1 : i32
      %add3A_261 = vector.broadcast %add3A_260 : i32 to vector<16xi32>
      %add3A_262 = arith.addi %mul3A_249, %add3A_261 : vector<16xi32>
      %gather3A_263 = tpu.vector_load_idx %arg9[%add3A_262] : memref<4096xf32, #tpu.memory_space<vmem>>[vector<16xi32>], vector<16xf32>,
      %add3A_264 = arith.constant 1 : i32
      %add3A_265 = arith.addi %mul3A_65, %add3A_264 : i32
      %broadcast_in_dim3A_266 = vector.broadcast %add3A_265 : i32 to vector<16xi32>
      tpu.vector_store_idx %arg10[%add3A_252, %broadcast_in_dim3A_266], %gather3A_263 : memref<256x128xf32, #tpu.memory_space<vmem>>[vector<16xi32>, vector<16xi32>], vector<16xf32>,
      %add3A_267 = arith.constant 2 : i32
      %add3A_268 = vector.broadcast %add3A_267 : i32 to vector<16xi32>
      %add3A_269 = arith.addi %mul3A_249, %add3A_268 : vector<16xi32>
      %gather3A_270 = tpu.vector_load_idx %arg9[%add3A_269] : memref<4096xf32, #tpu.memory_space<vmem>>[vector<16xi32>], vector<16xf32>,
      %add3A_271 = arith.constant 2 : i32
      %add3A_272 = arith.addi %mul3A_65, %add3A_271 : i32
      %broadcast_in_dim3A_273 = vector.broadcast %add3A_272 : i32 to vector<16xi32>
      tpu.vector_store_idx %arg10[%add3A_252, %broadcast_in_dim3A_273], %gather3A_270 : memref<256x128xf32, #tpu.memory_space<vmem>>[vector<16xi32>, vector<16xi32>], vector<16xf32>,
      %add3A_274 = arith.constant 3 : i32
      %add3A_275 = vector.broadcast %add3A_274 : i32 to vector<16xi32>
      %add3A_276 = arith.addi %mul3A_249, %add3A_275 : vector<16xi32>
      %gather3A_277 = tpu.vector_load_idx %arg9[%add3A_276] : memref<4096xf32, #tpu.memory_space<vmem>>[vector<16xi32>], vector<16xf32>,
      %add3A_278 = arith.constant 3 : i32
      %add3A_279 = arith.addi %mul3A_65, %add3A_278 : i32
      %broadcast_in_dim3A_280 = vector.broadcast %add3A_279 : i32 to vector<16xi32>
      tpu.vector_store_idx %arg10[%add3A_252, %broadcast_in_dim3A_280], %gather3A_277 : memref<256x128xf32, #tpu.memory_space<vmem>>[vector<16xi32>, vector<16xi32>], vector<16xf32>,
      %get3A_281 = arith.constant 96 : index
      %get3A_282 = tpu.vector_load %arg8[%get3A_281] {strides = array<i32>} : memref<256xi32, #tpu.memory_space<vmem>>, vector<16xi32>,
      %mul3A_283 = arith.constant 4 : i32
      %mul3A_284 = vector.broadcast %mul3A_283 : i32 to vector<16xi32>
      %mul3A_285 = arith.muli %get3A_282, %mul3A_284 : vector<16xi32>
      %add3A_286 = arith.constant 96 : i32
      %add3A_287 = vector.broadcast %add3A_286 : i32 to vector<16xi32>
      %add3A_288 = arith.addi %iota3A, %add3A_287 : vector<16xi32>
      %add3A_289 = arith.constant 0 : i32
      %add3A_290 = vector.broadcast %add3A_289 : i32 to vector<16xi32>
      %add3A_291 = arith.addi %mul3A_285, %add3A_290 : vector<16xi32>
      %gather3A_292 = tpu.vector_load_idx %arg9[%add3A_291] : memref<4096xf32, #tpu.memory_space<vmem>>[vector<16xi32>], vector<16xf32>,
      %add3A_293 = arith.constant 0 : i32
      %add3A_294 = arith.addi %mul3A_65, %add3A_293 : i32
      %broadcast_in_dim3A_295 = vector.broadcast %add3A_294 : i32 to vector<16xi32>
      tpu.vector_store_idx %arg10[%add3A_288, %broadcast_in_dim3A_295], %gather3A_292 : memref<256x128xf32, #tpu.memory_space<vmem>>[vector<16xi32>, vector<16xi32>], vector<16xf32>,
      %add3A_296 = arith.constant 1 : i32
      %add3A_297 = vector.broadcast %add3A_296 : i32 to vector<16xi32>
      %add3A_298 = arith.addi %mul3A_285, %add3A_297 : vector<16xi32>
      %gather3A_299 = tpu.vector_load_idx %arg9[%add3A_298] : memref<4096xf32, #tpu.memory_space<vmem>>[vector<16xi32>], vector<16xf32>,
      %add3A_300 = arith.constant 1 : i32
      %add3A_301 = arith.addi %mul3A_65, %add3A_300 : i32
      %broadcast_in_dim3A_302 = vector.broadcast %add3A_301 : i32 to vector<16xi32>
      tpu.vector_store_idx %arg10[%add3A_288, %broadcast_in_dim3A_302], %gather3A_299 : memref<256x128xf32, #tpu.memory_space<vmem>>[vector<16xi32>, vector<16xi32>], vector<16xf32>,
      %add3A_303 = arith.constant 2 : i32
      %add3A_304 = vector.broadcast %add3A_303 : i32 to vector<16xi32>
      %add3A_305 = arith.addi %mul3A_285, %add3A_304 : vector<16xi32>
      %gather3A_306 = tpu.vector_load_idx %arg9[%add3A_305] : memref<4096xf32, #tpu.memory_space<vmem>>[vector<16xi32>], vector<16xf32>,
      %add3A_307 = arith.constant 2 : i32
      %add3A_308 = arith.addi %mul3A_65, %add3A_307 : i32
      %broadcast_in_dim3A_309 = vector.broadcast %add3A_308 : i32 to vector<16xi32>
      tpu.vector_store_idx %arg10[%add3A_288, %broadcast_in_dim3A_309], %gather3A_306 : memref<256x128xf32, #tpu.memory_space<vmem>>[vector<16xi32>, vector<16xi32>], vector<16xf32>,
      %add3A_310 = arith.constant 3 : i32
      %add3A_311 = vector.broadcast %add3A_310 : i32 to vector<16xi32>
      %add3A_312 = arith.addi %mul3A_285, %add3A_311 : vector<16xi32>
      %gather3A_313 = tpu.vector_load_idx %arg9[%add3A_312] : memref<4096xf32, #tpu.memory_space<vmem>>[vector<16xi32>], vector<16xf32>,
      %add3A_314 = arith.constant 3 : i32
      %add3A_315 = arith.addi %mul3A_65, %add3A_314 : i32
      %broadcast_in_dim3A_316 = vector.broadcast %add3A_315 : i32 to vector<16xi32>
      tpu.vector_store_idx %arg10[%add3A_288, %broadcast_in_dim3A_316], %gather3A_313 : memref<256x128xf32, #tpu.memory_space<vmem>>[vector<16xi32>, vector<16xi32>], vector<16xf32>,
      %get3A_317 = arith.constant 112 : index
      %get3A_318 = tpu.vector_load %arg8[%get3A_317] {strides = array<i32>} : memref<256xi32, #tpu.memory_space<vmem>>, vector<16xi32>,
      %mul3A_319 = arith.constant 4 : i32
      %mul3A_320 = vector.broadcast %mul3A_319 : i32 to vector<16xi32>
      %mul3A_321 = arith.muli %get3A_318, %mul3A_320 : vector<16xi32>
      %add3A_322 = arith.constant 112 : i32
      %add3A_323 = vector.broadcast %add3A_322 : i32 to vector<16xi32>
      %add3A_324 = arith.addi %iota3A, %add3A_323 : vector<16xi32>
      %add3A_325 = arith.constant 0 : i32
      %add3A_326 = vector.broadcast %add3A_325 : i32 to vector<16xi32>
      %add3A_327 = arith.addi %mul3A_321, %add3A_326 : vector<16xi32>
      %gather3A_328 = tpu.vector_load_idx %arg9[%add3A_327] : memref<4096xf32, #tpu.memory_space<vmem>>[vector<16xi32>], vector<16xf32>,
      %add3A_329 = arith.constant 0 : i32
      %add3A_330 = arith.addi %mul3A_65, %add3A_329 : i32
      %broadcast_in_dim3A_331 = vector.broadcast %add3A_330 : i32 to vector<16xi32>
      tpu.vector_store_idx %arg10[%add3A_324, %broadcast_in_dim3A_331], %gather3A_328 : memref<256x128xf32, #tpu.memory_space<vmem>>[vector<16xi32>, vector<16xi32>], vector<16xf32>,
      %add3A_332 = arith.constant 1 : i32
      %add3A_333 = vector.broadcast %add3A_332 : i32 to vector<16xi32>
      %add3A_334 = arith.addi %mul3A_321, %add3A_333 : vector<16xi32>
      %gather3A_335 = tpu.vector_load_idx %arg9[%add3A_334] : memref<4096xf32, #tpu.memory_space<vmem>>[vector<16xi32>], vector<16xf32>,
      %add3A_336 = arith.constant 1 : i32
      %add3A_337 = arith.addi %mul3A_65, %add3A_336 : i32
      %broadcast_in_dim3A_338 = vector.broadcast %add3A_337 : i32 to vector<16xi32>
      tpu.vector_store_idx %arg10[%add3A_324, %broadcast_in_dim3A_338], %gather3A_335 : memref<256x128xf32, #tpu.memory_space<vmem>>[vector<16xi32>, vector<16xi32>], vector<16xf32>,
      %add3A_339 = arith.constant 2 : i32
      %add3A_340 = vector.broadcast %add3A_339 : i32 to vector<16xi32>
      %add3A_341 = arith.addi %mul3A_321, %add3A_340 : vector<16xi32>
      %gather3A_342 = tpu.vector_load_idx %arg9[%add3A_341] : memref<4096xf32, #tpu.memory_space<vmem>>[vector<16xi32>], vector<16xf32>,
      %add3A_343 = arith.constant 2 : i32
      %add3A_344 = arith.addi %mul3A_65, %add3A_343 : i32
      %broadcast_in_dim3A_345 = vector.broadcast %add3A_344 : i32 to vector<16xi32>
      tpu.vector_store_idx %arg10[%add3A_324, %broadcast_in_dim3A_345], %gather3A_342 : memref<256x128xf32, #tpu.memory_space<vmem>>[vector<16xi32>, vector<16xi32>], vector<16xf32>,
      %add3A_346 = arith.constant 3 : i32
      %add3A_347 = vector.broadcast %add3A_346 : i32 to vector<16xi32>
      %add3A_348 = arith.addi %mul3A_321, %add3A_347 : vector<16xi32>
      %gather3A_349 = tpu.vector_load_idx %arg9[%add3A_348] : memref<4096xf32, #tpu.memory_space<vmem>>[vector<16xi32>], vector<16xf32>,
      %add3A_350 = arith.constant 3 : i32
      %add3A_351 = arith.addi %mul3A_65, %add3A_350 : i32
      %broadcast_in_dim3A_352 = vector.broadcast %add3A_351 : i32 to vector<16xi32>
      tpu.vector_store_idx %arg10[%add3A_324, %broadcast_in_dim3A_352], %gather3A_349 : memref<256x128xf32, #tpu.memory_space<vmem>>[vector<16xi32>, vector<16xi32>], vector<16xf32>,
      %get3A_353 = arith.constant 128 : index
      %get3A_354 = tpu.vector_load %arg8[%get3A_353] {strides = array<i32>} : memref<256xi32, #tpu.memory_space<vmem>>, vector<16xi32>,
      %mul3A_355 = arith.constant 4 : i32
      %mul3A_356 = vector.broadcast %mul3A_355 : i32 to vector<16xi32>
      %mul3A_357 = arith.muli %get3A_354, %mul3A_356 : vector<16xi32>
      %add3A_358 = arith.constant 128 : i32
      %add3A_359 = vector.broadcast %add3A_358 : i32 to vector<16xi32>
      %add3A_360 = arith.addi %iota3A, %add3A_359 : vector<16xi32>
      %add3A_361 = arith.constant 0 : i32
      %add3A_362 = vector.broadcast %add3A_361 : i32 to vector<16xi32>
      %add3A_363 = arith.addi %mul3A_357, %add3A_362 : vector<16xi32>
      %gather3A_364 = tpu.vector_load_idx %arg9[%add3A_363] : memref<4096xf32, #tpu.memory_space<vmem>>[vector<16xi32>], vector<16xf32>,
      %add3A_365 = arith.constant 0 : i32
      %add3A_366 = arith.addi %mul3A_65, %add3A_365 : i32
      %broadcast_in_dim3A_367 = vector.broadcast %add3A_366 : i32 to vector<16xi32>
      tpu.vector_store_idx %arg10[%add3A_360, %broadcast_in_dim3A_367], %gather3A_364 : memref<256x128xf32, #tpu.memory_space<vmem>>[vector<16xi32>, vector<16xi32>], vector<16xf32>,
      %add3A_368 = arith.constant 1 : i32
      %add3A_369 = vector.broadcast %add3A_368 : i32 to vector<16xi32>
      %add3A_370 = arith.addi %mul3A_357, %add3A_369 : vector<16xi32>
      %gather3A_371 = tpu.vector_load_idx %arg9[%add3A_370] : memref<4096xf32, #tpu.memory_space<vmem>>[vector<16xi32>], vector<16xf32>,
      %add3A_372 = arith.constant 1 : i32
      %add3A_373 = arith.addi %mul3A_65, %add3A_372 : i32
      %broadcast_in_dim3A_374 = vector.broadcast %add3A_373 : i32 to vector<16xi32>
      tpu.vector_store_idx %arg10[%add3A_360, %broadcast_in_dim3A_374], %gather3A_371 : memref<256x128xf32, #tpu.memory_space<vmem>>[vector<16xi32>, vector<16xi32>], vector<16xf32>,
      %add3A_375 = arith.constant 2 : i32
      %add3A_376 = vector.broadcast %add3A_375 : i32 to vector<16xi32>
      %add3A_377 = arith.addi %mul3A_357, %add3A_376 : vector<16xi32>
      %gather3A_378 = tpu.vector_load_idx %arg9[%add3A_377] : memref<4096xf32, #tpu.memory_space<vmem>>[vector<16xi32>], vector<16xf32>,
      %add3A_379 = arith.constant 2 : i32
      %add3A_380 = arith.addi %mul3A_65, %add3A_379 : i32
      %broadcast_in_dim3A_381 = vector.broadcast %add3A_380 : i32 to vector<16xi32>
      tpu.vector_store_idx %arg10[%add3A_360, %broadcast_in_dim3A_381], %gather3A_378 : memref<256x128xf32, #tpu.memory_space<vmem>>[vector<16xi32>, vector<16xi32>], vector<16xf32>,
      %add3A_382 = arith.constant 3 : i32
      %add3A_383 = vector.broadcast %add3A_382 : i32 to vector<16xi32>
      %add3A_384 = arith.addi %mul3A_357, %add3A_383 : vector<16xi32>
      %gather3A_385 = tpu.vector_load_idx %arg9[%add3A_384] : memref<4096xf32, #tpu.memory_space<vmem>>[vector<16xi32>], vector<16xf32>,
      %add3A_386 = arith.constant 3 : i32
      %add3A_387 = arith.addi %mul3A_65, %add3A_386 : i32
      %broadcast_in_dim3A_388 = vector.broadcast %add3A_387 : i32 to vector<16xi32>
      tpu.vector_store_idx %arg10[%add3A_360, %broadcast_in_dim3A_388], %gather3A_385 : memref<256x128xf32, #tpu.memory_space<vmem>>[vector<16xi32>, vector<16xi32>], vector<16xf32>,
      %get3A_389 = arith.constant 144 : index
      %get3A_390 = tpu.vector_load %arg8[%get3A_389] {strides = array<i32>} : memref<256xi32, #tpu.memory_space<vmem>>, vector<16xi32>,
      %mul3A_391 = arith.constant 4 : i32
      %mul3A_392 = vector.broadcast %mul3A_391 : i32 to vector<16xi32>
      %mul3A_393 = arith.muli %get3A_390, %mul3A_392 : vector<16xi32>
      %add3A_394 = arith.constant 144 : i32
      %add3A_395 = vector.broadcast %add3A_394 : i32 to vector<16xi32>
      %add3A_396 = arith.addi %iota3A, %add3A_395 : vector<16xi32>
      %add3A_397 = arith.constant 0 : i32
      %add3A_398 = vector.broadcast %add3A_397 : i32 to vector<16xi32>
      %add3A_399 = arith.addi %mul3A_393, %add3A_398 : vector<16xi32>
      %gather3A_400 = tpu.vector_load_idx %arg9[%add3A_399] : memref<4096xf32, #tpu.memory_space<vmem>>[vector<16xi32>], vector<16xf32>,
      %add3A_401 = arith.constant 0 : i32
      %add3A_402 = arith.addi %mul3A_65, %add3A_401 : i32
      %broadcast_in_dim3A_403 = vector.broadcast %add3A_402 : i32 to vector<16xi32>
      tpu.vector_store_idx %arg10[%add3A_396, %broadcast_in_dim3A_403], %gather3A_400 : memref<256x128xf32, #tpu.memory_space<vmem>>[vector<16xi32>, vector<16xi32>], vector<16xf32>,
      %add3A_404 = arith.constant 1 : i32
      %add3A_405 = vector.broadcast %add3A_404 : i32 to vector<16xi32>
      %add3A_406 = arith.addi %mul3A_393, %add3A_405 : vector<16xi32>
      %gather3A_407 = tpu.vector_load_idx %arg9[%add3A_406] : memref<4096xf32, #tpu.memory_space<vmem>>[vector<16xi32>], vector<16xf32>,
      %add3A_408 = arith.constant 1 : i32
      %add3A_409 = arith.addi %mul3A_65, %add3A_408 : i32
      %broadcast_in_dim3A_410 = vector.broadcast %add3A_409 : i32 to vector<16xi32>
      tpu.vector_store_idx %arg10[%add3A_396, %broadcast_in_dim3A_410], %gather3A_407 : memref<256x128xf32, #tpu.memory_space<vmem>>[vector<16xi32>, vector<16xi32>], vector<16xf32>,
      %add3A_411 = arith.constant 2 : i32
      %add3A_412 = vector.broadcast %add3A_411 : i32 to vector<16xi32>
      %add3A_413 = arith.addi %mul3A_393, %add3A_412 : vector<16xi32>
      %gather3A_414 = tpu.vector_load_idx %arg9[%add3A_413] : memref<4096xf32, #tpu.memory_space<vmem>>[vector<16xi32>], vector<16xf32>,
      %add3A_415 = arith.constant 2 : i32
      %add3A_416 = arith.addi %mul3A_65, %add3A_415 : i32
      %broadcast_in_dim3A_417 = vector.broadcast %add3A_416 : i32 to vector<16xi32>
      tpu.vector_store_idx %arg10[%add3A_396, %broadcast_in_dim3A_417], %gather3A_414 : memref<256x128xf32, #tpu.memory_space<vmem>>[vector<16xi32>, vector<16xi32>], vector<16xf32>,
      %add3A_418 = arith.constant 3 : i32
      %add3A_419 = vector.broadcast %add3A_418 : i32 to vector<16xi32>
      %add3A_420 = arith.addi %mul3A_393, %add3A_419 : vector<16xi32>
      %gather3A_421 = tpu.vector_load_idx %arg9[%add3A_420] : memref<4096xf32, #tpu.memory_space<vmem>>[vector<16xi32>], vector<16xf32>,
      %add3A_422 = arith.constant 3 : i32
      %add3A_423 = arith.addi %mul3A_65, %add3A_422 : i32
      %broadcast_in_dim3A_424 = vector.broadcast %add3A_423 : i32 to vector<16xi32>
      tpu.vector_store_idx %arg10[%add3A_396, %broadcast_in_dim3A_424], %gather3A_421 : memref<256x128xf32, #tpu.memory_space<vmem>>[vector<16xi32>, vector<16xi32>], vector<16xf32>,
      %get3A_425 = arith.constant 160 : index
      %get3A_426 = tpu.vector_load %arg8[%get3A_425] {strides = array<i32>} : memref<256xi32, #tpu.memory_space<vmem>>, vector<16xi32>,
      %mul3A_427 = arith.constant 4 : i32
      %mul3A_428 = vector.broadcast %mul3A_427 : i32 to vector<16xi32>
      %mul3A_429 = arith.muli %get3A_426, %mul3A_428 : vector<16xi32>
      %add3A_430 = arith.constant 160 : i32
      %add3A_431 = vector.broadcast %add3A_430 : i32 to vector<16xi32>
      %add3A_432 = arith.addi %iota3A, %add3A_431 : vector<16xi32>
      %add3A_433 = arith.constant 0 : i32
      %add3A_434 = vector.broadcast %add3A_433 : i32 to vector<16xi32>
      %add3A_435 = arith.addi %mul3A_429, %add3A_434 : vector<16xi32>
      %gather3A_436 = tpu.vector_load_idx %arg9[%add3A_435] : memref<4096xf32, #tpu.memory_space<vmem>>[vector<16xi32>], vector<16xf32>,
      %add3A_437 = arith.constant 0 : i32
      %add3A_438 = arith.addi %mul3A_65, %add3A_437 : i32
      %broadcast_in_dim3A_439 = vector.broadcast %add3A_438 : i32 to vector<16xi32>
      tpu.vector_store_idx %arg10[%add3A_432, %broadcast_in_dim3A_439], %gather3A_436 : memref<256x128xf32, #tpu.memory_space<vmem>>[vector<16xi32>, vector<16xi32>], vector<16xf32>,
      %add3A_440 = arith.constant 1 : i32
      %add3A_441 = vector.broadcast %add3A_440 : i32 to vector<16xi32>
      %add3A_442 = arith.addi %mul3A_429, %add3A_441 : vector<16xi32>
      %gather3A_443 = tpu.vector_load_idx %arg9[%add3A_442] : memref<4096xf32, #tpu.memory_space<vmem>>[vector<16xi32>], vector<16xf32>,
      %add3A_444 = arith.constant 1 : i32
      %add3A_445 = arith.addi %mul3A_65, %add3A_444 : i32
      %broadcast_in_dim3A_446 = vector.broadcast %add3A_445 : i32 to vector<16xi32>
      tpu.vector_store_idx %arg10[%add3A_432, %broadcast_in_dim3A_446], %gather3A_443 : memref<256x128xf32, #tpu.memory_space<vmem>>[vector<16xi32>, vector<16xi32>], vector<16xf32>,
      %add3A_447 = arith.constant 2 : i32
      %add3A_448 = vector.broadcast %add3A_447 : i32 to vector<16xi32>
      %add3A_449 = arith.addi %mul3A_429, %add3A_448 : vector<16xi32>
      %gather3A_450 = tpu.vector_load_idx %arg9[%add3A_449] : memref<4096xf32, #tpu.memory_space<vmem>>[vector<16xi32>], vector<16xf32>,
      %add3A_451 = arith.constant 2 : i32
      %add3A_452 = arith.addi %mul3A_65, %add3A_451 : i32
      %broadcast_in_dim3A_453 = vector.broadcast %add3A_452 : i32 to vector<16xi32>
      tpu.vector_store_idx %arg10[%add3A_432, %broadcast_in_dim3A_453], %gather3A_450 : memref<256x128xf32, #tpu.memory_space<vmem>>[vector<16xi32>, vector<16xi32>], vector<16xf32>,
      %add3A_454 = arith.constant 3 : i32
      %add3A_455 = vector.broadcast %add3A_454 : i32 to vector<16xi32>
      %add3A_456 = arith.addi %mul3A_429, %add3A_455 : vector<16xi32>
      %gather3A_457 = tpu.vector_load_idx %arg9[%add3A_456] : memref<4096xf32, #tpu.memory_space<vmem>>[vector<16xi32>], vector<16xf32>,
      %add3A_458 = arith.constant 3 : i32
      %add3A_459 = arith.addi %mul3A_65, %add3A_458 : i32
      %broadcast_in_dim3A_460 = vector.broadcast %add3A_459 : i32 to vector<16xi32>
      tpu.vector_store_idx %arg10[%add3A_432, %broadcast_in_dim3A_460], %gather3A_457 : memref<256x128xf32, #tpu.memory_space<vmem>>[vector<16xi32>, vector<16xi32>], vector<16xf32>,
      %get3A_461 = arith.constant 176 : index
      %get3A_462 = tpu.vector_load %arg8[%get3A_461] {strides = array<i32>} : memref<256xi32, #tpu.memory_space<vmem>>, vector<16xi32>,
      %mul3A_463 = arith.constant 4 : i32
      %mul3A_464 = vector.broadcast %mul3A_463 : i32 to vector<16xi32>
      %mul3A_465 = arith.muli %get3A_462, %mul3A_464 : vector<16xi32>
      %add3A_466 = arith.constant 176 : i32
      %add3A_467 = vector.broadcast %add3A_466 : i32 to vector<16xi32>
      %add3A_468 = arith.addi %iota3A, %add3A_467 : vector<16xi32>
      %add3A_469 = arith.constant 0 : i32
      %add3A_470 = vector.broadcast %add3A_469 : i32 to vector<16xi32>
      %add3A_471 = arith.addi %mul3A_465, %add3A_470 : vector<16xi32>
      %gather3A_472 = tpu.vector_load_idx %arg9[%add3A_471] : memref<4096xf32, #tpu.memory_space<vmem>>[vector<16xi32>], vector<16xf32>,
      %add3A_473 = arith.constant 0 : i32
      %add3A_474 = arith.addi %mul3A_65, %add3A_473 : i32
      %broadcast_in_dim3A_475 = vector.broadcast %add3A_474 : i32 to vector<16xi32>
      tpu.vector_store_idx %arg10[%add3A_468, %broadcast_in_dim3A_475], %gather3A_472 : memref<256x128xf32, #tpu.memory_space<vmem>>[vector<16xi32>, vector<16xi32>], vector<16xf32>,
      %add3A_476 = arith.constant 1 : i32
      %add3A_477 = vector.broadcast %add3A_476 : i32 to vector<16xi32>
      %add3A_478 = arith.addi %mul3A_465, %add3A_477 : vector<16xi32>
      %gather3A_479 = tpu.vector_load_idx %arg9[%add3A_478] : memref<4096xf32, #tpu.memory_space<vmem>>[vector<16xi32>], vector<16xf32>,
      %add3A_480 = arith.constant 1 : i32
      %add3A_481 = arith.addi %mul3A_65, %add3A_480 : i32
      %broadcast_in_dim3A_482 = vector.broadcast %add3A_481 : i32 to vector<16xi32>
      tpu.vector_store_idx %arg10[%add3A_468, %broadcast_in_dim3A_482], %gather3A_479 : memref<256x128xf32, #tpu.memory_space<vmem>>[vector<16xi32>, vector<16xi32>], vector<16xf32>,
      %add3A_483 = arith.constant 2 : i32
      %add3A_484 = vector.broadcast %add3A_483 : i32 to vector<16xi32>
      %add3A_485 = arith.addi %mul3A_465, %add3A_484 : vector<16xi32>
      %gather3A_486 = tpu.vector_load_idx %arg9[%add3A_485] : memref<4096xf32, #tpu.memory_space<vmem>>[vector<16xi32>], vector<16xf32>,
      %add3A_487 = arith.constant 2 : i32
      %add3A_488 = arith.addi %mul3A_65, %add3A_487 : i32
      %broadcast_in_dim3A_489 = vector.broadcast %add3A_488 : i32 to vector<16xi32>
      tpu.vector_store_idx %arg10[%add3A_468, %broadcast_in_dim3A_489], %gather3A_486 : memref<256x128xf32, #tpu.memory_space<vmem>>[vector<16xi32>, vector<16xi32>], vector<16xf32>,
      %add3A_490 = arith.constant 3 : i32
      %add3A_491 = vector.broadcast %add3A_490 : i32 to vector<16xi32>
      %add3A_492 = arith.addi %mul3A_465, %add3A_491 : vector<16xi32>
      %gather3A_493 = tpu.vector_load_idx %arg9[%add3A_492] : memref<4096xf32, #tpu.memory_space<vmem>>[vector<16xi32>], vector<16xf32>,
      %add3A_494 = arith.constant 3 : i32
      %add3A_495 = arith.addi %mul3A_65, %add3A_494 : i32
      %broadcast_in_dim3A_496 = vector.broadcast %add3A_495 : i32 to vector<16xi32>
      tpu.vector_store_idx %arg10[%add3A_468, %broadcast_in_dim3A_496], %gather3A_493 : memref<256x128xf32, #tpu.memory_space<vmem>>[vector<16xi32>, vector<16xi32>], vector<16xf32>,
      %get3A_497 = arith.constant 192 : index
      %get3A_498 = tpu.vector_load %arg8[%get3A_497] {strides = array<i32>} : memref<256xi32, #tpu.memory_space<vmem>>, vector<16xi32>,
      %mul3A_499 = arith.constant 4 : i32
      %mul3A_500 = vector.broadcast %mul3A_499 : i32 to vector<16xi32>
      %mul3A_501 = arith.muli %get3A_498, %mul3A_500 : vector<16xi32>
      %add3A_502 = arith.constant 192 : i32
      %add3A_503 = vector.broadcast %add3A_502 : i32 to vector<16xi32>
      %add3A_504 = arith.addi %iota3A, %add3A_503 : vector<16xi32>
      %add3A_505 = arith.constant 0 : i32
      %add3A_506 = vector.broadcast %add3A_505 : i32 to vector<16xi32>
      %add3A_507 = arith.addi %mul3A_501, %add3A_506 : vector<16xi32>
      %gather3A_508 = tpu.vector_load_idx %arg9[%add3A_507] : memref<4096xf32, #tpu.memory_space<vmem>>[vector<16xi32>], vector<16xf32>,
      %add3A_509 = arith.constant 0 : i32
      %add3A_510 = arith.addi %mul3A_65, %add3A_509 : i32
      %broadcast_in_dim3A_511 = vector.broadcast %add3A_510 : i32 to vector<16xi32>
      tpu.vector_store_idx %arg10[%add3A_504, %broadcast_in_dim3A_511], %gather3A_508 : memref<256x128xf32, #tpu.memory_space<vmem>>[vector<16xi32>, vector<16xi32>], vector<16xf32>,
      %add3A_512 = arith.constant 1 : i32
      %add3A_513 = vector.broadcast %add3A_512 : i32 to vector<16xi32>
      %add3A_514 = arith.addi %mul3A_501, %add3A_513 : vector<16xi32>
      %gather3A_515 = tpu.vector_load_idx %arg9[%add3A_514] : memref<4096xf32, #tpu.memory_space<vmem>>[vector<16xi32>], vector<16xf32>,
      %add3A_516 = arith.constant 1 : i32
      %add3A_517 = arith.addi %mul3A_65, %add3A_516 : i32
      %broadcast_in_dim3A_518 = vector.broadcast %add3A_517 : i32 to vector<16xi32>
      tpu.vector_store_idx %arg10[%add3A_504, %broadcast_in_dim3A_518], %gather3A_515 : memref<256x128xf32, #tpu.memory_space<vmem>>[vector<16xi32>, vector<16xi32>], vector<16xf32>,
      %add3A_519 = arith.constant 2 : i32
      %add3A_520 = vector.broadcast %add3A_519 : i32 to vector<16xi32>
      %add3A_521 = arith.addi %mul3A_501, %add3A_520 : vector<16xi32>
      %gather3A_522 = tpu.vector_load_idx %arg9[%add3A_521] : memref<4096xf32, #tpu.memory_space<vmem>>[vector<16xi32>], vector<16xf32>,
      %add3A_523 = arith.constant 2 : i32
      %add3A_524 = arith.addi %mul3A_65, %add3A_523 : i32
      %broadcast_in_dim3A_525 = vector.broadcast %add3A_524 : i32 to vector<16xi32>
      tpu.vector_store_idx %arg10[%add3A_504, %broadcast_in_dim3A_525], %gather3A_522 : memref<256x128xf32, #tpu.memory_space<vmem>>[vector<16xi32>, vector<16xi32>], vector<16xf32>,
      %add3A_526 = arith.constant 3 : i32
      %add3A_527 = vector.broadcast %add3A_526 : i32 to vector<16xi32>
      %add3A_528 = arith.addi %mul3A_501, %add3A_527 : vector<16xi32>
      %gather3A_529 = tpu.vector_load_idx %arg9[%add3A_528] : memref<4096xf32, #tpu.memory_space<vmem>>[vector<16xi32>], vector<16xf32>,
      %add3A_530 = arith.constant 3 : i32
      %add3A_531 = arith.addi %mul3A_65, %add3A_530 : i32
      %broadcast_in_dim3A_532 = vector.broadcast %add3A_531 : i32 to vector<16xi32>
      tpu.vector_store_idx %arg10[%add3A_504, %broadcast_in_dim3A_532], %gather3A_529 : memref<256x128xf32, #tpu.memory_space<vmem>>[vector<16xi32>, vector<16xi32>], vector<16xf32>,
      %get3A_533 = arith.constant 208 : index
      %get3A_534 = tpu.vector_load %arg8[%get3A_533] {strides = array<i32>} : memref<256xi32, #tpu.memory_space<vmem>>, vector<16xi32>,
      %mul3A_535 = arith.constant 4 : i32
      %mul3A_536 = vector.broadcast %mul3A_535 : i32 to vector<16xi32>
      %mul3A_537 = arith.muli %get3A_534, %mul3A_536 : vector<16xi32>
      %add3A_538 = arith.constant 208 : i32
      %add3A_539 = vector.broadcast %add3A_538 : i32 to vector<16xi32>
      %add3A_540 = arith.addi %iota3A, %add3A_539 : vector<16xi32>
      %add3A_541 = arith.constant 0 : i32
      %add3A_542 = vector.broadcast %add3A_541 : i32 to vector<16xi32>
      %add3A_543 = arith.addi %mul3A_537, %add3A_542 : vector<16xi32>
      %gather3A_544 = tpu.vector_load_idx %arg9[%add3A_543] : memref<4096xf32, #tpu.memory_space<vmem>>[vector<16xi32>], vector<16xf32>,
      %add3A_545 = arith.constant 0 : i32
      %add3A_546 = arith.addi %mul3A_65, %add3A_545 : i32
      %broadcast_in_dim3A_547 = vector.broadcast %add3A_546 : i32 to vector<16xi32>
      tpu.vector_store_idx %arg10[%add3A_540, %broadcast_in_dim3A_547], %gather3A_544 : memref<256x128xf32, #tpu.memory_space<vmem>>[vector<16xi32>, vector<16xi32>], vector<16xf32>,
      %add3A_548 = arith.constant 1 : i32
      %add3A_549 = vector.broadcast %add3A_548 : i32 to vector<16xi32>
      %add3A_550 = arith.addi %mul3A_537, %add3A_549 : vector<16xi32>
      %gather3A_551 = tpu.vector_load_idx %arg9[%add3A_550] : memref<4096xf32, #tpu.memory_space<vmem>>[vector<16xi32>], vector<16xf32>,
      %add3A_552 = arith.constant 1 : i32
      %add3A_553 = arith.addi %mul3A_65, %add3A_552 : i32
      %broadcast_in_dim3A_554 = vector.broadcast %add3A_553 : i32 to vector<16xi32>
      tpu.vector_store_idx %arg10[%add3A_540, %broadcast_in_dim3A_554], %gather3A_551 : memref<256x128xf32, #tpu.memory_space<vmem>>[vector<16xi32>, vector<16xi32>], vector<16xf32>,
      %add3A_555 = arith.constant 2 : i32
      %add3A_556 = vector.broadcast %add3A_555 : i32 to vector<16xi32>
      %add3A_557 = arith.addi %mul3A_537, %add3A_556 : vector<16xi32>
      %gather3A_558 = tpu.vector_load_idx %arg9[%add3A_557] : memref<4096xf32, #tpu.memory_space<vmem>>[vector<16xi32>], vector<16xf32>,
      %add3A_559 = arith.constant 2 : i32
      %add3A_560 = arith.addi %mul3A_65, %add3A_559 : i32
      %broadcast_in_dim3A_561 = vector.broadcast %add3A_560 : i32 to vector<16xi32>
      tpu.vector_store_idx %arg10[%add3A_540, %broadcast_in_dim3A_561], %gather3A_558 : memref<256x128xf32, #tpu.memory_space<vmem>>[vector<16xi32>, vector<16xi32>], vector<16xf32>,
      %add3A_562 = arith.constant 3 : i32
      %add3A_563 = vector.broadcast %add3A_562 : i32 to vector<16xi32>
      %add3A_564 = arith.addi %mul3A_537, %add3A_563 : vector<16xi32>
      %gather3A_565 = tpu.vector_load_idx %arg9[%add3A_564] : memref<4096xf32, #tpu.memory_space<vmem>>[vector<16xi32>], vector<16xf32>,
      %add3A_566 = arith.constant 3 : i32
      %add3A_567 = arith.addi %mul3A_65, %add3A_566 : i32
      %broadcast_in_dim3A_568 = vector.broadcast %add3A_567 : i32 to vector<16xi32>
      tpu.vector_store_idx %arg10[%add3A_540, %broadcast_in_dim3A_568], %gather3A_565 : memref<256x128xf32, #tpu.memory_space<vmem>>[vector<16xi32>, vector<16xi32>], vector<16xf32>,
      %get3A_569 = arith.constant 224 : index
      %get3A_570 = tpu.vector_load %arg8[%get3A_569] {strides = array<i32>} : memref<256xi32, #tpu.memory_space<vmem>>, vector<16xi32>,
      %mul3A_571 = arith.constant 4 : i32
      %mul3A_572 = vector.broadcast %mul3A_571 : i32 to vector<16xi32>
      %mul3A_573 = arith.muli %get3A_570, %mul3A_572 : vector<16xi32>
      %add3A_574 = arith.constant 224 : i32
      %add3A_575 = vector.broadcast %add3A_574 : i32 to vector<16xi32>
      %add3A_576 = arith.addi %iota3A, %add3A_575 : vector<16xi32>
      %add3A_577 = arith.constant 0 : i32
      %add3A_578 = vector.broadcast %add3A_577 : i32 to vector<16xi32>
      %add3A_579 = arith.addi %mul3A_573, %add3A_578 : vector<16xi32>
      %gather3A_580 = tpu.vector_load_idx %arg9[%add3A_579] : memref<4096xf32, #tpu.memory_space<vmem>>[vector<16xi32>], vector<16xf32>,
      %add3A_581 = arith.constant 0 : i32
      %add3A_582 = arith.addi %mul3A_65, %add3A_581 : i32
      %broadcast_in_dim3A_583 = vector.broadcast %add3A_582 : i32 to vector<16xi32>
      tpu.vector_store_idx %arg10[%add3A_576, %broadcast_in_dim3A_583], %gather3A_580 : memref<256x128xf32, #tpu.memory_space<vmem>>[vector<16xi32>, vector<16xi32>], vector<16xf32>,
      %add3A_584 = arith.constant 1 : i32
      %add3A_585 = vector.broadcast %add3A_584 : i32 to vector<16xi32>
      %add3A_586 = arith.addi %mul3A_573, %add3A_585 : vector<16xi32>
      %gather3A_587 = tpu.vector_load_idx %arg9[%add3A_586] : memref<4096xf32, #tpu.memory_space<vmem>>[vector<16xi32>], vector<16xf32>,
      %add3A_588 = arith.constant 1 : i32
      %add3A_589 = arith.addi %mul3A_65, %add3A_588 : i32
      %broadcast_in_dim3A_590 = vector.broadcast %add3A_589 : i32 to vector<16xi32>
      tpu.vector_store_idx %arg10[%add3A_576, %broadcast_in_dim3A_590], %gather3A_587 : memref<256x128xf32, #tpu.memory_space<vmem>>[vector<16xi32>, vector<16xi32>], vector<16xf32>,
      %add3A_591 = arith.constant 2 : i32
      %add3A_592 = vector.broadcast %add3A_591 : i32 to vector<16xi32>
      %add3A_593 = arith.addi %mul3A_573, %add3A_592 : vector<16xi32>
      %gather3A_594 = tpu.vector_load_idx %arg9[%add3A_593] : memref<4096xf32, #tpu.memory_space<vmem>>[vector<16xi32>], vector<16xf32>,
      %add3A_595 = arith.constant 2 : i32
      %add3A_596 = arith.addi %mul3A_65, %add3A_595 : i32
      %broadcast_in_dim3A_597 = vector.broadcast %add3A_596 : i32 to vector<16xi32>
      tpu.vector_store_idx %arg10[%add3A_576, %broadcast_in_dim3A_597], %gather3A_594 : memref<256x128xf32, #tpu.memory_space<vmem>>[vector<16xi32>, vector<16xi32>], vector<16xf32>,
      %add3A_598 = arith.constant 3 : i32
      %add3A_599 = vector.broadcast %add3A_598 : i32 to vector<16xi32>
      %add3A_600 = arith.addi %mul3A_573, %add3A_599 : vector<16xi32>
      %gather3A_601 = tpu.vector_load_idx %arg9[%add3A_600] : memref<4096xf32, #tpu.memory_space<vmem>>[vector<16xi32>], vector<16xf32>,
      %add3A_602 = arith.constant 3 : i32
      %add3A_603 = arith.addi %mul3A_65, %add3A_602 : i32
      %broadcast_in_dim3A_604 = vector.broadcast %add3A_603 : i32 to vector<16xi32>
      tpu.vector_store_idx %arg10[%add3A_576, %broadcast_in_dim3A_604], %gather3A_601 : memref<256x128xf32, #tpu.memory_space<vmem>>[vector<16xi32>, vector<16xi32>], vector<16xf32>,
      %get3A_605 = arith.constant 240 : index
      %get3A_606 = tpu.vector_load %arg8[%get3A_605] {strides = array<i32>} : memref<256xi32, #tpu.memory_space<vmem>>, vector<16xi32>,
      %mul3A_607 = arith.constant 4 : i32
      %mul3A_608 = vector.broadcast %mul3A_607 : i32 to vector<16xi32>
      %mul3A_609 = arith.muli %get3A_606, %mul3A_608 : vector<16xi32>
      %add3A_610 = arith.constant 240 : i32
      %add3A_611 = vector.broadcast %add3A_610 : i32 to vector<16xi32>
      %add3A_612 = arith.addi %iota3A, %add3A_611 : vector<16xi32>
      %add3A_613 = arith.constant 0 : i32
      %add3A_614 = vector.broadcast %add3A_613 : i32 to vector<16xi32>
      %add3A_615 = arith.addi %mul3A_609, %add3A_614 : vector<16xi32>
      %gather3A_616 = tpu.vector_load_idx %arg9[%add3A_615] : memref<4096xf32, #tpu.memory_space<vmem>>[vector<16xi32>], vector<16xf32>,
      %add3A_617 = arith.constant 0 : i32
      %add3A_618 = arith.addi %mul3A_65, %add3A_617 : i32
      %broadcast_in_dim3A_619 = vector.broadcast %add3A_618 : i32 to vector<16xi32>
      tpu.vector_store_idx %arg10[%add3A_612, %broadcast_in_dim3A_619], %gather3A_616 : memref<256x128xf32, #tpu.memory_space<vmem>>[vector<16xi32>, vector<16xi32>], vector<16xf32>,
      %add3A_620 = arith.constant 1 : i32
      %add3A_621 = vector.broadcast %add3A_620 : i32 to vector<16xi32>
      %add3A_622 = arith.addi %mul3A_609, %add3A_621 : vector<16xi32>
      %gather3A_623 = tpu.vector_load_idx %arg9[%add3A_622] : memref<4096xf32, #tpu.memory_space<vmem>>[vector<16xi32>], vector<16xf32>,
      %add3A_624 = arith.constant 1 : i32
      %add3A_625 = arith.addi %mul3A_65, %add3A_624 : i32
      %broadcast_in_dim3A_626 = vector.broadcast %add3A_625 : i32 to vector<16xi32>
      tpu.vector_store_idx %arg10[%add3A_612, %broadcast_in_dim3A_626], %gather3A_623 : memref<256x128xf32, #tpu.memory_space<vmem>>[vector<16xi32>, vector<16xi32>], vector<16xf32>,
      %add3A_627 = arith.constant 2 : i32
      %add3A_628 = vector.broadcast %add3A_627 : i32 to vector<16xi32>
      %add3A_629 = arith.addi %mul3A_609, %add3A_628 : vector<16xi32>
      %gather3A_630 = tpu.vector_load_idx %arg9[%add3A_629] : memref<4096xf32, #tpu.memory_space<vmem>>[vector<16xi32>], vector<16xf32>,
      %add3A_631 = arith.constant 2 : i32
      %add3A_632 = arith.addi %mul3A_65, %add3A_631 : i32
      %broadcast_in_dim3A_633 = vector.broadcast %add3A_632 : i32 to vector<16xi32>
      tpu.vector_store_idx %arg10[%add3A_612, %broadcast_in_dim3A_633], %gather3A_630 : memref<256x128xf32, #tpu.memory_space<vmem>>[vector<16xi32>, vector<16xi32>], vector<16xf32>,
      %add3A_634 = arith.constant 3 : i32
      %add3A_635 = vector.broadcast %add3A_634 : i32 to vector<16xi32>
      %add3A_636 = arith.addi %mul3A_609, %add3A_635 : vector<16xi32>
      %gather3A_637 = tpu.vector_load_idx %arg9[%add3A_636] : memref<4096xf32, #tpu.memory_space<vmem>>[vector<16xi32>], vector<16xf32>,
      %add3A_638 = arith.constant 3 : i32
      %add3A_639 = arith.addi %mul3A_65, %add3A_638 : i32
      %broadcast_in_dim3A_640 = vector.broadcast %add3A_639 : i32 to vector<16xi32>
      tpu.vector_store_idx %arg10[%add3A_612, %broadcast_in_dim3A_640], %gather3A_637 : memref<256x128xf32, #tpu.memory_space<vmem>>[vector<16xi32>, vector<16xi32>], vector<16xf32>,
    }
    %while3A_50 = arith.constant 1 : i32
    scf.for %while3A_55 = %while3A_48 to %while3A_44 step %while3A_50  : i32 {
      %broadcast_in_dim3A = vector.broadcast %while3A_55 : i32 to vector<16xi32>
      %gather3A = tpu.vector_load_idx %arg8[%broadcast_in_dim3A] : memref<256xi32, #tpu.memory_space<vmem>>[vector<16xi32>], vector<16xi32>,
      %reduce_max3A = arith.constant true
      %reduce_max3A_56 = vector.broadcast %reduce_max3A : i1 to vector<16xi1>
      %reduce_max3A_57 = arith.constant -2147483648 : i32
      %reduce_max3A_58 = vector.broadcast %reduce_max3A_57 : i32 to vector<16xi32>
      %reduce_max3A_59 = arith.xori %gather3A, %reduce_max3A_58 : vector<16xi32>
      %reduce_max3A_60 = tpu.scan <max>, %reduce_max3A_59 masked %reduce_max3A_56 : vector<16xi32>, vector<16xi1> -> vector<16xi32>
      %reduce_max3A_61 = arith.xori %reduce_max3A_60, %reduce_max3A_58 : vector<16xi32>
      %reduce_max3A_62 = vector.extract %reduce_max3A_61[15] : i32 from vector<16xi32>
      "tpu.region"() ({
        %run_scoped3A = tpu.sem_alloc : memref<!tpu.dma_semaphore, #tpu.memory_space<semaphore_mem>>
        %dma_start3A_641 = arith.constant 0 : i32
        %dma_start3A_642 = tpu.memref_slice %arg2[%select_n3A, %reduce_max3A_62, %dma_start3A_641] : memref<4x1024x4096xf32, #tpu.memory_space<hbm>> -> memref<1x1x4096xf32, #tpu.memory_space<hbm>>
        %dma_start3A_643 = tpu.memref_squeeze %dma_start3A_642 : memref<1x1x4096xf32, #tpu.memory_space<hbm>> -> memref<4096xf32, #tpu.memory_space<hbm>>
        %dma_start3A_644 = arith.constant 0 : i32
        %dma_start3A_645 = tpu.memref_slice %arg2[%select_n3A, %reduce_max3A_62, %dma_start3A_644] : memref<4x1024x4096xf32, #tpu.memory_space<hbm>> -> memref<1x1x4096xf32, #tpu.memory_space<hbm>>
        %dma_start3A_646 = tpu.memref_squeeze %dma_start3A_645 : memref<1x1x4096xf32, #tpu.memory_space<hbm>> -> memref<4096xf32, #tpu.memory_space<hbm>>
        tpu.enqueue_dma source(%dma_start3A_646 : memref<4096xf32, #tpu.memory_space<hbm>>) target(%arg9 : memref<4096xf32, #tpu.memory_space<vmem>>) target_semaphore(%run_scoped3A : memref<!tpu.dma_semaphore, #tpu.memory_space<semaphore_mem>>)
        %dma_wait3A_647 = arith.constant 0 : i32
        %dma_wait3A_648 = tpu.memref_slice %arg2[%select_n3A, %reduce_max3A_62, %dma_wait3A_647] : memref<4x1024x4096xf32, #tpu.memory_space<hbm>> -> memref<1x1x4096xf32, #tpu.memory_space<hbm>>
        %dma_wait3A_649 = tpu.memref_squeeze %dma_wait3A_648 : memref<1x1x4096xf32, #tpu.memory_space<hbm>> -> memref<4096xf32, #tpu.memory_space<hbm>>
        %dma_wait3A_650 = arith.constant 0 : i32
        %dma_wait3A_651 = tpu.memref_slice %arg2[%select_n3A, %reduce_max3A_62, %dma_wait3A_650] : memref<4x1024x4096xf32, #tpu.memory_space<hbm>> -> memref<1x1x4096xf32, #tpu.memory_space<hbm>>
        %dma_wait3A_652 = tpu.memref_squeeze %dma_wait3A_651 : memref<1x1x4096xf32, #tpu.memory_space<hbm>> -> memref<4096xf32, #tpu.memory_space<hbm>>
        tpu.wait_dma2 semaphore(%run_scoped3A : memref<!tpu.dma_semaphore, #tpu.memory_space<semaphore_mem>>) src(%dma_wait3A_652 : memref<4096xf32, #tpu.memory_space<hbm>>) dst(%arg9 : memref<4096xf32, #tpu.memory_space<vmem>>)
        tpu.yield
      }) : () -> ()
      %sub3A_63 = arith.subi %while3A_55, %mul3A_40 : i32
      %mul3A_64 = arith.constant 4 : i32
      %mul3A_65 = arith.muli %sub3A_63, %mul3A_64 : i32
      %get3A = arith.constant 0 : index
      %get3A_66 = tpu.vector_load %arg8[%get3A] {strides = array<i32>} : memref<256xi32, #tpu.memory_space<vmem>>, vector<16xi32>,
      %mul3A_67 = arith.constant 4 : i32
      %mul3A_68 = vector.broadcast %mul3A_67 : i32 to vector<16xi32>
      %mul3A_69 = arith.muli %get3A_66, %mul3A_68 : vector<16xi32>
      %add3A_70 = arith.constant 0 : i32
      %add3A_71 = vector.broadcast %add3A_70 : i32 to vector<16xi32>
      %add3A_72 = arith.addi %iota3A, %add3A_71 : vector<16xi32>
      %add3A_73 = arith.constant 0 : i32
      %add3A_74 = vector.broadcast %add3A_73 : i32 to vector<16xi32>
      %add3A_75 = arith.addi %mul3A_69, %add3A_74 : vector<16xi32>
      %gather3A_76 = tpu.vector_load_idx %arg9[%add3A_75] : memref<4096xf32, #tpu.memory_space<vmem>>[vector<16xi32>], vector<16xf32>,
      %add3A_77 = arith.constant 0 : i32
      %add3A_78 = arith.addi %mul3A_65, %add3A_77 : i32
      %broadcast_in_dim3A_79 = vector.broadcast %add3A_78 : i32 to vector<16xi32>
      tpu.vector_store_idx %arg10[%add3A_72, %broadcast_in_dim3A_79], %gather3A_76 : memref<256x128xf32, #tpu.memory_space<vmem>>[vector<16xi32>, vector<16xi32>], vector<16xf32>,
      %add3A_80 = arith.constant 1 : i32
      %add3A_81 = vector.broadcast %add3A_80 : i32 to vector<16xi32>
      %add3A_82 = arith.addi %mul3A_69, %add3A_81 : vector<16xi32>
      %gather3A_83 = tpu.vector_load_idx %arg9[%add3A_82] : memref<4096xf32, #tpu.memory_space<vmem>>[vector<16xi32>], vector<16xf32>,
      %add3A_84 = arith.constant 1 : i32
      %add3A_85 = arith.addi %mul3A_65, %add3A_84 : i32
      %broadcast_in_dim3A_86 = vector.broadcast %add3A_85 : i32 to vector<16xi32>
      tpu.vector_store_idx %arg10[%add3A_72, %broadcast_in_dim3A_86], %gather3A_83 : memref<256x128xf32, #tpu.memory_space<vmem>>[vector<16xi32>, vector<16xi32>], vector<16xf32>,
      %add3A_87 = arith.constant 2 : i32
      %add3A_88 = vector.broadcast %add3A_87 : i32 to vector<16xi32>
      %add3A_89 = arith.addi %mul3A_69, %add3A_88 : vector<16xi32>
      %gather3A_90 = tpu.vector_load_idx %arg9[%add3A_89] : memref<4096xf32, #tpu.memory_space<vmem>>[vector<16xi32>], vector<16xf32>,
      %add3A_91 = arith.constant 2 : i32
      %add3A_92 = arith.addi %mul3A_65, %add3A_91 : i32
      %broadcast_in_dim3A_93 = vector.broadcast %add3A_92 : i32 to vector<16xi32>
      tpu.vector_store_idx %arg10[%add3A_72, %broadcast_in_dim3A_93], %gather3A_90 : memref<256x128xf32, #tpu.memory_space<vmem>>[vector<16xi32>, vector<16xi32>], vector<16xf32>,
      %add3A_94 = arith.constant 3 : i32
      %add3A_95 = vector.broadcast %add3A_94 : i32 to vector<16xi32>
      %add3A_96 = arith.addi %mul3A_69, %add3A_95 : vector<16xi32>
      %gather3A_97 = tpu.vector_load_idx %arg9[%add3A_96] : memref<4096xf32, #tpu.memory_space<vmem>>[vector<16xi32>], vector<16xf32>,
      %add3A_98 = arith.constant 3 : i32
      %add3A_99 = arith.addi %mul3A_65, %add3A_98 : i32
      %broadcast_in_dim3A_100 = vector.broadcast %add3A_99 : i32 to vector<16xi32>
      tpu.vector_store_idx %arg10[%add3A_72, %broadcast_in_dim3A_100], %gather3A_97 : memref<256x128xf32, #tpu.memory_space<vmem>>[vector<16xi32>, vector<16xi32>], vector<16xf32>,
      %get3A_101 = arith.constant 16 : index
      %get3A_102 = tpu.vector_load %arg8[%get3A_101] {strides = array<i32>} : memref<256xi32, #tpu.memory_space<vmem>>, vector<16xi32>,
      %mul3A_103 = arith.constant 4 : i32
      %mul3A_104 = vector.broadcast %mul3A_103 : i32 to vector<16xi32>
      %mul3A_105 = arith.muli %get3A_102, %mul3A_104 : vector<16xi32>
      %add3A_106 = arith.constant 16 : i32
      %add3A_107 = vector.broadcast %add3A_106 : i32 to vector<16xi32>
      %add3A_108 = arith.addi %iota3A, %add3A_107 : vector<16xi32>
      %add3A_109 = arith.constant 0 : i32
      %add3A_110 = vector.broadcast %add3A_109 : i32 to vector<16xi32>
      %add3A_111 = arith.addi %mul3A_105, %add3A_110 : vector<16xi32>
      %gather3A_112 = tpu.vector_load_idx %arg9[%add3A_111] : memref<4096xf32, #tpu.memory_space<vmem>>[vector<16xi32>], vector<16xf32>,
      %add3A_113 = arith.constant 0 : i32
      %add3A_114 = arith.addi %mul3A_65, %add3A_113 : i32
      %broadcast_in_dim3A_115 = vector.broadcast %add3A_114 : i32 to vector<16xi32>
      tpu.vector_store_idx %arg10[%add3A_108, %broadcast_in_dim3A_115], %gather3A_112 : memref<256x128xf32, #tpu.memory_space<vmem>>[vector<16xi32>, vector<16xi32>], vector<16xf32>,
      %add3A_116 = arith.constant 1 : i32
      %add3A_117 = vector.broadcast %add3A_116 : i32 to vector<16xi32>
      %add3A_118 = arith.addi %mul3A_105, %add3A_117 : vector<16xi32>
      %gather3A_119 = tpu.vector_load_idx %arg9[%add3A_118] : memref<4096xf32, #tpu.memory_space<vmem>>[vector<16xi32>], vector<16xf32>,
      %add3A_120 = arith.constant 1 : i32
      %add3A_121 = arith.addi %mul3A_65, %add3A_120 : i32
      %broadcast_in_dim3A_122 = vector.broadcast %add3A_121 : i32 to vector<16xi32>
      tpu.vector_store_idx %arg10[%add3A_108, %broadcast_in_dim3A_122], %gather3A_119 : memref<256x128xf32, #tpu.memory_space<vmem>>[vector<16xi32>, vector<16xi32>], vector<16xf32>,
      %add3A_123 = arith.constant 2 : i32
      %add3A_124 = vector.broadcast %add3A_123 : i32 to vector<16xi32>
      %add3A_125 = arith.addi %mul3A_105, %add3A_124 : vector<16xi32>
      %gather3A_126 = tpu.vector_load_idx %arg9[%add3A_125] : memref<4096xf32, #tpu.memory_space<vmem>>[vector<16xi32>], vector<16xf32>,
      %add3A_127 = arith.constant 2 : i32
      %add3A_128 = arith.addi %mul3A_65, %add3A_127 : i32
      %broadcast_in_dim3A_129 = vector.broadcast %add3A_128 : i32 to vector<16xi32>
      tpu.vector_store_idx %arg10[%add3A_108, %broadcast_in_dim3A_129], %gather3A_126 : memref<256x128xf32, #tpu.memory_space<vmem>>[vector<16xi32>, vector<16xi32>], vector<16xf32>,
      %add3A_130 = arith.constant 3 : i32
      %add3A_131 = vector.broadcast %add3A_130 : i32 to vector<16xi32>
      %add3A_132 = arith.addi %mul3A_105, %add3A_131 : vector<16xi32>
      %gather3A_133 = tpu.vector_load_idx %arg9[%add3A_132] : memref<4096xf32, #tpu.memory_space<vmem>>[vector<16xi32>], vector<16xf32>,
      %add3A_134 = arith.constant 3 : i32
      %add3A_135 = arith.addi %mul3A_65, %add3A_134 : i32
      %broadcast_in_dim3A_136 = vector.broadcast %add3A_135 : i32 to vector<16xi32>
      tpu.vector_store_idx %arg10[%add3A_108, %broadcast_in_dim3A_136], %gather3A_133 : memref<256x128xf32, #tpu.memory_space<vmem>>[vector<16xi32>, vector<16xi32>], vector<16xf32>,
      %get3A_137 = arith.constant 32 : index
      %get3A_138 = tpu.vector_load %arg8[%get3A_137] {strides = array<i32>} : memref<256xi32, #tpu.memory_space<vmem>>, vector<16xi32>,
      %mul3A_139 = arith.constant 4 : i32
      %mul3A_140 = vector.broadcast %mul3A_139 : i32 to vector<16xi32>
      %mul3A_141 = arith.muli %get3A_138, %mul3A_140 : vector<16xi32>
      %add3A_142 = arith.constant 32 : i32
      %add3A_143 = vector.broadcast %add3A_142 : i32 to vector<16xi32>
      %add3A_144 = arith.addi %iota3A, %add3A_143 : vector<16xi32>
      %add3A_145 = arith.constant 0 : i32
      %add3A_146 = vector.broadcast %add3A_145 : i32 to vector<16xi32>
      %add3A_147 = arith.addi %mul3A_141, %add3A_146 : vector<16xi32>
      %gather3A_148 = tpu.vector_load_idx %arg9[%add3A_147] : memref<4096xf32, #tpu.memory_space<vmem>>[vector<16xi32>], vector<16xf32>,
      %add3A_149 = arith.constant 0 : i32
      %add3A_150 = arith.addi %mul3A_65, %add3A_149 : i32
      %broadcast_in_dim3A_151 = vector.broadcast %add3A_150 : i32 to vector<16xi32>
      tpu.vector_store_idx %arg10[%add3A_144, %broadcast_in_dim3A_151], %gather3A_148 : memref<256x128xf32, #tpu.memory_space<vmem>>[vector<16xi32>, vector<16xi32>], vector<16xf32>,
      %add3A_152 = arith.constant 1 : i32
      %add3A_153 = vector.broadcast %add3A_152 : i32 to vector<16xi32>
      %add3A_154 = arith.addi %mul3A_141, %add3A_153 : vector<16xi32>
      %gather3A_155 = tpu.vector_load_idx %arg9[%add3A_154] : memref<4096xf32, #tpu.memory_space<vmem>>[vector<16xi32>], vector<16xf32>,
      %add3A_156 = arith.constant 1 : i32
      %add3A_157 = arith.addi %mul3A_65, %add3A_156 : i32
      %broadcast_in_dim3A_158 = vector.broadcast %add3A_157 : i32 to vector<16xi32>
      tpu.vector_store_idx %arg10[%add3A_144, %broadcast_in_dim3A_158], %gather3A_155 : memref<256x128xf32, #tpu.memory_space<vmem>>[vector<16xi32>, vector<16xi32>], vector<16xf32>,
      %add3A_159 = arith.constant 2 : i32
      %add3A_160 = vector.broadcast %add3A_159 : i32 to vector<16xi32>
      %add3A_161 = arith.addi %mul3A_141, %add3A_160 : vector<16xi32>
      %gather3A_162 = tpu.vector_load_idx %arg9[%add3A_161] : memref<4096xf32, #tpu.memory_space<vmem>>[vector<16xi32>], vector<16xf32>,
      %add3A_163 = arith.constant 2 : i32
      %add3A_164 = arith.addi %mul3A_65, %add3A_163 : i32
      %broadcast_in_dim3A_165 = vector.broadcast %add3A_164 : i32 to vector<16xi32>
      tpu.vector_store_idx %arg10[%add3A_144, %broadcast_in_dim3A_165], %gather3A_162 : memref<256x128xf32, #tpu.memory_space<vmem>>[vector<16xi32>, vector<16xi32>], vector<16xf32>,
      %add3A_166 = arith.constant 3 : i32
      %add3A_167 = vector.broadcast %add3A_166 : i32 to vector<16xi32>
      %add3A_168 = arith.addi %mul3A_141, %add3A_167 : vector<16xi32>
      %gather3A_169 = tpu.vector_load_idx %arg9[%add3A_168] : memref<4096xf32, #tpu.memory_space<vmem>>[vector<16xi32>], vector<16xf32>,
      %add3A_170 = arith.constant 3 : i32
      %add3A_171 = arith.addi %mul3A_65, %add3A_170 : i32
      %broadcast_in_dim3A_172 = vector.broadcast %add3A_171 : i32 to vector<16xi32>
      tpu.vector_store_idx %arg10[%add3A_144, %broadcast_in_dim3A_172], %gather3A_169 : memref<256x128xf32, #tpu.memory_space<vmem>>[vector<16xi32>, vector<16xi32>], vector<16xf32>,
      %get3A_173 = arith.constant 48 : index
      %get3A_174 = tpu.vector_load %arg8[%get3A_173] {strides = array<i32>} : memref<256xi32, #tpu.memory_space<vmem>>, vector<16xi32>,
      %mul3A_175 = arith.constant 4 : i32
      %mul3A_176 = vector.broadcast %mul3A_175 : i32 to vector<16xi32>
      %mul3A_177 = arith.muli %get3A_174, %mul3A_176 : vector<16xi32>
      %add3A_178 = arith.constant 48 : i32
      %add3A_179 = vector.broadcast %add3A_178 : i32 to vector<16xi32>
      %add3A_180 = arith.addi %iota3A, %add3A_179 : vector<16xi32>
      %add3A_181 = arith.constant 0 : i32
      %add3A_182 = vector.broadcast %add3A_181 : i32 to vector<16xi32>
      %add3A_183 = arith.addi %mul3A_177, %add3A_182 : vector<16xi32>
      %gather3A_184 = tpu.vector_load_idx %arg9[%add3A_183] : memref<4096xf32, #tpu.memory_space<vmem>>[vector<16xi32>], vector<16xf32>,
      %add3A_185 = arith.constant 0 : i32
      %add3A_186 = arith.addi %mul3A_65, %add3A_185 : i32
      %broadcast_in_dim3A_187 = vector.broadcast %add3A_186 : i32 to vector<16xi32>
      tpu.vector_store_idx %arg10[%add3A_180, %broadcast_in_dim3A_187], %gather3A_184 : memref<256x128xf32, #tpu.memory_space<vmem>>[vector<16xi32>, vector<16xi32>], vector<16xf32>,
      %add3A_188 = arith.constant 1 : i32
      %add3A_189 = vector.broadcast %add3A_188 : i32 to vector<16xi32>
      %add3A_190 = arith.addi %mul3A_177, %add3A_189 : vector<16xi32>
      %gather3A_191 = tpu.vector_load_idx %arg9[%add3A_190] : memref<4096xf32, #tpu.memory_space<vmem>>[vector<16xi32>], vector<16xf32>,
      %add3A_192 = arith.constant 1 : i32
      %add3A_193 = arith.addi %mul3A_65, %add3A_192 : i32
      %broadcast_in_dim3A_194 = vector.broadcast %add3A_193 : i32 to vector<16xi32>
      tpu.vector_store_idx %arg10[%add3A_180, %broadcast_in_dim3A_194], %gather3A_191 : memref<256x128xf32, #tpu.memory_space<vmem>>[vector<16xi32>, vector<16xi32>], vector<16xf32>,
      %add3A_195 = arith.constant 2 : i32
      %add3A_196 = vector.broadcast %add3A_195 : i32 to vector<16xi32>
      %add3A_197 = arith.addi %mul3A_177, %add3A_196 : vector<16xi32>
      %gather3A_198 = tpu.vector_load_idx %arg9[%add3A_197] : memref<4096xf32, #tpu.memory_space<vmem>>[vector<16xi32>], vector<16xf32>,
      %add3A_199 = arith.constant 2 : i32
      %add3A_200 = arith.addi %mul3A_65, %add3A_199 : i32
      %broadcast_in_dim3A_201 = vector.broadcast %add3A_200 : i32 to vector<16xi32>
      tpu.vector_store_idx %arg10[%add3A_180, %broadcast_in_dim3A_201], %gather3A_198 : memref<256x128xf32, #tpu.memory_space<vmem>>[vector<16xi32>, vector<16xi32>], vector<16xf32>,
      %add3A_202 = arith.constant 3 : i32
      %add3A_203 = vector.broadcast %add3A_202 : i32 to vector<16xi32>
      %add3A_204 = arith.addi %mul3A_177, %add3A_203 : vector<16xi32>
      %gather3A_205 = tpu.vector_load_idx %arg9[%add3A_204] : memref<4096xf32, #tpu.memory_space<vmem>>[vector<16xi32>], vector<16xf32>,
      %add3A_206 = arith.constant 3 : i32
      %add3A_207 = arith.addi %mul3A_65, %add3A_206 : i32
      %broadcast_in_dim3A_208 = vector.broadcast %add3A_207 : i32 to vector<16xi32>
      tpu.vector_store_idx %arg10[%add3A_180, %broadcast_in_dim3A_208], %gather3A_205 : memref<256x128xf32, #tpu.memory_space<vmem>>[vector<16xi32>, vector<16xi32>], vector<16xf32>,
      %get3A_209 = arith.constant 64 : index
      %get3A_210 = tpu.vector_load %arg8[%get3A_209] {strides = array<i32>} : memref<256xi32, #tpu.memory_space<vmem>>, vector<16xi32>,
      %mul3A_211 = arith.constant 4 : i32
      %mul3A_212 = vector.broadcast %mul3A_211 : i32 to vector<16xi32>
      %mul3A_213 = arith.muli %get3A_210, %mul3A_212 : vector<16xi32>
      %add3A_214 = arith.constant 64 : i32
      %add3A_215 = vector.broadcast %add3A_214 : i32 to vector<16xi32>
      %add3A_216 = arith.addi %iota3A, %add3A_215 : vector<16xi32>
      %add3A_217 = arith.constant 0 : i32
      %add3A_218 = vector.broadcast %add3A_217 : i32 to vector<16xi32>
      %add3A_219 = arith.addi %mul3A_213, %add3A_218 : vector<16xi32>
      %gather3A_220 = tpu.vector_load_idx %arg9[%add3A_219] : memref<4096xf32, #tpu.memory_space<vmem>>[vector<16xi32>], vector<16xf32>,
      %add3A_221 = arith.constant 0 : i32
      %add3A_222 = arith.addi %mul3A_65, %add3A_221 : i32
      %broadcast_in_dim3A_223 = vector.broadcast %add3A_222 : i32 to vector<16xi32>
      tpu.vector_store_idx %arg10[%add3A_216, %broadcast_in_dim3A_223], %gather3A_220 : memref<256x128xf32, #tpu.memory_space<vmem>>[vector<16xi32>, vector<16xi32>], vector<16xf32>,
      %add3A_224 = arith.constant 1 : i32
      %add3A_225 = vector.broadcast %add3A_224 : i32 to vector<16xi32>
      %add3A_226 = arith.addi %mul3A_213, %add3A_225 : vector<16xi32>
      %gather3A_227 = tpu.vector_load_idx %arg9[%add3A_226] : memref<4096xf32, #tpu.memory_space<vmem>>[vector<16xi32>], vector<16xf32>,
      %add3A_228 = arith.constant 1 : i32
      %add3A_229 = arith.addi %mul3A_65, %add3A_228 : i32
      %broadcast_in_dim3A_230 = vector.broadcast %add3A_229 : i32 to vector<16xi32>
      tpu.vector_store_idx %arg10[%add3A_216, %broadcast_in_dim3A_230], %gather3A_227 : memref<256x128xf32, #tpu.memory_space<vmem>>[vector<16xi32>, vector<16xi32>], vector<16xf32>,
      %add3A_231 = arith.constant 2 : i32
      %add3A_232 = vector.broadcast %add3A_231 : i32 to vector<16xi32>
      %add3A_233 = arith.addi %mul3A_213, %add3A_232 : vector<16xi32>
      %gather3A_234 = tpu.vector_load_idx %arg9[%add3A_233] : memref<4096xf32, #tpu.memory_space<vmem>>[vector<16xi32>], vector<16xf32>,
      %add3A_235 = arith.constant 2 : i32
      %add3A_236 = arith.addi %mul3A_65, %add3A_235 : i32
      %broadcast_in_dim3A_237 = vector.broadcast %add3A_236 : i32 to vector<16xi32>
      tpu.vector_store_idx %arg10[%add3A_216, %broadcast_in_dim3A_237], %gather3A_234 : memref<256x128xf32, #tpu.memory_space<vmem>>[vector<16xi32>, vector<16xi32>], vector<16xf32>,
      %add3A_238 = arith.constant 3 : i32
      %add3A_239 = vector.broadcast %add3A_238 : i32 to vector<16xi32>
      %add3A_240 = arith.addi %mul3A_213, %add3A_239 : vector<16xi32>
      %gather3A_241 = tpu.vector_load_idx %arg9[%add3A_240] : memref<4096xf32, #tpu.memory_space<vmem>>[vector<16xi32>], vector<16xf32>,
      %add3A_242 = arith.constant 3 : i32
      %add3A_243 = arith.addi %mul3A_65, %add3A_242 : i32
      %broadcast_in_dim3A_244 = vector.broadcast %add3A_243 : i32 to vector<16xi32>
      tpu.vector_store_idx %arg10[%add3A_216, %broadcast_in_dim3A_244], %gather3A_241 : memref<256x128xf32, #tpu.memory_space<vmem>>[vector<16xi32>, vector<16xi32>], vector<16xf32>,
      %get3A_245 = arith.constant 80 : index
      %get3A_246 = tpu.vector_load %arg8[%get3A_245] {strides = array<i32>} : memref<256xi32, #tpu.memory_space<vmem>>, vector<16xi32>,
      %mul3A_247 = arith.constant 4 : i32
      %mul3A_248 = vector.broadcast %mul3A_247 : i32 to vector<16xi32>
      %mul3A_249 = arith.muli %get3A_246, %mul3A_248 : vector<16xi32>
      %add3A_250 = arith.constant 80 : i32
      %add3A_251 = vector.broadcast %add3A_250 : i32 to vector<16xi32>
      %add3A_252 = arith.addi %iota3A, %add3A_251 : vector<16xi32>
      %add3A_253 = arith.constant 0 : i32
      %add3A_254 = vector.broadcast %add3A_253 : i32 to vector<16xi32>
      %add3A_255 = arith.addi %mul3A_249, %add3A_254 : vector<16xi32>
      %gather3A_256 = tpu.vector_load_idx %arg9[%add3A_255] : memref<4096xf32, #tpu.memory_space<vmem>>[vector<16xi32>], vector<16xf32>,
      %add3A_257 = arith.constant 0 : i32
      %add3A_258 = arith.addi %mul3A_65, %add3A_257 : i32
      %broadcast_in_dim3A_259 = vector.broadcast %add3A_258 : i32 to vector<16xi32>
      tpu.vector_store_idx %arg10[%add3A_252, %broadcast_in_dim3A_259], %gather3A_256 : memref<256x128xf32, #tpu.memory_space<vmem>>[vector<16xi32>, vector<16xi32>], vector<16xf32>,
      %add3A_260 = arith.constant 1 : i32
      %add3A_261 = vector.broadcast %add3A_260 : i32 to vector<16xi32>
      %add3A_262 = arith.addi %mul3A_249, %add3A_261 : vector<16xi32>
      %gather3A_263 = tpu.vector_load_idx %arg9[%add3A_262] : memref<4096xf32, #tpu.memory_space<vmem>>[vector<16xi32>], vector<16xf32>,
      %add3A_264 = arith.constant 1 : i32
      %add3A_265 = arith.addi %mul3A_65, %add3A_264 : i32
      %broadcast_in_dim3A_266 = vector.broadcast %add3A_265 : i32 to vector<16xi32>
      tpu.vector_store_idx %arg10[%add3A_252, %broadcast_in_dim3A_266], %gather3A_263 : memref<256x128xf32, #tpu.memory_space<vmem>>[vector<16xi32>, vector<16xi32>], vector<16xf32>,
      %add3A_267 = arith.constant 2 : i32
      %add3A_268 = vector.broadcast %add3A_267 : i32 to vector<16xi32>
      %add3A_269 = arith.addi %mul3A_249, %add3A_268 : vector<16xi32>
      %gather3A_270 = tpu.vector_load_idx %arg9[%add3A_269] : memref<4096xf32, #tpu.memory_space<vmem>>[vector<16xi32>], vector<16xf32>,
      %add3A_271 = arith.constant 2 : i32
      %add3A_272 = arith.addi %mul3A_65, %add3A_271 : i32
      %broadcast_in_dim3A_273 = vector.broadcast %add3A_272 : i32 to vector<16xi32>
      tpu.vector_store_idx %arg10[%add3A_252, %broadcast_in_dim3A_273], %gather3A_270 : memref<256x128xf32, #tpu.memory_space<vmem>>[vector<16xi32>, vector<16xi32>], vector<16xf32>,
      %add3A_274 = arith.constant 3 : i32
      %add3A_275 = vector.broadcast %add3A_274 : i32 to vector<16xi32>
      %add3A_276 = arith.addi %mul3A_249, %add3A_275 : vector<16xi32>
      %gather3A_277 = tpu.vector_load_idx %arg9[%add3A_276] : memref<4096xf32, #tpu.memory_space<vmem>>[vector<16xi32>], vector<16xf32>,
      %add3A_278 = arith.constant 3 : i32
      %add3A_279 = arith.addi %mul3A_65, %add3A_278 : i32
      %broadcast_in_dim3A_280 = vector.broadcast %add3A_279 : i32 to vector<16xi32>
      tpu.vector_store_idx %arg10[%add3A_252, %broadcast_in_dim3A_280], %gather3A_277 : memref<256x128xf32, #tpu.memory_space<vmem>>[vector<16xi32>, vector<16xi32>], vector<16xf32>,
      %get3A_281 = arith.constant 96 : index
      %get3A_282 = tpu.vector_load %arg8[%get3A_281] {strides = array<i32>} : memref<256xi32, #tpu.memory_space<vmem>>, vector<16xi32>,
      %mul3A_283 = arith.constant 4 : i32
      %mul3A_284 = vector.broadcast %mul3A_283 : i32 to vector<16xi32>
      %mul3A_285 = arith.muli %get3A_282, %mul3A_284 : vector<16xi32>
      %add3A_286 = arith.constant 96 : i32
      %add3A_287 = vector.broadcast %add3A_286 : i32 to vector<16xi32>
      %add3A_288 = arith.addi %iota3A, %add3A_287 : vector<16xi32>
      %add3A_289 = arith.constant 0 : i32
      %add3A_290 = vector.broadcast %add3A_289 : i32 to vector<16xi32>
      %add3A_291 = arith.addi %mul3A_285, %add3A_290 : vector<16xi32>
      %gather3A_292 = tpu.vector_load_idx %arg9[%add3A_291] : memref<4096xf32, #tpu.memory_space<vmem>>[vector<16xi32>], vector<16xf32>,
      %add3A_293 = arith.constant 0 : i32
      %add3A_294 = arith.addi %mul3A_65, %add3A_293 : i32
      %broadcast_in_dim3A_295 = vector.broadcast %add3A_294 : i32 to vector<16xi32>
      tpu.vector_store_idx %arg10[%add3A_288, %broadcast_in_dim3A_295], %gather3A_292 : memref<256x128xf32, #tpu.memory_space<vmem>>[vector<16xi32>, vector<16xi32>], vector<16xf32>,
      %add3A_296 = arith.constant 1 : i32
      %add3A_297 = vector.broadcast %add3A_296 : i32 to vector<16xi32>
      %add3A_298 = arith.addi %mul3A_285, %add3A_297 : vector<16xi32>
      %gather3A_299 = tpu.vector_load_idx %arg9[%add3A_298] : memref<4096xf32, #tpu.memory_space<vmem>>[vector<16xi32>], vector<16xf32>,
      %add3A_300 = arith.constant 1 : i32
      %add3A_301 = arith.addi %mul3A_65, %add3A_300 : i32
      %broadcast_in_dim3A_302 = vector.broadcast %add3A_301 : i32 to vector<16xi32>
      tpu.vector_store_idx %arg10[%add3A_288, %broadcast_in_dim3A_302], %gather3A_299 : memref<256x128xf32, #tpu.memory_space<vmem>>[vector<16xi32>, vector<16xi32>], vector<16xf32>,
      %add3A_303 = arith.constant 2 : i32
      %add3A_304 = vector.broadcast %add3A_303 : i32 to vector<16xi32>
      %add3A_305 = arith.addi %mul3A_285, %add3A_304 : vector<16xi32>
      %gather3A_306 = tpu.vector_load_idx %arg9[%add3A_305] : memref<4096xf32, #tpu.memory_space<vmem>>[vector<16xi32>], vector<16xf32>,
      %add3A_307 = arith.constant 2 : i32
      %add3A_308 = arith.addi %mul3A_65, %add3A_307 : i32
      %broadcast_in_dim3A_309 = vector.broadcast %add3A_308 : i32 to vector<16xi32>
      tpu.vector_store_idx %arg10[%add3A_288, %broadcast_in_dim3A_309], %gather3A_306 : memref<256x128xf32, #tpu.memory_space<vmem>>[vector<16xi32>, vector<16xi32>], vector<16xf32>,
      %add3A_310 = arith.constant 3 : i32
      %add3A_311 = vector.broadcast %add3A_310 : i32 to vector<16xi32>
      %add3A_312 = arith.addi %mul3A_285, %add3A_311 : vector<16xi32>
      %gather3A_313 = tpu.vector_load_idx %arg9[%add3A_312] : memref<4096xf32, #tpu.memory_space<vmem>>[vector<16xi32>], vector<16xf32>,
      %add3A_314 = arith.constant 3 : i32
      %add3A_315 = arith.addi %mul3A_65, %add3A_314 : i32
      %broadcast_in_dim3A_316 = vector.broadcast %add3A_315 : i32 to vector<16xi32>
      tpu.vector_store_idx %arg10[%add3A_288, %broadcast_in_dim3A_316], %gather3A_313 : memref<256x128xf32, #tpu.memory_space<vmem>>[vector<16xi32>, vector<16xi32>], vector<16xf32>,
      %get3A_317 = arith.constant 112 : index
      %get3A_318 = tpu.vector_load %arg8[%get3A_317] {strides = array<i32>} : memref<256xi32, #tpu.memory_space<vmem>>, vector<16xi32>,
      %mul3A_319 = arith.constant 4 : i32
      %mul3A_320 = vector.broadcast %mul3A_319 : i32 to vector<16xi32>
      %mul3A_321 = arith.muli %get3A_318, %mul3A_320 : vector<16xi32>
      %add3A_322 = arith.constant 112 : i32
      %add3A_323 = vector.broadcast %add3A_322 : i32 to vector<16xi32>
      %add3A_324 = arith.addi %iota3A, %add3A_323 : vector<16xi32>
      %add3A_325 = arith.constant 0 : i32
      %add3A_326 = vector.broadcast %add3A_325 : i32 to vector<16xi32>
      %add3A_327 = arith.addi %mul3A_321, %add3A_326 : vector<16xi32>
      %gather3A_328 = tpu.vector_load_idx %arg9[%add3A_327] : memref<4096xf32, #tpu.memory_space<vmem>>[vector<16xi32>], vector<16xf32>,
      %add3A_329 = arith.constant 0 : i32
      %add3A_330 = arith.addi %mul3A_65, %add3A_329 : i32
      %broadcast_in_dim3A_331 = vector.broadcast %add3A_330 : i32 to vector<16xi32>
      tpu.vector_store_idx %arg10[%add3A_324, %broadcast_in_dim3A_331], %gather3A_328 : memref<256x128xf32, #tpu.memory_space<vmem>>[vector<16xi32>, vector<16xi32>], vector<16xf32>,
      %add3A_332 = arith.constant 1 : i32
      %add3A_333 = vector.broadcast %add3A_332 : i32 to vector<16xi32>
      %add3A_334 = arith.addi %mul3A_321, %add3A_333 : vector<16xi32>
      %gather3A_335 = tpu.vector_load_idx %arg9[%add3A_334] : memref<4096xf32, #tpu.memory_space<vmem>>[vector<16xi32>], vector<16xf32>,
      %add3A_336 = arith.constant 1 : i32
      %add3A_337 = arith.addi %mul3A_65, %add3A_336 : i32
      %broadcast_in_dim3A_338 = vector.broadcast %add3A_337 : i32 to vector<16xi32>
      tpu.vector_store_idx %arg10[%add3A_324, %broadcast_in_dim3A_338], %gather3A_335 : memref<256x128xf32, #tpu.memory_space<vmem>>[vector<16xi32>, vector<16xi32>], vector<16xf32>,
      %add3A_339 = arith.constant 2 : i32
      %add3A_340 = vector.broadcast %add3A_339 : i32 to vector<16xi32>
      %add3A_341 = arith.addi %mul3A_321, %add3A_340 : vector<16xi32>
      %gather3A_342 = tpu.vector_load_idx %arg9[%add3A_341] : memref<4096xf32, #tpu.memory_space<vmem>>[vector<16xi32>], vector<16xf32>,
      %add3A_343 = arith.constant 2 : i32
      %add3A_344 = arith.addi %mul3A_65, %add3A_343 : i32
      %broadcast_in_dim3A_345 = vector.broadcast %add3A_344 : i32 to vector<16xi32>
      tpu.vector_store_idx %arg10[%add3A_324, %broadcast_in_dim3A_345], %gather3A_342 : memref<256x128xf32, #tpu.memory_space<vmem>>[vector<16xi32>, vector<16xi32>], vector<16xf32>,
      %add3A_346 = arith.constant 3 : i32
      %add3A_347 = vector.broadcast %add3A_346 : i32 to vector<16xi32>
      %add3A_348 = arith.addi %mul3A_321, %add3A_347 : vector<16xi32>
      %gather3A_349 = tpu.vector_load_idx %arg9[%add3A_348] : memref<4096xf32, #tpu.memory_space<vmem>>[vector<16xi32>], vector<16xf32>,
      %add3A_350 = arith.constant 3 : i32
      %add3A_351 = arith.addi %mul3A_65, %add3A_350 : i32
      %broadcast_in_dim3A_352 = vector.broadcast %add3A_351 : i32 to vector<16xi32>
      tpu.vector_store_idx %arg10[%add3A_324, %broadcast_in_dim3A_352], %gather3A_349 : memref<256x128xf32, #tpu.memory_space<vmem>>[vector<16xi32>, vector<16xi32>], vector<16xf32>,
      %get3A_353 = arith.constant 128 : index
      %get3A_354 = tpu.vector_load %arg8[%get3A_353] {strides = array<i32>} : memref<256xi32, #tpu.memory_space<vmem>>, vector<16xi32>,
      %mul3A_355 = arith.constant 4 : i32
      %mul3A_356 = vector.broadcast %mul3A_355 : i32 to vector<16xi32>
      %mul3A_357 = arith.muli %get3A_354, %mul3A_356 : vector<16xi32>
      %add3A_358 = arith.constant 128 : i32
      %add3A_359 = vector.broadcast %add3A_358 : i32 to vector<16xi32>
      %add3A_360 = arith.addi %iota3A, %add3A_359 : vector<16xi32>
      %add3A_361 = arith.constant 0 : i32
      %add3A_362 = vector.broadcast %add3A_361 : i32 to vector<16xi32>
      %add3A_363 = arith.addi %mul3A_357, %add3A_362 : vector<16xi32>
      %gather3A_364 = tpu.vector_load_idx %arg9[%add3A_363] : memref<4096xf32, #tpu.memory_space<vmem>>[vector<16xi32>], vector<16xf32>,
      %add3A_365 = arith.constant 0 : i32
      %add3A_366 = arith.addi %mul3A_65, %add3A_365 : i32
      %broadcast_in_dim3A_367 = vector.broadcast %add3A_366 : i32 to vector<16xi32>
      tpu.vector_store_idx %arg10[%add3A_360, %broadcast_in_dim3A_367], %gather3A_364 : memref<256x128xf32, #tpu.memory_space<vmem>>[vector<16xi32>, vector<16xi32>], vector<16xf32>,
      %add3A_368 = arith.constant 1 : i32
      %add3A_369 = vector.broadcast %add3A_368 : i32 to vector<16xi32>
      %add3A_370 = arith.addi %mul3A_357, %add3A_369 : vector<16xi32>
      %gather3A_371 = tpu.vector_load_idx %arg9[%add3A_370] : memref<4096xf32, #tpu.memory_space<vmem>>[vector<16xi32>], vector<16xf32>,
      %add3A_372 = arith.constant 1 : i32
      %add3A_373 = arith.addi %mul3A_65, %add3A_372 : i32
      %broadcast_in_dim3A_374 = vector.broadcast %add3A_373 : i32 to vector<16xi32>
      tpu.vector_store_idx %arg10[%add3A_360, %broadcast_in_dim3A_374], %gather3A_371 : memref<256x128xf32, #tpu.memory_space<vmem>>[vector<16xi32>, vector<16xi32>], vector<16xf32>,
      %add3A_375 = arith.constant 2 : i32
      %add3A_376 = vector.broadcast %add3A_375 : i32 to vector<16xi32>
      %add3A_377 = arith.addi %mul3A_357, %add3A_376 : vector<16xi32>
      %gather3A_378 = tpu.vector_load_idx %arg9[%add3A_377] : memref<4096xf32, #tpu.memory_space<vmem>>[vector<16xi32>], vector<16xf32>,
      %add3A_379 = arith.constant 2 : i32
      %add3A_380 = arith.addi %mul3A_65, %add3A_379 : i32
      %broadcast_in_dim3A_381 = vector.broadcast %add3A_380 : i32 to vector<16xi32>
      tpu.vector_store_idx %arg10[%add3A_360, %broadcast_in_dim3A_381], %gather3A_378 : memref<256x128xf32, #tpu.memory_space<vmem>>[vector<16xi32>, vector<16xi32>], vector<16xf32>,
      %add3A_382 = arith.constant 3 : i32
      %add3A_383 = vector.broadcast %add3A_382 : i32 to vector<16xi32>
      %add3A_384 = arith.addi %mul3A_357, %add3A_383 : vector<16xi32>
      %gather3A_385 = tpu.vector_load_idx %arg9[%add3A_384] : memref<4096xf32, #tpu.memory_space<vmem>>[vector<16xi32>], vector<16xf32>,
      %add3A_386 = arith.constant 3 : i32
      %add3A_387 = arith.addi %mul3A_65, %add3A_386 : i32
      %broadcast_in_dim3A_388 = vector.broadcast %add3A_387 : i32 to vector<16xi32>
      tpu.vector_store_idx %arg10[%add3A_360, %broadcast_in_dim3A_388], %gather3A_385 : memref<256x128xf32, #tpu.memory_space<vmem>>[vector<16xi32>, vector<16xi32>], vector<16xf32>,
      %get3A_389 = arith.constant 144 : index
      %get3A_390 = tpu.vector_load %arg8[%get3A_389] {strides = array<i32>} : memref<256xi32, #tpu.memory_space<vmem>>, vector<16xi32>,
      %mul3A_391 = arith.constant 4 : i32
      %mul3A_392 = vector.broadcast %mul3A_391 : i32 to vector<16xi32>
      %mul3A_393 = arith.muli %get3A_390, %mul3A_392 : vector<16xi32>
      %add3A_394 = arith.constant 144 : i32
      %add3A_395 = vector.broadcast %add3A_394 : i32 to vector<16xi32>
      %add3A_396 = arith.addi %iota3A, %add3A_395 : vector<16xi32>
      %add3A_397 = arith.constant 0 : i32
      %add3A_398 = vector.broadcast %add3A_397 : i32 to vector<16xi32>
      %add3A_399 = arith.addi %mul3A_393, %add3A_398 : vector<16xi32>
      %gather3A_400 = tpu.vector_load_idx %arg9[%add3A_399] : memref<4096xf32, #tpu.memory_space<vmem>>[vector<16xi32>], vector<16xf32>,
      %add3A_401 = arith.constant 0 : i32
      %add3A_402 = arith.addi %mul3A_65, %add3A_401 : i32
      %broadcast_in_dim3A_403 = vector.broadcast %add3A_402 : i32 to vector<16xi32>
      tpu.vector_store_idx %arg10[%add3A_396, %broadcast_in_dim3A_403], %gather3A_400 : memref<256x128xf32, #tpu.memory_space<vmem>>[vector<16xi32>, vector<16xi32>], vector<16xf32>,
      %add3A_404 = arith.constant 1 : i32
      %add3A_405 = vector.broadcast %add3A_404 : i32 to vector<16xi32>
      %add3A_406 = arith.addi %mul3A_393, %add3A_405 : vector<16xi32>
      %gather3A_407 = tpu.vector_load_idx %arg9[%add3A_406] : memref<4096xf32, #tpu.memory_space<vmem>>[vector<16xi32>], vector<16xf32>,
      %add3A_408 = arith.constant 1 : i32
      %add3A_409 = arith.addi %mul3A_65, %add3A_408 : i32
      %broadcast_in_dim3A_410 = vector.broadcast %add3A_409 : i32 to vector<16xi32>
      tpu.vector_store_idx %arg10[%add3A_396, %broadcast_in_dim3A_410], %gather3A_407 : memref<256x128xf32, #tpu.memory_space<vmem>>[vector<16xi32>, vector<16xi32>], vector<16xf32>,
      %add3A_411 = arith.constant 2 : i32
      %add3A_412 = vector.broadcast %add3A_411 : i32 to vector<16xi32>
      %add3A_413 = arith.addi %mul3A_393, %add3A_412 : vector<16xi32>
      %gather3A_414 = tpu.vector_load_idx %arg9[%add3A_413] : memref<4096xf32, #tpu.memory_space<vmem>>[vector<16xi32>], vector<16xf32>,
      %add3A_415 = arith.constant 2 : i32
      %add3A_416 = arith.addi %mul3A_65, %add3A_415 : i32
      %broadcast_in_dim3A_417 = vector.broadcast %add3A_416 : i32 to vector<16xi32>
      tpu.vector_store_idx %arg10[%add3A_396, %broadcast_in_dim3A_417], %gather3A_414 : memref<256x128xf32, #tpu.memory_space<vmem>>[vector<16xi32>, vector<16xi32>], vector<16xf32>,
      %add3A_418 = arith.constant 3 : i32
      %add3A_419 = vector.broadcast %add3A_418 : i32 to vector<16xi32>
      %add3A_420 = arith.addi %mul3A_393, %add3A_419 : vector<16xi32>
      %gather3A_421 = tpu.vector_load_idx %arg9[%add3A_420] : memref<4096xf32, #tpu.memory_space<vmem>>[vector<16xi32>], vector<16xf32>,
      %add3A_422 = arith.constant 3 : i32
      %add3A_423 = arith.addi %mul3A_65, %add3A_422 : i32
      %broadcast_in_dim3A_424 = vector.broadcast %add3A_423 : i32 to vector<16xi32>
      tpu.vector_store_idx %arg10[%add3A_396, %broadcast_in_dim3A_424], %gather3A_421 : memref<256x128xf32, #tpu.memory_space<vmem>>[vector<16xi32>, vector<16xi32>], vector<16xf32>,
      %get3A_425 = arith.constant 160 : index
      %get3A_426 = tpu.vector_load %arg8[%get3A_425] {strides = array<i32>} : memref<256xi32, #tpu.memory_space<vmem>>, vector<16xi32>,
      %mul3A_427 = arith.constant 4 : i32
      %mul3A_428 = vector.broadcast %mul3A_427 : i32 to vector<16xi32>
      %mul3A_429 = arith.muli %get3A_426, %mul3A_428 : vector<16xi32>
      %add3A_430 = arith.constant 160 : i32
      %add3A_431 = vector.broadcast %add3A_430 : i32 to vector<16xi32>
      %add3A_432 = arith.addi %iota3A, %add3A_431 : vector<16xi32>
      %add3A_433 = arith.constant 0 : i32
      %add3A_434 = vector.broadcast %add3A_433 : i32 to vector<16xi32>
      %add3A_435 = arith.addi %mul3A_429, %add3A_434 : vector<16xi32>
      %gather3A_436 = tpu.vector_load_idx %arg9[%add3A_435] : memref<4096xf32, #tpu.memory_space<vmem>>[vector<16xi32>], vector<16xf32>,
      %add3A_437 = arith.constant 0 : i32
      %add3A_438 = arith.addi %mul3A_65, %add3A_437 : i32
      %broadcast_in_dim3A_439 = vector.broadcast %add3A_438 : i32 to vector<16xi32>
      tpu.vector_store_idx %arg10[%add3A_432, %broadcast_in_dim3A_439], %gather3A_436 : memref<256x128xf32, #tpu.memory_space<vmem>>[vector<16xi32>, vector<16xi32>], vector<16xf32>,
      %add3A_440 = arith.constant 1 : i32
      %add3A_441 = vector.broadcast %add3A_440 : i32 to vector<16xi32>
      %add3A_442 = arith.addi %mul3A_429, %add3A_441 : vector<16xi32>
      %gather3A_443 = tpu.vector_load_idx %arg9[%add3A_442] : memref<4096xf32, #tpu.memory_space<vmem>>[vector<16xi32>], vector<16xf32>,
      %add3A_444 = arith.constant 1 : i32
      %add3A_445 = arith.addi %mul3A_65, %add3A_444 : i32
      %broadcast_in_dim3A_446 = vector.broadcast %add3A_445 : i32 to vector<16xi32>
      tpu.vector_store_idx %arg10[%add3A_432, %broadcast_in_dim3A_446], %gather3A_443 : memref<256x128xf32, #tpu.memory_space<vmem>>[vector<16xi32>, vector<16xi32>], vector<16xf32>,
      %add3A_447 = arith.constant 2 : i32
      %add3A_448 = vector.broadcast %add3A_447 : i32 to vector<16xi32>
      %add3A_449 = arith.addi %mul3A_429, %add3A_448 : vector<16xi32>
      %gather3A_450 = tpu.vector_load_idx %arg9[%add3A_449] : memref<4096xf32, #tpu.memory_space<vmem>>[vector<16xi32>], vector<16xf32>,
      %add3A_451 = arith.constant 2 : i32
      %add3A_452 = arith.addi %mul3A_65, %add3A_451 : i32
      %broadcast_in_dim3A_453 = vector.broadcast %add3A_452 : i32 to vector<16xi32>
      tpu.vector_store_idx %arg10[%add3A_432, %broadcast_in_dim3A_453], %gather3A_450 : memref<256x128xf32, #tpu.memory_space<vmem>>[vector<16xi32>, vector<16xi32>], vector<16xf32>,
      %add3A_454 = arith.constant 3 : i32
      %add3A_455 = vector.broadcast %add3A_454 : i32 to vector<16xi32>
      %add3A_456 = arith.addi %mul3A_429, %add3A_455 : vector<16xi32>
      %gather3A_457 = tpu.vector_load_idx %arg9[%add3A_456] : memref<4096xf32, #tpu.memory_space<vmem>>[vector<16xi32>], vector<16xf32>,
      %add3A_458 = arith.constant 3 : i32
      %add3A_459 = arith.addi %mul3A_65, %add3A_458 : i32
      %broadcast_in_dim3A_460 = vector.broadcast %add3A_459 : i32 to vector<16xi32>
      tpu.vector_store_idx %arg10[%add3A_432, %broadcast_in_dim3A_460], %gather3A_457 : memref<256x128xf32, #tpu.memory_space<vmem>>[vector<16xi32>, vector<16xi32>], vector<16xf32>,
      %get3A_461 = arith.constant 176 : index
      %get3A_462 = tpu.vector_load %arg8[%get3A_461] {strides = array<i32>} : memref<256xi32, #tpu.memory_space<vmem>>, vector<16xi32>,
      %mul3A_463 = arith.constant 4 : i32
      %mul3A_464 = vector.broadcast %mul3A_463 : i32 to vector<16xi32>
      %mul3A_465 = arith.muli %get3A_462, %mul3A_464 : vector<16xi32>
      %add3A_466 = arith.constant 176 : i32
      %add3A_467 = vector.broadcast %add3A_466 : i32 to vector<16xi32>
      %add3A_468 = arith.addi %iota3A, %add3A_467 : vector<16xi32>
      %add3A_469 = arith.constant 0 : i32
      %add3A_470 = vector.broadcast %add3A_469 : i32 to vector<16xi32>
      %add3A_471 = arith.addi %mul3A_465, %add3A_470 : vector<16xi32>
      %gather3A_472 = tpu.vector_load_idx %arg9[%add3A_471] : memref<4096xf32, #tpu.memory_space<vmem>>[vector<16xi32>], vector<16xf32>,
      %add3A_473 = arith.constant 0 : i32
      %add3A_474 = arith.addi %mul3A_65, %add3A_473 : i32
      %broadcast_in_dim3A_475 = vector.broadcast %add3A_474 : i32 to vector<16xi32>
      tpu.vector_store_idx %arg10[%add3A_468, %broadcast_in_dim3A_475], %gather3A_472 : memref<256x128xf32, #tpu.memory_space<vmem>>[vector<16xi32>, vector<16xi32>], vector<16xf32>,
      %add3A_476 = arith.constant 1 : i32
      %add3A_477 = vector.broadcast %add3A_476 : i32 to vector<16xi32>
      %add3A_478 = arith.addi %mul3A_465, %add3A_477 : vector<16xi32>
      %gather3A_479 = tpu.vector_load_idx %arg9[%add3A_478] : memref<4096xf32, #tpu.memory_space<vmem>>[vector<16xi32>], vector<16xf32>,
      %add3A_480 = arith.constant 1 : i32
      %add3A_481 = arith.addi %mul3A_65, %add3A_480 : i32
      %broadcast_in_dim3A_482 = vector.broadcast %add3A_481 : i32 to vector<16xi32>
      tpu.vector_store_idx %arg10[%add3A_468, %broadcast_in_dim3A_482], %gather3A_479 : memref<256x128xf32, #tpu.memory_space<vmem>>[vector<16xi32>, vector<16xi32>], vector<16xf32>,
      %add3A_483 = arith.constant 2 : i32
      %add3A_484 = vector.broadcast %add3A_483 : i32 to vector<16xi32>
      %add3A_485 = arith.addi %mul3A_465, %add3A_484 : vector<16xi32>
      %gather3A_486 = tpu.vector_load_idx %arg9[%add3A_485] : memref<4096xf32, #tpu.memory_space<vmem>>[vector<16xi32>], vector<16xf32>,
      %add3A_487 = arith.constant 2 : i32
      %add3A_488 = arith.addi %mul3A_65, %add3A_487 : i32
      %broadcast_in_dim3A_489 = vector.broadcast %add3A_488 : i32 to vector<16xi32>
      tpu.vector_store_idx %arg10[%add3A_468, %broadcast_in_dim3A_489], %gather3A_486 : memref<256x128xf32, #tpu.memory_space<vmem>>[vector<16xi32>, vector<16xi32>], vector<16xf32>,
      %add3A_490 = arith.constant 3 : i32
      %add3A_491 = vector.broadcast %add3A_490 : i32 to vector<16xi32>
      %add3A_492 = arith.addi %mul3A_465, %add3A_491 : vector<16xi32>
      %gather3A_493 = tpu.vector_load_idx %arg9[%add3A_492] : memref<4096xf32, #tpu.memory_space<vmem>>[vector<16xi32>], vector<16xf32>,
      %add3A_494 = arith.constant 3 : i32
      %add3A_495 = arith.addi %mul3A_65, %add3A_494 : i32
      %broadcast_in_dim3A_496 = vector.broadcast %add3A_495 : i32 to vector<16xi32>
      tpu.vector_store_idx %arg10[%add3A_468, %broadcast_in_dim3A_496], %gather3A_493 : memref<256x128xf32, #tpu.memory_space<vmem>>[vector<16xi32>, vector<16xi32>], vector<16xf32>,
      %get3A_497 = arith.constant 192 : index
      %get3A_498 = tpu.vector_load %arg8[%get3A_497] {strides = array<i32>} : memref<256xi32, #tpu.memory_space<vmem>>, vector<16xi32>,
      %mul3A_499 = arith.constant 4 : i32
      %mul3A_500 = vector.broadcast %mul3A_499 : i32 to vector<16xi32>
      %mul3A_501 = arith.muli %get3A_498, %mul3A_500 : vector<16xi32>
      %add3A_502 = arith.constant 192 : i32
      %add3A_503 = vector.broadcast %add3A_502 : i32 to vector<16xi32>
      %add3A_504 = arith.addi %iota3A, %add3A_503 : vector<16xi32>
      %add3A_505 = arith.constant 0 : i32
      %add3A_506 = vector.broadcast %add3A_505 : i32 to vector<16xi32>
      %add3A_507 = arith.addi %mul3A_501, %add3A_506 : vector<16xi32>
      %gather3A_508 = tpu.vector_load_idx %arg9[%add3A_507] : memref<4096xf32, #tpu.memory_space<vmem>>[vector<16xi32>], vector<16xf32>,
      %add3A_509 = arith.constant 0 : i32
      %add3A_510 = arith.addi %mul3A_65, %add3A_509 : i32
      %broadcast_in_dim3A_511 = vector.broadcast %add3A_510 : i32 to vector<16xi32>
      tpu.vector_store_idx %arg10[%add3A_504, %broadcast_in_dim3A_511], %gather3A_508 : memref<256x128xf32, #tpu.memory_space<vmem>>[vector<16xi32>, vector<16xi32>], vector<16xf32>,
      %add3A_512 = arith.constant 1 : i32
      %add3A_513 = vector.broadcast %add3A_512 : i32 to vector<16xi32>
      %add3A_514 = arith.addi %mul3A_501, %add3A_513 : vector<16xi32>
      %gather3A_515 = tpu.vector_load_idx %arg9[%add3A_514] : memref<4096xf32, #tpu.memory_space<vmem>>[vector<16xi32>], vector<16xf32>,
      %add3A_516 = arith.constant 1 : i32
      %add3A_517 = arith.addi %mul3A_65, %add3A_516 : i32
      %broadcast_in_dim3A_518 = vector.broadcast %add3A_517 : i32 to vector<16xi32>
      tpu.vector_store_idx %arg10[%add3A_504, %broadcast_in_dim3A_518], %gather3A_515 : memref<256x128xf32, #tpu.memory_space<vmem>>[vector<16xi32>, vector<16xi32>], vector<16xf32>,
      %add3A_519 = arith.constant 2 : i32
      %add3A_520 = vector.broadcast %add3A_519 : i32 to vector<16xi32>
      %add3A_521 = arith.addi %mul3A_501, %add3A_520 : vector<16xi32>
      %gather3A_522 = tpu.vector_load_idx %arg9[%add3A_521] : memref<4096xf32, #tpu.memory_space<vmem>>[vector<16xi32>], vector<16xf32>,
      %add3A_523 = arith.constant 2 : i32
      %add3A_524 = arith.addi %mul3A_65, %add3A_523 : i32
      %broadcast_in_dim3A_525 = vector.broadcast %add3A_524 : i32 to vector<16xi32>
      tpu.vector_store_idx %arg10[%add3A_504, %broadcast_in_dim3A_525], %gather3A_522 : memref<256x128xf32, #tpu.memory_space<vmem>>[vector<16xi32>, vector<16xi32>], vector<16xf32>,
      %add3A_526 = arith.constant 3 : i32
      %add3A_527 = vector.broadcast %add3A_526 : i32 to vector<16xi32>
      %add3A_528 = arith.addi %mul3A_501, %add3A_527 : vector<16xi32>
      %gather3A_529 = tpu.vector_load_idx %arg9[%add3A_528] : memref<4096xf32, #tpu.memory_space<vmem>>[vector<16xi32>], vector<16xf32>,
      %add3A_530 = arith.constant 3 : i32
      %add3A_531 = arith.addi %mul3A_65, %add3A_530 : i32
      %broadcast_in_dim3A_532 = vector.broadcast %add3A_531 : i32 to vector<16xi32>
      tpu.vector_store_idx %arg10[%add3A_504, %broadcast_in_dim3A_532], %gather3A_529 : memref<256x128xf32, #tpu.memory_space<vmem>>[vector<16xi32>, vector<16xi32>], vector<16xf32>,
      %get3A_533 = arith.constant 208 : index
      %get3A_534 = tpu.vector_load %arg8[%get3A_533] {strides = array<i32>} : memref<256xi32, #tpu.memory_space<vmem>>, vector<16xi32>,
      %mul3A_535 = arith.constant 4 : i32
      %mul3A_536 = vector.broadcast %mul3A_535 : i32 to vector<16xi32>
      %mul3A_537 = arith.muli %get3A_534, %mul3A_536 : vector<16xi32>
      %add3A_538 = arith.constant 208 : i32
      %add3A_539 = vector.broadcast %add3A_538 : i32 to vector<16xi32>
      %add3A_540 = arith.addi %iota3A, %add3A_539 : vector<16xi32>
      %add3A_541 = arith.constant 0 : i32
      %add3A_542 = vector.broadcast %add3A_541 : i32 to vector<16xi32>
      %add3A_543 = arith.addi %mul3A_537, %add3A_542 : vector<16xi32>
      %gather3A_544 = tpu.vector_load_idx %arg9[%add3A_543] : memref<4096xf32, #tpu.memory_space<vmem>>[vector<16xi32>], vector<16xf32>,
      %add3A_545 = arith.constant 0 : i32
      %add3A_546 = arith.addi %mul3A_65, %add3A_545 : i32
      %broadcast_in_dim3A_547 = vector.broadcast %add3A_546 : i32 to vector<16xi32>
      tpu.vector_store_idx %arg10[%add3A_540, %broadcast_in_dim3A_547], %gather3A_544 : memref<256x128xf32, #tpu.memory_space<vmem>>[vector<16xi32>, vector<16xi32>], vector<16xf32>,
      %add3A_548 = arith.constant 1 : i32
      %add3A_549 = vector.broadcast %add3A_548 : i32 to vector<16xi32>
      %add3A_550 = arith.addi %mul3A_537, %add3A_549 : vector<16xi32>
      %gather3A_551 = tpu.vector_load_idx %arg9[%add3A_550] : memref<4096xf32, #tpu.memory_space<vmem>>[vector<16xi32>], vector<16xf32>,
      %add3A_552 = arith.constant 1 : i32
      %add3A_553 = arith.addi %mul3A_65, %add3A_552 : i32
      %broadcast_in_dim3A_554 = vector.broadcast %add3A_553 : i32 to vector<16xi32>
      tpu.vector_store_idx %arg10[%add3A_540, %broadcast_in_dim3A_554], %gather3A_551 : memref<256x128xf32, #tpu.memory_space<vmem>>[vector<16xi32>, vector<16xi32>], vector<16xf32>,
      %add3A_555 = arith.constant 2 : i32
      %add3A_556 = vector.broadcast %add3A_555 : i32 to vector<16xi32>
      %add3A_557 = arith.addi %mul3A_537, %add3A_556 : vector<16xi32>
      %gather3A_558 = tpu.vector_load_idx %arg9[%add3A_557] : memref<4096xf32, #tpu.memory_space<vmem>>[vector<16xi32>], vector<16xf32>,
      %add3A_559 = arith.constant 2 : i32
      %add3A_560 = arith.addi %mul3A_65, %add3A_559 : i32
      %broadcast_in_dim3A_561 = vector.broadcast %add3A_560 : i32 to vector<16xi32>
      tpu.vector_store_idx %arg10[%add3A_540, %broadcast_in_dim3A_561], %gather3A_558 : memref<256x128xf32, #tpu.memory_space<vmem>>[vector<16xi32>, vector<16xi32>], vector<16xf32>,
      %add3A_562 = arith.constant 3 : i32
      %add3A_563 = vector.broadcast %add3A_562 : i32 to vector<16xi32>
      %add3A_564 = arith.addi %mul3A_537, %add3A_563 : vector<16xi32>
      %gather3A_565 = tpu.vector_load_idx %arg9[%add3A_564] : memref<4096xf32, #tpu.memory_space<vmem>>[vector<16xi32>], vector<16xf32>,
      %add3A_566 = arith.constant 3 : i32
      %add3A_567 = arith.addi %mul3A_65, %add3A_566 : i32
      %broadcast_in_dim3A_568 = vector.broadcast %add3A_567 : i32 to vector<16xi32>
      tpu.vector_store_idx %arg10[%add3A_540, %broadcast_in_dim3A_568], %gather3A_565 : memref<256x128xf32, #tpu.memory_space<vmem>>[vector<16xi32>, vector<16xi32>], vector<16xf32>,
      %get3A_569 = arith.constant 224 : index
      %get3A_570 = tpu.vector_load %arg8[%get3A_569] {strides = array<i32>} : memref<256xi32, #tpu.memory_space<vmem>>, vector<16xi32>,
      %mul3A_571 = arith.constant 4 : i32
      %mul3A_572 = vector.broadcast %mul3A_571 : i32 to vector<16xi32>
      %mul3A_573 = arith.muli %get3A_570, %mul3A_572 : vector<16xi32>
      %add3A_574 = arith.constant 224 : i32
      %add3A_575 = vector.broadcast %add3A_574 : i32 to vector<16xi32>
      %add3A_576 = arith.addi %iota3A, %add3A_575 : vector<16xi32>
      %add3A_577 = arith.constant 0 : i32
      %add3A_578 = vector.broadcast %add3A_577 : i32 to vector<16xi32>
      %add3A_579 = arith.addi %mul3A_573, %add3A_578 : vector<16xi32>
      %gather3A_580 = tpu.vector_load_idx %arg9[%add3A_579] : memref<4096xf32, #tpu.memory_space<vmem>>[vector<16xi32>], vector<16xf32>,
      %add3A_581 = arith.constant 0 : i32
      %add3A_582 = arith.addi %mul3A_65, %add3A_581 : i32
      %broadcast_in_dim3A_583 = vector.broadcast %add3A_582 : i32 to vector<16xi32>
      tpu.vector_store_idx %arg10[%add3A_576, %broadcast_in_dim3A_583], %gather3A_580 : memref<256x128xf32, #tpu.memory_space<vmem>>[vector<16xi32>, vector<16xi32>], vector<16xf32>,
      %add3A_584 = arith.constant 1 : i32
      %add3A_585 = vector.broadcast %add3A_584 : i32 to vector<16xi32>
      %add3A_586 = arith.addi %mul3A_573, %add3A_585 : vector<16xi32>
      %gather3A_587 = tpu.vector_load_idx %arg9[%add3A_586] : memref<4096xf32, #tpu.memory_space<vmem>>[vector<16xi32>], vector<16xf32>,
      %add3A_588 = arith.constant 1 : i32
      %add3A_589 = arith.addi %mul3A_65, %add3A_588 : i32
      %broadcast_in_dim3A_590 = vector.broadcast %add3A_589 : i32 to vector<16xi32>
      tpu.vector_store_idx %arg10[%add3A_576, %broadcast_in_dim3A_590], %gather3A_587 : memref<256x128xf32, #tpu.memory_space<vmem>>[vector<16xi32>, vector<16xi32>], vector<16xf32>,
      %add3A_591 = arith.constant 2 : i32
      %add3A_592 = vector.broadcast %add3A_591 : i32 to vector<16xi32>
      %add3A_593 = arith.addi %mul3A_573, %add3A_592 : vector<16xi32>
      %gather3A_594 = tpu.vector_load_idx %arg9[%add3A_593] : memref<4096xf32, #tpu.memory_space<vmem>>[vector<16xi32>], vector<16xf32>,
      %add3A_595 = arith.constant 2 : i32
      %add3A_596 = arith.addi %mul3A_65, %add3A_595 : i32
      %broadcast_in_dim3A_597 = vector.broadcast %add3A_596 : i32 to vector<16xi32>
      tpu.vector_store_idx %arg10[%add3A_576, %broadcast_in_dim3A_597], %gather3A_594 : memref<256x128xf32, #tpu.memory_space<vmem>>[vector<16xi32>, vector<16xi32>], vector<16xf32>,
      %add3A_598 = arith.constant 3 : i32
      %add3A_599 = vector.broadcast %add3A_598 : i32 to vector<16xi32>
      %add3A_600 = arith.addi %mul3A_573, %add3A_599 : vector<16xi32>
      %gather3A_601 = tpu.vector_load_idx %arg9[%add3A_600] : memref<4096xf32, #tpu.memory_space<vmem>>[vector<16xi32>], vector<16xf32>,
      %add3A_602 = arith.constant 3 : i32
      %add3A_603 = arith.addi %mul3A_65, %add3A_602 : i32
      %broadcast_in_dim3A_604 = vector.broadcast %add3A_603 : i32 to vector<16xi32>
      tpu.vector_store_idx %arg10[%add3A_576, %broadcast_in_dim3A_604], %gather3A_601 : memref<256x128xf32, #tpu.memory_space<vmem>>[vector<16xi32>, vector<16xi32>], vector<16xf32>,
      %get3A_605 = arith.constant 240 : index
      %get3A_606 = tpu.vector_load %arg8[%get3A_605] {strides = array<i32>} : memref<256xi32, #tpu.memory_space<vmem>>, vector<16xi32>,
      %mul3A_607 = arith.constant 4 : i32
      %mul3A_608 = vector.broadcast %mul3A_607 : i32 to vector<16xi32>
      %mul3A_609 = arith.muli %get3A_606, %mul3A_608 : vector<16xi32>
      %add3A_610 = arith.constant 240 : i32
      %add3A_611 = vector.broadcast %add3A_610 : i32 to vector<16xi32>
      %add3A_612 = arith.addi %iota3A, %add3A_611 : vector<16xi32>
      %add3A_613 = arith.constant 0 : i32
      %add3A_614 = vector.broadcast %add3A_613 : i32 to vector<16xi32>
      %add3A_615 = arith.addi %mul3A_609, %add3A_614 : vector<16xi32>
      %gather3A_616 = tpu.vector_load_idx %arg9[%add3A_615] : memref<4096xf32, #tpu.memory_space<vmem>>[vector<16xi32>], vector<16xf32>,
      %add3A_617 = arith.constant 0 : i32
      %add3A_618 = arith.addi %mul3A_65, %add3A_617 : i32
      %broadcast_in_dim3A_619 = vector.broadcast %add3A_618 : i32 to vector<16xi32>
      tpu.vector_store_idx %arg10[%add3A_612, %broadcast_in_dim3A_619], %gather3A_616 : memref<256x128xf32, #tpu.memory_space<vmem>>[vector<16xi32>, vector<16xi32>], vector<16xf32>,
      %add3A_620 = arith.constant 1 : i32
      %add3A_621 = vector.broadcast %add3A_620 : i32 to vector<16xi32>
      %add3A_622 = arith.addi %mul3A_609, %add3A_621 : vector<16xi32>
      %gather3A_623 = tpu.vector_load_idx %arg9[%add3A_622] : memref<4096xf32, #tpu.memory_space<vmem>>[vector<16xi32>], vector<16xf32>,
      %add3A_624 = arith.constant 1 : i32
      %add3A_625 = arith.addi %mul3A_65, %add3A_624 : i32
      %broadcast_in_dim3A_626 = vector.broadcast %add3A_625 : i32 to vector<16xi32>
      tpu.vector_store_idx %arg10[%add3A_612, %broadcast_in_dim3A_626], %gather3A_623 : memref<256x128xf32, #tpu.memory_space<vmem>>[vector<16xi32>, vector<16xi32>], vector<16xf32>,
      %add3A_627 = arith.constant 2 : i32
      %add3A_628 = vector.broadcast %add3A_627 : i32 to vector<16xi32>
      %add3A_629 = arith.addi %mul3A_609, %add3A_628 : vector<16xi32>
      %gather3A_630 = tpu.vector_load_idx %arg9[%add3A_629] : memref<4096xf32, #tpu.memory_space<vmem>>[vector<16xi32>], vector<16xf32>,
      %add3A_631 = arith.constant 2 : i32
      %add3A_632 = arith.addi %mul3A_65, %add3A_631 : i32
      %broadcast_in_dim3A_633 = vector.broadcast %add3A_632 : i32 to vector<16xi32>
      tpu.vector_store_idx %arg10[%add3A_612, %broadcast_in_dim3A_633], %gather3A_630 : memref<256x128xf32, #tpu.memory_space<vmem>>[vector<16xi32>, vector<16xi32>], vector<16xf32>,
      %add3A_634 = arith.constant 3 : i32
      %add3A_635 = vector.broadcast %add3A_634 : i32 to vector<16xi32>
      %add3A_636 = arith.addi %mul3A_609, %add3A_635 : vector<16xi32>
      %gather3A_637 = tpu.vector_load_idx %arg9[%add3A_636] : memref<4096xf32, #tpu.memory_space<vmem>>[vector<16xi32>], vector<16xf32>,
      %add3A_638 = arith.constant 3 : i32
      %add3A_639 = arith.addi %mul3A_65, %add3A_638 : i32
      %broadcast_in_dim3A_640 = vector.broadcast %add3A_639 : i32 to vector<16xi32>
      tpu.vector_store_idx %arg10[%add3A_612, %broadcast_in_dim3A_640], %gather3A_637 : memref<256x128xf32, #tpu.memory_space<vmem>>[vector<16xi32>, vector<16xi32>], vector<16xf32>,
    }
    %mul3A_51 = arith.constant 256 : i32
    %mul3A_52 = arith.muli %select_n3A, %mul3A_51 : i32
    %mul3A_53 = arith.constant 4 : i32
    %mul3A_54 = arith.muli %mul3A_40, %mul3A_53 : i32
    "tpu.region"() ({
      %run_scoped3A = tpu.sem_alloc : memref<!tpu.dma_semaphore, #tpu.memory_space<semaphore_mem>>
      %dma_start3A_55 = tpu.memref_slice %arg6[%mul3A_52, %mul3A_54] : memref<1024x1024xf32, #tpu.memory_space<hbm>> -> memref<256x128xf32, #tpu.memory_space<hbm>>
      %dma_start3A_56 = tpu.memref_slice %arg6[%mul3A_52, %mul3A_54] : memref<1024x1024xf32, #tpu.memory_space<hbm>> -> memref<256x128xf32, #tpu.memory_space<hbm>>
      tpu.enqueue_dma source(%arg10 : memref<256x128xf32, #tpu.memory_space<vmem>>) target(%dma_start3A_56 : memref<256x128xf32, #tpu.memory_space<hbm>>) target_semaphore(%run_scoped3A : memref<!tpu.dma_semaphore, #tpu.memory_space<semaphore_mem>>)
      %dma_wait3A_57 = tpu.memref_slice %arg6[%mul3A_52, %mul3A_54] : memref<1024x1024xf32, #tpu.memory_space<hbm>> -> memref<256x128xf32, #tpu.memory_space<hbm>>
      %dma_wait3A_58 = tpu.memref_slice %arg6[%mul3A_52, %mul3A_54] : memref<1024x1024xf32, #tpu.memory_space<hbm>> -> memref<256x128xf32, #tpu.memory_space<hbm>>
      tpu.wait_dma2 semaphore(%run_scoped3A : memref<!tpu.dma_semaphore, #tpu.memory_space<semaphore_mem>>) src(%arg10 : memref<256x128xf32, #tpu.memory_space<vmem>>) dst(%dma_wait3A_58 : memref<256x128xf32, #tpu.memory_space<hbm>>)
      tpu.yield
    }) : () -> ()
    return
  }
}

</mosaic_0001>

<sc_bundles>
// kernel: kernel.4.cloned.1.call-start
scs
__scs_entry_jumppad:
0x0: {  	(pc) =	sbr.rel $0x88, $3  }
0x1: {  	(tag) =	ssettag $0x0;
	lr =	simm.s32 $0x1  }
0x2: {  	[smem:$0x3F9E] =	sst lr;
	_ =	strace $0xD0000000  }
0x3: {  	_ = 	snop  }
0x4: {  	_ = 	snop  }
0x5: {  	_ = 	snop  }
0x6: {  	_ = 	snop  }
0x7: {  	_ = 	snop  }
__scs_overlays_trampoline_lowered:
0x8: {  	[smem:$0x3FAD] =	sst s0  }
0x9: {  	[smem:$0x3FAE] =	sst s1  }
0xa: {  	[smem:$0x3FAF] =	sst s2  }
0xb: {  	[smem:$0x3FB0] =	sst s3  }
0xc: {  	[smem:$0x3FB1] =	sst s4  }
0xd: {  	[smem:$0x3FB2] =	sst s5  }
0xe: {  	[smem:$0x3FB3] =	sst s6  }
0xf: {  	[smem:$0x3FB4] =	sst s7  }
0x10: {  	[smem:$0x3FB5] =	sst s8  }
0x11: {  	[smem:$0x3FB6] =	sst s9;
	s0 =	simm.s32 @!p0 $0x0  }
0x12: {  	s1 =	sld [smem:$0x3F9C];
	s0 =	simm.s32 @p0 $0x1  }
0x13: {  	[smem:$0x3FB7] =	sst s0;
	s0 =	simm.s32 @!p1 $0x0  }
0x14: {  	s2 =	sld [smem:$0x3F9B];
	s0 =	simm.s32 @p1 $0x1  }
0x15: {  	[smem:$0x3FB8] =	sst s0;
	s0 =	simm.s32 @!p2 $0x0  }
0x16: {  	s3 =	sld [smem:$0x3FDB];
	s0 =	simm.s32 @p2 $0x1  }
0x17: {  	s4 =	simm.s32 $0x1BF5;
	[smem:$0x3FBA] =	sst s0  }
0x18: {  	s0 =	sld [smem:$0x3F9D];
	_ =	swait.ge [sflag:s4], $0x0  }
0x19: {  	s7 =	sld [smem:$0x3F9E]  }
0x1a: {  	s8 =	sadd.s32 $0xFFFFE003, lr  }
0x1b: {  	s9 =	sadd.s32 $0xFFFFFEF7, lr;
	s5 =	simm.s32 $0xFFFFFFFF;
	p2 =	slt.u32 s8, $0xFFFFF086  }
0x1c: {  	p1 =	slt.u32 s9, $0xF7A;
	s5 =	simm.s32 @!p2 $0x0  }
0x1d: {  	s5 =	simm.s32 @p1 $0x1;
	p0 =	seq.s32 s7, s2  }
0x1e: {  	s7 =	smul.u32 @!p0 $0xF7A, s2;
	p2 =	seq.s32 @!p0 s5, $0x0  }
0x1f: {  	s9 =	smul.u32 $0xF7A, s1;
	s8 =	simm.s32 @!p0 $0x1BF5;
	p2 =	por !p2, p0  }
0x20: {  	[sflag:s8] =	ssyncset.s32 @!p0 $0xFFFFF086;
	s6 =	sadd.s32 @!p0 s3, s7;
	s7 =	simm.s32 @!p0 $0x108  }
0x21: {  	s3 =	sadd.s32 s3, s9;
	s6 =	sadd.s32 @!p0 $0x88, s6;
	s7 =	simm.s32 @p2 $0x1082  }
0x22: {  	[simem:s7], [sflag:s8] =	dma.local @!p0 [hbm:s6], $0xF7A  }
0x23: {  	s9 =	sor.u32 $0xD0000000, s2;
	s6 =	simm.s32 $0x108;
	_ =	swait.ge @!p0 [sflag:s8], $0x0  }
0x24: {  	s3 =	sadd.s32 $0x88, s3;
	s6 =	simm.s32 @!p1 $0x1082;
	[sflag:s4] =	ssyncset.s32 $0xFFFFF086  }
0x25: {  	[simem:s6], [sflag:s4] =	dma.local [hbm:s3], $0xF7A  }
0x26: {  	[smem:$0x3F9E] =	sst s1;
	(tag) =	ssettag s2;
	_ =	strace s9  }
0x27: {  	s1 =	sld [smem:$0x3FAE]  }
0x28: {  	s2 =	sld [smem:$0x3FAF]  }
0x29: {  	s4 =	sld [smem:$0x3FB1]  }
0x2a: {  	p0 =	seq.s32 s5, $0x0;
	s5 =	sld [smem:$0x3FB2]  }
0x2b: {  	s6 =	sld [smem:$0x3FB3]  }
0x2c: {  	s7 =	sld [smem:$0x3FB4]  }
0x2d: {  	s3 =	simm.s32 $0x108;
	s8 =	sld [smem:$0x3FB5]  }
0x2e: {  	s3 =	simm.s32 @!p0 $0x1082;
	s9 =	sld [smem:$0x3FB6]  }
0x2f: {  	lr =	sadd.s32 s0, s3;
	s0 =	sld [smem:$0x3FAD]  }
0x30: {  	s3 =	sld [smem:$0x3FB0]  }
0x31: {  	[smem:$0x3FB9] =	sst s10  }
0x32: {  	s10 =	sld [smem:$0x3FB7];
	_ =	sdelay $0x3  }
0x33: {  	p0 =	seq.s32 s10, $0x1;
	s10 =	sld [smem:$0x3FB9];
	_ =	sdelay $0x3  }
0x34: {  	[smem:$0x3FB9] =	sst s10  }
0x35: {  	s10 =	sld [smem:$0x3FB8];
	_ =	sdelay $0x3  }
0x36: {  	p1 =	seq.s32 s10, $0x1;
	s10 =	sld [smem:$0x3FB9];
	_ =	sdelay $0x3  }
0x37: {  	[smem:$0x3FB9] =	sst s10  }
0x38: {  	s10 =	sld [smem:$0x3FBA]  }
0x39: {  	_ = 	snop;
	(pc) =	sbr.ind lr, $3  }
0x3a: {  	_ = 	snop  }
0x3b: {  	_ = 	snop  }
0x3c: {  	p2 =	seq.s32 s10, $0x1;
	s10 =	sld [smem:$0x3FB9]  }
0x3d: {  	_ =	shalt  }
0x3e: {  	_ =	shalt  }
0x3f: {  	_ =	shalt  }
0x40: {  	_ =	shalt  }
0x41: {  	_ =	shalt  }
0x42: {  	_ =	shalt  }
0x43: {  	_ =	shalt  }
0x44: {  	_ =	shalt  }
0x45: {  	_ =	shalt  }
0x46: {  	_ =	shalt  }
0x47: {  	_ =	shalt  }
0x48: {  	_ =	shalt  }
0x49: {  	_ =	shalt  }
0x4a: {  	_ =	shalt  }
0x4b: {  	_ =	shalt  }
0x4c: {  	_ =	shalt  }
0x4d: {  	_ =	shalt  }
0x4e: {  	_ =	shalt  }
0x4f: {  	_ =	shalt  }
0x50: {  	_ =	shalt  }
0x51: {  	_ =	shalt  }
0x52: {  	_ =	shalt  }
0x53: {  	_ =	shalt  }
0x54: {  	_ =	shalt  }
0x55: {  	_ =	shalt  }
0x56: {  	_ =	shalt  }
0x57: {  	_ =	shalt  }
0x58: {  	_ =	shalt  }
0x59: {  	_ =	shalt  }
0x5a: {  	_ =	shalt  }
0x5b: {  	_ =	shalt  }
0x5c: {  	_ =	shalt  }
0x5d: {  	_ =	shalt  }
0x5e: {  	_ =	shalt  }
0x5f: {  	_ =	shalt  }
0x60: {  	_ =	shalt  }
0x61: {  	_ =	shalt  }
0x62: {  	_ =	shalt  }
0x63: {  	_ =	shalt  }
0x64: {  	_ =	shalt  }
0x65: {  	_ =	shalt  }
0x66: {  	_ =	shalt  }
0x67: {  	_ =	shalt  }
0x68: {  	_ =	shalt  }
0x69: {  	_ =	shalt  }
0x6a: {  	_ =	shalt  }
0x6b: {  	_ =	shalt  }
0x6c: {  	_ =	shalt  }
0x6d: {  	_ =	shalt  }
0x6e: {  	_ =	shalt  }
0x6f: {  	_ =	shalt  }
0x70: {  	_ =	shalt  }
0x71: {  	_ =	shalt  }
0x72: {  	_ =	shalt  }
0x73: {  	_ =	shalt  }
0x74: {  	_ =	shalt  }
0x75: {  	_ =	shalt  }
0x76: {  	_ =	shalt  }
0x77: {  	_ =	shalt  }
0x78: {  	_ =	shalt  }
0x79: {  	_ =	shalt  }
0x7a: {  	_ =	shalt  }
0x7b: {  	_ =	shalt  }
0x7c: {  	_ =	shalt  }
0x7d: {  	_ =	shalt  }
0x7e: {  	_ =	shalt  }
0x7f: {  	_ =	shalt  }
0x80: {  	_ =	shalt  }
0x81: {  	_ =	shalt  }
0x82: {  	_ =	shalt  }
0x83: {  	_ =	shalt  }
0x84: {  	_ =	shalt  }
0x85: {  	_ =	shalt  }
0x86: {  	_ =	shalt  }
0x87: {  	_ =	shalt  }
.Lfunc_end0:
.L_simem_size_0:
called_computation.3_lowered:
.L_overlay_start_0:
0x88: {  	s2 =	sld [smem:$0x3FD9]  }
0x89: {  	s3 =	sld [smem:$0x3FFE];
	_ =	sdelay $0x1  }
0x8a: {  	s1 =	srdreg.scid  }
0x8b: {  	s0 =	sand.u32 $0x1, s1  }
0x8c: {  	s14 =	sshll.u32 s0, $0xA;
	s2 =	sadd.s32 s3, s2  }
0x8d: {  	s2 =	sadd.s32 s2, s14  }
0x8e: {  	[smem:$0x3FC5] =	sst s2  }
0x8f: {  	_ = 	snop  }
0x90: {  	s2 =	sld [smem:$0x3FD0];
	_ =	sdelay $0x2  }
0x91: {  	s15 =	simm.s32 $0xB;
	s4 =	simm.s32 $0x10  }
0x92: {  	[smem:s4], [sflag:s15] =	dma.local [hbm:s2], $0x1  }
0x93: {  	_ =	swait.eq [sflag:s15], $0x1  }
0x94: {  	[sflag:s15] =	ssyncset.done $0x0  }
0x95: {  	[sflag:s15] =	ssyncadd.s32 $0xFFFFFFFF  }
0x96: {  	s16 =	sld [smem:$0x12];
	(tm) =	ssettm $0x1  }
0x97: {  	s17 =	sld [smem:$0x3FFB];
	_ =	sdelay $0x3  }
0x98: {  	_ =	strace s17  }
0x99: {  	s3 =	sld [smem:$0x3FFC];
	_ =	sdelay $0x3  }
0x9a: {  	_ =	strace s3  }
0x9b: {  	s3 =	sld [smem:$0x3FFD];
	_ =	sdelay $0x3  }
0x9c: {  	_ =	strace s3  }
0x9d: {  	_ =	strace $0x8FFFFFFF  }
0x9e: {  	s18 =	sld [smem:$0x3FDB];
	_ =	sdelay $0x1  }
0x9f: {  	s19 =	simm.s32 $_scs_section_size  }
0xa0: {  	s5 =	simm.s32 $_size__tile_overlayer_lowered;
	s6 =	simm.s32 $_tile_overlayer_lowered  }
0xa1: {  	s22 =	simm.s32 $0x1BFF;
	s21 =	sshll.u32 s6, $0x1;
	s3 =	sadd.s32 s19, s18  }
0xa2: {  	s7 =	simm.s32 $0x0;
	s20 =	sshll.u32 s5, $0x1;
	s5 =	sadd.s32 s21, s3  }
0xa3: {  	[timem:s7], [sflag:s22] =	dma.local [hbm:s5], s20  }
0xa4: {  	_ =	swait.ge [sflag:s22], s20  }
0xa5: {  	s4 =	ssub.s32 $0x0, s20;
	[sflag:s22] =	ssyncset.done $0x0  }
0xa6: {  	[sflag:s22] =	ssyncadd.s32 s4;
	_ =	sdelay $0x1  }
0xa7: {  	s23 =	simm.s32 $0x1B8B  }
0xa8: {  	_ =	swait.ge [sflag:s23], $0x1  }
0xa9: {  	[sflag:s23] =	ssyncset.done $0x0  }
0xaa: {  	s25 =	simm.s32 $0x1B8E;
	s24 =	sld [smem:$0x3FFE];
	[sflag:s23] =	ssyncadd.s32 $0xFFFFFFFF  }
0xab: {  	s26 =	simm.s32 $execute0_lowered;
	[smem:$0x3FD2] =	sst s25  }
0xac: {  	s5 =	sshll.u32 s26, $0x1;
	_ =	strace $0x8000004F;
	[dreg:$0x1] =	wrdreg $0xFFFFFFFF  }
0xad: {  	s28 =	simm.s32 $_size_execute0_lowered;
	s3 =	sadd.s32 s3, s5;
	[dreg:$0x0] =	wrdreg $0x0  }
0xae: {  	s5 =	sshll.u32 s28, $0x1;
	[dreg:$0x2] =	wrdreg s3  }
0xaf: {  	[dreg:$0x3] =	wrdreg s5  }
0xb0: {  	[dreg:$0x4] =	wrdreg $0xC0  }
0xb1: {  	_ =	task [dreg:s7], $0x5FFFF  }
0xb2: {  	[dreg:$0x1] =	wrdreg $0xFFFFFFFF  }
0xb3: {  	[dreg:$0x0] =	wrdreg $0x60  }
0xb4: {  	[dreg:$0x2] =	wrdreg s24  }
0xb5: {  	[dreg:$0x3] =	wrdreg s16  }
0xb6: {  	[dreg:$0x4] =	wrdreg $0x9  }
0xb7: {  	_ =	task.clear_ibuf [dreg:s7], $0x5FFFF;
	_ =	strace $0x9000004F  }
0xb8: {  	s29 =	simm.s32 $0x9;
	_ =	strace $0x80000051  }
0xb9: {  	_ =	swait.ge [sflag:s29], $0x1  }
0xba: {  	[sflag:s29] =	ssyncadd.s32 $0xFFFFFFFF  }
0xbb: {  	_ =	strace $0x90000051  }
0xbc: {  	_ =	sfence  }
0xbd: {  	s30 =	sld [smem:$0x0];
	_ =	sdelay $0x2  }
0xbe: {  	s31 =	sshll.u32 s1, $0xD;
	s1 =	sshrl.u32 s1, $0x2  }
0xbf: {  	s3 =	sand.u32 $0x4000, s31;
	s1 =	sadd.s32 s1, s30  }
0xc0: {  	s0 =	sor.u32 s3, s0;
	s1 =	sshll.u32 s1, $0x11  }
0xc1: {  	s0 =	sor.u32 s1, s0  }
0xc2: {  	s0 =	sadd.s32 $0x8F2B, s0  }
0xc3: {  	[sflag:s0] =	ssyncadd.remote.s32 $0x1  }
0xc4: {  	_ =	sfence.sel $0xFFFF  }
0xc5: {  	[dreg:$0x0] =	wrdreg $0xFFFFFFFF;
	(pc) =	sbr.abs _section_cstart, $3  }
0xc6: {  	[dreg:$0x1] =	wrdreg $0xFFFFFFFF  }
0xc7: {  	_ =	task.clear_ibuf [dreg:s7], $0x2FFFF;
	_ =	strace $0x9FFFFFFF  }
0xc8: {  	(tm) =	ssettm $0x7FFFFFFF  }
0xc9: {  	_ =	shalt  }
tec
execute0_lowered:
.L_overlay_start_1:
0x0: {  	(tag) =	ssettag $0x1  }
0x1: {  	s1 =	stileid.u32  }
0x2: {  	p0 =	sgt.u32 s1, $0x1  }
.Ltmp0:
0x3: {  	_ = 	snop;
	(pc) =	sbr.rel @p0 .LBB2_5-.Ltmp0, $4  }
0x4: {  	s2 =	rddreg [dreg:$0x0]  }
0x5: {  	s3 =	rddreg [dreg:$0x1];
	s4 =	simm.s32 $0x0  }
0x6: {  	[smem:$0x7FF] =	sst s4  }
0x7: {  	s0 =	rddreg [dreg:$0x2];
	_ =	strace $0x80000050  }
0x8: {  	s5 =	srdreg.scid  }
0x9: {  	s6 =	sshll.u32 s1, $0x1;
	v0 =	vlaneseq.u32;
	s5 =	sand.u32 $0x1, s5  }
0xa: {  	v1 =	vmul.u32 $0x4, v0;
	s6 =	sor.u32 s5, s6  }
0xb: {  	v2 =	vmov s6  }
0xc: {  	v4 =	vor.u32 $0x1, v1;
	[tilespmem:$0x1FC60] =	vst v2  }
0xd: {  	v6 =	vor.u32 $0x40, v1;
	[tilespmem:$0x1FC70] =	vst v4  }
0xe: {  	v7 =	vor.u32 $0x41, v1;
	[tilespmem:$0x1FC80] =	vst v6  }
0xf: {  	v8 =	vor.u32 $0x42, v1;
	[tilespmem:$0x1FC90] =	vst v7  }
0x10: {  	v9 =	vor.u32 $0x43, v1;
	[tilespmem:$0x1FCA0] =	vst v8  }
0x11: {  	v10 =	vor.u32 $0x81, v1;
	[tilespmem:$0x1FCB0] =	vst v9  }
0x12: {  	v11 =	vor.u32 $0x82, v1;
	[tilespmem:$0x1FCC0] =	vst v10  }
0x13: {  	v12 =	vor.u32 $0x80, v1;
	[tilespmem:$0x1FCD0] =	vst v11  }
0x14: {  	v13 =	vor.u32 $0x83, v1;
	[tilespmem:$0x1FCE0] =	vst v12  }
0x15: {  	v14 =	vor.u32 $0xC0, v1;
	[tilespmem:$0x1FCF0] =	vst v13  }
0x16: {  	v15 =	vor.u32 $0xC1, v1;
	[tilespmem:$0x1FD00] =	vst v14  }
0x17: {  	v16 =	vor.u32 $0xC2, v1;
	[tilespmem:$0x1FD10] =	vst v15  }
0x18: {  	v5 =	vor.u32 $0x2, v1;
	[tilespmem:$0x1FD20] =	vst v16  }
0x19: {  	v18 =	vor.u32 $0x3, v1;
	[tilespmem:$0x1FD30] =	vst v5  }
0x1a: {  	v57 =	vor.u32 $0x100, v1;
	[tilespmem:$0x1FD40] =	vst v18  }
0x1b: {  	v17 =	vor.u32 $0x101, v1;
	[tilespmem:$0x1FD50] =	vst v57  }
0x1c: {  	v19 =	vor.u32 $0x102, v1;
	[tilespmem:$0x1FD60] =	vst v17  }
0x1d: {  	v59 =	vor.u32 $0x103, v1;
	[tilespmem:$0x1FD70] =	vst v19  }
0x1e: {  	v58 =	vor.u32 $0x140, v1;
	[tilespmem:$0x1FD80] =	vst v59  }
0x1f: {  	v20 =	vor.u32 $0x141, v1;
	[tilespmem:$0x1FD90] =	vst v58  }
0x20: {  	v62 =	vor.u32 $0x142, v1;
	[tilespmem:$0x1FDA0] =	vst v20  }
0x21: {  	v21 =	vor.u32 $0x180, v1;
	[tilespmem:$0x1FDB0] =	vst v62  }
0x22: {  	v22 =	vor.u32 $0x182, v1;
	[tilespmem:$0x1FDC0] =	vst v21  }
0x23: {  	v23 =	vor.u32 $0x183, v1;
	[tilespmem:$0x1FDD0] =	vst v22  }
0x24: {  	v24 =	vor.u32 $0x1C0, v1;
	[tilespmem:$0x1FDE0] =	vst v23  }
0x25: {  	v25 =	vor.u32 $0x1C1, v1;
	[tilespmem:$0x1FDF0] =	vst v24  }
0x26: {  	v26 =	vor.u32 $0x1C2, v1;
	[tilespmem:$0x1FE00] =	vst v25  }
0x27: {  	v27 =	vor.u32 $0x1C3, v1;
	[tilespmem:$0x1FE10] =	vst v26  }
0x28: {  	v28 =	vor.u32 $0x200, v1;
	[tilespmem:$0x1FE20] =	vst v27  }
0x29: {  	v29 =	vor.u32 $0x201, v1;
	[tilespmem:$0x1FE30] =	vst v28  }
0x2a: {  	v30 =	vor.u32 $0x202, v1;
	[tilespmem:$0x1FE40] =	vst v29  }
0x2b: {  	v31 =	vor.u32 $0x203, v1;
	[tilespmem:$0x1FE50] =	vst v30  }
0x2c: {  	v32 =	vor.u32 $0x240, v1;
	[tilespmem:$0x1FE60] =	vst v31  }
0x2d: {  	v33 =	vor.u32 $0x241, v1;
	[tilespmem:$0x1FE70] =	vst v32  }
0x2e: {  	v34 =	vor.u32 $0x242, v1;
	[tilespmem:$0x1FE80] =	vst v33  }
0x2f: {  	v35 =	vor.u32 $0x243, v1;
	[tilespmem:$0x1FE90] =	vst v34  }
0x30: {  	v36 =	vor.u32 $0x280, v1;
	[tilespmem:$0x1FEA0] =	vst v35  }
0x31: {  	v37 =	vor.u32 $0x281, v1;
	[tilespmem:$0x1FEB0] =	vst v36  }
0x32: {  	v38 =	vor.u32 $0x282, v1;
	[tilespmem:$0x1FEC0] =	vst v37  }
0x33: {  	v39 =	vor.u32 $0x283, v1;
	[tilespmem:$0x1FED0] =	vst v38  }
0x34: {  	v40 =	vor.u32 $0x2C0, v1;
	[tilespmem:$0x1FEE0] =	vst v39  }
0x35: {  	v41 =	vor.u32 $0x2C1, v1;
	[tilespmem:$0x1FEF0] =	vst v40  }
0x36: {  	v42 =	vor.u32 $0x2C2, v1;
	[tilespmem:$0x1FF00] =	vst v41  }
0x37: {  	v43 =	vor.u32 $0x2C3, v1;
	[tilespmem:$0x1FF10] =	vst v42  }
0x38: {  	v44 =	vor.u32 $0x300, v1;
	[tilespmem:$0x1FF20] =	vst v43  }
0x39: {  	v45 =	vor.u32 $0x301, v1;
	[tilespmem:$0x1FF30] =	vst v44  }
0x3a: {  	v46 =	vor.u32 $0x302, v1;
	[tilespmem:$0x1FF40] =	vst v45  }
0x3b: {  	v47 =	vor.u32 $0x303, v1;
	[tilespmem:$0x1FF50] =	vst v46  }
0x3c: {  	v48 =	vor.u32 $0x340, v1;
	[tilespmem:$0x1FF60] =	vst v47  }
0x3d: {  	v49 =	vor.u32 $0x341, v1;
	[tilespmem:$0x1FF70] =	vst v48  }
0x3e: {  	v50 =	vor.u32 $0x342, v1;
	[tilespmem:$0x1FF80] =	vst v49  }
0x3f: {  	v51 =	vor.u32 $0x343, v1;
	[tilespmem:$0x1FF90] =	vst v50  }
0x40: {  	v52 =	vor.u32 $0x380, v1;
	[tilespmem:$0x1FFA0] =	vst v51  }
0x41: {  	v53 =	vor.u32 $0x381, v1;
	[tilespmem:$0x1FFB0] =	vst v52  }
0x42: {  	s10 =	simm.s32 $0x1400;
	s11 =	simm.s32 $0x0;
	s7 =	ssub.s32 $0x2, s5;
	v54 =	vor.u32 $0x382, v1;
	[tilespmem:$0x1FFC0] =	vst v53  }
0x43: {  	s31 =	sshll.u32 s6, $0x5;
	s8 =	sshrl.u32 s7, $0x1;
	s5 =	sshll.u32 s6, $0x16;
	v55 =	vor.u32 $0x383, v1;
	[tilespmem:$0x1FFD0] =	vst v54  }
0x44: {  	v56 =	vor.u32 $0x3C0, v1;
	s9 =	sadd.s32 s31, s2;
	s7 =	ssub.s32 s7, s8;
	s8 =	simm.s32 $0x1500;
	[tilespmem:$0x1FFE0] =	vst v55  }
0x45: {  	v61 =	vor.u32 $0xC3, v1;
	v60 =	vor.u32 $0x143, v1;
	v63 =	vor.u32 $0x181, v1;
	[tilespmem:$0x1FFF0] =	vst v56;
	s6 =	sadd.s32 $0x200000, s9;
	s7 =	smax.u32 s7, $0x1;
	s9 =	simm.s32 $0x1  }
.LBB2_2:
0x46: {  	s12 =	simm.s32 $0x0  }
0x47: {  	[tilespmem:s8], [sflag:$0x1] =	stream.linear.gather [hbm4b:s3+s12], $0x10, $0x38;
	[tilespmem:$0x1510] =	vst v63  }
0x48: {  	_ =	swait.ge [sflag:s9], $0x10  }
0x49: {  	v2 =	vld [tilespmem:$0x1FC60];
	_ =	sdelay $0x5  }
0x4a: {  	[sflag:s9] =	ssyncset.done $0x0  }
0x4b: {  	v3 =	vimm.f32 $1.000000030e+16;
	[sflag:s9] =	ssyncadd.s32 $0xFFFFFFF0  }
0x4c: {  	v2 =	vld.idx.msk [tilespmem:v2+s8+$0x0], $0xffff;
	[tilespmem:$0x1000] =	vst v3  }
0x4d: {  	[tilespmem:$0x1010] =	vst v3  }
0x4e: {  	[tilespmem:$0x1020] =	vst v3  }
0x4f: {  	[tilespmem:$0x1030] =	vst v3  }
0x50: {  	[tilespmem:$0x1040] =	vst v3  }
0x51: {  	[tilespmem:$0x1050] =	vst v3  }
0x52: {  	[tilespmem:$0x1060] =	vst v3  }
0x53: {  	[tilespmem:$0x1070] =	vst v3  }
0x54: {  	[tilespmem:$0x1080] =	vst v3  }
0x55: {  	[tilespmem:$0x1090] =	vst v3  }
0x56: {  	[tilespmem:$0x10A0] =	vst v3  }
0x57: {  	[tilespmem:$0x10B0] =	vst v3  }
0x58: {  	[tilespmem:$0x10C0] =	vst v3  }
0x59: {  	[tilespmem:$0x10D0] =	vst v3  }
0x5a: {  	[tilespmem:$0x10E0] =	vst v3  }
0x5b: {  	[tilespmem:$0x10F0] =	vst v3  }
0x5c: {  	[tilespmem:$0x1100] =	vst v3  }
0x5d: {  	[tilespmem:$0x1110] =	vst v3  }
0x5e: {  	[tilespmem:$0x1120] =	vst v3  }
0x5f: {  	[tilespmem:$0x1130] =	vst v3  }
0x60: {  	[tilespmem:$0x1140] =	vst v3  }
0x61: {  	[tilespmem:$0x1150] =	vst v3  }
0x62: {  	[tilespmem:$0x1160] =	vst v3  }
0x63: {  	[tilespmem:$0x1170] =	vst v3  }
0x64: {  	[tilespmem:$0x1180] =	vst v3  }
0x65: {  	[tilespmem:$0x1190] =	vst v3  }
0x66: {  	[tilespmem:$0x11A0] =	vst v3  }
0x67: {  	[tilespmem:$0x11B0] =	vst v3  }
0x68: {  	[tilespmem:$0x11C0] =	vst v3  }
0x69: {  	[tilespmem:$0x11D0] =	vst v3  }
0x6a: {  	[tilespmem:$0x11E0] =	vst v3  }
0x6b: {  	[tilespmem:$0x11F0] =	vst v3  }
0x6c: {  	[tilespmem:$0x1200] =	vst v3  }
0x6d: {  	[tilespmem:$0x1210] =	vst v3  }
0x6e: {  	[tilespmem:$0x1220] =	vst v3  }
0x6f: {  	[tilespmem:$0x1230] =	vst v3  }
0x70: {  	[tilespmem:$0x1240] =	vst v3  }
0x71: {  	[tilespmem:$0x1250] =	vst v3  }
0x72: {  	[tilespmem:$0x1260] =	vst v3  }
0x73: {  	[tilespmem:$0x1270] =	vst v3  }
0x74: {  	[tilespmem:$0x1280] =	vst v3;
	v2 =	vxor.u32 $0x80000000, v2  }
0x75: {  	[tilespmem:$0x1290] =	vst v3;
	(xrf0) =	vmax.scan.msk.u32 $0xffff, v2  }
0x76: {  	[tilespmem:$0x12A0] =	vst v3  }
0x77: {  	[tilespmem:$0x12B0] =	vst v3  }
0x78: {  	[tilespmem:$0x12C0] =	vst v3  }
0x79: {  	[tilespmem:$0x12D0] =	vst v3  }
0x7a: {  	[tilespmem:$0x12E0] =	vst v3  }
0x7b: {  	[tilespmem:$0x12F0] =	vst v3;
	v2, _, _ =	vpop (xrf0)  }
0x7c: {  	[tilespmem:$0x1300] =	vst v3;
	(v2sf) =	vpush v2, $0xF  }
0x7d: {  	[tilespmem:$0x1310] =	vst v3  }
0x7e: {  	[tilespmem:$0x1320] =	vst v3  }
0x7f: {  	[tilespmem:$0x1330] =	vst v3  }
0x80: {  	[tilespmem:$0x1340] =	vst v3  }
0x81: {  	[tilespmem:$0x1350] =	vst v3  }
0x82: {  	[tilespmem:$0x1360] =	vst v3  }
0x83: {  	[tilespmem:$0x1370] =	vst v3  }
0x84: {  	[tilespmem:$0x1380] =	vst v3  }
0x85: {  	[tilespmem:$0x1390] =	vst v3  }
0x86: {  	[tilespmem:$0x13A0] =	vst v3  }
0x87: {  	[tilespmem:$0x13B0] =	vst v3  }
0x88: {  	[tilespmem:$0x13C0] =	vst v3  }
0x89: {  	[tilespmem:$0x13D0] =	vst v3  }
0x8a: {  	[tilespmem:$0x13E0] =	vst v3  }
0x8b: {  	[tilespmem:$0x13F0] =	vst v3;
	s13 =	spop (v2sf)  }
.LBB2_3:
0x8c: {  	s14 =	sshll.u32 s13, $0xC  }
0x8d: {  	s14 =	sadd.s32 s5, s14  }
0x8e: {  	s14 =	sshrl.u32 s14, $0x3  }
0x8f: {  	v2 =	vmov s12;
	s14 =	sadd.s32 s2, s14  }
0x90: {  	[tilespmem:s4], [sflag:$0x1] =	stream.linear.gather [hbm4b:s14+s4], $0x1000, $0x38;
	[tilespmem:$0x1510] =	vst v63  }
0x91: {  	_ =	swait.ge [sflag:s9], $0x1000  }
0x92: {  	s31 =	sxor.u32 $0x80000000, s13;
	[sflag:s9] =	ssyncset.done $0x0  }
0x93: {  	v3 =	vmov s31;
	[sflag:s9] =	ssyncadd.s32 $0xFFFFF000  }
0x94: {  	[tilespmem:v2+s10+$0x0] =	vst.idx.msk $0x1, v3  }
0x95: {  	v3 =	vld.idx.msk [tilespmem:v4+s4+$0x0], $0xffff  }
0x96: {  	v4 =	vld [tilespmem:$0x1FD30];
	_ =	sdelay $0x1  }
0x97: {  	v5 =	vld [tilespmem:$0x1FD40];
	_ =	sdelay $0x3  }
0x98: {  	v2 =	vld.idx.msk [tilespmem:v1+s4+$0x0], $0xffff;
	_ =	sdelay $0x1  }
0x99: {  	v4 =	vld.idx.msk [tilespmem:v4+s4+$0x0], $0xffff;
	_ =	sdelay $0x1  }
0x9a: {  	v5 =	vld.idx.msk [tilespmem:v5+s4+$0x0], $0xffff  }
0x9b: {  	v2 =	vmul.f32 v2, v2;
	v3 =	vmul.f32 v3, v3;
	_ =	sdelay $0x1  }
0x9c: {  	v2 =	vadd.f32 v3, v2;
	v3 =	vmul.f32 v4, v4  }
0x9d: {  	v4 =	vld [tilespmem:$0x1000]  }
0x9e: {  	v2 =	vadd.f32 v3, v2;
	v3 =	vmul.f32 v5, v5;
	_ =	sdelay $0x1  }
0x9f: {  	v2 =	vadd.f32 v3, v2;
	_ =	sdelay $0x1  }
0xa0: {  	v2 =	vmin.f32 v2, v4  }
0xa1: {  	[tilespmem:$0x1000] =	vst v2  }
0xa2: {  	v3 =	vld.idx.msk [tilespmem:v6+s4+$0x0], $0xffff  }
0xa3: {  	v4 =	vld.idx.msk [tilespmem:v7+s4+$0x0], $0xffff;
	_ =	sdelay $0x1  }
0xa4: {  	v5 =	vld.idx.msk [tilespmem:v8+s4+$0x0], $0xffff;
	_ =	sdelay $0x1  }
0xa5: {  	v6 =	vld.idx.msk [tilespmem:v9+s4+$0x0], $0xffff  }
0xa6: {  	v3 =	vmul.f32 v3, v3;
	v4 =	vmul.f32 v4, v4;
	_ =	sdelay $0x1  }
0xa7: {  	v3 =	vadd.f32 v4, v3;
	v4 =	vmul.f32 v5, v5  }
0xa8: {  	v5 =	vld [tilespmem:$0x1010]  }
0xa9: {  	v3 =	vadd.f32 v4, v3;
	v4 =	vmul.f32 v6, v6;
	_ =	sdelay $0x1  }
0xaa: {  	v3 =	vadd.f32 v4, v3;
	_ =	sdelay $0x1  }
0xab: {  	v3 =	vmin.f32 v3, v5  }
0xac: {  	[tilespmem:$0x1010] =	vst v3  }
0xad: {  	v4 =	vld.idx.msk [tilespmem:v12+s4+$0x0], $0xffff  }
0xae: {  	v5 =	vld.idx.msk [tilespmem:v10+s4+$0x0], $0xffff;
	_ =	sdelay $0x1  }
0xaf: {  	v6 =	vld.idx.msk [tilespmem:v11+s4+$0x0], $0xffff;
	_ =	sdelay $0x1  }
0xb0: {  	v7 =	vld.idx.msk [tilespmem:v13+s4+$0x0], $0xffff  }
0xb1: {  	v4 =	vmul.f32 v4, v4;
	v5 =	vmul.f32 v5, v5;
	_ =	sdelay $0x1  }
0xb2: {  	v4 =	vadd.f32 v5, v4;
	v5 =	vmul.f32 v6, v6  }
0xb3: {  	v6 =	vld [tilespmem:$0x1020]  }
0xb4: {  	v4 =	vadd.f32 v5, v4;
	v5 =	vmul.f32 v7, v7;
	_ =	sdelay $0x1  }
0xb5: {  	v4 =	vadd.f32 v5, v4;
	_ =	sdelay $0x1  }
0xb6: {  	v4 =	vmin.f32 v4, v6  }
0xb7: {  	[tilespmem:$0x1020] =	vst v4  }
0xb8: {  	v5 =	vld.idx.msk [tilespmem:v14+s4+$0x0], $0xffff  }
0xb9: {  	v6 =	vld.idx.msk [tilespmem:v15+s4+$0x0], $0xffff;
	_ =	sdelay $0x1  }
0xba: {  	v7 =	vld.idx.msk [tilespmem:v16+s4+$0x0], $0xffff;
	_ =	sdelay $0x1  }
0xbb: {  	v8 =	vld.idx.msk [tilespmem:v61+s4+$0x0], $0xffff  }
0xbc: {  	v5 =	vmul.f32 v5, v5;
	v6 =	vmul.f32 v6, v6;
	_ =	sdelay $0x1  }
0xbd: {  	v5 =	vadd.f32 v6, v5;
	v6 =	vmul.f32 v7, v7  }
0xbe: {  	v7 =	vld [tilespmem:$0x1030]  }
0xbf: {  	v5 =	vadd.f32 v6, v5;
	v6 =	vmul.f32 v8, v8;
	_ =	sdelay $0x1  }
0xc0: {  	v5 =	vadd.f32 v6, v5;
	_ =	sdelay $0x1  }
0xc1: {  	v5 =	vmin.f32 v5, v7  }
0xc2: {  	[tilespmem:$0x1030] =	vst v5  }
0xc3: {  	v6 =	vld.idx.msk [tilespmem:v57+s4+$0x0], $0xffff  }
0xc4: {  	v7 =	vld.idx.msk [tilespmem:v17+s4+$0x0], $0xffff;
	_ =	sdelay $0x1  }
0xc5: {  	v8 =	vld.idx.msk [tilespmem:v19+s4+$0x0], $0xffff;
	_ =	sdelay $0x1  }
0xc6: {  	v9 =	vld.idx.msk [tilespmem:v59+s4+$0x0], $0xffff  }
0xc7: {  	v6 =	vmul.f32 v6, v6;
	v7 =	vmul.f32 v7, v7;
	_ =	sdelay $0x1  }
0xc8: {  	v6 =	vadd.f32 v7, v6;
	v7 =	vmul.f32 v8, v8  }
0xc9: {  	v8 =	vld [tilespmem:$0x1040]  }
0xca: {  	v6 =	vadd.f32 v7, v6;
	v7 =	vmul.f32 v9, v9;
	_ =	sdelay $0x1  }
0xcb: {  	v6 =	vadd.f32 v7, v6;
	_ =	sdelay $0x1  }
0xcc: {  	v6 =	vmin.f32 v6, v8  }
0xcd: {  	[tilespmem:$0x1040] =	vst v6  }
0xce: {  	v7 =	vld.idx.msk [tilespmem:v58+s4+$0x0], $0xffff  }
0xcf: {  	v8 =	vld.idx.msk [tilespmem:v20+s4+$0x0], $0xffff;
	_ =	sdelay $0x1  }
0xd0: {  	v9 =	vld.idx.msk [tilespmem:v62+s4+$0x0], $0xffff;
	_ =	sdelay $0x1  }
0xd1: {  	v10 =	vld.idx.msk [tilespmem:v60+s4+$0x0], $0xffff  }
0xd2: {  	v7 =	vmul.f32 v7, v7;
	v8 =	vmul.f32 v8, v8;
	_ =	sdelay $0x1  }
0xd3: {  	v7 =	vadd.f32 v8, v7;
	v8 =	vmul.f32 v9, v9  }
0xd4: {  	v9 =	vld [tilespmem:$0x1050]  }
0xd5: {  	v7 =	vadd.f32 v8, v7;
	v8 =	vmul.f32 v10, v10;
	_ =	sdelay $0x1  }
0xd6: {  	v7 =	vadd.f32 v8, v7;
	_ =	sdelay $0x1  }
0xd7: {  	v7 =	vmin.f32 v7, v9  }
0xd8: {  	[tilespmem:$0x1050] =	vst v7  }
0xd9: {  	v8 =	vld.idx.msk [tilespmem:v21+s4+$0x0], $0xffff  }
0xda: {  	v9 =	vld.idx.msk [tilespmem:v63+s4+$0x0], $0xffff;
	_ =	sdelay $0x1  }
0xdb: {  	v10 =	vld.idx.msk [tilespmem:v22+s4+$0x0], $0xffff;
	_ =	sdelay $0x1  }
0xdc: {  	v11 =	vld.idx.msk [tilespmem:v23+s4+$0x0], $0xffff  }
0xdd: {  	v8 =	vmul.f32 v8, v8;
	v9 =	vmul.f32 v9, v9;
	_ =	sdelay $0x1  }
0xde: {  	v8 =	vadd.f32 v9, v8;
	v9 =	vmul.f32 v10, v10  }
0xdf: {  	v10 =	vld [tilespmem:$0x1060]  }
0xe0: {  	v8 =	vadd.f32 v9, v8;
	v9 =	vmul.f32 v11, v11;
	_ =	sdelay $0x1  }
0xe1: {  	v8 =	vadd.f32 v9, v8;
	_ =	sdelay $0x1  }
0xe2: {  	v8 =	vmin.f32 v8, v10  }
0xe3: {  	[tilespmem:$0x1060] =	vst v8  }
0xe4: {  	v9 =	vld.idx.msk [tilespmem:v24+s4+$0x0], $0xffff  }
0xe5: {  	v10 =	vld.idx.msk [tilespmem:v25+s4+$0x0], $0xffff;
	_ =	sdelay $0x1  }
0xe6: {  	v11 =	vld.idx.msk [tilespmem:v26+s4+$0x0], $0xffff;
	_ =	sdelay $0x1  }
0xe7: {  	v12 =	vld.idx.msk [tilespmem:v27+s4+$0x0], $0xffff  }
0xe8: {  	v9 =	vmul.f32 v9, v9;
	v10 =	vmul.f32 v10, v10;
	_ =	sdelay $0x1  }
0xe9: {  	v9 =	vadd.f32 v10, v9;
	v10 =	vmul.f32 v11, v11  }
0xea: {  	v11 =	vld [tilespmem:$0x1070]  }
0xeb: {  	v9 =	vadd.f32 v10, v9;
	v10 =	vmul.f32 v12, v12;
	_ =	sdelay $0x1  }
0xec: {  	v9 =	vadd.f32 v10, v9;
	_ =	sdelay $0x1  }
0xed: {  	v9 =	vmin.f32 v9, v11  }
0xee: {  	[tilespmem:$0x1070] =	vst v9  }
0xef: {  	v10 =	vld.idx.msk [tilespmem:v28+s4+$0x0], $0xffff  }
0xf0: {  	v11 =	vld.idx.msk [tilespmem:v29+s4+$0x0], $0xffff;
	_ =	sdelay $0x1  }
0xf1: {  	v12 =	vld.idx.msk [tilespmem:v30+s4+$0x0], $0xffff;
	_ =	sdelay $0x1  }
0xf2: {  	v13 =	vld.idx.msk [tilespmem:v31+s4+$0x0], $0xffff  }
0xf3: {  	v10 =	vmul.f32 v10, v10;
	v11 =	vmul.f32 v11, v11;
	_ =	sdelay $0x1  }
0xf4: {  	v10 =	vadd.f32 v11, v10;
	v11 =	vmul.f32 v12, v12  }
0xf5: {  	v12 =	vld [tilespmem:$0x1080]  }
0xf6: {  	v10 =	vadd.f32 v11, v10;
	v11 =	vmul.f32 v13, v13;
	_ =	sdelay $0x1  }
0xf7: {  	v10 =	vadd.f32 v11, v10;
	_ =	sdelay $0x1  }
0xf8: {  	v10 =	vmin.f32 v10, v12  }
0xf9: {  	[tilespmem:$0x1080] =	vst v10  }
0xfa: {  	v11 =	vld.idx.msk [tilespmem:v32+s4+$0x0], $0xffff  }
0xfb: {  	v12 =	vld.idx.msk [tilespmem:v33+s4+$0x0], $0xffff;
	_ =	sdelay $0x1  }
0xfc: {  	v13 =	vld.idx.msk [tilespmem:v34+s4+$0x0], $0xffff;
	_ =	sdelay $0x1  }
0xfd: {  	v14 =	vld.idx.msk [tilespmem:v35+s4+$0x0], $0xffff  }
0xfe: {  	v11 =	vmul.f32 v11, v11;
	v12 =	vmul.f32 v12, v12;
	_ =	sdelay $0x1  }
0xff: {  	v11 =	vadd.f32 v12, v11;
	v12 =	vmul.f32 v13, v13  }
0x100: {  	v13 =	vld [tilespmem:$0x1090]  }
0x101: {  	v11 =	vadd.f32 v12, v11;
	v12 =	vmul.f32 v14, v14;
	_ =	sdelay $0x1  }
0x102: {  	v11 =	vadd.f32 v12, v11;
	_ =	sdelay $0x1  }
0x103: {  	v11 =	vmin.f32 v11, v13  }
0x104: {  	[tilespmem:$0x1090] =	vst v11  }
0x105: {  	v12 =	vld.idx.msk [tilespmem:v36+s4+$0x0], $0xffff  }
0x106: {  	v13 =	vld.idx.msk [tilespmem:v37+s4+$0x0], $0xffff;
	_ =	sdelay $0x1  }
0x107: {  	v14 =	vld.idx.msk [tilespmem:v38+s4+$0x0], $0xffff;
	_ =	sdelay $0x1  }
0x108: {  	v15 =	vld.idx.msk [tilespmem:v39+s4+$0x0], $0xffff  }
0x109: {  	v12 =	vmul.f32 v12, v12;
	v13 =	vmul.f32 v13, v13;
	_ =	sdelay $0x1  }
0x10a: {  	v12 =	vadd.f32 v13, v12;
	v13 =	vmul.f32 v14, v14  }
0x10b: {  	v14 =	vld [tilespmem:$0x10A0]  }
0x10c: {  	v12 =	vadd.f32 v13, v12;
	v13 =	vmul.f32 v15, v15;
	_ =	sdelay $0x1  }
0x10d: {  	v12 =	vadd.f32 v13, v12;
	_ =	sdelay $0x1  }
0x10e: {  	v12 =	vmin.f32 v12, v14  }
0x10f: {  	[tilespmem:$0x10A0] =	vst v12  }
0x110: {  	v13 =	vld.idx.msk [tilespmem:v40+s4+$0x0], $0xffff  }
0x111: {  	v14 =	vld.idx.msk [tilespmem:v41+s4+$0x0], $0xffff;
	_ =	sdelay $0x1  }
0x112: {  	v15 =	vld.idx.msk [tilespmem:v42+s4+$0x0], $0xffff;
	_ =	sdelay $0x1  }
0x113: {  	v16 =	vld.idx.msk [tilespmem:v43+s4+$0x0], $0xffff  }
0x114: {  	v13 =	vmul.f32 v13, v13;
	v14 =	vmul.f32 v14, v14;
	_ =	sdelay $0x1  }
0x115: {  	v13 =	vadd.f32 v14, v13;
	v14 =	vmul.f32 v15, v15  }
0x116: {  	v15 =	vld [tilespmem:$0x10B0]  }
0x117: {  	v13 =	vadd.f32 v14, v13;
	v14 =	vmul.f32 v16, v16;
	_ =	sdelay $0x1  }
0x118: {  	v13 =	vadd.f32 v14, v13;
	_ =	sdelay $0x1  }
0x119: {  	v13 =	vmin.f32 v13, v15  }
0x11a: {  	[tilespmem:$0x10B0] =	vst v13  }
0x11b: {  	v14 =	vld.idx.msk [tilespmem:v44+s4+$0x0], $0xffff  }
0x11c: {  	v15 =	vld.idx.msk [tilespmem:v45+s4+$0x0], $0xffff;
	_ =	sdelay $0x1  }
0x11d: {  	v16 =	vld.idx.msk [tilespmem:v46+s4+$0x0], $0xffff;
	_ =	sdelay $0x1  }
0x11e: {  	v17 =	vld.idx.msk [tilespmem:v47+s4+$0x0], $0xffff  }
0x11f: {  	v14 =	vmul.f32 v14, v14;
	v15 =	vmul.f32 v15, v15;
	_ =	sdelay $0x1  }
0x120: {  	v14 =	vadd.f32 v15, v14;
	v15 =	vmul.f32 v16, v16  }
0x121: {  	v16 =	vld [tilespmem:$0x10C0]  }
0x122: {  	v14 =	vadd.f32 v15, v14;
	v15 =	vmul.f32 v17, v17;
	_ =	sdelay $0x1  }
0x123: {  	v14 =	vadd.f32 v15, v14;
	_ =	sdelay $0x1  }
0x124: {  	v14 =	vmin.f32 v14, v16  }
0x125: {  	[tilespmem:$0x10C0] =	vst v14  }
0x126: {  	v15 =	vld.idx.msk [tilespmem:v48+s4+$0x0], $0xffff  }
0x127: {  	v16 =	vld.idx.msk [tilespmem:v49+s4+$0x0], $0xffff;
	_ =	sdelay $0x1  }
0x128: {  	v17 =	vld.idx.msk [tilespmem:v50+s4+$0x0], $0xffff;
	_ =	sdelay $0x1  }
0x129: {  	v18 =	vld.idx.msk [tilespmem:v51+s4+$0x0], $0xffff  }
0x12a: {  	v15 =	vmul.f32 v15, v15;
	v16 =	vmul.f32 v16, v16;
	_ =	sdelay $0x1  }
0x12b: {  	v15 =	vadd.f32 v16, v15;
	v16 =	vmul.f32 v17, v17  }
0x12c: {  	v17 =	vld [tilespmem:$0x10D0]  }
0x12d: {  	v15 =	vadd.f32 v16, v15;
	v16 =	vmul.f32 v18, v18;
	_ =	sdelay $0x1  }
0x12e: {  	v15 =	vadd.f32 v16, v15;
	_ =	sdelay $0x1  }
0x12f: {  	v15 =	vmin.f32 v15, v17  }
0x130: {  	[tilespmem:$0x10D0] =	vst v15  }
0x131: {  	v16 =	vld.idx.msk [tilespmem:v52+s4+$0x0], $0xffff  }
0x132: {  	v17 =	vld.idx.msk [tilespmem:v53+s4+$0x0], $0xffff;
	_ =	sdelay $0x1  }
0x133: {  	v18 =	vld.idx.msk [tilespmem:v54+s4+$0x0], $0xffff;
	_ =	sdelay $0x1  }
0x134: {  	v19 =	vld.idx.msk [tilespmem:v55+s4+$0x0], $0xffff  }
0x135: {  	v16 =	vmul.f32 v16, v16;
	v17 =	vmul.f32 v17, v17;
	_ =	sdelay $0x1  }
0x136: {  	v16 =	vadd.f32 v17, v16;
	v17 =	vmul.f32 v18, v18  }
0x137: {  	v18 =	vld [tilespmem:$0x10E0]  }
0x138: {  	v16 =	vadd.f32 v17, v16;
	v17 =	vmul.f32 v19, v19;
	_ =	sdelay $0x1  }
0x139: {  	v16 =	vadd.f32 v17, v16;
	v17 =	vor.u32 $0x3C1, v1;
	_ =	sdelay $0x1  }
0x13a: {  	v16 =	vmin.f32 v16, v18;
	v18 =	vor.u32 $0x3C2, v1  }
0x13b: {  	[tilespmem:$0x10E0] =	vst v16  }
0x13c: {  	v20 =	vor.u32 $0x3C3, v1;
	v19 =	vld.idx.msk [tilespmem:v56+s4+$0x0], $0xffff  }
0x13d: {  	v17 =	vld.idx.msk [tilespmem:v17+s4+$0x0], $0xffff;
	_ =	sdelay $0x1  }
0x13e: {  	v18 =	vld.idx.msk [tilespmem:v18+s4+$0x0], $0xffff;
	_ =	sdelay $0x1  }
0x13f: {  	v20 =	vld.idx.msk [tilespmem:v20+s4+$0x0], $0xffff  }
0x140: {  	v19 =	vmul.f32 v19, v19;
	v17 =	vmul.f32 v17, v17;
	_ =	sdelay $0x1  }
0x141: {  	v17 =	vadd.f32 v17, v19;
	v18 =	vmul.f32 v18, v18  }
0x142: {  	v19 =	vld [tilespmem:$0x10F0]  }
0x143: {  	v17 =	vadd.f32 v18, v17;
	v18 =	vmul.f32 v20, v20  }
0x144: {  	v20 =	vor.u32 $0x400, v1  }
0x145: {  	v17 =	vadd.f32 v18, v17;
	v18 =	vor.u32 $0x401, v1;
	_ =	sdelay $0x1  }
0x146: {  	v17 =	vmin.f32 v17, v19;
	v19 =	vor.u32 $0x402, v1  }
0x147: {  	[tilespmem:$0x10F0] =	vst v17  }
0x148: {  	v21 =	vor.u32 $0x403, v1;
	v20 =	vld.idx.msk [tilespmem:v20+s4+$0x0], $0xffff  }
0x149: {  	v18 =	vld.idx.msk [tilespmem:v18+s4+$0x0], $0xffff;
	_ =	sdelay $0x1  }
0x14a: {  	v19 =	vld.idx.msk [tilespmem:v19+s4+$0x0], $0xffff;
	_ =	sdelay $0x1  }
0x14b: {  	v21 =	vld.idx.msk [tilespmem:v21+s4+$0x0], $0xffff  }
0x14c: {  	v20 =	vmul.f32 v20, v20;
	v18 =	vmul.f32 v18, v18;
	_ =	sdelay $0x1  }
0x14d: {  	v18 =	vadd.f32 v18, v20;
	v19 =	vmul.f32 v19, v19  }
0x14e: {  	v20 =	vld [tilespmem:$0x1100]  }
0x14f: {  	v18 =	vadd.f32 v19, v18;
	v19 =	vmul.f32 v21, v21  }
0x150: {  	v21 =	vor.u32 $0x440, v1  }
0x151: {  	v18 =	vadd.f32 v19, v18;
	v19 =	vor.u32 $0x441, v1;
	_ =	sdelay $0x1  }
0x152: {  	v18 =	vmin.f32 v18, v20;
	v20 =	vor.u32 $0x442, v1  }
0x153: {  	[tilespmem:$0x1100] =	vst v18  }
0x154: {  	v22 =	vor.u32 $0x443, v1;
	v21 =	vld.idx.msk [tilespmem:v21+s4+$0x0], $0xffff  }
0x155: {  	v19 =	vld.idx.msk [tilespmem:v19+s4+$0x0], $0xffff;
	_ =	sdelay $0x1  }
0x156: {  	v20 =	vld.idx.msk [tilespmem:v20+s4+$0x0], $0xffff;
	_ =	sdelay $0x1  }
0x157: {  	v22 =	vld.idx.msk [tilespmem:v22+s4+$0x0], $0xffff  }
0x158: {  	v21 =	vmul.f32 v21, v21;
	v19 =	vmul.f32 v19, v19;
	_ =	sdelay $0x1  }
0x159: {  	v19 =	vadd.f32 v19, v21;
	v20 =	vmul.f32 v20, v20  }
0x15a: {  	v21 =	vld [tilespmem:$0x1110]  }
0x15b: {  	v19 =	vadd.f32 v20, v19;
	v20 =	vmul.f32 v22, v22  }
0x15c: {  	v22 =	vor.u32 $0x480, v1  }
0x15d: {  	v19 =	vadd.f32 v20, v19;
	v20 =	vor.u32 $0x481, v1;
	_ =	sdelay $0x1  }
0x15e: {  	v19 =	vmin.f32 v19, v21;
	v21 =	vor.u32 $0x482, v1  }
0x15f: {  	[tilespmem:$0x1110] =	vst v19  }
0x160: {  	v23 =	vor.u32 $0x483, v1;
	v22 =	vld.idx.msk [tilespmem:v22+s4+$0x0], $0xffff  }
0x161: {  	v20 =	vld.idx.msk [tilespmem:v20+s4+$0x0], $0xffff;
	_ =	sdelay $0x1  }
0x162: {  	v21 =	vld.idx.msk [tilespmem:v21+s4+$0x0], $0xffff;
	_ =	sdelay $0x1  }
0x163: {  	v23 =	vld.idx.msk [tilespmem:v23+s4+$0x0], $0xffff  }
0x164: {  	v22 =	vmul.f32 v22, v22;
	v20 =	vmul.f32 v20, v20;
	_ =	sdelay $0x1  }
0x165: {  	v20 =	vadd.f32 v20, v22;
	v21 =	vmul.f32 v21, v21  }
0x166: {  	v22 =	vld [tilespmem:$0x1120]  }
0x167: {  	v20 =	vadd.f32 v21, v20;
	v21 =	vmul.f32 v23, v23  }
0x168: {  	v23 =	vor.u32 $0x4C0, v1  }
0x169: {  	v20 =	vadd.f32 v21, v20;
	v21 =	vor.u32 $0x4C1, v1;
	_ =	sdelay $0x1  }
0x16a: {  	v20 =	vmin.f32 v20, v22;
	v22 =	vor.u32 $0x4C2, v1  }
0x16b: {  	[tilespmem:$0x1120] =	vst v20  }
0x16c: {  	v24 =	vor.u32 $0x4C3, v1;
	v23 =	vld.idx.msk [tilespmem:v23+s4+$0x0], $0xffff  }
0x16d: {  	v21 =	vld.idx.msk [tilespmem:v21+s4+$0x0], $0xffff;
	_ =	sdelay $0x1  }
0x16e: {  	v22 =	vld.idx.msk [tilespmem:v22+s4+$0x0], $0xffff;
	_ =	sdelay $0x1  }
0x16f: {  	v24 =	vld.idx.msk [tilespmem:v24+s4+$0x0], $0xffff  }
0x170: {  	v23 =	vmul.f32 v23, v23;
	v21 =	vmul.f32 v21, v21;
	_ =	sdelay $0x1  }
0x171: {  	v21 =	vadd.f32 v21, v23;
	v22 =	vmul.f32 v22, v22  }
0x172: {  	v23 =	vld [tilespmem:$0x1130]  }
0x173: {  	v21 =	vadd.f32 v22, v21;
	v22 =	vmul.f32 v24, v24  }
0x174: {  	v24 =	vor.u32 $0x500, v1  }
0x175: {  	v21 =	vadd.f32 v22, v21;
	v22 =	vor.u32 $0x501, v1;
	_ =	sdelay $0x1  }
0x176: {  	v21 =	vmin.f32 v21, v23;
	v23 =	vor.u32 $0x502, v1  }
0x177: {  	[tilespmem:$0x1130] =	vst v21  }
0x178: {  	v25 =	vor.u32 $0x503, v1;
	v24 =	vld.idx.msk [tilespmem:v24+s4+$0x0], $0xffff  }
0x179: {  	v22 =	vld.idx.msk [tilespmem:v22+s4+$0x0], $0xffff;
	_ =	sdelay $0x1  }
0x17a: {  	v23 =	vld.idx.msk [tilespmem:v23+s4+$0x0], $0xffff;
	_ =	sdelay $0x1  }
0x17b: {  	v25 =	vld.idx.msk [tilespmem:v25+s4+$0x0], $0xffff  }
0x17c: {  	v24 =	vmul.f32 v24, v24;
	v22 =	vmul.f32 v22, v22;
	_ =	sdelay $0x1  }
0x17d: {  	v22 =	vadd.f32 v22, v24;
	v23 =	vmul.f32 v23, v23  }
0x17e: {  	v24 =	vld [tilespmem:$0x1140]  }
0x17f: {  	v22 =	vadd.f32 v23, v22;
	v23 =	vmul.f32 v25, v25  }
0x180: {  	v25 =	vor.u32 $0x540, v1  }
0x181: {  	v22 =	vadd.f32 v23, v22;
	v23 =	vor.u32 $0x541, v1;
	_ =	sdelay $0x1  }
0x182: {  	v22 =	vmin.f32 v22, v24;
	v24 =	vor.u32 $0x542, v1  }
0x183: {  	[tilespmem:$0x1140] =	vst v22  }
0x184: {  	v26 =	vor.u32 $0x543, v1;
	v25 =	vld.idx.msk [tilespmem:v25+s4+$0x0], $0xffff  }
0x185: {  	v23 =	vld.idx.msk [tilespmem:v23+s4+$0x0], $0xffff;
	_ =	sdelay $0x1  }
0x186: {  	v24 =	vld.idx.msk [tilespmem:v24+s4+$0x0], $0xffff;
	_ =	sdelay $0x1  }
0x187: {  	v26 =	vld.idx.msk [tilespmem:v26+s4+$0x0], $0xffff  }
0x188: {  	v25 =	vmul.f32 v25, v25;
	v23 =	vmul.f32 v23, v23;
	_ =	sdelay $0x1  }
0x189: {  	v23 =	vadd.f32 v23, v25;
	v24 =	vmul.f32 v24, v24  }
0x18a: {  	v25 =	vld [tilespmem:$0x1150]  }
0x18b: {  	v23 =	vadd.f32 v24, v23;
	v24 =	vmul.f32 v26, v26  }
0x18c: {  	v26 =	vor.u32 $0x580, v1  }
0x18d: {  	v23 =	vadd.f32 v24, v23;
	v24 =	vor.u32 $0x581, v1;
	_ =	sdelay $0x1  }
0x18e: {  	v23 =	vmin.f32 v23, v25;
	v25 =	vor.u32 $0x582, v1  }
0x18f: {  	[tilespmem:$0x1150] =	vst v23  }
0x190: {  	v27 =	vor.u32 $0x583, v1;
	v26 =	vld.idx.msk [tilespmem:v26+s4+$0x0], $0xffff  }
0x191: {  	v24 =	vld.idx.msk [tilespmem:v24+s4+$0x0], $0xffff;
	_ =	sdelay $0x1  }
0x192: {  	v25 =	vld.idx.msk [tilespmem:v25+s4+$0x0], $0xffff;
	_ =	sdelay $0x1  }
0x193: {  	v27 =	vld.idx.msk [tilespmem:v27+s4+$0x0], $0xffff  }
0x194: {  	v26 =	vmul.f32 v26, v26;
	v24 =	vmul.f32 v24, v24;
	_ =	sdelay $0x1  }
0x195: {  	v24 =	vadd.f32 v24, v26;
	v25 =	vmul.f32 v25, v25  }
0x196: {  	v26 =	vld [tilespmem:$0x1160]  }
0x197: {  	v24 =	vadd.f32 v25, v24;
	v25 =	vmul.f32 v27, v27  }
0x198: {  	v27 =	vor.u32 $0x5C0, v1  }
0x199: {  	v24 =	vadd.f32 v25, v24;
	v25 =	vor.u32 $0x5C1, v1;
	_ =	sdelay $0x1  }
0x19a: {  	v24 =	vmin.f32 v24, v26;
	v26 =	vor.u32 $0x5C2, v1  }
0x19b: {  	[tilespmem:$0x1160] =	vst v24  }
0x19c: {  	v28 =	vor.u32 $0x5C3, v1;
	v27 =	vld.idx.msk [tilespmem:v27+s4+$0x0], $0xffff  }
0x19d: {  	v25 =	vld.idx.msk [tilespmem:v25+s4+$0x0], $0xffff;
	_ =	sdelay $0x1  }
0x19e: {  	v26 =	vld.idx.msk [tilespmem:v26+s4+$0x0], $0xffff;
	_ =	sdelay $0x1  }
0x19f: {  	v28 =	vld.idx.msk [tilespmem:v28+s4+$0x0], $0xffff  }
0x1a0: {  	v27 =	vmul.f32 v27, v27;
	v25 =	vmul.f32 v25, v25;
	_ =	sdelay $0x1  }
0x1a1: {  	v25 =	vadd.f32 v25, v27;
	v26 =	vmul.f32 v26, v26  }
0x1a2: {  	v27 =	vld [tilespmem:$0x1170]  }
0x1a3: {  	v25 =	vadd.f32 v26, v25;
	v26 =	vmul.f32 v28, v28  }
0x1a4: {  	v28 =	vor.u32 $0x600, v1  }
0x1a5: {  	v25 =	vadd.f32 v26, v25;
	v26 =	vor.u32 $0x601, v1;
	_ =	sdelay $0x1  }
0x1a6: {  	v25 =	vmin.f32 v25, v27;
	v27 =	vor.u32 $0x602, v1  }
0x1a7: {  	[tilespmem:$0x1170] =	vst v25  }
0x1a8: {  	v29 =	vor.u32 $0x603, v1;
	v28 =	vld.idx.msk [tilespmem:v28+s4+$0x0], $0xffff  }
0x1a9: {  	v26 =	vld.idx.msk [tilespmem:v26+s4+$0x0], $0xffff;
	_ =	sdelay $0x1  }
0x1aa: {  	v27 =	vld.idx.msk [tilespmem:v27+s4+$0x0], $0xffff;
	_ =	sdelay $0x1  }
0x1ab: {  	v29 =	vld.idx.msk [tilespmem:v29+s4+$0x0], $0xffff  }
0x1ac: {  	v28 =	vmul.f32 v28, v28;
	v26 =	vmul.f32 v26, v26;
	_ =	sdelay $0x1  }
0x1ad: {  	v26 =	vadd.f32 v26, v28;
	v27 =	vmul.f32 v27, v27  }
0x1ae: {  	v28 =	vld [tilespmem:$0x1180]  }
0x1af: {  	v26 =	vadd.f32 v27, v26;
	v27 =	vmul.f32 v29, v29  }
0x1b0: {  	v29 =	vor.u32 $0x640, v1  }
0x1b1: {  	v26 =	vadd.f32 v27, v26;
	v27 =	vor.u32 $0x641, v1;
	_ =	sdelay $0x1  }
0x1b2: {  	v26 =	vmin.f32 v26, v28;
	v28 =	vor.u32 $0x642, v1  }
0x1b3: {  	[tilespmem:$0x1180] =	vst v26  }
0x1b4: {  	v30 =	vor.u32 $0x643, v1;
	v29 =	vld.idx.msk [tilespmem:v29+s4+$0x0], $0xffff  }
0x1b5: {  	v27 =	vld.idx.msk [tilespmem:v27+s4+$0x0], $0xffff;
	_ =	sdelay $0x1  }
0x1b6: {  	v28 =	vld.idx.msk [tilespmem:v28+s4+$0x0], $0xffff;
	_ =	sdelay $0x1  }
0x1b7: {  	v30 =	vld.idx.msk [tilespmem:v30+s4+$0x0], $0xffff  }
0x1b8: {  	v29 =	vmul.f32 v29, v29;
	v27 =	vmul.f32 v27, v27;
	_ =	sdelay $0x1  }
0x1b9: {  	v27 =	vadd.f32 v27, v29;
	v28 =	vmul.f32 v28, v28  }
0x1ba: {  	v29 =	vld [tilespmem:$0x1190]  }
0x1bb: {  	v27 =	vadd.f32 v28, v27;
	v28 =	vmul.f32 v30, v30  }
0x1bc: {  	v30 =	vor.u32 $0x680, v1  }
0x1bd: {  	v27 =	vadd.f32 v28, v27;
	v28 =	vor.u32 $0x681, v1;
	_ =	sdelay $0x1  }
0x1be: {  	v27 =	vmin.f32 v27, v29;
	v29 =	vor.u32 $0x682, v1  }
0x1bf: {  	[tilespmem:$0x1190] =	vst v27  }
0x1c0: {  	v31 =	vor.u32 $0x683, v1;
	v30 =	vld.idx.msk [tilespmem:v30+s4+$0x0], $0xffff  }
0x1c1: {  	v28 =	vld.idx.msk [tilespmem:v28+s4+$0x0], $0xffff;
	_ =	sdelay $0x1  }
0x1c2: {  	v29 =	vld.idx.msk [tilespmem:v29+s4+$0x0], $0xffff;
	_ =	sdelay $0x1  }
0x1c3: {  	v31 =	vld.idx.msk [tilespmem:v31+s4+$0x0], $0xffff  }
0x1c4: {  	v30 =	vmul.f32 v30, v30;
	v28 =	vmul.f32 v28, v28;
	_ =	sdelay $0x1  }
0x1c5: {  	v28 =	vadd.f32 v28, v30;
	v29 =	vmul.f32 v29, v29  }
0x1c6: {  	v30 =	vld [tilespmem:$0x11A0]  }
0x1c7: {  	v28 =	vadd.f32 v29, v28;
	v29 =	vmul.f32 v31, v31  }
0x1c8: {  	v31 =	vor.u32 $0x6C0, v1  }
0x1c9: {  	v28 =	vadd.f32 v29, v28;
	v29 =	vor.u32 $0x6C1, v1;
	_ =	sdelay $0x1  }
0x1ca: {  	v28 =	vmin.f32 v28, v30;
	v30 =	vor.u32 $0x6C2, v1  }
0x1cb: {  	[tilespmem:$0x11A0] =	vst v28  }
0x1cc: {  	v38 =	vor.u32 $0x6C3, v1;
	v31 =	vld.idx.msk [tilespmem:v31+s4+$0x0], $0xffff  }
0x1cd: {  	v29 =	vld.idx.msk [tilespmem:v29+s4+$0x0], $0xffff;
	_ =	sdelay $0x1  }
0x1ce: {  	v30 =	vld.idx.msk [tilespmem:v30+s4+$0x0], $0xffff;
	_ =	sdelay $0x1  }
0x1cf: {  	v32 =	vld.idx.msk [tilespmem:v38+s4+$0x0], $0xffff  }
0x1d0: {  	v31 =	vmul.f32 v31, v31;
	v29 =	vmul.f32 v29, v29;
	_ =	sdelay $0x1  }
0x1d1: {  	v29 =	vadd.f32 v29, v31;
	v30 =	vmul.f32 v30, v30  }
0x1d2: {  	v31 =	vld [tilespmem:$0x11B0]  }
0x1d3: {  	v29 =	vadd.f32 v30, v29;
	v30 =	vmul.f32 v32, v32  }
0x1d4: {  	v39 =	vor.u32 $0x700, v1  }
0x1d5: {  	v29 =	vadd.f32 v30, v29;
	v30 =	vor.u32 $0x701, v1;
	_ =	sdelay $0x1  }
0x1d6: {  	v29 =	vmin.f32 v29, v31;
	v31 =	vor.u32 $0x702, v1  }
0x1d7: {  	[tilespmem:$0x11B0] =	vst v29  }
0x1d8: {  	v40 =	vor.u32 $0x703, v1;
	v32 =	vld.idx.msk [tilespmem:v39+s4+$0x0], $0xffff  }
0x1d9: {  	v30 =	vld.idx.msk [tilespmem:v30+s4+$0x0], $0xffff;
	_ =	sdelay $0x1  }
0x1da: {  	v31 =	vld.idx.msk [tilespmem:v31+s4+$0x0], $0xffff;
	_ =	sdelay $0x1  }
0x1db: {  	v33 =	vld.idx.msk [tilespmem:v40+s4+$0x0], $0xffff  }
0x1dc: {  	v32 =	vmul.f32 v32, v32;
	v30 =	vmul.f32 v30, v30;
	_ =	sdelay $0x1  }
0x1dd: {  	v30 =	vadd.f32 v30, v32;
	v31 =	vmul.f32 v31, v31  }
0x1de: {  	v41 =	vld [tilespmem:$0x11C0]  }
0x1df: {  	v30 =	vadd.f32 v31, v30;
	v31 =	vmul.f32 v33, v33  }
0x1e0: {  	v42 =	vor.u32 $0x740, v1  }
0x1e1: {  	v30 =	vadd.f32 v31, v30;
	v31 =	vor.u32 $0x741, v1;
	_ =	sdelay $0x1  }
0x1e2: {  	v43 =	vor.u32 $0x742, v1;
	v30 =	vmin.f32 v30, v41  }
0x1e3: {  	[tilespmem:$0x11C0] =	vst v30  }
0x1e4: {  	v44 =	vor.u32 $0x743, v1;
	v33 =	vld.idx.msk [tilespmem:v42+s4+$0x0], $0xffff  }
0x1e5: {  	v31 =	vld.idx.msk [tilespmem:v31+s4+$0x0], $0xffff;
	_ =	sdelay $0x1  }
0x1e6: {  	v32 =	vld.idx.msk [tilespmem:v43+s4+$0x0], $0xffff;
	_ =	sdelay $0x1  }
0x1e7: {  	v34 =	vld.idx.msk [tilespmem:v44+s4+$0x0], $0xffff  }
0x1e8: {  	v33 =	vmul.f32 v33, v33;
	v31 =	vmul.f32 v31, v31;
	_ =	sdelay $0x1  }
0x1e9: {  	v32 =	vmul.f32 v32, v32;
	v31 =	vadd.f32 v31, v33  }
0x1ea: {  	v45 =	vld [tilespmem:$0x11D0]  }
0x1eb: {  	v46 =	vmul.f32 v34, v34;
	v31 =	vadd.f32 v32, v31  }
0x1ec: {  	v47 =	vor.u32 $0x780, v1  }
0x1ed: {  	v48 =	vor.u32 $0x781, v1;
	v31 =	vadd.f32 v46, v31;
	_ =	sdelay $0x1  }
0x1ee: {  	v49 =	vor.u32 $0x782, v1;
	v31 =	vmin.f32 v31, v45  }
0x1ef: {  	[tilespmem:$0x11D0] =	vst v31  }
0x1f0: {  	v50 =	vor.u32 $0x783, v1;
	v34 =	vld.idx.msk [tilespmem:v47+s4+$0x0], $0xffff  }
0x1f1: {  	v32 =	vld.idx.msk [tilespmem:v48+s4+$0x0], $0xffff;
	_ =	sdelay $0x1  }
0x1f2: {  	v33 =	vld.idx.msk [tilespmem:v49+s4+$0x0], $0xffff;
	_ =	sdelay $0x1  }
0x1f3: {  	v35 =	vld.idx.msk [tilespmem:v50+s4+$0x0], $0xffff  }
0x1f4: {  	v34 =	vmul.f32 v34, v34;
	v32 =	vmul.f32 v32, v32;
	_ =	sdelay $0x1  }
0x1f5: {  	v33 =	vmul.f32 v33, v33;
	v32 =	vadd.f32 v32, v34  }
0x1f6: {  	v51 =	vld [tilespmem:$0x11E0]  }
0x1f7: {  	v52 =	vmul.f32 v35, v35;
	v32 =	vadd.f32 v33, v32  }
0x1f8: {  	v53 =	vor.u32 $0x7C0, v1  }
0x1f9: {  	v54 =	vor.u32 $0x7C1, v1;
	v32 =	vadd.f32 v52, v32;
	_ =	sdelay $0x1  }
0x1fa: {  	v55 =	vor.u32 $0x7C2, v1;
	v32 =	vmin.f32 v32, v51  }
0x1fb: {  	[tilespmem:$0x11E0] =	vst v32  }
0x1fc: {  	v56 =	vor.u32 $0x7C3, v1;
	v35 =	vld.idx.msk [tilespmem:v53+s4+$0x0], $0xffff  }
0x1fd: {  	v33 =	vld.idx.msk [tilespmem:v54+s4+$0x0], $0xffff;
	_ =	sdelay $0x1  }
0x1fe: {  	v34 =	vld.idx.msk [tilespmem:v55+s4+$0x0], $0xffff;
	_ =	sdelay $0x1  }
0x1ff: {  	v36 =	vld.idx.msk [tilespmem:v56+s4+$0x0], $0xffff  }
0x200: {  	v35 =	vmul.f32 v35, v35;
	v33 =	vmul.f32 v33, v33;
	_ =	sdelay $0x1  }
0x201: {  	v34 =	vmul.f32 v34, v34;
	v33 =	vadd.f32 v33, v35  }
0x202: {  	v57 =	vld [tilespmem:$0x11F0]  }
0x203: {  	v58 =	vmul.f32 v36, v36;
	v33 =	vadd.f32 v34, v33  }
0x204: {  	v59 =	vor.u32 $0x800, v1  }
0x205: {  	v62 =	vmov v60;
	v60 =	vor.u32 $0x801, v1;
	v33 =	vadd.f32 v58, v33;
	_ =	sdelay $0x1  }
0x206: {  	v40 =	vor.u32 $0x802, v1;
	v33 =	vmin.f32 v33, v57  }
0x207: {  	[tilespmem:$0x11F0] =	vst v33  }
0x208: {  	v41 =	vor.u32 $0x803, v1;
	v36 =	vld.idx.msk [tilespmem:v59+s4+$0x0], $0xffff  }
0x209: {  	v34 =	vld.idx.msk [tilespmem:v60+s4+$0x0], $0xffff;
	_ =	sdelay $0x1  }
0x20a: {  	v35 =	vld.idx.msk [tilespmem:v40+s4+$0x0], $0xffff;
	_ =	sdelay $0x1  }
0x20b: {  	v37 =	vld.idx.msk [tilespmem:v41+s4+$0x0], $0xffff  }
0x20c: {  	v36 =	vmul.f32 v36, v36;
	v34 =	vmul.f32 v34, v34;
	_ =	sdelay $0x1  }
0x20d: {  	v35 =	vmul.f32 v35, v35;
	v34 =	vadd.f32 v34, v36  }
0x20e: {  	v42 =	vld [tilespmem:$0x1200]  }
0x20f: {  	v43 =	vmul.f32 v37, v37;
	v34 =	vadd.f32 v35, v34  }
0x210: {  	v44 =	vor.u32 $0x840, v1  }
0x211: {  	v45 =	vor.u32 $0x841, v1;
	v34 =	vadd.f32 v43, v34;
	_ =	sdelay $0x1  }
0x212: {  	v46 =	vor.u32 $0x842, v1;
	v34 =	vmin.f32 v34, v42  }
0x213: {  	[tilespmem:$0x1200] =	vst v34  }
0x214: {  	v47 =	vor.u32 $0x843, v1;
	v37 =	vld.idx.msk [tilespmem:v44+s4+$0x0], $0xffff  }
0x215: {  	v35 =	vld.idx.msk [tilespmem:v45+s4+$0x0], $0xffff;
	_ =	sdelay $0x1  }
0x216: {  	v36 =	vld.idx.msk [tilespmem:v46+s4+$0x0], $0xffff;
	_ =	sdelay $0x1  }
0x217: {  	v38 =	vld.idx.msk [tilespmem:v47+s4+$0x0], $0xffff  }
0x218: {  	v37 =	vmul.f32 v37, v37;
	v35 =	vmul.f32 v35, v35;
	_ =	sdelay $0x1  }
0x219: {  	v36 =	vmul.f32 v36, v36;
	v35 =	vadd.f32 v35, v37  }
0x21a: {  	v48 =	vld [tilespmem:$0x1210]  }
0x21b: {  	v49 =	vmul.f32 v38, v38;
	v35 =	vadd.f32 v36, v35  }
0x21c: {  	v50 =	vor.u32 $0x880, v1  }
0x21d: {  	v51 =	vor.u32 $0x881, v1;
	v35 =	vadd.f32 v49, v35;
	_ =	sdelay $0x1  }
0x21e: {  	v52 =	vor.u32 $0x882, v1;
	v35 =	vmin.f32 v35, v48  }
0x21f: {  	[tilespmem:$0x1210] =	vst v35  }
0x220: {  	v53 =	vor.u32 $0x883, v1;
	v38 =	vld.idx.msk [tilespmem:v50+s4+$0x0], $0xffff  }
0x221: {  	v36 =	vld.idx.msk [tilespmem:v51+s4+$0x0], $0xffff;
	_ =	sdelay $0x1  }
0x222: {  	v37 =	vld.idx.msk [tilespmem:v52+s4+$0x0], $0xffff;
	_ =	sdelay $0x1  }
0x223: {  	v39 =	vld.idx.msk [tilespmem:v53+s4+$0x0], $0xffff  }
0x224: {  	v38 =	vmul.f32 v38, v38;
	v36 =	vmul.f32 v36, v36;
	_ =	sdelay $0x1  }
0x225: {  	v37 =	vmul.f32 v37, v37;
	v36 =	vadd.f32 v36, v38  }
0x226: {  	v54 =	vld [tilespmem:$0x1220]  }
0x227: {  	v55 =	vmul.f32 v39, v39;
	v36 =	vadd.f32 v37, v36  }
0x228: {  	v56 =	vor.u32 $0x8C0, v1  }
0x229: {  	v57 =	vor.u32 $0x8C1, v1;
	v36 =	vadd.f32 v55, v36;
	_ =	sdelay $0x1  }
0x22a: {  	v58 =	vor.u32 $0x8C2, v1;
	v36 =	vmin.f32 v36, v54  }
0x22b: {  	[tilespmem:$0x1220] =	vst v36  }
0x22c: {  	v59 =	vor.u32 $0x8C3, v1;
	v39 =	vld.idx.msk [tilespmem:v56+s4+$0x0], $0xffff  }
0x22d: {  	v37 =	vld.idx.msk [tilespmem:v57+s4+$0x0], $0xffff;
	_ =	sdelay $0x1  }
0x22e: {  	v38 =	vld.idx.msk [tilespmem:v58+s4+$0x0], $0xffff;
	_ =	sdelay $0x1  }
0x22f: {  	v40 =	vld.idx.msk [tilespmem:v59+s4+$0x0], $0xffff  }
0x230: {  	v39 =	vmul.f32 v39, v39;
	v37 =	vmul.f32 v37, v37;
	_ =	sdelay $0x1  }
0x231: {  	v38 =	vmul.f32 v38, v38;
	v37 =	vadd.f32 v37, v39  }
0x232: {  	v60 =	vld [tilespmem:$0x1230]  }
0x233: {  	v44 =	vmul.f32 v40, v40;
	v37 =	vadd.f32 v38, v37  }
0x234: {  	v45 =	vor.u32 $0x900, v1  }
0x235: {  	v46 =	vor.u32 $0x901, v1;
	v37 =	vadd.f32 v44, v37;
	_ =	sdelay $0x1  }
0x236: {  	v47 =	vor.u32 $0x902, v1;
	v37 =	vmin.f32 v37, v60  }
0x237: {  	[tilespmem:$0x1230] =	vst v37  }
0x238: {  	v48 =	vor.u32 $0x903, v1;
	v40 =	vld.idx.msk [tilespmem:v45+s4+$0x0], $0xffff  }
0x239: {  	v38 =	vld.idx.msk [tilespmem:v46+s4+$0x0], $0xffff;
	_ =	sdelay $0x1  }
0x23a: {  	v39 =	vld.idx.msk [tilespmem:v47+s4+$0x0], $0xffff;
	_ =	sdelay $0x1  }
0x23b: {  	v41 =	vld.idx.msk [tilespmem:v48+s4+$0x0], $0xffff  }
0x23c: {  	v40 =	vmul.f32 v40, v40;
	v38 =	vmul.f32 v38, v38;
	_ =	sdelay $0x1  }
0x23d: {  	v39 =	vmul.f32 v39, v39;
	v38 =	vadd.f32 v38, v40  }
0x23e: {  	v49 =	vld [tilespmem:$0x1240]  }
0x23f: {  	v50 =	vmul.f32 v41, v41;
	v38 =	vadd.f32 v39, v38  }
0x240: {  	v51 =	vor.u32 $0x940, v1  }
0x241: {  	v52 =	vor.u32 $0x941, v1;
	v38 =	vadd.f32 v50, v38;
	_ =	sdelay $0x1  }
0x242: {  	v53 =	vor.u32 $0x942, v1;
	v38 =	vmin.f32 v38, v49  }
0x243: {  	[tilespmem:$0x1240] =	vst v38  }
0x244: {  	v54 =	vor.u32 $0x943, v1;
	v41 =	vld.idx.msk [tilespmem:v51+s4+$0x0], $0xffff  }
0x245: {  	v39 =	vld.idx.msk [tilespmem:v52+s4+$0x0], $0xffff;
	_ =	sdelay $0x1  }
0x246: {  	v40 =	vld.idx.msk [tilespmem:v53+s4+$0x0], $0xffff;
	_ =	sdelay $0x1  }
0x247: {  	v42 =	vld.idx.msk [tilespmem:v54+s4+$0x0], $0xffff  }
0x248: {  	v41 =	vmul.f32 v41, v41;
	v39 =	vmul.f32 v39, v39;
	_ =	sdelay $0x1  }
0x249: {  	v40 =	vmul.f32 v40, v40;
	v39 =	vadd.f32 v39, v41  }
0x24a: {  	v55 =	vld [tilespmem:$0x1250]  }
0x24b: {  	v56 =	vmul.f32 v42, v42;
	v39 =	vadd.f32 v40, v39  }
0x24c: {  	v57 =	vor.u32 $0x980, v1  }
0x24d: {  	v58 =	vor.u32 $0x981, v1;
	v39 =	vadd.f32 v56, v39;
	_ =	sdelay $0x1  }
0x24e: {  	v59 =	vor.u32 $0x982, v1;
	v39 =	vmin.f32 v39, v55  }
0x24f: {  	[tilespmem:$0x1250] =	vst v39  }
0x250: {  	v60 =	vor.u32 $0x983, v1;
	v42 =	vld.idx.msk [tilespmem:v57+s4+$0x0], $0xffff  }
0x251: {  	v40 =	vld.idx.msk [tilespmem:v58+s4+$0x0], $0xffff;
	_ =	sdelay $0x1  }
0x252: {  	v41 =	vld.idx.msk [tilespmem:v59+s4+$0x0], $0xffff;
	_ =	sdelay $0x1  }
0x253: {  	v43 =	vld.idx.msk [tilespmem:v60+s4+$0x0], $0xffff  }
0x254: {  	v42 =	vmul.f32 v42, v42;
	v40 =	vmul.f32 v40, v40;
	_ =	sdelay $0x1  }
0x255: {  	v41 =	vmul.f32 v41, v41;
	v40 =	vadd.f32 v40, v42  }
0x256: {  	v45 =	vld [tilespmem:$0x1260]  }
0x257: {  	v46 =	vmul.f32 v43, v43;
	v40 =	vadd.f32 v41, v40  }
0x258: {  	v47 =	vor.u32 $0x9C0, v1  }
0x259: {  	v48 =	vor.u32 $0x9C1, v1;
	v40 =	vadd.f32 v46, v40;
	_ =	sdelay $0x1  }
0x25a: {  	v49 =	vor.u32 $0x9C2, v1;
	v40 =	vmin.f32 v40, v45  }
0x25b: {  	[tilespmem:$0x1260] =	vst v40  }
0x25c: {  	v50 =	vor.u32 $0x9C3, v1;
	v43 =	vld.idx.msk [tilespmem:v47+s4+$0x0], $0xffff  }
0x25d: {  	v41 =	vld.idx.msk [tilespmem:v48+s4+$0x0], $0xffff;
	_ =	sdelay $0x1  }
0x25e: {  	v42 =	vld.idx.msk [tilespmem:v49+s4+$0x0], $0xffff;
	_ =	sdelay $0x1  }
0x25f: {  	v44 =	vld.idx.msk [tilespmem:v50+s4+$0x0], $0xffff  }
0x260: {  	v43 =	vmul.f32 v43, v43;
	v41 =	vmul.f32 v41, v41;
	_ =	sdelay $0x1  }
0x261: {  	v42 =	vmul.f32 v42, v42;
	v41 =	vadd.f32 v41, v43  }
0x262: {  	v51 =	vld [tilespmem:$0x1270]  }
0x263: {  	v52 =	vmul.f32 v44, v44;
	v41 =	vadd.f32 v42, v41  }
0x264: {  	v53 =	vor.u32 $0xA00, v1  }
0x265: {  	v54 =	vor.u32 $0xA01, v1;
	v41 =	vadd.f32 v52, v41;
	_ =	sdelay $0x1  }
0x266: {  	v55 =	vor.u32 $0xA02, v1;
	v41 =	vmin.f32 v41, v51  }
0x267: {  	[tilespmem:$0x1270] =	vst v41  }
0x268: {  	v56 =	vor.u32 $0xA03, v1;
	v44 =	vld.idx.msk [tilespmem:v53+s4+$0x0], $0xffff  }
0x269: {  	v42 =	vld.idx.msk [tilespmem:v54+s4+$0x0], $0xffff;
	_ =	sdelay $0x1  }
0x26a: {  	v43 =	vld.idx.msk [tilespmem:v55+s4+$0x0], $0xffff;
	_ =	sdelay $0x1  }
0x26b: {  	v45 =	vld.idx.msk [tilespmem:v56+s4+$0x0], $0xffff  }
0x26c: {  	v44 =	vmul.f32 v44, v44;
	v42 =	vmul.f32 v42, v42;
	_ =	sdelay $0x1  }
0x26d: {  	v43 =	vmul.f32 v43, v43;
	v42 =	vadd.f32 v42, v44  }
0x26e: {  	v57 =	vld [tilespmem:$0x1280]  }
0x26f: {  	v58 =	vmul.f32 v45, v45;
	v42 =	vadd.f32 v43, v42  }
0x270: {  	v59 =	vor.u32 $0xA40, v1  }
0x271: {  	v60 =	vor.u32 $0xA41, v1;
	v42 =	vadd.f32 v58, v42;
	_ =	sdelay $0x1  }
0x272: {  	v48 =	vor.u32 $0xA42, v1;
	v42 =	vmin.f32 v42, v57  }
0x273: {  	[tilespmem:$0x1280] =	vst v42  }
0x274: {  	v49 =	vor.u32 $0xA43, v1;
	v45 =	vld.idx.msk [tilespmem:v59+s4+$0x0], $0xffff  }
0x275: {  	v43 =	vld.idx.msk [tilespmem:v60+s4+$0x0], $0xffff;
	_ =	sdelay $0x1  }
0x276: {  	v44 =	vld.idx.msk [tilespmem:v48+s4+$0x0], $0xffff;
	_ =	sdelay $0x1  }
0x277: {  	v46 =	vld.idx.msk [tilespmem:v49+s4+$0x0], $0xffff  }
0x278: {  	v45 =	vmul.f32 v45, v45;
	v43 =	vmul.f32 v43, v43;
	_ =	sdelay $0x1  }
0x279: {  	v44 =	vmul.f32 v44, v44;
	v43 =	vadd.f32 v43, v45  }
0x27a: {  	v50 =	vld [tilespmem:$0x1290]  }
0x27b: {  	v51 =	vmul.f32 v46, v46;
	v43 =	vadd.f32 v44, v43  }
0x27c: {  	v52 =	vor.u32 $0xA80, v1  }
0x27d: {  	v53 =	vor.u32 $0xA81, v1;
	v43 =	vadd.f32 v51, v43;
	_ =	sdelay $0x1  }
0x27e: {  	v54 =	vor.u32 $0xA82, v1;
	v43 =	vmin.f32 v43, v50  }
0x27f: {  	[tilespmem:$0x1290] =	vst v43  }
0x280: {  	v55 =	vor.u32 $0xA83, v1;
	v46 =	vld.idx.msk [tilespmem:v52+s4+$0x0], $0xffff  }
0x281: {  	v44 =	vld.idx.msk [tilespmem:v53+s4+$0x0], $0xffff;
	_ =	sdelay $0x1  }
0x282: {  	v45 =	vld.idx.msk [tilespmem:v54+s4+$0x0], $0xffff;
	_ =	sdelay $0x1  }
0x283: {  	v47 =	vld.idx.msk [tilespmem:v55+s4+$0x0], $0xffff  }
0x284: {  	v46 =	vmul.f32 v46, v46;
	v44 =	vmul.f32 v44, v44;
	_ =	sdelay $0x1  }
0x285: {  	v45 =	vmul.f32 v45, v45;
	v44 =	vadd.f32 v44, v46  }
0x286: {  	v56 =	vld [tilespmem:$0x12A0]  }
0x287: {  	v57 =	vmul.f32 v47, v47;
	v44 =	vadd.f32 v45, v44  }
0x288: {  	v58 =	vor.u32 $0xAC0, v1  }
0x289: {  	v59 =	vor.u32 $0xAC1, v1;
	v44 =	vadd.f32 v57, v44;
	_ =	sdelay $0x1  }
0x28a: {  	v60 =	vor.u32 $0xAC2, v1;
	v44 =	vmin.f32 v44, v56  }
0x28b: {  	[tilespmem:$0x12A0] =	vst v44  }
0x28c: {  	v52 =	vor.u32 $0xAC3, v1;
	v47 =	vld.idx.msk [tilespmem:v58+s4+$0x0], $0xffff  }
0x28d: {  	v45 =	vld.idx.msk [tilespmem:v59+s4+$0x0], $0xffff;
	_ =	sdelay $0x1  }
0x28e: {  	v46 =	vld.idx.msk [tilespmem:v60+s4+$0x0], $0xffff;
	_ =	sdelay $0x1  }
0x28f: {  	v48 =	vld.idx.msk [tilespmem:v52+s4+$0x0], $0xffff  }
0x290: {  	v47 =	vmul.f32 v47, v47;
	v45 =	vmul.f32 v45, v45;
	_ =	sdelay $0x1  }
0x291: {  	v46 =	vmul.f32 v46, v46;
	v45 =	vadd.f32 v45, v47  }
0x292: {  	v53 =	vld [tilespmem:$0x12B0]  }
0x293: {  	v54 =	vmul.f32 v48, v48;
	v45 =	vadd.f32 v46, v45  }
0x294: {  	v55 =	vor.u32 $0xB00, v1  }
0x295: {  	v56 =	vor.u32 $0xB01, v1;
	v45 =	vadd.f32 v54, v45;
	_ =	sdelay $0x1  }
0x296: {  	v57 =	vor.u32 $0xB02, v1;
	v45 =	vmin.f32 v45, v53  }
0x297: {  	[tilespmem:$0x12B0] =	vst v45  }
0x298: {  	v58 =	vor.u32 $0xB03, v1;
	v48 =	vld.idx.msk [tilespmem:v55+s4+$0x0], $0xffff  }
0x299: {  	v46 =	vld.idx.msk [tilespmem:v56+s4+$0x0], $0xffff;
	_ =	sdelay $0x1  }
0x29a: {  	v47 =	vld.idx.msk [tilespmem:v57+s4+$0x0], $0xffff;
	_ =	sdelay $0x1  }
0x29b: {  	v49 =	vld.idx.msk [tilespmem:v58+s4+$0x0], $0xffff  }
0x29c: {  	v48 =	vmul.f32 v48, v48;
	v46 =	vmul.f32 v46, v46;
	_ =	sdelay $0x1  }
0x29d: {  	v47 =	vmul.f32 v47, v47;
	v46 =	vadd.f32 v46, v48  }
0x29e: {  	v59 =	vld [tilespmem:$0x12C0]  }
0x29f: {  	v60 =	vmul.f32 v49, v49;
	v46 =	vadd.f32 v47, v46  }
0x2a0: {  	v52 =	vor.u32 $0xB40, v1  }
0x2a1: {  	v53 =	vor.u32 $0xB41, v1;
	v46 =	vadd.f32 v60, v46;
	_ =	sdelay $0x1  }
0x2a2: {  	v54 =	vor.u32 $0xB42, v1;
	v46 =	vmin.f32 v46, v59  }
0x2a3: {  	[tilespmem:$0x12C0] =	vst v46  }
0x2a4: {  	v55 =	vor.u32 $0xB43, v1;
	v49 =	vld.idx.msk [tilespmem:v52+s4+$0x0], $0xffff  }
0x2a5: {  	v47 =	vld.idx.msk [tilespmem:v53+s4+$0x0], $0xffff;
	_ =	sdelay $0x1  }
0x2a6: {  	v48 =	vld.idx.msk [tilespmem:v54+s4+$0x0], $0xffff;
	_ =	sdelay $0x1  }
0x2a7: {  	v50 =	vld.idx.msk [tilespmem:v55+s4+$0x0], $0xffff  }
0x2a8: {  	v49 =	vmul.f32 v49, v49;
	v47 =	vmul.f32 v47, v47;
	_ =	sdelay $0x1  }
0x2a9: {  	v48 =	vmul.f32 v48, v48;
	v47 =	vadd.f32 v47, v49  }
0x2aa: {  	v56 =	vld [tilespmem:$0x12D0]  }
0x2ab: {  	v57 =	vmul.f32 v50, v50;
	v47 =	vadd.f32 v48, v47  }
0x2ac: {  	v58 =	vor.u32 $0xB80, v1  }
0x2ad: {  	v59 =	vor.u32 $0xB81, v1;
	v47 =	vadd.f32 v57, v47;
	_ =	sdelay $0x1  }
0x2ae: {  	v60 =	vor.u32 $0xB82, v1;
	v47 =	vmin.f32 v47, v56  }
0x2af: {  	[tilespmem:$0x12D0] =	vst v47  }
0x2b0: {  	v54 =	vor.u32 $0xB83, v1;
	v50 =	vld.idx.msk [tilespmem:v58+s4+$0x0], $0xffff  }
0x2b1: {  	v48 =	vld.idx.msk [tilespmem:v59+s4+$0x0], $0xffff;
	_ =	sdelay $0x1  }
0x2b2: {  	v49 =	vld.idx.msk [tilespmem:v60+s4+$0x0], $0xffff;
	_ =	sdelay $0x1  }
0x2b3: {  	v51 =	vld.idx.msk [tilespmem:v54+s4+$0x0], $0xffff  }
0x2b4: {  	v50 =	vmul.f32 v50, v50;
	v48 =	vmul.f32 v48, v48;
	_ =	sdelay $0x1  }
0x2b5: {  	v49 =	vmul.f32 v49, v49;
	v48 =	vadd.f32 v48, v50  }
0x2b6: {  	v55 =	vld [tilespmem:$0x12E0]  }
0x2b7: {  	v56 =	vmul.f32 v51, v51;
	v48 =	vadd.f32 v49, v48  }
0x2b8: {  	v57 =	vor.u32 $0xBC0, v1  }
0x2b9: {  	v58 =	vor.u32 $0xBC1, v1;
	v48 =	vadd.f32 v56, v48;
	_ =	sdelay $0x1  }
0x2ba: {  	v59 =	vor.u32 $0xBC2, v1;
	v48 =	vmin.f32 v48, v55  }
0x2bb: {  	[tilespmem:$0x12E0] =	vst v48  }
0x2bc: {  	v60 =	vor.u32 $0xBC3, v1;
	v51 =	vld.idx.msk [tilespmem:v57+s4+$0x0], $0xffff  }
0x2bd: {  	v49 =	vld.idx.msk [tilespmem:v58+s4+$0x0], $0xffff;
	_ =	sdelay $0x1  }
0x2be: {  	v50 =	vld.idx.msk [tilespmem:v59+s4+$0x0], $0xffff;
	_ =	sdelay $0x1  }
0x2bf: {  	v52 =	vld.idx.msk [tilespmem:v60+s4+$0x0], $0xffff  }
0x2c0: {  	v51 =	vmul.f32 v51, v51;
	v49 =	vmul.f32 v49, v49;
	_ =	sdelay $0x1  }
0x2c1: {  	v50 =	vmul.f32 v50, v50;
	v49 =	vadd.f32 v49, v51  }
0x2c2: {  	v56 =	vld [tilespmem:$0x12F0]  }
0x2c3: {  	v57 =	vmul.f32 v52, v52;
	v49 =	vadd.f32 v50, v49  }
0x2c4: {  	v58 =	vor.u32 $0xC00, v1  }
0x2c5: {  	v59 =	vor.u32 $0xC01, v1;
	v49 =	vadd.f32 v57, v49;
	_ =	sdelay $0x1  }
0x2c6: {  	v60 =	vor.u32 $0xC02, v1;
	v49 =	vmin.f32 v49, v56  }
0x2c7: {  	[tilespmem:$0x12F0] =	vst v49  }
0x2c8: {  	v56 =	vor.u32 $0xC03, v1;
	v52 =	vld.idx.msk [tilespmem:v58+s4+$0x0], $0xffff  }
0x2c9: {  	v50 =	vld.idx.msk [tilespmem:v59+s4+$0x0], $0xffff;
	_ =	sdelay $0x1  }
0x2ca: {  	v51 =	vld.idx.msk [tilespmem:v60+s4+$0x0], $0xffff;
	_ =	sdelay $0x1  }
0x2cb: {  	v53 =	vld.idx.msk [tilespmem:v56+s4+$0x0], $0xffff  }
0x2cc: {  	v52 =	vmul.f32 v52, v52;
	v50 =	vmul.f32 v50, v50;
	_ =	sdelay $0x1  }
0x2cd: {  	v51 =	vmul.f32 v51, v51;
	v50 =	vadd.f32 v50, v52  }
0x2ce: {  	v57 =	vld [tilespmem:$0x1300]  }
0x2cf: {  	v58 =	vmul.f32 v53, v53;
	v50 =	vadd.f32 v51, v50  }
0x2d0: {  	v59 =	vor.u32 $0xC40, v1  }
0x2d1: {  	v60 =	vor.u32 $0xC41, v1;
	v50 =	vadd.f32 v58, v50;
	_ =	sdelay $0x1  }
0x2d2: {  	v50 =	vmin.f32 v50, v57;
	v57 =	vor.u32 $0xC42, v1  }
0x2d3: {  	[tilespmem:$0x1300] =	vst v50  }
0x2d4: {  	v58 =	vor.u32 $0xC43, v1;
	v53 =	vld.idx.msk [tilespmem:v59+s4+$0x0], $0xffff  }
0x2d5: {  	v51 =	vld.idx.msk [tilespmem:v60+s4+$0x0], $0xffff;
	_ =	sdelay $0x1  }
0x2d6: {  	v52 =	vld.idx.msk [tilespmem:v57+s4+$0x0], $0xffff;
	_ =	sdelay $0x1  }
0x2d7: {  	v54 =	vld.idx.msk [tilespmem:v58+s4+$0x0], $0xffff  }
0x2d8: {  	v53 =	vmul.f32 v53, v53;
	v51 =	vmul.f32 v51, v51;
	_ =	sdelay $0x1  }
0x2d9: {  	v51 =	vadd.f32 v51, v53;
	v52 =	vmul.f32 v52, v52  }
0x2da: {  	v59 =	vld [tilespmem:$0x1310]  }
0x2db: {  	v60 =	vmul.f32 v54, v54;
	v51 =	vadd.f32 v52, v51  }
0x2dc: {  	v57 =	vor.u32 $0xC80, v1  }
0x2dd: {  	v58 =	vor.u32 $0xC81, v1;
	v51 =	vadd.f32 v60, v51;
	_ =	sdelay $0x1  }
0x2de: {  	v51 =	vmin.f32 v51, v59;
	v59 =	vor.u32 $0xC82, v1  }
0x2df: {  	[tilespmem:$0x1310] =	vst v51  }
0x2e0: {  	v60 =	vor.u32 $0xC83, v1;
	v54 =	vld.idx.msk [tilespmem:v57+s4+$0x0], $0xffff  }
0x2e1: {  	v52 =	vld.idx.msk [tilespmem:v58+s4+$0x0], $0xffff;
	_ =	sdelay $0x1  }
0x2e2: {  	v53 =	vld.idx.msk [tilespmem:v59+s4+$0x0], $0xffff;
	_ =	sdelay $0x1  }
0x2e3: {  	v55 =	vld.idx.msk [tilespmem:v60+s4+$0x0], $0xffff  }
0x2e4: {  	v54 =	vmul.f32 v54, v54;
	v52 =	vmul.f32 v52, v52;
	_ =	sdelay $0x1  }
0x2e5: {  	v52 =	vadd.f32 v52, v54;
	v53 =	vmul.f32 v53, v53  }
0x2e6: {  	v57 =	vld [tilespmem:$0x1320]  }
0x2e7: {  	v58 =	vmul.f32 v55, v55;
	v52 =	vadd.f32 v53, v52  }
0x2e8: {  	v59 =	vor.u32 $0xCC0, v1  }
0x2e9: {  	v53 =	vor.u32 $0xCC1, v1;
	v52 =	vadd.f32 v58, v52;
	_ =	sdelay $0x1  }
0x2ea: {  	v54 =	vor.u32 $0xCC2, v1;
	v52 =	vmin.f32 v52, v57  }
0x2eb: {  	[tilespmem:$0x1320] =	vst v52  }
0x2ec: {  	v60 =	vor.u32 $0xCC3, v1;
	v55 =	vld.idx.msk [tilespmem:v59+s4+$0x0], $0xffff  }
0x2ed: {  	v53 =	vld.idx.msk [tilespmem:v53+s4+$0x0], $0xffff;
	_ =	sdelay $0x1  }
0x2ee: {  	v54 =	vld.idx.msk [tilespmem:v54+s4+$0x0], $0xffff;
	_ =	sdelay $0x1  }
0x2ef: {  	v56 =	vld.idx.msk [tilespmem:v60+s4+$0x0], $0xffff  }
0x2f0: {  	v55 =	vmul.f32 v55, v55;
	v53 =	vmul.f32 v53, v53;
	_ =	sdelay $0x1  }
0x2f1: {  	v54 =	vmul.f32 v54, v54;
	v53 =	vadd.f32 v53, v55  }
0x2f2: {  	v55 =	vld [tilespmem:$0x1330]  }
0x2f3: {  	v53 =	vadd.f32 v54, v53;
	v54 =	vmul.f32 v56, v56  }
0x2f4: {  	v60 =	vor.u32 $0xD00, v1  }
0x2f5: {  	v53 =	vadd.f32 v54, v53;
	v54 =	vor.u32 $0xD01, v1;
	_ =	sdelay $0x1  }
0x2f6: {  	v53 =	vmin.f32 v53, v55;
	v55 =	vor.u32 $0xD02, v1  }
0x2f7: {  	[tilespmem:$0x1330] =	vst v53  }
0x2f8: {  	v56 =	vld.idx.msk [tilespmem:v60+s4+$0x0], $0xffff;
	v60 =	vor.u32 $0xD03, v1  }
0x2f9: {  	v54 =	vld.idx.msk [tilespmem:v54+s4+$0x0], $0xffff;
	_ =	sdelay $0x1  }
0x2fa: {  	v55 =	vld.idx.msk [tilespmem:v55+s4+$0x0], $0xffff;
	_ =	sdelay $0x1  }
0x2fb: {  	v57 =	vld.idx.msk [tilespmem:v60+s4+$0x0], $0xffff  }
0x2fc: {  	v56 =	vmul.f32 v56, v56;
	v54 =	vmul.f32 v54, v54;
	_ =	sdelay $0x1  }
0x2fd: {  	v54 =	vadd.f32 v54, v56;
	v55 =	vmul.f32 v55, v55  }
0x2fe: {  	v56 =	vld [tilespmem:$0x1340]  }
0x2ff: {  	v54 =	vadd.f32 v55, v54;
	v55 =	vmul.f32 v57, v57  }
0x300: {  	v60 =	vor.u32 $0xD40, v1  }
0x301: {  	v54 =	vadd.f32 v55, v54;
	v55 =	vor.u32 $0xD41, v1;
	_ =	sdelay $0x1  }
0x302: {  	v54 =	vmin.f32 v54, v56;
	v56 =	vor.u32 $0xD42, v1  }
0x303: {  	[tilespmem:$0x1340] =	vst v54  }
0x304: {  	v57 =	vld.idx.msk [tilespmem:v60+s4+$0x0], $0xffff;
	v60 =	vor.u32 $0xD43, v1  }
0x305: {  	v55 =	vld.idx.msk [tilespmem:v55+s4+$0x0], $0xffff;
	_ =	sdelay $0x1  }
0x306: {  	v56 =	vld.idx.msk [tilespmem:v56+s4+$0x0], $0xffff;
	_ =	sdelay $0x1  }
0x307: {  	v58 =	vld.idx.msk [tilespmem:v60+s4+$0x0], $0xffff  }
0x308: {  	v57 =	vmul.f32 v57, v57;
	v55 =	vmul.f32 v55, v55;
	_ =	sdelay $0x1  }
0x309: {  	v55 =	vadd.f32 v55, v57;
	v56 =	vmul.f32 v56, v56  }
0x30a: {  	v57 =	vld [tilespmem:$0x1350]  }
0x30b: {  	v55 =	vadd.f32 v56, v55;
	v56 =	vmul.f32 v58, v58  }
0x30c: {  	v60 =	vor.u32 $0xD80, v1  }
0x30d: {  	v55 =	vadd.f32 v56, v55;
	v56 =	vor.u32 $0xD81, v1;
	_ =	sdelay $0x1  }
0x30e: {  	v55 =	vmin.f32 v55, v57;
	v57 =	vor.u32 $0xD82, v1  }
0x30f: {  	[tilespmem:$0x1350] =	vst v55  }
0x310: {  	v58 =	vld.idx.msk [tilespmem:v60+s4+$0x0], $0xffff;
	v60 =	vor.u32 $0xD83, v1  }
0x311: {  	v56 =	vld.idx.msk [tilespmem:v56+s4+$0x0], $0xffff;
	_ =	sdelay $0x1  }
0x312: {  	v57 =	vld.idx.msk [tilespmem:v57+s4+$0x0], $0xffff;
	_ =	sdelay $0x1  }
0x313: {  	v59 =	vld.idx.msk [tilespmem:v60+s4+$0x0], $0xffff  }
0x314: {  	v58 =	vmul.f32 v58, v58;
	v56 =	vmul.f32 v56, v56;
	_ =	sdelay $0x1  }
0x315: {  	v56 =	vadd.f32 v56, v58;
	v57 =	vmul.f32 v57, v57  }
0x316: {  	v58 =	vld [tilespmem:$0x1360]  }
0x317: {  	v56 =	vadd.f32 v57, v56;
	v57 =	vmul.f32 v59, v59  }
0x318: {  	v60 =	vor.u32 $0xDC0, v1  }
0x319: {  	v56 =	vadd.f32 v57, v56;
	v57 =	vor.u32 $0xDC1, v1;
	_ =	sdelay $0x1  }
0x31a: {  	v56 =	vmin.f32 v56, v58;
	v58 =	vor.u32 $0xDC2, v1  }
0x31b: {  	[tilespmem:$0x1360] =	vst v56  }
0x31c: {  	v59 =	vld.idx.msk [tilespmem:v60+s4+$0x0], $0xffff;
	v60 =	vor.u32 $0xDC3, v1  }
0x31d: {  	v57 =	vld.idx.msk [tilespmem:v57+s4+$0x0], $0xffff;
	_ =	sdelay $0x1  }
0x31e: {  	v58 =	vld.idx.msk [tilespmem:v58+s4+$0x0], $0xffff;
	_ =	sdelay $0x1  }
0x31f: {  	v60 =	vld.idx.msk [tilespmem:v60+s4+$0x0], $0xffff  }
0x320: {  	v59 =	vmul.f32 v59, v59;
	v57 =	vmul.f32 v57, v57  }
0x321: {  	vm0 =	vlt.f32 v2, $-Inf  }
0x322: {  	vm1 =	vgt.f32 v2, $-Inf;
	v57 =	vadd.f32 v57, v59;
	v58 =	vmul.f32 v58, v58  }
0x323: {  	vm3 =	vmor vm1, vm0;
	v59 =	vld [tilespmem:$0x1370]  }
0x324: {  	v2 =	vnsel vm3, $0xFF800000, v2;
	v57 =	vadd.f32 v58, v57;
	v58 =	vmul.f32 v60, v60  }
0x325: {  	vm5 =	vgt.f32 v3, v2;
	v60 =	vor.u32 $0xE00, v1  }
0x326: {  	v3 =	vsel vm5, v3, v2;
	v57 =	vadd.f32 v58, v57;
	v58 =	vor.u32 $0xE01, v1  }
0x327: {  	vm9 =	vgt.f32 v4, v3  }
0x328: {  	v3 =	vsel vm9, v4, v3;
	v2 =	vmin.f32 v57, v59;
	v57 =	vor.u32 $0xE02, v1  }
0x329: {  	vm2 =	vgt.f32 v5, v3;
	[tilespmem:$0x1370] =	vst v2  }
0x32a: {  	v3 =	vsel vm2, v5, v3;
	v4 =	vld.idx.msk [tilespmem:v60+s4+$0x0], $0xffff;
	v60 =	vor.u32 $0xE03, v1  }
0x32b: {  	vm1 =	vgt.f32 v6, v3;
	v5 =	vld.idx.msk [tilespmem:v58+s4+$0x0], $0xffff  }
0x32c: {  	v3 =	vsel vm1, v6, v3  }
0x32d: {  	vm14 =	vgt.f32 v7, v3;
	v6 =	vld.idx.msk [tilespmem:v57+s4+$0x0], $0xffff  }
0x32e: {  	v3 =	vsel vm14, v7, v3  }
0x32f: {  	vm4 =	vgt.f32 v8, v3;
	v7 =	vld.idx.msk [tilespmem:v60+s4+$0x0], $0xffff  }
0x330: {  	v3 =	vsel vm4, v8, v3;
	v4 =	vmul.f32 v4, v4;
	v5 =	vmul.f32 v5, v5  }
0x331: {  	vm8 =	vgt.f32 v9, v3  }
0x332: {  	v3 =	vsel vm8, v9, v3;
	v4 =	vadd.f32 v5, v4;
	v5 =	vmul.f32 v6, v6  }
0x333: {  	vm6 =	vgt.f32 v10, v3;
	v6 =	vld [tilespmem:$0x1380]  }
0x334: {  	v3 =	vsel vm6, v10, v3;
	v4 =	vadd.f32 v5, v4;
	v5 =	vmul.f32 v7, v7  }
0x335: {  	vm10 =	vgt.f32 v11, v3;
	v7 =	vor.u32 $0xE40, v1  }
0x336: {  	v8 =	vsel vm10, v11, v3;
	v4 =	vadd.f32 v5, v4;
	v5 =	vor.u32 $0xE41, v1  }
0x337: {  	vm7 =	vgt.f32 v12, v8  }
0x338: {  	v3 =	vmin.f32 v4, v6;
	v4 =	vor.u32 $0xE42, v1;
	v6 =	vsel vm7, v12, v8  }
0x339: {  	[tilespmem:$0x1380] =	vst v3;
	vm12 =	vgt.f32 v13, v6  }
0x33a: {  	v8 =	vor.u32 $0xE43, v1;
	v7 =	vld.idx.msk [tilespmem:v7+s4+$0x0], $0xffff;
	v6 =	vsel vm12, v13, v6  }
0x33b: {  	v5 =	vld.idx.msk [tilespmem:v5+s4+$0x0], $0xffff;
	vm11 =	vgt.f32 v14, v6  }
0x33c: {  	v9 =	vimm.s32 $0x0;
	v6 =	vsel vm11, v14, v6  }
0x33d: {  	v9 =	vsel vm11, $0xFFFFFFFF, v9;
	v4 =	vld.idx.msk [tilespmem:v4+s4+$0x0], $0xffff;
	vm0 =	vgt.f32 v15, v6  }
0x33e: {  	[tilespmem:$0x1FB20] =	vst v9;
	v9 =	vimm.s32 $0x0;
	v6 =	vsel vm0, v15, v6  }
0x33f: {  	v8 =	vld.idx.msk [tilespmem:v8+s4+$0x0], $0xffff;
	v9 =	vsel vm0, $0xFFFFFFFF, v9;
	vm0 =	vgt.f32 v16, v6  }
0x340: {  	v7 =	vmul.f32 v7, v7;
	v5 =	vmul.f32 v5, v5;
	v6 =	vsel vm0, v16, v6  }
0x341: {  	vm15 =	vgt.f32 v17, v6  }
0x342: {  	v5 =	vadd.f32 v5, v7;
	v4 =	vmul.f32 v4, v4;
	v6 =	vsel vm15, v17, v6  }
0x343: {  	vm13 =	vgt.f32 v18, v6  }
0x344: {  	v7 =	vld [tilespmem:$0x1390];
	v4 =	vadd.f32 v4, v5;
	v5 =	vmul.f32 v8, v8;
	v8 =	vimm.s32 $0x0  }
0x345: {  	v6 =	vsel vm13, v18, v6;
	v8 =	vsel vm13, $0xFFFFFFFF, v8  }
0x346: {  	vm11 =	vgt.f32 v19, v6;
	[tilespmem:$0x1FB50] =	vst v8;
	v8 =	vor.u32 $0xE80, v1  }
0x347: {  	v4 =	vadd.f32 v5, v4;
	v5 =	vor.u32 $0xE81, v1;
	v6 =	vsel vm11, v19, v6  }
0x348: {  	vm13 =	vgt.f32 v20, v6  }
0x349: {  	[tilespmem:$0x1FB30] =	vst v9;
	v9 =	vimm.s32 $0x0;
	v4 =	vmin.f32 v4, v7;
	v6 =	vsel vm13, v20, v6  }
0x34a: {  	v9 =	vsel vm0, $0xFFFFFFFF, v9;
	v7 =	vor.u32 $0xE82, v1;
	[tilespmem:$0x1390] =	vst v4;
	vm0 =	vgt.f32 v21, v6  }
0x34b: {  	v10 =	vimm.s32 $0x0;
	v6 =	vsel vm0, v21, v6;
	v8 =	vld.idx.msk [tilespmem:v8+s4+$0x0], $0xffff  }
0x34c: {  	[tilespmem:$0x1FB40] =	vst v9;
	v9 =	vor.u32 $0xE83, v1;
	v10 =	vsel vm0, $0xFFFFFFFF, v10;
	v5 =	vld.idx.msk [tilespmem:v5+s4+$0x0], $0xffff;
	vm0 =	vgt.f32 v22, v6  }
0x34d: {  	[tilespmem:$0x1FB60] =	vst v10;
	v10 =	vimm.s32 $0x0;
	v6 =	vsel vm0, v22, v6  }
0x34e: {  	v10 =	vsel vm0, $0xFFFFFFFF, v10;
	vm0 =	vgt.f32 v23, v6  }
0x34f: {  	[tilespmem:$0x1FB70] =	vst v10;
	v7 =	vld.idx.msk [tilespmem:v7+s4+$0x0], $0xffff;
	v10 =	vimm.s32 $0x0;
	v6 =	vsel vm0, v23, v6  }
0x350: {  	v10 =	vsel vm0, $0xFFFFFFFF, v10;
	vm0 =	vgt.f32 v24, v6  }
0x351: {  	v9 =	vld.idx.msk [tilespmem:v9+s4+$0x0], $0xffff;
	[tilespmem:$0x1FB80] =	vst v10;
	v10 =	vimm.s32 $0x0;
	v8 =	vmul.f32 v8, v8;
	v5 =	vmul.f32 v5, v5  }
0x352: {  	v10 =	vsel vm0, $0xFFFFFFFF, v10;
	v6 =	vsel vm0, v24, v6  }
0x353: {  	vm0 =	vgt.f32 v25, v6;
	v5 =	vadd.f32 v5, v8;
	v8 =	vimm.s32 $0x0  }
0x354: {  	v7 =	vmul.f32 v7, v7;
	v6 =	vsel vm0, v25, v6;
	v8 =	vsel vm0, $0xFFFFFFFF, v8  }
0x355: {  	vm0 =	vgt.f32 v26, v6;
	[tilespmem:$0x1FBA0] =	vst v8;
	v8 =	vld [tilespmem:$0x13A0]  }
0x356: {  	v5 =	vadd.f32 v7, v5;
	v7 =	vmul.f32 v9, v9;
	v9 =	vimm.s32 $0x0  }
0x357: {  	[tilespmem:$0x1FB90] =	vst v10;
	v10 =	vimm.s32 $0x0;
	v6 =	vsel vm0, v26, v6;
	v9 =	vsel vm0, $0xFFFFFFFF, v9  }
0x358: {  	vm0 =	vgt.f32 v27, v6;
	[tilespmem:$0x1FBB0] =	vst v9;
	v9 =	vor.u32 $0xEC0, v1;
	v5 =	vadd.f32 v7, v5  }
0x359: {  	v7 =	vor.u32 $0xEC1, v1;
	v10 =	vsel vm0, $0xFFFFFFFF, v10;
	v6 =	vsel vm0, v27, v6  }
0x35a: {  	[tilespmem:$0x1FBC0] =	vst v10;
	vm0 =	vgt.f32 v28, v6;
	v5 =	vmin.f32 v5, v8;
	v8 =	vimm.s32 $0x0  }
0x35b: {  	v11 =	vor.u32 $0xEC3, v1;
	v12 =	vor.u32 $0x80000010, v0;
	v8 =	vsel vm0, $0xFFFFFFFF, v8;
	[tilespmem:$0x13A0] =	vst v5  }
0x35c: {  	v10 =	vor.u32 $0x80000000, v0;
	v6 =	vsel vm0, v28, v6;
	[tilespmem:$0x1FBD0] =	vst v8;
	v8 =	vor.u32 $0xEC2, v1  }
0x35d: {  	v13 =	vimm.s32 $0x0;
	v10 =	vnsel vm3, $0x80000000, v10;
	vm3 =	vgt.f32 v29, v6;
	v9 =	vld.idx.msk [tilespmem:v9+s4+$0x0], $0xffff  }
0x35e: {  	v10 =	vsel vm5, v12, v10;
	v12 =	vor.u32 $0x80000020, v0;
	v6 =	vsel vm3, v29, v6;
	v7 =	vld.idx.msk [tilespmem:v7+s4+$0x0], $0xffff  }
0x35f: {  	v10 =	vsel vm9, v12, v10;
	v12 =	vor.u32 $0x80000030, v0;
	vm5 =	vgt.f32 v30, v6  }
0x360: {  	v10 =	vsel vm2, v12, v10;
	v12 =	vor.u32 $0x80000040, v0;
	v6 =	vsel vm5, v30, v6  }
0x361: {  	v10 =	vsel vm1, v12, v10;
	v12 =	vor.u32 $0x80000050, v0;
	vm2 =	vgt.f32 v31, v6;
	v8 =	vld.idx.msk [tilespmem:v8+s4+$0x0], $0xffff  }
0x362: {  	v10 =	vsel vm14, v12, v10;
	v12 =	vor.u32 $0x80000060, v0;
	v6 =	vsel vm2, v31, v6  }
0x363: {  	v11 =	vld.idx.msk [tilespmem:v11+s4+$0x0], $0xffff;
	vm9 =	vgt.f32 v32, v6;
	v9 =	vmul.f32 v9, v9;
	v7 =	vmul.f32 v7, v7  }
0x364: {  	v10 =	vsel vm4, v12, v10;
	v12 =	vimm.s32 $0x0;
	v6 =	vsel vm9, v32, v6  }
0x365: {  	vm4 =	vgt.f32 v33, v6;
	v7 =	vadd.f32 v7, v9;
	v9 =	vor.u32 $0x80000070, v0  }
0x366: {  	v12 =	vsel vm4, $0xFFFFFFFF, v12;
	v6 =	vsel vm4, v33, v6;
	v8 =	vmul.f32 v8, v8  }
0x367: {  	[tilespmem:$0x1FBE0] =	vst v12;
	v9 =	vsel vm8, v9, v10;
	vm0 =	vgt.f32 v34, v6;
	v12 =	vor.u32 $0x80000090, v0  }
0x368: {  	v10 =	vld [tilespmem:$0x13B0];
	v7 =	vadd.f32 v8, v7;
	v8 =	vmul.f32 v11, v11;
	v11 =	vor.u32 $0x80000080, v0  }
0x369: {  	v6 =	vsel vm0, v34, v6;
	v9 =	vsel vm6, v11, v9;
	v11 =	vimm.s32 $0x0  }
0x36a: {  	v11 =	vsel vm0, $0xFFFFFFFF, v11;
	v7 =	vadd.f32 v8, v7;
	vm0 =	vgt.f32 v35, v6  }
0x36b: {  	v14 =	vld [tilespmem:$0x1FB20];
	v9 =	vsel vm10, v12, v9;
	v12 =	vsel vm0, v35, v6;
	v6 =	vor.u32 $0x800000A0, v0  }
0x36c: {  	v13 =	vsel vm0, $0xFFFFFFFF, v13;
	v9 =	vsel vm7, v6, v9  }
0x36d: {  	v6 =	vmin.f32 v7, v10;
	vm0 =	vgt.f32 v36, v12;
	v7 =	vimm.s32 $0x0  }
0x36e: {  	v7 =	vsel vm0, $0xFFFFFFFF, v7  }
0x36f: {  	[tilespmem:$0x1FC10] =	vst v7;
	v7 =	vsel vm0, v36, v12  }
0x370: {  	vm6 =	vnez.u8 v14;
	v12 =	vor.u32 $0x800000B0, v0;
	vm0 =	vgt.f32 v37, v7  }
0x371: {  	v9 =	vsel vm12, v12, v9;
	v12 =	vimm.s32 $0x0;
	v7 =	vsel vm0, v37, v7  }
0x372: {  	v14 =	vimm.s32 $0x0;
	v12 =	vsel vm0, $0xFFFFFFFF, v12;
	vm0 =	vgt.f32 v38, v7  }
0x373: {  	v14 =	vsel vm0, $0xFFFFFFFF, v14  }
0x374: {  	[tilespmem:$0x1FC30] =	vst v14;
	v14 =	vld [tilespmem:$0x1FB30];
	_ =	sdelay $0x3  }
0x375: {  	v8 =	vor.u32 $0xF00, v1  }
0x376: {  	vm7 =	vnez.u8 v14;
	v14 =	vld [tilespmem:$0x1FB40];
	_ =	sdelay $0x1  }
0x377: {  	[tilespmem:$0x1FBF0] =	vst v11;
	v11 =	vor.u32 $0xF01, v1  }
0x378: {  	[tilespmem:$0x13B0] =	vst v6  }
0x379: {  	v8 =	vld.idx.msk [tilespmem:v8+s4+$0x0], $0xffff  }
0x37a: {  	vm8 =	vnez.u8 v14;
	v14 =	vld [tilespmem:$0x1FB50]  }
0x37b: {  	[tilespmem:$0x1FC00] =	vst v13;
	v10 =	vor.u32 $0xF02, v1;
	v13 =	vor.u32 $0x800000C0, v0;
	v7 =	vsel vm0, v38, v7  }
0x37c: {  	v11 =	vld.idx.msk [tilespmem:v11+s4+$0x0], $0xffff;
	v9 =	vsel vm6, v13, v9;
	vm0 =	vgt.f32 v39, v7  }
0x37d: {  	v13 =	vor.u32 $0x800000D0, v0;
	[tilespmem:$0x1FC20] =	vst v12;
	v12 =	vor.u32 $0xF03, v1;
	v7 =	vsel vm0, v39, v7  }
0x37e: {  	v8 =	vmul.f32 v8, v8;
	vm12 =	vgt.f32 v40, v7;
	v9 =	vsel vm7, v13, v9  }
0x37f: {  	v15 =	vld [tilespmem:$0x1FBA0];
	v13 =	vor.u32 $0x800000E0, v0;
	vm10 =	vnez.u8 v14;
	v14 =	vimm.s32 $0x0  }
0x380: {  	v10 =	vld.idx.msk [tilespmem:v10+s4+$0x0], $0xffff;
	v9 =	vsel vm8, v13, v9;
	v13 =	vor.u32 $0x800000F0, v0;
	v14 =	vsel vm12, $0xFFFFFFFF, v14  }
0x381: {  	v11 =	vmul.f32 v11, v11;
	v9 =	vsel vm15, v13, v9;
	v13 =	vor.u32 $0x80000100, v0;
	[tilespmem:$0x1FC40] =	vst v14;
	v14 =	vld [tilespmem:$0x1FB70]  }
0x382: {  	v12 =	vld.idx.msk [tilespmem:v12+s4+$0x0], $0xffff;
	v7 =	vsel vm12, v40, v7;
	v9 =	vsel vm10, v13, v9;
	v13 =	vor.u32 $0x80000110, v0  }
0x383: {  	vm1 =	vgt.f32 v41, v7;
	v9 =	vsel vm11, v13, v9;
	v13 =	vimm.s32 $0x0  }
0x384: {  	vm7 =	vnez.u8 v15;
	v15 =	vld [tilespmem:$0x1FBB0];
	v13 =	vsel vm1, $0xFFFFFFFF, v13  }
0x385: {  	v10 =	vmul.f32 v10, v10;
	v8 =	vadd.f32 v11, v8;
	[tilespmem:$0x1FC50] =	vst v13;
	v13 =	vld [tilespmem:$0x1FB60]  }
0x386: {  	vm15 =	vnez.u8 v14;
	v14 =	vld [tilespmem:$0x1FB80]  }
0x387: {  	v8 =	vadd.f32 v10, v8;
	v10 =	vmul.f32 v12, v12  }
0x388: {  	v11 =	vor.u32 $0x80000120, v0;
	v7 =	vsel vm1, v41, v7  }
0x389: {  	v12 =	vor.u32 $0x80000130, v0;
	v8 =	vadd.f32 v10, v8;
	vm8 =	vnez.u8 v15;
	v15 =	vld [tilespmem:$0x1FBC0]  }
0x38a: {  	v10 =	vor.u32 $0xF40, v1;
	vm11 =	vgt.f32 v42, v7;
	v9 =	vsel vm13, v11, v9;
	v11 =	vld [tilespmem:$0x13C0]  }
0x38b: {  	v7 =	vsel vm11, v42, v7;
	vm14 =	vnez.u8 v13;
	vm4 =	vnez.u8 v14;
	v14 =	vld [tilespmem:$0x1FB90]  }
0x38c: {  	vm12 =	vgt.f32 v43, v7;
	v13 =	vor.u32 $0x80000140, v0;
	v9 =	vsel vm14, v12, v9  }
0x38d: {  	v12 =	vor.u32 $0xF41, v1;
	v9 =	vsel vm15, v13, v9;
	v13 =	vsel vm12, v43, v7  }
0x38e: {  	vm14 =	vnez.u8 v15;
	v15 =	vld [tilespmem:$0x1FBD0];
	v7 =	vor.u32 $0x80000150, v0;
	vm10 =	vgt.f32 v44, v13  }
0x38f: {  	v9 =	vsel vm4, v7, v9;
	v7 =	vmin.f32 v8, v11;
	v11 =	vor.u32 $0xF42, v1  }
0x390: {  	v8 =	vsel vm10, v44, v13;
	v13 =	vor.u32 $0x80000160, v0;
	[tilespmem:$0x13C0] =	vst v7;
	vm6 =	vnez.u8 v14  }
0x391: {  	v10 =	vld.idx.msk [tilespmem:v10+s4+$0x0], $0xffff;
	v9 =	vsel vm6, v13, v9;
	v13 =	vor.u32 $0xF43, v1  }
0x392: {  	v12 =	vld.idx.msk [tilespmem:v12+s4+$0x0], $0xffff;
	v14 =	vor.u32 $0x80000170, v0  }
0x393: {  	vm4 =	vnez.u8 v15;
	v15 =	vld [tilespmem:$0x1FBE0];
	v9 =	vsel vm7, v14, v9;
	v14 =	vor.u32 $0x80000180, v0  }
0x394: {  	v11 =	vld.idx.msk [tilespmem:v11+s4+$0x0], $0xffff;
	v9 =	vsel vm8, v14, v9;
	v14 =	vor.u32 $0x80000190, v0  }
0x395: {  	v9 =	vsel vm14, v14, v9;
	v14 =	vor.u32 $0x800001A0, v0  }
0x396: {  	v10 =	vmul.f32 v10, v10;
	v9 =	vsel vm4, v14, v9;
	v14 =	vor.u32 $0x800001B0, v0;
	v13 =	vld.idx.msk [tilespmem:v13+s4+$0x0], $0xffff  }
0x397: {  	v12 =	vmul.f32 v12, v12;
	v9 =	vsel vm3, v14, v9;
	v14 =	vor.u32 $0x800001C0, v0  }
0x398: {  	v9 =	vsel vm5, v14, v9;
	vm5 =	vnez.u8 v15;
	v15 =	vld [tilespmem:$0x1FBF0]  }
0x399: {  	v16 =	vld [tilespmem:$0x1FC00];
	v10 =	vadd.f32 v12, v10;
	v12 =	vor.u32 $0x800001D0, v0;
	v11 =	vmul.f32 v11, v11  }
0x39a: {  	v9 =	vsel vm2, v12, v9  }
0x39b: {  	v10 =	vadd.f32 v11, v10;
	v11 =	vmul.f32 v13, v13;
	v13 =	vor.u32 $0x800001E0, v0  }
0x39c: {  	v14 =	vor.u32 $0x800001F0, v0;
	v9 =	vsel vm9, v13, v9  }
0x39d: {  	vm14 =	vnez.u8 v15;
	v9 =	vsel vm5, v14, v9;
	v14 =	vor.u32 $0x80000200, v0  }
0x39e: {  	v9 =	vsel vm14, v14, v9;
	vm14 =	vnez.u8 v16;
	v16 =	vld [tilespmem:$0x1FC10];
	_ =	sdelay $0x1  }
0x39f: {  	vm13 =	vgt.f32 v45, v8  }
0x3a0: {  	v8 =	vsel vm13, v45, v8  }
0x3a1: {  	vm15 =	vgt.f32 v46, v8;
	v15 =	vor.u32 $0x80000210, v0  }
0x3a2: {  	v8 =	vsel vm15, v46, v8;
	v9 =	vsel vm14, v15, v9;
	vm14 =	vnez.u8 v16;
	v16 =	vld [tilespmem:$0x1FC20]  }
0x3a3: {  	vm8 =	vgt.f32 v47, v8  }
0x3a4: {  	v8 =	vsel vm8, v47, v8  }
0x3a5: {  	vm7 =	vgt.f32 v48, v8  }
0x3a6: {  	v8 =	vsel vm7, v48, v8;
	v12 =	vld [tilespmem:$0x13D0];
	v15 =	vor.u32 $0x80000220, v0  }
0x3a7: {  	vm6 =	vgt.f32 v49, v8;
	v9 =	vsel vm14, v15, v9;
	vm14 =	vnez.u8 v16;
	v16 =	vld [tilespmem:$0x1FC30]  }
0x3a8: {  	v8 =	vsel vm6, v49, v8;
	v13 =	vor.u32 $0xF81, v1  }
0x3a9: {  	vm9 =	vgt.f32 v50, v8;
	v10 =	vadd.f32 v11, v10;
	v11 =	vor.u32 $0xF80, v1  }
0x3aa: {  	v8 =	vsel vm9, v50, v8  }
0x3ab: {  	v10 =	vmin.f32 v10, v12;
	v12 =	vor.u32 $0xF82, v1;
	v15 =	vor.u32 $0x80000230, v0  }
0x3ac: {  	vm4 =	vgt.f32 v51, v8;
	[tilespmem:$0x13D0] =	vst v10;
	v9 =	vsel vm14, v15, v9;
	vm14 =	vnez.u8 v16;
	v16 =	vld [tilespmem:$0x1FC40]  }
0x3ad: {  	v8 =	vsel vm4, v51, v8;
	v13 =	vld.idx.msk [tilespmem:v13+s4+$0x0], $0xffff  }
0x3ae: {  	v14 =	vor.u32 $0xF83, v1;
	vm5 =	vgt.f32 v52, v8;
	v11 =	vld.idx.msk [tilespmem:v11+s4+$0x0], $0xffff  }
0x3af: {  	v8 =	vsel vm5, v52, v8;
	v15 =	vor.u32 $0x80000240, v0  }
0x3b0: {  	vm3 =	vgt.f32 v53, v8;
	v12 =	vld.idx.msk [tilespmem:v12+s4+$0x0], $0xffff;
	v9 =	vsel vm14, v15, v9;
	v15 =	vor.u32 $0x80000250, v0  }
0x3b1: {  	v9 =	vsel vm0, v15, v9;
	v15 =	vor.u32 $0x80000260, v0;
	vm14 =	vnez.u8 v16  }
0x3b2: {  	v8 =	vsel vm3, v53, v8;
	v9 =	vsel vm14, v15, v9;
	v15 =	vld [tilespmem:$0x1FC50]  }
0x3b3: {  	v14 =	vld.idx.msk [tilespmem:v14+s4+$0x0], $0xffff;
	vm2 =	vgt.f32 v54, v8;
	v13 =	vmul.f32 v13, v13;
	v11 =	vmul.f32 v11, v11  }
0x3b4: {  	v8 =	vsel vm2, v54, v8  }
0x3b5: {  	vm1 =	vgt.f32 v55, v8;
	v11 =	vadd.f32 v13, v11;
	v12 =	vmul.f32 v12, v12  }
0x3b6: {  	v59 =	vld [tilespmem:$0x1FD80];
	v8 =	vsel vm1, v55, v8;
	v13 =	vor.u32 $0x80000270, v0  }
0x3b7: {  	v58 =	vld [tilespmem:$0x1FD90];
	v11 =	vadd.f32 v12, v11;
	vm0 =	vgt.f32 v56, v8;
	vm14 =	vnez.u8 v15  }
0x3b8: {  	v12 =	vmul.f32 v14, v14;
	v8 =	vsel vm0, v56, v8;
	v9 =	vsel vm14, v13, v9;
	v13 =	vld [tilespmem:$0x13E0]  }
0x3b9: {  	v57 =	vld [tilespmem:$0x1FD50];
	v14 =	vor.u32 $0x80000280, v0;
	vm14 =	vgt.f32 v2, v8  }
0x3ba: {  	v60 =	vmovc v62;
	v62 =	vld [tilespmem:$0x1FDB0];
	v11 =	vadd.f32 v12, v11;
	v2 =	vsel vm14, v2, v8;
	v8 =	vor.u32 $0xFC0, v1  }
0x3bb: {  	v17 =	vld [tilespmem:$0x1FD60];
	v12 =	vor.u32 $0xFC1, v1;
	v9 =	vsel vm11, v14, v9;
	v14 =	vor.u32 $0x80000290, v0  }
0x3bc: {  	v19 =	vld [tilespmem:$0x1FD70];
	v9 =	vsel vm12, v14, v9;
	vm11 =	vgt.f32 v3, v2  }
0x3bd: {  	v20 =	vld [tilespmem:$0x1FDA0];
	v14 =	vor.u32 $0x800002A0, v0;
	v11 =	vmin.f32 v11, v13;
	v13 =	vor.u32 $0xFC2, v1  }
0x3be: {  	v21 =	vld [tilespmem:$0x1FDC0];
	v2 =	vsel vm11, v3, v2;
	v3 =	vsel vm10, v14, v9;
	[tilespmem:$0x13E0] =	vst v11  }
0x3bf: {  	v9 =	vor.u32 $0xFC3, v1;
	v14 =	vor.u32 $0x800002B0, v0;
	vm10 =	vgt.f32 v4, v2;
	v8 =	vld.idx.msk [tilespmem:v8+s4+$0x0], $0xffff  }
0x3c0: {  	v3 =	vsel vm13, v14, v3;
	v2 =	vsel vm10, v4, v2;
	v4 =	vld.idx.msk [tilespmem:v12+s4+$0x0], $0xffff;
	v12 =	vor.u32 $0x800002C0, v0  }
0x3c1: {  	v22 =	vld [tilespmem:$0x1FDD0];
	vm12 =	vgt.f32 v5, v2;
	v3 =	vsel vm15, v12, v3;
	v12 =	vor.u32 $0x800002D0, v0  }
0x3c2: {  	v2 =	vsel vm12, v5, v2;
	v3 =	vsel vm8, v12, v3;
	v12 =	vor.u32 $0x800002E0, v0;
	v5 =	vld.idx.msk [tilespmem:v13+s4+$0x0], $0xffff  }
0x3c3: {  	v23 =	vld [tilespmem:$0x1FDE0];
	v3 =	vsel vm7, v12, v3;
	vm7 =	vgt.f32 v6, v2  }
0x3c4: {  	v2 =	vsel vm7, v6, v2;
	v6 =	vld.idx.msk [tilespmem:v9+s4+$0x0], $0xffff  }
0x3c5: {  	v24 =	vld [tilespmem:$0x1FDF0];
	v12 =	vor.u32 $0x800002F0, v0;
	v8 =	vmul.f32 v8, v8;
	v4 =	vmul.f32 v4, v4  }
0x3c6: {  	v25 =	vld [tilespmem:$0x1FE00];
	v3 =	vsel vm6, v12, v3;
	v9 =	vor.u32 $0x80000300, v0  }
0x3c7: {  	v26 =	vld [tilespmem:$0x1FE10];
	vm15 =	vgt.f32 v7, v2;
	v4 =	vadd.f32 v4, v8;
	v5 =	vmul.f32 v5, v5  }
0x3c8: {  	v27 =	vld [tilespmem:$0x1FE20];
	v3 =	vsel vm9, v9, v3;
	v2 =	vsel vm15, v7, v2;
	v8 =	vor.u32 $0x80000310, v0  }
0x3c9: {  	v7 =	vld [tilespmem:$0x13F0];
	vm8 =	vgt.f32 v10, v2;
	v4 =	vadd.f32 v5, v4;
	v5 =	vmul.f32 v6, v6  }
0x3ca: {  	v28 =	vld [tilespmem:$0x1FE30];
	v3 =	vsel vm4, v8, v3;
	v2 =	vsel vm8, v10, v2;
	v6 =	vor.u32 $0x80000320, v0  }
0x3cb: {  	v29 =	vld [tilespmem:$0x1FE40];
	v3 =	vsel vm5, v6, v3;
	v4 =	vadd.f32 v5, v4;
	v5 =	vor.u32 $0x80000330, v0  }
0x3cc: {  	v30 =	vld [tilespmem:$0x1FE50];
	vm9 =	vgt.f32 v11, v2;
	v3 =	vsel vm3, v5, v3;
	v5 =	vor.u32 $0x80000340, v0  }
0x3cd: {  	v31 =	vld [tilespmem:$0x1FE60];
	v2 =	vsel vm9, v11, v2;
	v3 =	vsel vm2, v5, v3;
	v5 =	vor.u32 $0x80000350, v0  }
0x3ce: {  	v32 =	vld [tilespmem:$0x1FE70];
	v4 =	vmin.f32 v4, v7;
	v3 =	vsel vm1, v5, v3;
	v5 =	vor.u32 $0x80000360, v0  }
0x3cf: {  	v33 =	vld [tilespmem:$0x1FE80];
	vm13 =	vgt.f32 v4, v2;
	v3 =	vsel vm0, v5, v3;
	v5 =	vor.u32 $0x80000370, v0  }
0x3d0: {  	v34 =	vld [tilespmem:$0x1FE90];
	v2 =	vsel vm13, v4, v2;
	v3 =	vsel vm14, v5, v3;
	v5 =	vor.u32 $0x80000380, v0  }
0x3d1: {  	v35 =	vld [tilespmem:$0x1FEA0];
	(xrf0) =	vmax.scan.msk.f32 $0xffff, v2;
	v3 =	vsel vm11, v5, v3;
	v5 =	vor.u32 $0x80000390, v0  }
0x3d2: {  	v36 =	vld [tilespmem:$0x1FEB0];
	v3 =	vsel vm10, v5, v3;
	v5 =	vor.u32 $0x800003A0, v0  }
0x3d3: {  	v37 =	vld [tilespmem:$0x1FEC0];
	v3 =	vsel vm12, v5, v3;
	v5 =	vor.u32 $0x800003B0, v0  }
0x3d4: {  	v38 =	vld [tilespmem:$0x1FED0];
	v3 =	vsel vm7, v5, v3;
	v5 =	vor.u32 $0x800003C0, v0  }
0x3d5: {  	v39 =	vld [tilespmem:$0x1FEE0]  }
0x3d6: {  	v40 =	vld [tilespmem:$0x1FEF0]  }
0x3d7: {  	v41 =	vld [tilespmem:$0x1FF00];
	v6 =	vor.u32 $0x800003D0, v0;
	v3 =	vsel vm15, v5, v3;
	v5, _, _ =	vpop (xrf0)  }
0x3d8: {  	v42 =	vld [tilespmem:$0x1FF10];
	v3 =	vsel vm8, v6, v3;
	v6 =	vor.u32 $0x800003E0, v0;
	v5 =	vbroadcast v5, $0xF  }
0x3d9: {  	v43 =	vld [tilespmem:$0x1FF20];
	v3 =	vsel vm9, v6, v3;
	v6 =	vor.u32 $0x800003F0, v0  }
0x3da: {  	v44 =	vld [tilespmem:$0x1FF30];
	v3 =	vsel vm13, v6, v3;
	vm15 =	veq.f32 v2, v5  }
0x3db: {  	v45 =	vld [tilespmem:$0x1FF40];
	v2 =	vnsel vm15, $0x80000400, v3  }
0x3dc: {  	v46 =	vld [tilespmem:$0x1FF50];
	(xrf0) =	vmin.scan.msk.u32 $0xffff, v2  }
0x3dd: {  	v47 =	vld [tilespmem:$0x1FF60]  }
0x3de: {  	v48 =	vld [tilespmem:$0x1FF70]  }
0x3df: {  	v49 =	vld [tilespmem:$0x1FF80]  }
0x3e0: {  	v50 =	vld [tilespmem:$0x1FF90]  }
0x3e1: {  	v51 =	vld [tilespmem:$0x1FFA0]  }
0x3e2: {  	v52 =	vld [tilespmem:$0x1FFB0];
	v2, _, _ =	vpop (xrf0)  }
0x3e3: {  	v53 =	vld [tilespmem:$0x1FFC0];
	(v2sf) =	vpush v2, $0xF  }
0x3e4: {  	v54 =	vld [tilespmem:$0x1FFD0]  }
0x3e5: {  	v55 =	vld [tilespmem:$0x1FFE0]  }
0x3e6: {  	v56 =	vld [tilespmem:$0x1FFF0]  }
0x3e7: {  	v16 =	vld [tilespmem:$0x1FD20]  }
0x3e8: {  	v15 =	vld [tilespmem:$0x1FD10]  }
0x3e9: {  	v14 =	vld [tilespmem:$0x1FD00]  }
0x3ea: {  	v13 =	vld [tilespmem:$0x1FCF0]  }
0x3eb: {  	v12 =	vld [tilespmem:$0x1FCE0]  }
0x3ec: {  	v9 =	vld [tilespmem:$0x1FCB0]  }
0x3ed: {  	p0 =	sne.s32 s12, $0xFF;
	v10 =	vld [tilespmem:$0x1FCC0]  }
.Ltmp1:
0x3ee: {  	v8 =	vld [tilespmem:$0x1FCA0];
	(pc) =	sbr.rel @p0 .LBB2_3-.Ltmp1, $4  }
0x3ef: {  	v11 =	vld [tilespmem:$0x1FCD0]  }
0x3f0: {  	v7 =	vld [tilespmem:$0x1FC90]  }
0x3f1: {  	[tilespmem:$0x13F0] =	vst v4;
	v4 =	vld [tilespmem:$0x1FC70]  }
0x3f2: {  	s12 =	sadd.s32 $0x1, s12;
	v6 =	vld [tilespmem:$0x1FC80];
	s13 =	spop (v2sf)  }
0x3f3: {  	s11 =	sadd.s32 $0x1, s11  }
0x3f4: {  	p0 =	sne.s32 s11, s7  }
.Ltmp2:
0x3f5: {  	_ = 	snop;
	(pc) =	sbr.rel @p0 .LBB2_2-.Ltmp2, $4  }
0x3f6: {  	[hbm4b:s6+s4] =	stream.linear.scatter [tilespmem:s10], [sflag:$0x1], $0x100, $0x38;
	[tilespmem:$0x1510] =	vst v63  }
0x3f7: {  	_ =	swait.ge [sflag:s9], $0x100  }
0x3f8: {  	[sflag:s9] =	ssyncset.done $0x0  }
0x3f9: {  	[sflag:s9] =	ssyncadd.s32 $0xFFFFFF00  }
.LBB2_5:
0x3fa: {  	_ =	sfence.sel $0x180000  }
0x3fb: {  	[bflag:$0x0] =	sbarrier.arrive $0xFFFF  }
0x3fc: {  	p0 =	sne.s32 s1, $0x0;
	_ =	strace $0x90000050  }
0x3fd: {  	s0 =	sadd.s32 @!p0 $0x100000, s0;
	[bflag:$0x2] =	sbarrier.arrive $0xFFFF  }
0x3fe: {  	[sflag:s0] =	ssyncadd.tile.s32 @!p0 $0x1;
	_ =	shalt  }
.Lfunc_end2:
_tile_overlayer_lowered:
.L_overlay_start_2:
0x3ff: {  	(tag) =	ssettag $0x2  }
0x400: {  	s0 =	rddreg [dreg:$0x0];
	s2 =	stileid.u32  }
0x401: {  	s1 =	rddreg [dreg:$0x1];
	p0 =	sne.s32 s2, $0x0  }
0x402: {  	s3 =	rddreg [dreg:$0x2];
	[bflag:$0x3] =	sbarrier.arrive $0xFFFF;
	s2 =	simm.s32 @!p0 $0x1C01  }
0x403: {  	[timem:s3], [sflag:s2] =	dma.local @!p0 [hbm:s0], s1  }
0x404: {  	s0 =	simm.s32 @!p0 $0x1  }
0x405: {  	_ =	swait.ge @!p0 [sflag:s0], s1  }
0x406: {  	s1 =	ssub.s32 @!p0 $0x0, s1;
	[sflag:s0] =	ssyncset.done @!p0 $0x0  }
0x407: {  	[sflag:s0] =	ssyncadd.s32 @!p0 s1  }
0x408: {  	[bflag:$0x3] =	sbarrier.arrive $0xFFFF  }
0x409: {  	_ =	shalt  }

// kernel: kernel.7.cloned.1.call-start
scs
__scs_entry_jumppad:
0x0: {  	(pc) =	sbr.rel $0x88, $3  }
0x1: {  	(tag) =	ssettag $0x0;
	lr =	simm.s32 $0x1  }
0x2: {  	[smem:$0x3F9E] =	sst lr;
	_ =	strace $0xD0000000  }
0x3: {  	_ = 	snop  }
0x4: {  	_ = 	snop  }
0x5: {  	_ = 	snop  }
0x6: {  	_ = 	snop  }
0x7: {  	_ = 	snop  }
__scs_overlays_trampoline_lowered:
0x8: {  	[smem:$0x3FAD] =	sst s0  }
0x9: {  	[smem:$0x3FAE] =	sst s1  }
0xa: {  	[smem:$0x3FAF] =	sst s2  }
0xb: {  	[smem:$0x3FB0] =	sst s3  }
0xc: {  	[smem:$0x3FB1] =	sst s4  }
0xd: {  	[smem:$0x3FB2] =	sst s5  }
0xe: {  	[smem:$0x3FB3] =	sst s6  }
0xf: {  	[smem:$0x3FB4] =	sst s7  }
0x10: {  	[smem:$0x3FB5] =	sst s8  }
0x11: {  	[smem:$0x3FB6] =	sst s9;
	s0 =	simm.s32 @!p0 $0x0  }
0x12: {  	s1 =	sld [smem:$0x3F9C];
	s0 =	simm.s32 @p0 $0x1  }
0x13: {  	[smem:$0x3FB7] =	sst s0;
	s0 =	simm.s32 @!p1 $0x0  }
0x14: {  	s2 =	sld [smem:$0x3F9B];
	s0 =	simm.s32 @p1 $0x1  }
0x15: {  	[smem:$0x3FB8] =	sst s0;
	s0 =	simm.s32 @!p2 $0x0  }
0x16: {  	s3 =	sld [smem:$0x3FDB];
	s0 =	simm.s32 @p2 $0x1  }
0x17: {  	s4 =	simm.s32 $0x1BF5;
	[smem:$0x3FBA] =	sst s0  }
0x18: {  	s0 =	sld [smem:$0x3F9D];
	_ =	swait.ge [sflag:s4], $0x0  }
0x19: {  	s7 =	sld [smem:$0x3F9E]  }
0x1a: {  	s8 =	sadd.s32 $0xFFFFE003, lr  }
0x1b: {  	s9 =	sadd.s32 $0xFFFFFEF7, lr;
	s5 =	simm.s32 $0xFFFFFFFF;
	p2 =	slt.u32 s8, $0xFFFFF086  }
0x1c: {  	p1 =	slt.u32 s9, $0xF7A;
	s5 =	simm.s32 @!p2 $0x0  }
0x1d: {  	s5 =	simm.s32 @p1 $0x1;
	p0 =	seq.s32 s7, s2  }
0x1e: {  	s7 =	smul.u32 @!p0 $0xF7A, s2;
	p2 =	seq.s32 @!p0 s5, $0x0  }
0x1f: {  	s9 =	smul.u32 $0xF7A, s1;
	s8 =	simm.s32 @!p0 $0x1BF5;
	p2 =	por !p2, p0  }
0x20: {  	[sflag:s8] =	ssyncset.s32 @!p0 $0xFFFFF086;
	s6 =	sadd.s32 @!p0 s3, s7;
	s7 =	simm.s32 @!p0 $0x108  }
0x21: {  	s3 =	sadd.s32 s3, s9;
	s6 =	sadd.s32 @!p0 $0x88, s6;
	s7 =	simm.s32 @p2 $0x1082  }
0x22: {  	[simem:s7], [sflag:s8] =	dma.local @!p0 [hbm:s6], $0xF7A  }
0x23: {  	s9 =	sor.u32 $0xD0000000, s2;
	s6 =	simm.s32 $0x108;
	_ =	swait.ge @!p0 [sflag:s8], $0x0  }
0x24: {  	s3 =	sadd.s32 $0x88, s3;
	s6 =	simm.s32 @!p1 $0x1082;
	[sflag:s4] =	ssyncset.s32 $0xFFFFF086  }
0x25: {  	[simem:s6], [sflag:s4] =	dma.local [hbm:s3], $0xF7A  }
0x26: {  	[smem:$0x3F9E] =	sst s1;
	(tag) =	ssettag s2;
	_ =	strace s9  }
0x27: {  	s1 =	sld [smem:$0x3FAE]  }
0x28: {  	s2 =	sld [smem:$0x3FAF]  }
0x29: {  	s4 =	sld [smem:$0x3FB1]  }
0x2a: {  	p0 =	seq.s32 s5, $0x0;
	s5 =	sld [smem:$0x3FB2]  }
0x2b: {  	s6 =	sld [smem:$0x3FB3]  }
0x2c: {  	s7 =	sld [smem:$0x3FB4]  }
0x2d: {  	s3 =	simm.s32 $0x108;
	s8 =	sld [smem:$0x3FB5]  }
0x2e: {  	s3 =	simm.s32 @!p0 $0x1082;
	s9 =	sld [smem:$0x3FB6]  }
0x2f: {  	lr =	sadd.s32 s0, s3;
	s0 =	sld [smem:$0x3FAD]  }
0x30: {  	s3 =	sld [smem:$0x3FB0]  }
0x31: {  	[smem:$0x3FB9] =	sst s10  }
0x32: {  	s10 =	sld [smem:$0x3FB7];
	_ =	sdelay $0x3  }
0x33: {  	p0 =	seq.s32 s10, $0x1;
	s10 =	sld [smem:$0x3FB9];
	_ =	sdelay $0x3  }
0x34: {  	[smem:$0x3FB9] =	sst s10  }
0x35: {  	s10 =	sld [smem:$0x3FB8];
	_ =	sdelay $0x3  }
0x36: {  	p1 =	seq.s32 s10, $0x1;
	s10 =	sld [smem:$0x3FB9];
	_ =	sdelay $0x3  }
0x37: {  	[smem:$0x3FB9] =	sst s10  }
0x38: {  	s10 =	sld [smem:$0x3FBA]  }
0x39: {  	_ = 	snop;
	(pc) =	sbr.ind lr, $3  }
0x3a: {  	_ = 	snop  }
0x3b: {  	_ = 	snop  }
0x3c: {  	p2 =	seq.s32 s10, $0x1;
	s10 =	sld [smem:$0x3FB9]  }
0x3d: {  	_ =	shalt  }
0x3e: {  	_ =	shalt  }
0x3f: {  	_ =	shalt  }
0x40: {  	_ =	shalt  }
0x41: {  	_ =	shalt  }
0x42: {  	_ =	shalt  }
0x43: {  	_ =	shalt  }
0x44: {  	_ =	shalt  }
0x45: {  	_ =	shalt  }
0x46: {  	_ =	shalt  }
0x47: {  	_ =	shalt  }
0x48: {  	_ =	shalt  }
0x49: {  	_ =	shalt  }
0x4a: {  	_ =	shalt  }
0x4b: {  	_ =	shalt  }
0x4c: {  	_ =	shalt  }
0x4d: {  	_ =	shalt  }
0x4e: {  	_ =	shalt  }
0x4f: {  	_ =	shalt  }
0x50: {  	_ =	shalt  }
0x51: {  	_ =	shalt  }
0x52: {  	_ =	shalt  }
0x53: {  	_ =	shalt  }
0x54: {  	_ =	shalt  }
0x55: {  	_ =	shalt  }
0x56: {  	_ =	shalt  }
0x57: {  	_ =	shalt  }
0x58: {  	_ =	shalt  }
0x59: {  	_ =	shalt  }
0x5a: {  	_ =	shalt  }
0x5b: {  	_ =	shalt  }
0x5c: {  	_ =	shalt  }
0x5d: {  	_ =	shalt  }
0x5e: {  	_ =	shalt  }
0x5f: {  	_ =	shalt  }
0x60: {  	_ =	shalt  }
0x61: {  	_ =	shalt  }
0x62: {  	_ =	shalt  }
0x63: {  	_ =	shalt  }
0x64: {  	_ =	shalt  }
0x65: {  	_ =	shalt  }
0x66: {  	_ =	shalt  }
0x67: {  	_ =	shalt  }
0x68: {  	_ =	shalt  }
0x69: {  	_ =	shalt  }
0x6a: {  	_ =	shalt  }
0x6b: {  	_ =	shalt  }
0x6c: {  	_ =	shalt  }
0x6d: {  	_ =	shalt  }
0x6e: {  	_ =	shalt  }
0x6f: {  	_ =	shalt  }
0x70: {  	_ =	shalt  }
0x71: {  	_ =	shalt  }
0x72: {  	_ =	shalt  }
0x73: {  	_ =	shalt  }
0x74: {  	_ =	shalt  }
0x75: {  	_ =	shalt  }
0x76: {  	_ =	shalt  }
0x77: {  	_ =	shalt  }
0x78: {  	_ =	shalt  }
0x79: {  	_ =	shalt  }
0x7a: {  	_ =	shalt  }
0x7b: {  	_ =	shalt  }
0x7c: {  	_ =	shalt  }
0x7d: {  	_ =	shalt  }
0x7e: {  	_ =	shalt  }
0x7f: {  	_ =	shalt  }
0x80: {  	_ =	shalt  }
0x81: {  	_ =	shalt  }
0x82: {  	_ =	shalt  }
0x83: {  	_ =	shalt  }
0x84: {  	_ =	shalt  }
0x85: {  	_ =	shalt  }
0x86: {  	_ =	shalt  }
0x87: {  	_ =	shalt  }
.Lfunc_end0:
.L_simem_size_0:
called_computation.4_lowered:
.L_overlay_start_0:
0x88: {  	s2 =	sld [smem:$0x3FD9]  }
0x89: {  	s3 =	sld [smem:$0x3FFE];
	_ =	sdelay $0x1  }
0x8a: {  	s1 =	srdreg.scid  }
0x8b: {  	s0 =	sand.u32 $0x1, s1  }
0x8c: {  	s14 =	sshll.u32 s0, $0xA;
	s2 =	sadd.s32 s3, s2  }
0x8d: {  	s2 =	sadd.s32 s2, s14  }
0x8e: {  	[smem:$0x3FC5] =	sst s2  }
0x8f: {  	_ = 	snop  }
0x90: {  	s2 =	sld [smem:$0x3FD0];
	_ =	sdelay $0x2  }
0x91: {  	s15 =	simm.s32 $0xB;
	s4 =	simm.s32 $0x10  }
0x92: {  	[smem:s4], [sflag:s15] =	dma.local [hbm:s2], $0x1  }
0x93: {  	_ =	swait.eq [sflag:s15], $0x1  }
0x94: {  	[sflag:s15] =	ssyncset.done $0x0  }
0x95: {  	s16 =	sld [smem:$0x10];
	[sflag:s15] =	ssyncadd.s32 $0xFFFFFFFF  }
0x96: {  	s17 =	sld [smem:$0x11];
	(tm) =	ssettm $0x1  }
0x97: {  	s18 =	sld [smem:$0x3FFB];
	_ =	sdelay $0x3  }
0x98: {  	_ =	strace s18  }
0x99: {  	s4 =	sld [smem:$0x3FFC];
	_ =	sdelay $0x3  }
0x9a: {  	_ =	strace s4  }
0x9b: {  	s4 =	sld [smem:$0x3FFD];
	_ =	sdelay $0x3  }
0x9c: {  	_ =	strace s4  }
0x9d: {  	_ =	strace $0x8FFFFFFF  }
0x9e: {  	s19 =	sld [smem:$0x3FDB];
	_ =	sdelay $0x1  }
0x9f: {  	s5 =	simm.s32 $_scs_section_size  }
0xa0: {  	s6 =	simm.s32 $_size__tile_overlayer_lowered;
	s7 =	simm.s32 $_tile_overlayer_lowered  }
0xa1: {  	s22 =	simm.s32 $0x1BFF;
	s21 =	sshll.u32 s7, $0x1;
	s4 =	sadd.s32 s5, s19  }
0xa2: {  	s8 =	simm.s32 $0x0;
	s20 =	sshll.u32 s6, $0x1;
	s6 =	sadd.s32 s21, s4  }
0xa3: {  	[timem:s8], [sflag:s22] =	dma.local [hbm:s6], s20  }
0xa4: {  	_ =	swait.ge [sflag:s22], s20  }
0xa5: {  	s5 =	ssub.s32 $0x0, s20;
	[sflag:s22] =	ssyncset.done $0x0  }
0xa6: {  	[sflag:s22] =	ssyncadd.s32 s5;
	_ =	sdelay $0x1  }
0xa7: {  	s23 =	simm.s32 $0x1B8B  }
0xa8: {  	_ =	swait.ge [sflag:s23], $0x1  }
0xa9: {  	[sflag:s23] =	ssyncset.done $0x0  }
0xaa: {  	s25 =	simm.s32 $0x1B8E;
	s24 =	sld [smem:$0x3FFE];
	[sflag:s23] =	ssyncadd.s32 $0xFFFFFFFF  }
0xab: {  	s26 =	simm.s32 $execute0_lowered;
	[smem:$0x3FD2] =	sst s25  }
0xac: {  	s6 =	sshll.u32 s26, $0x1;
	_ =	strace $0x80000052;
	[dreg:$0x1] =	wrdreg $0xFFFFFFFF  }
0xad: {  	s28 =	simm.s32 $_size_execute0_lowered;
	s4 =	sadd.s32 s4, s6;
	[dreg:$0x0] =	wrdreg $0x0  }
0xae: {  	s6 =	sshll.u32 s28, $0x1;
	[dreg:$0x2] =	wrdreg s4  }
0xaf: {  	[dreg:$0x3] =	wrdreg s6  }
0xb0: {  	[dreg:$0x4] =	wrdreg $0xC0  }
0xb1: {  	_ =	task [dreg:s8], $0x5FFFF  }
0xb2: {  	[dreg:$0x1] =	wrdreg $0xFFFFFFFF  }
0xb3: {  	[dreg:$0x0] =	wrdreg $0x60  }
0xb4: {  	[dreg:$0x2] =	wrdreg s24  }
0xb5: {  	[dreg:$0x3] =	wrdreg s16  }
0xb6: {  	[dreg:$0x4] =	wrdreg s17  }
0xb7: {  	[dreg:$0x5] =	wrdreg $0x9  }
0xb8: {  	_ =	task.clear_ibuf [dreg:s8], $0x6FFFF;
	_ =	strace $0x90000052  }
0xb9: {  	s29 =	simm.s32 $0x9;
	_ =	strace $0x80000054  }
0xba: {  	_ =	swait.ge [sflag:s29], $0x1  }
0xbb: {  	[sflag:s29] =	ssyncadd.s32 $0xFFFFFFFF  }
0xbc: {  	_ =	strace $0x90000054  }
0xbd: {  	_ =	sfence  }
0xbe: {  	s30 =	sld [smem:$0x0];
	_ =	sdelay $0x2  }
0xbf: {  	s31 =	sshll.u32 s1, $0xD;
	s1 =	sshrl.u32 s1, $0x2  }
0xc0: {  	s3 =	sand.u32 $0x4000, s31;
	s1 =	sadd.s32 s1, s30  }
0xc1: {  	s0 =	sor.u32 s3, s0;
	s1 =	sshll.u32 s1, $0x11  }
0xc2: {  	s0 =	sor.u32 s1, s0  }
0xc3: {  	s0 =	sadd.s32 $0x8F2B, s0  }
0xc4: {  	[sflag:s0] =	ssyncadd.remote.s32 $0x1  }
0xc5: {  	_ =	sfence.sel $0xFFFF  }
0xc6: {  	[dreg:$0x0] =	wrdreg $0xFFFFFFFF;
	(pc) =	sbr.abs _section_cstart, $3  }
0xc7: {  	[dreg:$0x1] =	wrdreg $0xFFFFFFFF  }
0xc8: {  	_ =	task.clear_ibuf [dreg:s8], $0x2FFFF;
	_ =	strace $0x9FFFFFFF  }
0xc9: {  	(tm) =	ssettm $0x7FFFFFFF  }
tec
execute0_lowered:
.L_overlay_start_1:
0x0: {  	(tag) =	ssettag $0x1  }
0x1: {  	s1 =	rddreg [dreg:$0x0]  }
0x2: {  	s9 =	rddreg [dreg:$0x1]  }
0x3: {  	s6 =	rddreg [dreg:$0x2]  }
0x4: {  	s0 =	rddreg [dreg:$0x3];
	s3 =	simm.s32 $0x0;
	s2 =	stileid.u32  }
0x5: {  	s5 =	srdreg.scid;
	s17 =	simm.s32 $0x1;
	s18 =	simm.s32 $0x100  }
0x6: {  	s19 =	simm.s32 $0x1100;
	s20 =	simm.s32 $0x80;
	s21 =	simm.s32 $0x400  }
0x7: {  	s22 =	simm.s32 $0x0;
	[smem:$0x7FF] =	sst s3;
	s4 =	sadd.s32 $0x200200, s1  }
0x8: {  	s10 =	sand.u32 $0x1, s5;
	s26 =	sshll.u32 s2, $0x1;
	s11 =	sshrl.u32 s2, $0x2  }
0x9: {  	s15 =	sand.u32 $0x3, s2;
	_ =	strace $0x80000053;
	s7 =	sor.u32 s10, s26  }
0xa: {  	s28 =	ssub.s32 $0x2, s10;
	s8 =	sshll.u32 s11, $0x5;
	s30 =	sshll.u32 s11, $0xF  }
0xb: {  	v0 =	vlaneseq.u32;
	s15 =	sshll.u32 s15, $0x6;
	s16 =	sshll.u32 s10, $0x5;
	s12 =	sshll.u32 s7, $0x2  }
0xc: {  	v0 =	vmul.u32 $0x80, v0;
	s13 =	sshrl.u32 s28, $0x1;
	s8 =	sadd.s32 s8, s1;
	s29 =	sshll.u32 s7, $0x8  }
0xd: {  	s14 =	sand.u32 $0x7, s7;
	s31 =	sor.u32 s16, s15;
	s15 =	simm.s32 $0x20  }
0xe: {  	v1 =	vor.u32 $0x800, v0;
	v2 =	vor.u32 $0x1000, v0;
	v3 =	vor.u32 $0x1800, v0;
	s16 =	simm.s32 $0x9120;
	s12 =	sadd.s32 s12, s1;
	s13 =	ssub.s32 s28, s13  }
0xf: {  	v4 =	vor.u32 $0x2000, v0;
	v5 =	vor.u32 $0x2800, v0;
	v6 =	vor.u32 $0x3000, v0;
	s6 =	sadd.s32 s6, s29;
	s7 =	sshll.u32 s14, $0x5;
	s8 =	sadd.s32 $0x200000, s8  }
0x10: {  	v7 =	vor.u32 $0x3800, v0;
	v8 =	vor.u32 $0x4000, v0;
	v9 =	vor.u32 $0x4800, v0;
	s14 =	sshll.u32 s14, $0x4;
	s5 =	sadd.s32 $0x208200, s12;
	s12 =	sadd.s32 s9, s30  }
0x11: {  	v10 =	vor.u32 $0x5000, v0;
	v11 =	vor.u32 $0x5800, v0;
	v12 =	vor.u32 $0x6000, v0;
	s9 =	sshll.u32 s11, $0x16;
	s11 =	smax.u32 s13, $0x1;
	s13 =	simm.s32 $0x9100  }
0x12: {  	v13 =	vor.u32 $0x6800, v0;
	v14 =	vor.u32 $0x7000, v0;
	v15 =	vor.u32 $0x7800, v0;
	s10 =	sadd.s32 s14, s12;
	s12 =	sadd.s32 $0x20, s31;
	s14 =	simm.s32 $0x2  }
.LBB2_1:
0x13: {  	[tilespmem:s13], [sflag:$0x2] =	stream.linear.gather [hbm4b:s5+s3], $0x20, $0x38;
	[tilespmem:$0x9920] =	vst v63  }
0x14: {  	_ =	swait.ge [sflag:s14], $0x20  }
0x15: {  	[sflag:s14] =	ssyncset.done $0x0  }
0x16: {  	[sflag:s14] =	ssyncadd.s32 $0xFFFFFFE0  }
0x17: {  	[tilespmem:s16], [sflag:$0x1] =	stream.indirect.gather [hbm4b:s4+s15], $0x40, s13, s15, $0xb8;
	[tilespmem:$0x9920] =	vst v63  }
0x18: {  	_ =	swait.ge [sflag:s17], $0x800  }
0x19: {  	[sflag:s17] =	ssyncset.done $0x0  }
0x1a: {  	[sflag:s17] =	ssyncadd.s32 $0xFFFFF800  }
0x1b: {  	[hbm4b:s6+s3] =	stream.linear.scatter [tilespmem:s16], [sflag:$0x2], $0x800, $0x38;
	[tilespmem:$0x9920] =	vst v63  }
0x1c: {  	_ =	swait.ge [sflag:s14], $0x800  }
0x1d: {  	[sflag:s14] =	ssyncset.done $0x0  }
0x1e: {  	[sflag:s14] =	ssyncadd.s32 $0xFFFFF800  }
0x1f: {  	[tilespmem:s3], [sflag:$0x2] =	stream.linear.gather [hbm4b:s8+s3], $0x100, $0x38;
	[tilespmem:$0x9920] =	vst v63  }
0x20: {  	_ =	swait.ge [sflag:s14], $0x100  }
0x21: {  	[sflag:s14] =	ssyncset.done $0x0  }
0x22: {  	s23 =	simm.s32 $0x3;
	s24 =	smov.u32 s7;
	[sflag:s14] =	ssyncadd.s32 $0xFFFFFF00  }
.LBB2_2:
0x23: {  	v16 =	vmov s24;
	_ =	sdelay $0x4  }
0x24: {  	v16 =	vld.idx.msk [tilespmem:v16+s3+$0x0], $0xffff;
	_ =	sdelay $0x4  }
0x25: {  	v16 =	vxor.u32 $0x80000000, v16  }
0x26: {  	(xrf0) =	vmax.scan.msk.u32 $0xffff, v16;
	_ =	sdelay $0x5  }
0x27: {  	v16, _, _ =	vpop (xrf0)  }
0x28: {  	(v2sf) =	vpush v16, $0xF;
	_ =	sdelay $0xe  }
0x29: {  	s25 =	spop (v2sf)  }
0x2a: {  	s25 =	sshll.u32 s25, $0xC  }
0x2b: {  	s25 =	sadd.s32 s9, s25  }
0x2c: {  	s25 =	sshrl.u32 s25, $0x3  }
0x2d: {  	s25 =	sadd.s32 s1, s25  }
0x2e: {  	[tilespmem:s18], [sflag:$0x2] =	stream.linear.gather [hbm4b:s25+s3], $0x1000, $0x38;
	[tilespmem:$0x9920] =	vst v63  }
0x2f: {  	_ =	swait.ge [sflag:s14], $0x1000  }
0x30: {  	[sflag:s14] =	ssyncset.done $0x0  }
0x31: {  	[sflag:s14] =	ssyncadd.s32 $0xFFFFF000  }
0x32: {  	v16 =	vld [tilespmem:$0x0];
	_ =	sdelay $0x4  }
0x33: {  	v19 =	vshll.u32 v16, $0x2;
	_ =	sdelay $0x1  }
0x34: {  	s29 =	sadd.s32 $0xFFFFFFFD, s23  }
0x35: {  	v16 =	vmov s29  }
0x36: {  	v16 =	vand.u32 $0xFFFFFFFC, v16  }
0x37: {  	v18 =	vadd.s32 v0, v16;
	v17 =	vld.idx.msk [tilespmem:v19+s18+$0x0], $0xffff  }
0x38: {  	v20 =	vor.u32 $0x1, v19;
	_ =	sdelay $0x1  }
0x39: {  	s30 =	sadd.s32 $0xFFFFFFFE, s23  }
0x3a: {  	v21 =	vmov s30  }
0x3b: {  	[tilespmem:v18+s19+$0x0] =	vst.idx.msk $0xffff, v17;
	v17 =	vand.u32 $0xFFFFFFFD, v21  }
0x3c: {  	v18 =	vld.idx.msk [tilespmem:v20+s18+$0x0], $0xffff;
	v53 =	vadd.s32 v0, v17  }
0x3d: {  	v54 =	vor.u32 $0x2, v19;
	_ =	sdelay $0x1  }
0x3e: {  	s31 =	sadd.s32 $0xFFFFFFFF, s23  }
0x3f: {  	v22 =	vmov s31  }
0x40: {  	[tilespmem:v53+s19+$0x0] =	vst.idx.msk $0xffff, v18;
	v18 =	vand.u32 $0xFFFFFFFE, v22  }
0x41: {  	v20 =	vld.idx.msk [tilespmem:v54+s18+$0x0], $0xffff;
	v55 =	vadd.s32 v0, v18  }
0x42: {  	v19 =	vor.u32 $0x3, v19;
	_ =	sdelay $0x3  }
0x43: {  	[tilespmem:v55+s19+$0x0] =	vst.idx.msk $0xffff, v20  }
0x44: {  	v56 =	vadd.s32 s23, v0;
	v19 =	vld.idx.msk [tilespmem:v19+s18+$0x0], $0xffff;
	_ =	sdelay $0x4  }
0x45: {  	[tilespmem:v56+s19+$0x0] =	vst.idx.msk $0xffff, v19  }
0x46: {  	v19 =	vld [tilespmem:$0x10];
	_ =	sdelay $0x4  }
0x47: {  	v19 =	vshll.u32 v19, $0x2;
	_ =	sdelay $0x4  }
0x48: {  	v57 =	vadd.s32 v1, v16;
	v20 =	vld.idx.msk [tilespmem:v19+s18+$0x0], $0xffff  }
0x49: {  	v58 =	vor.u32 $0x1, v19;
	_ =	sdelay $0x3  }
0x4a: {  	[tilespmem:v57+s19+$0x0] =	vst.idx.msk $0xffff, v20  }
0x4b: {  	v59 =	vadd.s32 v1, v17;
	v20 =	vld.idx.msk [tilespmem:v58+s18+$0x0], $0xffff  }
0x4c: {  	v60 =	vor.u32 $0x2, v19;
	_ =	sdelay $0x3  }
0x4d: {  	[tilespmem:v59+s19+$0x0] =	vst.idx.msk $0xffff, v20  }
0x4e: {  	v61 =	vadd.s32 v1, v18;
	v20 =	vld.idx.msk [tilespmem:v60+s18+$0x0], $0xffff  }
0x4f: {  	v19 =	vor.u32 $0x3, v19;
	_ =	sdelay $0x3  }
0x50: {  	[tilespmem:v61+s19+$0x0] =	vst.idx.msk $0xffff, v20  }
0x51: {  	v62 =	vadd.s32 s23, v1;
	v19 =	vld.idx.msk [tilespmem:v19+s18+$0x0], $0xffff;
	_ =	sdelay $0x4  }
0x52: {  	[tilespmem:v62+s19+$0x0] =	vst.idx.msk $0xffff, v19  }
0x53: {  	v19 =	vld [tilespmem:$0x20];
	_ =	sdelay $0x4  }
0x54: {  	v19 =	vshll.u32 v19, $0x2;
	_ =	sdelay $0x4  }
0x55: {  	v63 =	vadd.s32 v2, v16;
	v20 =	vld.idx.msk [tilespmem:v19+s18+$0x0], $0xffff  }
0x56: {  	v24 =	vor.u32 $0x1, v19;
	_ =	sdelay $0x3  }
0x57: {  	[tilespmem:v63+s19+$0x0] =	vst.idx.msk $0xffff, v20  }
0x58: {  	v25 =	vadd.s32 v2, v17;
	v20 =	vld.idx.msk [tilespmem:v24+s18+$0x0], $0xffff  }
0x59: {  	v26 =	vor.u32 $0x2, v19;
	_ =	sdelay $0x3  }
0x5a: {  	[tilespmem:v25+s19+$0x0] =	vst.idx.msk $0xffff, v20  }
0x5b: {  	v27 =	vadd.s32 v2, v18;
	v20 =	vld.idx.msk [tilespmem:v26+s18+$0x0], $0xffff  }
0x5c: {  	v19 =	vor.u32 $0x3, v19;
	_ =	sdelay $0x3  }
0x5d: {  	[tilespmem:v27+s19+$0x0] =	vst.idx.msk $0xffff, v20  }
0x5e: {  	v28 =	vadd.s32 s23, v2;
	v19 =	vld.idx.msk [tilespmem:v19+s18+$0x0], $0xffff;
	_ =	sdelay $0x4  }
0x5f: {  	[tilespmem:v28+s19+$0x0] =	vst.idx.msk $0xffff, v19  }
0x60: {  	v19 =	vld [tilespmem:$0x30];
	_ =	sdelay $0x4  }
0x61: {  	v19 =	vshll.u32 v19, $0x2;
	_ =	sdelay $0x4  }
0x62: {  	v29 =	vadd.s32 v3, v16;
	v20 =	vld.idx.msk [tilespmem:v19+s18+$0x0], $0xffff  }
0x63: {  	v30 =	vor.u32 $0x1, v19;
	_ =	sdelay $0x3  }
0x64: {  	[tilespmem:v29+s19+$0x0] =	vst.idx.msk $0xffff, v20  }
0x65: {  	v31 =	vadd.s32 v3, v17;
	v20 =	vld.idx.msk [tilespmem:v30+s18+$0x0], $0xffff  }
0x66: {  	v32 =	vor.u32 $0x2, v19;
	_ =	sdelay $0x3  }
0x67: {  	[tilespmem:v31+s19+$0x0] =	vst.idx.msk $0xffff, v20  }
0x68: {  	v33 =	vadd.s32 v3, v18;
	v20 =	vld.idx.msk [tilespmem:v32+s18+$0x0], $0xffff  }
0x69: {  	v19 =	vor.u32 $0x3, v19;
	_ =	sdelay $0x3  }
0x6a: {  	[tilespmem:v33+s19+$0x0] =	vst.idx.msk $0xffff, v20  }
0x6b: {  	v34 =	vadd.s32 s23, v3;
	v19 =	vld.idx.msk [tilespmem:v19+s18+$0x0], $0xffff;
	_ =	sdelay $0x4  }
0x6c: {  	[tilespmem:v34+s19+$0x0] =	vst.idx.msk $0xffff, v19  }
0x6d: {  	v19 =	vld [tilespmem:$0x40];
	_ =	sdelay $0x4  }
0x6e: {  	v19 =	vshll.u32 v19, $0x2;
	_ =	sdelay $0x4  }
0x6f: {  	v35 =	vadd.s32 v4, v16;
	v20 =	vld.idx.msk [tilespmem:v19+s18+$0x0], $0xffff  }
0x70: {  	v36 =	vor.u32 $0x1, v19;
	_ =	sdelay $0x3  }
0x71: {  	[tilespmem:v35+s19+$0x0] =	vst.idx.msk $0xffff, v20  }
0x72: {  	v37 =	vadd.s32 v4, v17;
	v20 =	vld.idx.msk [tilespmem:v36+s18+$0x0], $0xffff  }
0x73: {  	v38 =	vor.u32 $0x2, v19;
	_ =	sdelay $0x3  }
0x74: {  	[tilespmem:v37+s19+$0x0] =	vst.idx.msk $0xffff, v20  }
0x75: {  	v39 =	vadd.s32 v4, v18;
	v20 =	vld.idx.msk [tilespmem:v38+s18+$0x0], $0xffff  }
0x76: {  	v19 =	vor.u32 $0x3, v19;
	_ =	sdelay $0x3  }
0x77: {  	[tilespmem:v39+s19+$0x0] =	vst.idx.msk $0xffff, v20  }
0x78: {  	v40 =	vadd.s32 s23, v4;
	v19 =	vld.idx.msk [tilespmem:v19+s18+$0x0], $0xffff;
	_ =	sdelay $0x4  }
0x79: {  	[tilespmem:v40+s19+$0x0] =	vst.idx.msk $0xffff, v19  }
0x7a: {  	v19 =	vld [tilespmem:$0x50];
	_ =	sdelay $0x4  }
0x7b: {  	v19 =	vshll.u32 v19, $0x2;
	_ =	sdelay $0x4  }
0x7c: {  	v41 =	vadd.s32 v5, v16;
	v20 =	vld.idx.msk [tilespmem:v19+s18+$0x0], $0xffff  }
0x7d: {  	v42 =	vor.u32 $0x1, v19;
	_ =	sdelay $0x3  }
0x7e: {  	[tilespmem:v41+s19+$0x0] =	vst.idx.msk $0xffff, v20  }
0x7f: {  	v43 =	vadd.s32 v5, v17;
	v20 =	vld.idx.msk [tilespmem:v42+s18+$0x0], $0xffff  }
0x80: {  	v44 =	vor.u32 $0x2, v19;
	_ =	sdelay $0x3  }
0x81: {  	[tilespmem:v43+s19+$0x0] =	vst.idx.msk $0xffff, v20  }
0x82: {  	v45 =	vadd.s32 v5, v18;
	v20 =	vld.idx.msk [tilespmem:v44+s18+$0x0], $0xffff  }
0x83: {  	v19 =	vor.u32 $0x3, v19;
	_ =	sdelay $0x3  }
0x84: {  	[tilespmem:v45+s19+$0x0] =	vst.idx.msk $0xffff, v20  }
0x85: {  	v46 =	vadd.s32 s23, v5;
	v19 =	vld.idx.msk [tilespmem:v19+s18+$0x0], $0xffff;
	_ =	sdelay $0x4  }
0x86: {  	[tilespmem:v46+s19+$0x0] =	vst.idx.msk $0xffff, v19  }
0x87: {  	v19 =	vld [tilespmem:$0x60];
	_ =	sdelay $0x4  }
0x88: {  	v19 =	vshll.u32 v19, $0x2;
	_ =	sdelay $0x4  }
0x89: {  	v47 =	vadd.s32 v6, v16;
	v20 =	vld.idx.msk [tilespmem:v19+s18+$0x0], $0xffff  }
0x8a: {  	v48 =	vor.u32 $0x1, v19;
	_ =	sdelay $0x3  }
0x8b: {  	[tilespmem:v47+s19+$0x0] =	vst.idx.msk $0xffff, v20  }
0x8c: {  	v49 =	vadd.s32 v6, v17;
	v20 =	vld.idx.msk [tilespmem:v48+s18+$0x0], $0xffff  }
0x8d: {  	v50 =	vor.u32 $0x2, v19;
	_ =	sdelay $0x3  }
0x8e: {  	[tilespmem:v49+s19+$0x0] =	vst.idx.msk $0xffff, v20  }
0x8f: {  	v51 =	vadd.s32 v6, v18;
	v20 =	vld.idx.msk [tilespmem:v50+s18+$0x0], $0xffff  }
0x90: {  	v19 =	vor.u32 $0x3, v19;
	_ =	sdelay $0x3  }
0x91: {  	[tilespmem:v51+s19+$0x0] =	vst.idx.msk $0xffff, v20  }
0x92: {  	v52 =	vadd.s32 s23, v6;
	v19 =	vld.idx.msk [tilespmem:v19+s18+$0x0], $0xffff;
	_ =	sdelay $0x4  }
0x93: {  	[tilespmem:v52+s19+$0x0] =	vst.idx.msk $0xffff, v19  }
0x94: {  	v19 =	vld [tilespmem:$0x70];
	_ =	sdelay $0x4  }
0x95: {  	v19 =	vshll.u32 v19, $0x2;
	_ =	sdelay $0x4  }
0x96: {  	v53 =	vadd.s32 v7, v16;
	v20 =	vld.idx.msk [tilespmem:v19+s18+$0x0], $0xffff  }
0x97: {  	v54 =	vor.u32 $0x1, v19;
	_ =	sdelay $0x3  }
0x98: {  	[tilespmem:v53+s19+$0x0] =	vst.idx.msk $0xffff, v20  }
0x99: {  	v55 =	vadd.s32 v7, v17;
	v20 =	vld.idx.msk [tilespmem:v54+s18+$0x0], $0xffff  }
0x9a: {  	v56 =	vor.u32 $0x2, v19;
	_ =	sdelay $0x3  }
0x9b: {  	[tilespmem:v55+s19+$0x0] =	vst.idx.msk $0xffff, v20  }
0x9c: {  	v57 =	vadd.s32 v7, v18;
	v20 =	vld.idx.msk [tilespmem:v56+s18+$0x0], $0xffff  }
0x9d: {  	v19 =	vor.u32 $0x3, v19;
	_ =	sdelay $0x3  }
0x9e: {  	[tilespmem:v57+s19+$0x0] =	vst.idx.msk $0xffff, v20  }
0x9f: {  	v58 =	vadd.s32 s23, v7;
	v19 =	vld.idx.msk [tilespmem:v19+s18+$0x0], $0xffff;
	_ =	sdelay $0x4  }
0xa0: {  	[tilespmem:v58+s19+$0x0] =	vst.idx.msk $0xffff, v19  }
0xa1: {  	v19 =	vld [tilespmem:$0x80];
	_ =	sdelay $0x4  }
0xa2: {  	v19 =	vshll.u32 v19, $0x2;
	_ =	sdelay $0x4  }
0xa3: {  	v59 =	vadd.s32 v8, v16;
	v20 =	vld.idx.msk [tilespmem:v19+s18+$0x0], $0xffff  }
0xa4: {  	v60 =	vor.u32 $0x1, v19;
	_ =	sdelay $0x3  }
0xa5: {  	[tilespmem:v59+s19+$0x0] =	vst.idx.msk $0xffff, v20  }
0xa6: {  	v61 =	vadd.s32 v8, v17;
	v20 =	vld.idx.msk [tilespmem:v60+s18+$0x0], $0xffff  }
0xa7: {  	v62 =	vor.u32 $0x2, v19;
	_ =	sdelay $0x3  }
0xa8: {  	[tilespmem:v61+s19+$0x0] =	vst.idx.msk $0xffff, v20  }
0xa9: {  	v63 =	vadd.s32 v8, v18;
	v20 =	vld.idx.msk [tilespmem:v62+s18+$0x0], $0xffff  }
0xaa: {  	v19 =	vor.u32 $0x3, v19;
	_ =	sdelay $0x3  }
0xab: {  	[tilespmem:v63+s19+$0x0] =	vst.idx.msk $0xffff, v20  }
0xac: {  	v24 =	vadd.s32 s23, v8;
	v19 =	vld.idx.msk [tilespmem:v19+s18+$0x0], $0xffff;
	_ =	sdelay $0x4  }
0xad: {  	[tilespmem:v24+s19+$0x0] =	vst.idx.msk $0xffff, v19  }
0xae: {  	v19 =	vld [tilespmem:$0x90];
	_ =	sdelay $0x4  }
0xaf: {  	v19 =	vshll.u32 v19, $0x2;
	_ =	sdelay $0x4  }
0xb0: {  	v25 =	vadd.s32 v9, v16;
	v20 =	vld.idx.msk [tilespmem:v19+s18+$0x0], $0xffff  }
0xb1: {  	v26 =	vor.u32 $0x1, v19;
	_ =	sdelay $0x3  }
0xb2: {  	[tilespmem:v25+s19+$0x0] =	vst.idx.msk $0xffff, v20  }
0xb3: {  	v27 =	vadd.s32 v9, v17;
	v20 =	vld.idx.msk [tilespmem:v26+s18+$0x0], $0xffff  }
0xb4: {  	v28 =	vor.u32 $0x2, v19;
	_ =	sdelay $0x3  }
0xb5: {  	[tilespmem:v27+s19+$0x0] =	vst.idx.msk $0xffff, v20  }
0xb6: {  	v29 =	vadd.s32 v9, v18;
	v20 =	vld.idx.msk [tilespmem:v28+s18+$0x0], $0xffff  }
0xb7: {  	v19 =	vor.u32 $0x3, v19;
	_ =	sdelay $0x3  }
0xb8: {  	[tilespmem:v29+s19+$0x0] =	vst.idx.msk $0xffff, v20  }
0xb9: {  	v30 =	vadd.s32 s23, v9;
	v19 =	vld.idx.msk [tilespmem:v19+s18+$0x0], $0xffff;
	_ =	sdelay $0x4  }
0xba: {  	[tilespmem:v30+s19+$0x0] =	vst.idx.msk $0xffff, v19  }
0xbb: {  	v19 =	vld [tilespmem:$0xA0];
	_ =	sdelay $0x4  }
0xbc: {  	v19 =	vshll.u32 v19, $0x2;
	_ =	sdelay $0x4  }
0xbd: {  	v31 =	vadd.s32 v10, v16;
	v20 =	vld.idx.msk [tilespmem:v19+s18+$0x0], $0xffff  }
0xbe: {  	v32 =	vor.u32 $0x1, v19;
	_ =	sdelay $0x3  }
0xbf: {  	[tilespmem:v31+s19+$0x0] =	vst.idx.msk $0xffff, v20  }
0xc0: {  	v33 =	vadd.s32 v10, v17;
	v20 =	vld.idx.msk [tilespmem:v32+s18+$0x0], $0xffff  }
0xc1: {  	v34 =	vor.u32 $0x2, v19;
	_ =	sdelay $0x3  }
0xc2: {  	[tilespmem:v33+s19+$0x0] =	vst.idx.msk $0xffff, v20  }
0xc3: {  	v35 =	vadd.s32 v10, v18;
	v20 =	vld.idx.msk [tilespmem:v34+s18+$0x0], $0xffff  }
0xc4: {  	v19 =	vor.u32 $0x3, v19;
	_ =	sdelay $0x3  }
0xc5: {  	[tilespmem:v35+s19+$0x0] =	vst.idx.msk $0xffff, v20  }
0xc6: {  	v36 =	vadd.s32 s23, v10;
	v19 =	vld.idx.msk [tilespmem:v19+s18+$0x0], $0xffff;
	_ =	sdelay $0x4  }
0xc7: {  	[tilespmem:v36+s19+$0x0] =	vst.idx.msk $0xffff, v19  }
0xc8: {  	v19 =	vld [tilespmem:$0xB0];
	_ =	sdelay $0x4  }
0xc9: {  	v19 =	vshll.u32 v19, $0x2;
	_ =	sdelay $0x4  }
0xca: {  	v37 =	vadd.s32 v11, v16;
	v20 =	vld.idx.msk [tilespmem:v19+s18+$0x0], $0xffff  }
0xcb: {  	v38 =	vor.u32 $0x1, v19;
	_ =	sdelay $0x3  }
0xcc: {  	[tilespmem:v37+s19+$0x0] =	vst.idx.msk $0xffff, v20  }
0xcd: {  	v39 =	vadd.s32 v11, v17;
	v20 =	vld.idx.msk [tilespmem:v38+s18+$0x0], $0xffff  }
0xce: {  	v40 =	vor.u32 $0x2, v19;
	_ =	sdelay $0x3  }
0xcf: {  	[tilespmem:v39+s19+$0x0] =	vst.idx.msk $0xffff, v20  }
0xd0: {  	v41 =	vadd.s32 v11, v18;
	v20 =	vld.idx.msk [tilespmem:v40+s18+$0x0], $0xffff  }
0xd1: {  	v19 =	vor.u32 $0x3, v19;
	_ =	sdelay $0x3  }
0xd2: {  	[tilespmem:v41+s19+$0x0] =	vst.idx.msk $0xffff, v20  }
0xd3: {  	v42 =	vadd.s32 s23, v11;
	v19 =	vld.idx.msk [tilespmem:v19+s18+$0x0], $0xffff;
	_ =	sdelay $0x4  }
0xd4: {  	[tilespmem:v42+s19+$0x0] =	vst.idx.msk $0xffff, v19  }
0xd5: {  	v19 =	vld [tilespmem:$0xC0];
	_ =	sdelay $0x4  }
0xd6: {  	v19 =	vshll.u32 v19, $0x2;
	_ =	sdelay $0x4  }
0xd7: {  	v43 =	vadd.s32 v12, v16;
	v20 =	vld.idx.msk [tilespmem:v19+s18+$0x0], $0xffff  }
0xd8: {  	v44 =	vor.u32 $0x1, v19;
	_ =	sdelay $0x3  }
0xd9: {  	[tilespmem:v43+s19+$0x0] =	vst.idx.msk $0xffff, v20  }
0xda: {  	v45 =	vadd.s32 v12, v17;
	v20 =	vld.idx.msk [tilespmem:v44+s18+$0x0], $0xffff  }
0xdb: {  	v46 =	vor.u32 $0x2, v19;
	_ =	sdelay $0x3  }
0xdc: {  	[tilespmem:v45+s19+$0x0] =	vst.idx.msk $0xffff, v20  }
0xdd: {  	v47 =	vadd.s32 v12, v18;
	v20 =	vld.idx.msk [tilespmem:v46+s18+$0x0], $0xffff  }
0xde: {  	v19 =	vor.u32 $0x3, v19;
	_ =	sdelay $0x3  }
0xdf: {  	[tilespmem:v47+s19+$0x0] =	vst.idx.msk $0xffff, v20  }
0xe0: {  	v48 =	vadd.s32 s23, v12;
	v19 =	vld.idx.msk [tilespmem:v19+s18+$0x0], $0xffff;
	_ =	sdelay $0x4  }
0xe1: {  	[tilespmem:v48+s19+$0x0] =	vst.idx.msk $0xffff, v19  }
0xe2: {  	v19 =	vld [tilespmem:$0xD0];
	_ =	sdelay $0x4  }
0xe3: {  	v19 =	vshll.u32 v19, $0x2;
	_ =	sdelay $0x4  }
0xe4: {  	v49 =	vadd.s32 v13, v16;
	v20 =	vld.idx.msk [tilespmem:v19+s18+$0x0], $0xffff  }
0xe5: {  	v50 =	vor.u32 $0x1, v19;
	_ =	sdelay $0x3  }
0xe6: {  	[tilespmem:v49+s19+$0x0] =	vst.idx.msk $0xffff, v20  }
0xe7: {  	v51 =	vadd.s32 v13, v17;
	v20 =	vld.idx.msk [tilespmem:v50+s18+$0x0], $0xffff  }
0xe8: {  	v52 =	vor.u32 $0x2, v19;
	_ =	sdelay $0x3  }
0xe9: {  	[tilespmem:v51+s19+$0x0] =	vst.idx.msk $0xffff, v20  }
0xea: {  	v53 =	vadd.s32 v13, v18;
	v20 =	vld.idx.msk [tilespmem:v52+s18+$0x0], $0xffff  }
0xeb: {  	v19 =	vor.u32 $0x3, v19;
	_ =	sdelay $0x3  }
0xec: {  	[tilespmem:v53+s19+$0x0] =	vst.idx.msk $0xffff, v20  }
0xed: {  	v54 =	vadd.s32 s23, v13;
	v19 =	vld.idx.msk [tilespmem:v19+s18+$0x0], $0xffff;
	_ =	sdelay $0x4  }
0xee: {  	[tilespmem:v54+s19+$0x0] =	vst.idx.msk $0xffff, v19  }
0xef: {  	v19 =	vld [tilespmem:$0xE0];
	_ =	sdelay $0x4  }
0xf0: {  	v19 =	vshll.u32 v19, $0x2;
	_ =	sdelay $0x4  }
0xf1: {  	v55 =	vadd.s32 v14, v16;
	v20 =	vld.idx.msk [tilespmem:v19+s18+$0x0], $0xffff  }
0xf2: {  	v56 =	vor.u32 $0x1, v19;
	_ =	sdelay $0x3  }
0xf3: {  	[tilespmem:v55+s19+$0x0] =	vst.idx.msk $0xffff, v20  }
0xf4: {  	v57 =	vadd.s32 v14, v17;
	v20 =	vld.idx.msk [tilespmem:v56+s18+$0x0], $0xffff  }
0xf5: {  	v58 =	vor.u32 $0x2, v19;
	_ =	sdelay $0x3  }
0xf6: {  	[tilespmem:v57+s19+$0x0] =	vst.idx.msk $0xffff, v20  }
0xf7: {  	v59 =	vadd.s32 v14, v18;
	v20 =	vld.idx.msk [tilespmem:v58+s18+$0x0], $0xffff  }
0xf8: {  	v19 =	vor.u32 $0x3, v19;
	_ =	sdelay $0x3  }
0xf9: {  	[tilespmem:v59+s19+$0x0] =	vst.idx.msk $0xffff, v20  }
0xfa: {  	v60 =	vadd.s32 s23, v14;
	v19 =	vld.idx.msk [tilespmem:v19+s18+$0x0], $0xffff;
	_ =	sdelay $0x4  }
0xfb: {  	[tilespmem:v60+s19+$0x0] =	vst.idx.msk $0xffff, v19  }
0xfc: {  	v19 =	vld [tilespmem:$0xF0];
	_ =	sdelay $0x4  }
0xfd: {  	v19 =	vshll.u32 v19, $0x2;
	_ =	sdelay $0x4  }
0xfe: {  	v16 =	vadd.s32 v15, v16;
	v20 =	vld.idx.msk [tilespmem:v19+s18+$0x0], $0xffff  }
0xff: {  	v61 =	vor.u32 $0x1, v19;
	_ =	sdelay $0x3  }
0x100: {  	[tilespmem:v16+s19+$0x0] =	vst.idx.msk $0xffff, v20  }
0x101: {  	v17 =	vadd.s32 v15, v17;
	v16 =	vld.idx.msk [tilespmem:v61+s18+$0x0], $0xffff  }
0x102: {  	v62 =	vor.u32 $0x2, v19;
	_ =	sdelay $0x3  }
0x103: {  	[tilespmem:v17+s19+$0x0] =	vst.idx.msk $0xffff, v16  }
0x104: {  	v17 =	vadd.s32 v15, v18;
	v16 =	vld.idx.msk [tilespmem:v62+s18+$0x0], $0xffff  }
0x105: {  	v63 =	vor.u32 $0x3, v19;
	_ =	sdelay $0x3  }
0x106: {  	s24 =	sadd.s32 $0x1, s24;
	[tilespmem:v17+s19+$0x0] =	vst.idx.msk $0xffff, v16  }
0x107: {  	p0 =	sne.s32 s12, s24;
	v17 =	vadd.s32 s23, v15;
	v16 =	vld.idx.msk [tilespmem:v63+s18+$0x0], $0xffff  }
.Ltmp0:
0x108: {  	_ = 	snop;
	(pc) =	sbr.rel @p0 .LBB2_2-.Ltmp0, $2  }
0x109: {  	_ =	sdelay $0x2  }
0x10a: {  	s23 =	sadd.s32 $0x4, s23;
	[tilespmem:v17+s19+$0x0] =	vst.idx.msk $0xffff, v16  }
0x10b: {  	s22 =	sadd.s32 $0x1, s22  }
0x10c: {  	p0 =	sne.s32 s22, s11  }
.Ltmp1:
0x10d: {  	_ = 	snop;
	(pc) =	sbr.rel @p0 .LBB2_1-.Ltmp1, $4  }
0x10e: {  	[hbm4b:s10+s20] =	stream.strided.scatter [tilespmem:s19], [sflag:$0x2], $0x8000, s21, s20, $0x38;
	[tilespmem:$0x9920] =	vst v63  }
0x10f: {  	_ =	swait.ge [sflag:s14], $0x8000  }
0x110: {  	[sflag:s14] =	ssyncset.done $0x0  }
0x111: {  	[sflag:s14] =	ssyncadd.s32 $0xFFFF8000  }
0x112: {  	_ =	sfence.sel $0x180000  }
0x113: {  	[bflag:$0x0] =	sbarrier.arrive $0xFFFF  }
0x114: {  	p0 =	sne.s32 s2, $0x0;
	_ =	strace $0x90000053  }
0x115: {  	s0 =	sadd.s32 @!p0 $0x100000, s0;
	[bflag:$0x2] =	sbarrier.arrive $0xFFFF  }
0x116: {  	[sflag:s0] =	ssyncadd.tile.s32 @!p0 $0x1;
	_ =	shalt  }
.Lfunc_end2:
_tile_overlayer_lowered:
.L_overlay_start_2:
0x117: {  	(tag) =	ssettag $0x2  }
0x118: {  	s0 =	rddreg [dreg:$0x0];
	s2 =	stileid.u32  }
0x119: {  	s1 =	rddreg [dreg:$0x1];
	p0 =	sne.s32 s2, $0x0  }
0x11a: {  	s3 =	rddreg [dreg:$0x2];
	[bflag:$0x3] =	sbarrier.arrive $0xFFFF;
	s2 =	simm.s32 @!p0 $0x1C02  }
0x11b: {  	[timem:s3], [sflag:s2] =	dma.local @!p0 [hbm:s0], s1  }
0x11c: {  	s0 =	simm.s32 @!p0 $0x2  }
0x11d: {  	_ =	swait.ge @!p0 [sflag:s0], s1  }
0x11e: {  	s1 =	ssub.s32 @!p0 $0x0, s1;
	[sflag:s0] =	ssyncset.done @!p0 $0x0  }
0x11f: {  	[sflag:s0] =	ssyncadd.s32 @!p0 s1  }
0x120: {  	[bflag:$0x3] =	sbarrier.arrive $0xFFFF  }
0x121: {  	_ =	shalt  }

// kernel: scatter_offload_async_start
scs
__scs_entry_jumppad:
0x0: {  	(pc) =	sbr.rel $0x88, $3  }
0x1: {  	(tag) =	ssettag $0x0;
	lr =	simm.s32 $0x1  }
0x2: {  	[smem:$0x3F9E] =	sst lr;
	_ =	strace $0xD0000000  }
0x3: {  	_ = 	snop  }
0x4: {  	_ = 	snop  }
0x5: {  	_ = 	snop  }
0x6: {  	_ = 	snop  }
0x7: {  	_ = 	snop  }
__scs_overlays_trampoline_lowered:
0x8: {  	[smem:$0x3FAD] =	sst s0  }
0x9: {  	[smem:$0x3FAE] =	sst s1  }
0xa: {  	[smem:$0x3FAF] =	sst s2  }
0xb: {  	[smem:$0x3FB0] =	sst s3  }
0xc: {  	[smem:$0x3FB1] =	sst s4  }
0xd: {  	[smem:$0x3FB2] =	sst s5  }
0xe: {  	[smem:$0x3FB3] =	sst s6  }
0xf: {  	[smem:$0x3FB4] =	sst s7  }
0x10: {  	[smem:$0x3FB5] =	sst s8  }
0x11: {  	[smem:$0x3FB6] =	sst s9;
	s0 =	simm.s32 @!p0 $0x0  }
0x12: {  	s1 =	sld [smem:$0x3F9C];
	s0 =	simm.s32 @p0 $0x1  }
0x13: {  	[smem:$0x3FB7] =	sst s0;
	s0 =	simm.s32 @!p1 $0x0  }
0x14: {  	s2 =	sld [smem:$0x3F9B];
	s0 =	simm.s32 @p1 $0x1  }
0x15: {  	[smem:$0x3FB8] =	sst s0;
	s0 =	simm.s32 @!p2 $0x0  }
0x16: {  	s3 =	sld [smem:$0x3FDB];
	s0 =	simm.s32 @p2 $0x1  }
0x17: {  	s4 =	simm.s32 $0x1BF5;
	[smem:$0x3FBA] =	sst s0  }
0x18: {  	s0 =	sld [smem:$0x3F9D];
	_ =	swait.ge [sflag:s4], $0x0  }
0x19: {  	s7 =	sld [smem:$0x3F9E]  }
0x1a: {  	s8 =	sadd.s32 $0xFFFFE003, lr  }
0x1b: {  	s9 =	sadd.s32 $0xFFFFFEF7, lr;
	s5 =	simm.s32 $0xFFFFFFFF;
	p2 =	slt.u32 s8, $0xFFFFF086  }
0x1c: {  	p1 =	slt.u32 s9, $0xF7A;
	s5 =	simm.s32 @!p2 $0x0  }
0x1d: {  	s5 =	simm.s32 @p1 $0x1;
	p0 =	seq.s32 s7, s2  }
0x1e: {  	s7 =	smul.u32 @!p0 $0xF7A, s2;
	p2 =	seq.s32 @!p0 s5, $0x0  }
0x1f: {  	s9 =	smul.u32 $0xF7A, s1;
	s8 =	simm.s32 @!p0 $0x1BF5;
	p2 =	por !p2, p0  }
0x20: {  	[sflag:s8] =	ssyncset.s32 @!p0 $0xFFFFF086;
	s6 =	sadd.s32 @!p0 s3, s7;
	s7 =	simm.s32 @!p0 $0x108  }
0x21: {  	s3 =	sadd.s32 s3, s9;
	s6 =	sadd.s32 @!p0 $0x88, s6;
	s7 =	simm.s32 @p2 $0x1082  }
0x22: {  	[simem:s7], [sflag:s8] =	dma.local @!p0 [hbm:s6], $0xF7A  }
0x23: {  	s9 =	sor.u32 $0xD0000000, s2;
	s6 =	simm.s32 $0x108;
	_ =	swait.ge @!p0 [sflag:s8], $0x0  }
0x24: {  	s3 =	sadd.s32 $0x88, s3;
	s6 =	simm.s32 @!p1 $0x1082;
	[sflag:s4] =	ssyncset.s32 $0xFFFFF086  }
0x25: {  	[simem:s6], [sflag:s4] =	dma.local [hbm:s3], $0xF7A  }
0x26: {  	[smem:$0x3F9E] =	sst s1;
	(tag) =	ssettag s2;
	_ =	strace s9  }
0x27: {  	s1 =	sld [smem:$0x3FAE]  }
0x28: {  	s2 =	sld [smem:$0x3FAF]  }
0x29: {  	s4 =	sld [smem:$0x3FB1]  }
0x2a: {  	p0 =	seq.s32 s5, $0x0;
	s5 =	sld [smem:$0x3FB2]  }
0x2b: {  	s6 =	sld [smem:$0x3FB3]  }
0x2c: {  	s7 =	sld [smem:$0x3FB4]  }
0x2d: {  	s3 =	simm.s32 $0x108;
	s8 =	sld [smem:$0x3FB5]  }
0x2e: {  	s3 =	simm.s32 @!p0 $0x1082;
	s9 =	sld [smem:$0x3FB6]  }
0x2f: {  	lr =	sadd.s32 s0, s3;
	s0 =	sld [smem:$0x3FAD]  }
0x30: {  	s3 =	sld [smem:$0x3FB0]  }
0x31: {  	[smem:$0x3FB9] =	sst s10  }
0x32: {  	s10 =	sld [smem:$0x3FB7];
	_ =	sdelay $0x3  }
0x33: {  	p0 =	seq.s32 s10, $0x1;
	s10 =	sld [smem:$0x3FB9];
	_ =	sdelay $0x3  }
0x34: {  	[smem:$0x3FB9] =	sst s10  }
0x35: {  	s10 =	sld [smem:$0x3FB8];
	_ =	sdelay $0x3  }
0x36: {  	p1 =	seq.s32 s10, $0x1;
	s10 =	sld [smem:$0x3FB9];
	_ =	sdelay $0x3  }
0x37: {  	[smem:$0x3FB9] =	sst s10  }
0x38: {  	s10 =	sld [smem:$0x3FBA]  }
0x39: {  	_ = 	snop;
	(pc) =	sbr.ind lr, $3  }
0x3a: {  	_ = 	snop  }
0x3b: {  	_ = 	snop  }
0x3c: {  	p2 =	seq.s32 s10, $0x1;
	s10 =	sld [smem:$0x3FB9]  }
0x3d: {  	_ =	shalt  }
0x3e: {  	_ =	shalt  }
0x3f: {  	_ =	shalt  }
0x40: {  	_ =	shalt  }
0x41: {  	_ =	shalt  }
0x42: {  	_ =	shalt  }
0x43: {  	_ =	shalt  }
0x44: {  	_ =	shalt  }
0x45: {  	_ =	shalt  }
0x46: {  	_ =	shalt  }
0x47: {  	_ =	shalt  }
0x48: {  	_ =	shalt  }
0x49: {  	_ =	shalt  }
0x4a: {  	_ =	shalt  }
0x4b: {  	_ =	shalt  }
0x4c: {  	_ =	shalt  }
0x4d: {  	_ =	shalt  }
0x4e: {  	_ =	shalt  }
0x4f: {  	_ =	shalt  }
0x50: {  	_ =	shalt  }
0x51: {  	_ =	shalt  }
0x52: {  	_ =	shalt  }
0x53: {  	_ =	shalt  }
0x54: {  	_ =	shalt  }
0x55: {  	_ =	shalt  }
0x56: {  	_ =	shalt  }
0x57: {  	_ =	shalt  }
0x58: {  	_ =	shalt  }
0x59: {  	_ =	shalt  }
0x5a: {  	_ =	shalt  }
0x5b: {  	_ =	shalt  }
0x5c: {  	_ =	shalt  }
0x5d: {  	_ =	shalt  }
0x5e: {  	_ =	shalt  }
0x5f: {  	_ =	shalt  }
0x60: {  	_ =	shalt  }
0x61: {  	_ =	shalt  }
0x62: {  	_ =	shalt  }
0x63: {  	_ =	shalt  }
0x64: {  	_ =	shalt  }
0x65: {  	_ =	shalt  }
0x66: {  	_ =	shalt  }
0x67: {  	_ =	shalt  }
0x68: {  	_ =	shalt  }
0x69: {  	_ =	shalt  }
0x6a: {  	_ =	shalt  }
0x6b: {  	_ =	shalt  }
0x6c: {  	_ =	shalt  }
0x6d: {  	_ =	shalt  }
0x6e: {  	_ =	shalt  }
0x6f: {  	_ =	shalt  }
0x70: {  	_ =	shalt  }
0x71: {  	_ =	shalt  }
0x72: {  	_ =	shalt  }
0x73: {  	_ =	shalt  }
0x74: {  	_ =	shalt  }
0x75: {  	_ =	shalt  }
0x76: {  	_ =	shalt  }
0x77: {  	_ =	shalt  }
0x78: {  	_ =	shalt  }
0x79: {  	_ =	shalt  }
0x7a: {  	_ =	shalt  }
0x7b: {  	_ =	shalt  }
0x7c: {  	_ =	shalt  }
0x7d: {  	_ =	shalt  }
0x7e: {  	_ =	shalt  }
0x7f: {  	_ =	shalt  }
0x80: {  	_ =	shalt  }
0x81: {  	_ =	shalt  }
0x82: {  	_ =	shalt  }
0x83: {  	_ =	shalt  }
0x84: {  	_ =	shalt  }
0x85: {  	_ =	shalt  }
0x86: {  	_ =	shalt  }
0x87: {  	_ =	shalt  }
.Lfunc_end0:
.L_simem_size_0:
called_computation_lowered:
.L_overlay_start_0:
0x88: {  	s0 =	sld [smem:$0x3FD9]  }
0x89: {  	s1 =	sld [smem:$0x3FFE];
	_ =	sdelay $0x3  }
0x8a: {  	s0 =	sadd.s32 s1, s0  }
0x8b: {  	[smem:$0x3FC5] =	sst s0  }
0x8c: {  	_ = 	snop  }
0x8d: {  	s0 =	sld [smem:$0x3FD0];
	_ =	sdelay $0x2  }
0x8e: {  	s13 =	simm.s32 $0xB;
	s2 =	simm.s32 $0x10  }
0x8f: {  	[smem:s2], [sflag:s13] =	dma.local [hbm:s0], $0x1  }
0x90: {  	_ =	swait.eq [sflag:s13], $0x1  }
0x91: {  	[sflag:s13] =	ssyncset.done $0x0  }
0x92: {  	s14 =	sld [smem:$0x10];
	[sflag:s13] =	ssyncadd.s32 $0xFFFFFFFF  }
0x93: {  	s15 =	sld [smem:$0x11];
	(tm) =	ssettm $0x1  }
0x94: {  	s16 =	sld [smem:$0x3FFB];
	_ =	sdelay $0x3  }
0x95: {  	_ =	strace s16  }
0x96: {  	s2 =	sld [smem:$0x3FFC];
	_ =	sdelay $0x3  }
0x97: {  	_ =	strace s2  }
0x98: {  	s2 =	sld [smem:$0x3FFD];
	_ =	sdelay $0x3  }
0x99: {  	_ =	strace s2  }
0x9a: {  	_ =	strace $0x8FFFFFFF  }
0x9b: {  	s17 =	sld [smem:$0x3FDB];
	_ =	sdelay $0x1  }
0x9c: {  	s3 =	simm.s32 $_scs_section_size  }
0x9d: {  	s4 =	simm.s32 $_size__tile_overlayer_lowered;
	s5 =	simm.s32 $_tile_overlayer_lowered  }
0x9e: {  	s20 =	simm.s32 $0x1BFF;
	s19 =	sshll.u32 s5, $0x1;
	s2 =	sadd.s32 s3, s17  }
0x9f: {  	s6 =	simm.s32 $0x0;
	s18 =	sshll.u32 s4, $0x1;
	s4 =	sadd.s32 s19, s2  }
0xa0: {  	[timem:s6], [sflag:s20] =	dma.local [hbm:s4], s18  }
0xa1: {  	_ =	swait.ge [sflag:s20], s18  }
0xa2: {  	s3 =	ssub.s32 $0x0, s18;
	[sflag:s20] =	ssyncset.done $0x0  }
0xa3: {  	[sflag:s20] =	ssyncadd.s32 s3;
	_ =	sdelay $0x1  }
0xa4: {  	s21 =	simm.s32 $0x1B8B  }
0xa5: {  	_ =	swait.ge [sflag:s21], $0x1  }
0xa6: {  	[sflag:s21] =	ssyncset.done $0x0  }
0xa7: {  	s23 =	simm.s32 $0x1B8E;
	s22 =	sld [smem:$0x3FFE];
	[sflag:s21] =	ssyncadd.s32 $0xFFFFFFFF  }
0xa8: {  	s24 =	simm.s32 $execute0_lowered;
	[smem:$0x3FD2] =	sst s23  }
0xa9: {  	s4 =	sshll.u32 s24, $0x1;
	_ =	strace $0x80000049;
	[dreg:$0x1] =	wrdreg $0xFFFFFFFF  }
0xaa: {  	s25 =	simm.s32 $_size_execute0_lowered;
	s2 =	sadd.s32 s2, s4;
	[dreg:$0x0] =	wrdreg $0x0  }
0xab: {  	s4 =	sshll.u32 s25, $0x1;
	[dreg:$0x2] =	wrdreg s2  }
0xac: {  	[dreg:$0x3] =	wrdreg s4  }
0xad: {  	[dreg:$0x4] =	wrdreg $0xC0  }
0xae: {  	_ =	task [dreg:s6], $0x5FFFF  }
0xaf: {  	[dreg:$0x1] =	wrdreg $0xFFFFFFFF  }
0xb0: {  	[dreg:$0x0] =	wrdreg $0x60  }
0xb1: {  	[dreg:$0x2] =	wrdreg s15  }
0xb2: {  	[dreg:$0x3] =	wrdreg s14  }
0xb3: {  	[dreg:$0x4] =	wrdreg s22  }
0xb4: {  	[dreg:$0x5] =	wrdreg $0x9  }
0xb5: {  	_ =	task.clear_ibuf [dreg:s6], $0x6FFFF;
	_ =	strace $0x90000049  }
0xb6: {  	s26 =	simm.s32 $0x9;
	_ =	strace $0x8000004B  }
0xb7: {  	_ =	swait.ge [sflag:s26], $0x1  }
0xb8: {  	[sflag:s26] =	ssyncadd.s32 $0xFFFFFFFF  }
0xb9: {  	_ =	strace $0x9000004B  }
0xba: {  	_ =	sfence  }
0xbb: {  	s28 =	sld [smem:$0x0];
	_ =	sdelay $0x1  }
0xbc: {  	s29 =	srdreg.scid  }
0xbd: {  	s30 =	sshll.u32 s29, $0xD;
	s31 =	sshrl.u32 s29, $0x2  }
0xbe: {  	s1 =	sand.u32 $0x1, s29;
	s2 =	sand.u32 $0x4000, s30;
	s0 =	sadd.s32 s31, s28  }
0xbf: {  	s1 =	sor.u32 s2, s1;
	s0 =	sshll.u32 s0, $0x11  }
0xc0: {  	s0 =	sor.u32 s0, s1  }
0xc1: {  	s0 =	sadd.s32 $0x8F2B, s0  }
0xc2: {  	[sflag:s0] =	ssyncadd.remote.s32 $0x1  }
0xc3: {  	_ =	sfence.sel $0xFFFF  }
0xc4: {  	[dreg:$0x0] =	wrdreg $0xFFFFFFFF;
	(pc) =	sbr.abs _section_cstart, $3  }
0xc5: {  	[dreg:$0x1] =	wrdreg $0xFFFFFFFF  }
0xc6: {  	_ =	task.clear_ibuf [dreg:s6], $0x2FFFF;
	_ =	strace $0x9FFFFFFF  }
0xc7: {  	(tm) =	ssettm $0x7FFFFFFF  }
tec
execute0_lowered:
.L_overlay_start_1:
0x0: {  	(tag) =	ssettag $0x1  }
0x1: {  	s1 =	rddreg [dreg:$0x0]  }
0x2: {  	s5 =	rddreg [dreg:$0x1]  }
0x3: {  	s6 =	rddreg [dreg:$0x2]  }
0x4: {  	s0 =	rddreg [dreg:$0x3];
	s7 =	stileid.u32  }
0x5: {  	_ =	strace $0x8000004A;
	s3 =	simm.s32 $0x3E;
	p0 =	sne.s32 s7, $0x0  }
0x6: {  	[sflag:s3] =	ssyncpa.u1 $0x0;
	s4 =	simm.s32 @!p0 $0x1C3E;
	s2 =	simm.s32 @!p0 $0x0  }
0x7: {  	[spmem:s2], [sflag:s4] =	dma.local @!p0 [hbm:s1], $0x200  }
0x8: {  	s4 =	simm.s32 @!p0 $0x3E  }
0x9: {  	_ =	swait.ge @!p0 [sflag:s4], $0x200  }
0xa: {  	[sflag:s4] =	ssyncset.done @!p0 $0x0  }
0xb: {  	[sflag:s4] =	ssyncadd.s32 @!p0 $0xFFFFFE00  }
0xc: {  	s9 =	simm.s32 $0x200;
	s6 =	sadd.s32 $0x400000, s6;
	[bflag:$0x0] =	sbarrier.arrive $0xFFFF  }
0xd: {  	s7 =	sshll.u32 s7, $0x5;
	[sflag:s3] =	ssyncpa.u1 $0x1;
	s3 =	simm.s32 $0x1  }
0xe: {  	s8 =	sadd.s32 s5, s7;
	s4 =	simm.s32 $0x2;
	[sflag:s3] =	ssyncpa.u1 $0x0  }
0xf: {  	s5 =	simm.s32 $0x0;
	(ifvalue) =	ssetifvalue $0x1000;
	[sflag:s4] =	ssyncpa.u1 $0x0  }
0x10: {  	[tilespmem:s9], [sflag:$0x2] =	stream.linear.gather [hbm4b:s8+s5], $0x100, $0x38;
	[tilespmem:$0x500] =	vst v63  }
0x11: {  	s23 =	simm.s32 $0x400;
	s6 =	sadd.s32 s6, s7  }
0x12: {  	[tilespmem:s23], [sflag:$0x2] =	stream.linear.gather [hbm4b:s6+s5], $0x100, $0x38;
	[tilespmem:$0x500] =	vst v63  }
0x13: {  	_ =	swait.ge [sflag:s4], $0x200  }
0x14: {  	[sflag:s4] =	ssyncset.done $0x0  }
0x15: {  	[sflag:s4] =	ssyncadd.s32 $0xFFFFFE00  }
0x16: {  	v0 =	vld.msk [tilespmem:s9+$0x0 ss:$0x1], $0xffff;
	_ =	sdelay $0x4  }
0x17: {  	v0 =	vmin.u32 v0, $0x1000;
	_ =	sdelay $0x3  }
0x18: {  	vm0 =	vmmov $0xffff;
	s24 =	simm.s32 $0x210  }
0x19: {  	[spmem:s5] =	stream.indirect_vreg.scatter.add.s32 [tilespmem:s23], [sflag:$0x1], $0x1, v0, vm0, $0x4038;
	[tilespmem:$0x500] =	vst v63  }
0x1a: {  	v0 =	vld.msk [tilespmem:s24+$0x0 ss:$0x1], $0xffff;
	_ =	sdelay $0x4  }
0x1b: {  	v0 =	vmin.u32 v0, $0x1000;
	_ =	sdelay $0x3  }
0x1c: {  	s25 =	simm.s32 $0x410;
	s26 =	simm.s32 $0x220  }
0x1d: {  	[spmem:s5] =	stream.indirect_vreg.scatter.add.s32 [tilespmem:s25], [sflag:$0x1], $0x1, v0, vm0, $0x4038;
	[tilespmem:$0x500] =	vst v63  }
0x1e: {  	v0 =	vld.msk [tilespmem:s26+$0x0 ss:$0x1], $0xffff;
	_ =	sdelay $0x4  }
0x1f: {  	v0 =	vmin.u32 v0, $0x1000;
	_ =	sdelay $0x3  }
0x20: {  	s28 =	simm.s32 $0x420;
	s29 =	simm.s32 $0x230  }
0x21: {  	[spmem:s5] =	stream.indirect_vreg.scatter.add.s32 [tilespmem:s28], [sflag:$0x1], $0x1, v0, vm0, $0x4038;
	[tilespmem:$0x500] =	vst v63  }
0x22: {  	v0 =	vld.msk [tilespmem:s29+$0x0 ss:$0x1], $0xffff;
	_ =	sdelay $0x4  }
0x23: {  	v0 =	vmin.u32 v0, $0x1000;
	_ =	sdelay $0x3  }
0x24: {  	s30 =	simm.s32 $0x430;
	s31 =	simm.s32 $0x240  }
0x25: {  	[spmem:s5] =	stream.indirect_vreg.scatter.add.s32 [tilespmem:s30], [sflag:$0x1], $0x1, v0, vm0, $0x4038;
	[tilespmem:$0x500] =	vst v63  }
0x26: {  	v0 =	vld.msk [tilespmem:s31+$0x0 ss:$0x1], $0xffff;
	_ =	sdelay $0x4  }
0x27: {  	v0 =	vmin.u32 v0, $0x1000;
	_ =	sdelay $0x3  }
0x28: {  	s7 =	simm.s32 $0x440;
	s8 =	simm.s32 $0x250  }
0x29: {  	[spmem:s5] =	stream.indirect_vreg.scatter.add.s32 [tilespmem:s7], [sflag:$0x1], $0x1, v0, vm0, $0x4038;
	[tilespmem:$0x500] =	vst v63  }
0x2a: {  	v0 =	vld.msk [tilespmem:s8+$0x0 ss:$0x1], $0xffff;
	_ =	sdelay $0x4  }
0x2b: {  	v0 =	vmin.u32 v0, $0x1000;
	_ =	sdelay $0x3  }
0x2c: {  	s10 =	simm.s32 $0x260;
	s9 =	simm.s32 $0x450  }
0x2d: {  	[spmem:s5] =	stream.indirect_vreg.scatter.add.s32 [tilespmem:s9], [sflag:$0x1], $0x1, v0, vm0, $0x4038;
	[tilespmem:$0x500] =	vst v63  }
0x2e: {  	v0 =	vld.msk [tilespmem:s10+$0x0 ss:$0x1], $0xffff;
	_ =	sdelay $0x4  }
0x2f: {  	v0 =	vmin.u32 v0, $0x1000;
	_ =	sdelay $0x3  }
0x30: {  	s11 =	simm.s32 $0x460;
	s12 =	simm.s32 $0x270  }
0x31: {  	[spmem:s5] =	stream.indirect_vreg.scatter.add.s32 [tilespmem:s11], [sflag:$0x1], $0x1, v0, vm0, $0x4038;
	[tilespmem:$0x500] =	vst v63  }
0x32: {  	v0 =	vld.msk [tilespmem:s12+$0x0 ss:$0x1], $0xffff;
	_ =	sdelay $0x4  }
0x33: {  	v0 =	vmin.u32 v0, $0x1000;
	_ =	sdelay $0x3  }
0x34: {  	s13 =	simm.s32 $0x470;
	s14 =	simm.s32 $0x280  }
0x35: {  	[spmem:s5] =	stream.indirect_vreg.scatter.add.s32 [tilespmem:s13], [sflag:$0x1], $0x1, v0, vm0, $0x4038;
	[tilespmem:$0x500] =	vst v63  }
0x36: {  	v0 =	vld.msk [tilespmem:s14+$0x0 ss:$0x1], $0xffff;
	_ =	sdelay $0x4  }
0x37: {  	v0 =	vmin.u32 v0, $0x1000;
	_ =	sdelay $0x3  }
0x38: {  	s15 =	simm.s32 $0x480;
	s16 =	simm.s32 $0x290  }
0x39: {  	[spmem:s5] =	stream.indirect_vreg.scatter.add.s32 [tilespmem:s15], [sflag:$0x1], $0x1, v0, vm0, $0x4038;
	[tilespmem:$0x500] =	vst v63  }
0x3a: {  	v0 =	vld.msk [tilespmem:s16+$0x0 ss:$0x1], $0xffff;
	_ =	sdelay $0x4  }
0x3b: {  	v0 =	vmin.u32 v0, $0x1000;
	_ =	sdelay $0x3  }
0x3c: {  	s17 =	simm.s32 $0x490;
	s18 =	simm.s32 $0x2A0  }
0x3d: {  	[spmem:s5] =	stream.indirect_vreg.scatter.add.s32 [tilespmem:s17], [sflag:$0x1], $0x1, v0, vm0, $0x4038;
	[tilespmem:$0x500] =	vst v63  }
0x3e: {  	v0 =	vld.msk [tilespmem:s18+$0x0 ss:$0x1], $0xffff;
	_ =	sdelay $0x4  }
0x3f: {  	v0 =	vmin.u32 v0, $0x1000;
	_ =	sdelay $0x3  }
0x40: {  	s19 =	simm.s32 $0x4A0;
	s20 =	simm.s32 $0x2B0  }
0x41: {  	[spmem:s5] =	stream.indirect_vreg.scatter.add.s32 [tilespmem:s19], [sflag:$0x1], $0x1, v0, vm0, $0x4038;
	[tilespmem:$0x500] =	vst v63  }
0x42: {  	v0 =	vld.msk [tilespmem:s20+$0x0 ss:$0x1], $0xffff;
	_ =	sdelay $0x4  }
0x43: {  	v0 =	vmin.u32 v0, $0x1000;
	_ =	sdelay $0x3  }
0x44: {  	s21 =	simm.s32 $0x4B0;
	s22 =	simm.s32 $0x2C0  }
0x45: {  	[spmem:s5] =	stream.indirect_vreg.scatter.add.s32 [tilespmem:s21], [sflag:$0x1], $0x1, v0, vm0, $0x4038;
	[tilespmem:$0x500] =	vst v63  }
0x46: {  	v0 =	vld.msk [tilespmem:s22+$0x0 ss:$0x1], $0xffff;
	_ =	sdelay $0x4  }
0x47: {  	v0 =	vmin.u32 v0, $0x1000;
	_ =	sdelay $0x3  }
0x48: {  	s23 =	simm.s32 $0x4C0;
	s24 =	simm.s32 $0x2D0  }
0x49: {  	[spmem:s5] =	stream.indirect_vreg.scatter.add.s32 [tilespmem:s23], [sflag:$0x1], $0x1, v0, vm0, $0x4038;
	[tilespmem:$0x500] =	vst v63  }
0x4a: {  	v0 =	vld.msk [tilespmem:s24+$0x0 ss:$0x1], $0xffff;
	_ =	sdelay $0x4  }
0x4b: {  	v0 =	vmin.u32 v0, $0x1000;
	_ =	sdelay $0x3  }
0x4c: {  	s25 =	simm.s32 $0x4D0;
	s26 =	simm.s32 $0x2E0  }
0x4d: {  	[spmem:s5] =	stream.indirect_vreg.scatter.add.s32 [tilespmem:s25], [sflag:$0x1], $0x1, v0, vm0, $0x4038;
	[tilespmem:$0x500] =	vst v63  }
0x4e: {  	v0 =	vld.msk [tilespmem:s26+$0x0 ss:$0x1], $0xffff;
	_ =	sdelay $0x4  }
0x4f: {  	v0 =	vmin.u32 v0, $0x1000;
	_ =	sdelay $0x3  }
0x50: {  	s28 =	simm.s32 $0x4E0;
	s29 =	simm.s32 $0x2F0  }
0x51: {  	[spmem:s5] =	stream.indirect_vreg.scatter.add.s32 [tilespmem:s28], [sflag:$0x1], $0x1, v0, vm0, $0x4038;
	[tilespmem:$0x500] =	vst v63  }
0x52: {  	v0 =	vld.msk [tilespmem:s29+$0x0 ss:$0x1], $0xffff;
	_ =	sdelay $0x4  }
0x53: {  	v0 =	vmin.u32 v0, $0x1000;
	_ =	sdelay $0x3  }
0x54: {  	s30 =	simm.s32 $0x4F0  }
0x55: {  	[spmem:s5] =	stream.indirect_vreg.scatter.add.s32 [tilespmem:s30], [sflag:$0x1], $0x1, v0, vm0, $0x4038;
	[tilespmem:$0x500] =	vst v63  }
0x56: {  	_ =	swait.ge [sflag:s3], $0x100  }
0x57: {  	[sflag:s3] =	ssyncset.done $0x0  }
0x58: {  	[sflag:s3] =	ssyncadd.s32 $0xFFFFFF00  }
0x59: {  	_ =	sfence.sel $0x180000  }
0x5a: {  	[bflag:$0x0] =	sbarrier.arrive $0xFFFF  }
0x5b: {  	[sflag:s4] =	ssyncpa.u1 $0x1  }
0x5c: {  	[sflag:s3] =	ssyncpa.u1 $0x1  }
0x5d: {  	_ =	sfence.stream.spmem  }
0x5e: {  	s31 =	simm.s32 $0x3D;
	[bflag:$0x0] =	sbarrier.arrive $0xFFFF  }
0x5f: {  	s3 =	simm.s32 @p0 $0x3D;
	[sflag:s31] =	ssyncpa.u1 $0x0  }
0x60: {  	[sflag:s3] =	ssyncpa.u1 @p0 $0x1  }
0x61: {  	[bflag:$0x0] =	sbarrier.arrive @p0 $0xFFFF  }
0x62: {  	_ =	strace @p0 $0x9000004A  }
0x63: {  	s3 =	simm.s32 @!p0 $0x1C3D;
	[bflag:$0x2] =	sbarrier.arrive @p0 $0xFFFF  }
0x64: {  	[hbm:s1], [sflag:s3] =	dma.local @!p0 [spmem:s2], $0x200  }
0x65: {  	s1 =	simm.s32 @!p0 $0x3D  }
0x66: {  	_ =	swait.ge @!p0 [sflag:s1], $0x200  }
0x67: {  	[sflag:s1] =	ssyncset.done @!p0 $0x0  }
0x68: {  	[sflag:s1] =	ssyncadd.s32 @!p0 $0xFFFFFE00  }
0x69: {  	[sflag:s1] =	ssyncpa.u1 @!p0 $0x1  }
0x6a: {  	[bflag:$0x0] =	sbarrier.arrive @!p0 $0xFFFF  }
0x6b: {  	_ =	strace @!p0 $0x9000004A  }
0x6c: {  	s0 =	sadd.s32 @!p0 $0x100000, s0;
	[bflag:$0x2] =	sbarrier.arrive @!p0 $0xFFFF  }
0x6d: {  	[sflag:s0] =	ssyncadd.tile.s32 @!p0 $0x1;
	_ =	shalt  }
.Lfunc_end2:
_tile_overlayer_lowered:
.L_overlay_start_2:
0x6e: {  	(tag) =	ssettag $0x2  }
0x6f: {  	s0 =	rddreg [dreg:$0x0];
	s2 =	stileid.u32  }
0x70: {  	s1 =	rddreg [dreg:$0x1];
	p0 =	sne.s32 s2, $0x0  }
0x71: {  	s3 =	rddreg [dreg:$0x2];
	[bflag:$0x3] =	sbarrier.arrive $0xFFFF;
	s2 =	simm.s32 @!p0 $0x1C01  }
0x72: {  	[timem:s3], [sflag:s2] =	dma.local @!p0 [hbm:s0], s1  }
0x73: {  	s0 =	simm.s32 @!p0 $0x1  }
0x74: {  	_ =	swait.ge @!p0 [sflag:s0], s1  }
0x75: {  	s1 =	ssub.s32 @!p0 $0x0, s1;
	[sflag:s0] =	ssyncset.done @!p0 $0x0  }
0x76: {  	[sflag:s0] =	ssyncadd.s32 @!p0 s1  }
0x77: {  	[bflag:$0x3] =	sbarrier.arrive $0xFFFF  }
0x78: {  	_ =	shalt  }

// kernel: sparse-core-data-format-call.1.cloned.1.call-start
scs
called_computation.2_lowered:
.L_overlay_start_0:
0x0: {  	s1 =	sld [smem:$0x3FD9]  }
0x1: {  	s2 =	sld [smem:$0x3FFE];
	_ =	sdelay $0x1  }
0x2: {  	s3 =	srdreg.scid  }
0x3: {  	s0 =	sand.u32 $0x1, s3  }
0x4: {  	s17 =	sshll.u32 s0, $0xA;
	s1 =	sadd.s32 s2, s1  }
0x5: {  	s1 =	sadd.s32 s1, s17  }
0x6: {  	[smem:$0x3FC5] =	sst s1  }
0x7: {  	_ = 	snop  }
0x8: {  	(tm) =	ssettm $0x1  }
0x9: {  	s18 =	sld [smem:$0x3FFB];
	_ =	sdelay $0x3  }
0xa: {  	_ =	strace s18  }
0xb: {  	s1 =	sld [smem:$0x3FFC];
	_ =	sdelay $0x3  }
0xc: {  	_ =	strace s1  }
0xd: {  	s1 =	sld [smem:$0x3FFD];
	_ =	sdelay $0x3  }
0xe: {  	_ =	strace s1  }
0xf: {  	_ =	strace $0x8FFFFFFF  }
0x10: {  	s19 =	sld [smem:$0x3FDB];
	_ =	sdelay $0x1  }
0x11: {  	s20 =	simm.s32 $_scs_section_size  }
0x12: {  	s4 =	simm.s32 $_size__tile_overlayer_lowered;
	s5 =	simm.s32 $_tile_overlayer_lowered  }
0x13: {  	s23 =	simm.s32 $0x1BFF;
	s22 =	sshll.u32 s5, $0x1;
	s1 =	sadd.s32 s20, s19  }
0x14: {  	s6 =	simm.s32 $0x0;
	s21 =	sshll.u32 s4, $0x1;
	s4 =	sadd.s32 s22, s1  }
0x15: {  	[timem:s6], [sflag:s23] =	dma.local [hbm:s4], s21  }
0x16: {  	_ =	swait.ge [sflag:s23], s21  }
0x17: {  	s2 =	ssub.s32 $0x0, s21;
	[sflag:s23] =	ssyncset.done $0x0  }
0x18: {  	[sflag:s23] =	ssyncadd.s32 s2;
	_ =	sdelay $0x1  }
0x19: {  	s24 =	simm.s32 $0x1B8B  }
0x1a: {  	_ =	swait.ge [sflag:s24], $0x1  }
0x1b: {  	[sflag:s24] =	ssyncset.done $0x0  }
0x1c: {  	s26 =	simm.s32 $0x1B8E;
	s25 =	sld [smem:$0x3FFE];
	[sflag:s24] =	ssyncadd.s32 $0xFFFFFFFF  }
0x1d: {  	s27 =	simm.s32 $execute0_lowered;
	[smem:$0x3FD2] =	sst s26  }
0x1e: {  	s4 =	sshll.u32 s27, $0x1;
	_ =	strace $0x80000046;
	[dreg:$0x1] =	wrdreg $0xFFFFFFFF  }
0x1f: {  	s28 =	simm.s32 $_size_execute0_lowered;
	s1 =	sadd.s32 s1, s4;
	[dreg:$0x0] =	wrdreg $0x0  }
0x20: {  	s4 =	sshll.u32 s28, $0x1;
	[dreg:$0x2] =	wrdreg s1  }
0x21: {  	[dreg:$0x3] =	wrdreg s4  }
0x22: {  	[dreg:$0x4] =	wrdreg $0xC0  }
0x23: {  	_ =	task [dreg:s6], $0x5FFFF  }
0x24: {  	[dreg:$0x1] =	wrdreg $0xFFFFFFFF  }
0x25: {  	[dreg:$0x0] =	wrdreg $0x60  }
0x26: {  	[dreg:$0x2] =	wrdreg s25  }
0x27: {  	[dreg:$0x3] =	wrdreg $0xA  }
0x28: {  	_ =	task.clear_ibuf [dreg:s6], $0x4FFFF;
	_ =	strace $0x90000046  }
0x29: {  	s29 =	simm.s32 $0xA;
	_ =	strace $0x80000048  }
0x2a: {  	_ =	swait.ge [sflag:s29], $0x1  }
0x2b: {  	[sflag:s29] =	ssyncadd.s32 $0xFFFFFFFF  }
0x2c: {  	_ =	strace $0x90000048  }
0x2d: {  	_ =	sfence  }
0x2e: {  	s30 =	sld [smem:$0x0];
	_ =	sdelay $0x2  }
0x2f: {  	s31 =	sshll.u32 s3, $0xD;
	s3 =	sshrl.u32 s3, $0x2  }
0x30: {  	s2 =	sand.u32 $0x4000, s31;
	s1 =	sadd.s32 s3, s30  }
0x31: {  	s0 =	sor.u32 s2, s0;
	s1 =	sshll.u32 s1, $0x11  }
0x32: {  	s0 =	sor.u32 s1, s0  }
0x33: {  	s0 =	sadd.s32 $0x8F2B, s0  }
0x34: {  	[sflag:s0] =	ssyncadd.remote.s32 $0x1  }
0x35: {  	_ =	sfence.sel $0xFFFF  }
0x36: {  	[dreg:$0x0] =	wrdreg $0xFFFFFFFF;
	(pc) =	sbr.abs _section_cstart, $3  }
0x37: {  	[dreg:$0x1] =	wrdreg $0xFFFFFFFF  }
0x38: {  	_ =	task.clear_ibuf [dreg:s6], $0x2FFFF;
	_ =	strace $0x9FFFFFFF  }
0x39: {  	(tm) =	ssettm $0x7FFFFFFF  }
tec
execute0_lowered:
.L_overlay_start_1:
0x0: {  	(tag) =	ssettag $0x1  }
0x1: {  	s0 =	srdreg.scid  }
0x2: {  	s3 =	rddreg [dreg:$0x0];
	s1 =	sshll.u32 s0, $0x4  }
0x3: {  	s6 =	simm.s32 $0x1;
	s0 =	stileid.u32;
	s1 =	sand.u32 $0x10, s1  }
0x4: {  	s7 =	simm.s32 $0x2;
	s15 =	simm.s32 $0x0;
	s1 =	sor.u32 s0, s1  }
0x5: {  	s8 =	simm.s32 $0x8000;
	s14 =	simm.s32 $0x0;
	s2 =	sshll.u32 s1, $0x7  }
0x6: {  	s13 =	simm.s32 $0x0;
	s9 =	simm.s32 $0x0;
	s5 =	ssub.s32 $0x1000, s2  }
0x7: {  	s10 =	simm.s32 $0x0;
	s12 =	simm.s32 $0x0;
	s4 =	sand.u32 $0xF80, s5  }
.Ltmp0:
0x8: {  	s1 =	rddreg [dreg:$0x1];
	p0 =	sne.s32 s4, $0x0;
	(pc) =	sbr.rel .LBB1_1-.Ltmp0, $4  }
0x9: {  	_ =	strace $0x80000047;
	s5 =	sshrl.u32 s5, $0xC;
	s6 =	simm.s32 @!p0 $0x0  }
0xa: {  	s11 =	smov.u32 s2;
	s4 =	simm.s32 $0x1;
	s6 =	sadd.s32 s6, s5  }
0xb: {  	[sflag:s4] =	ssyncpa.u1 $0x0;
	p0 =	por $0x0, $0x0;
	s6 =	sshll.u32 s6, $0x5  }
0xc: {  	s5 =	sadd.s32 $0x200000, s3;
	[sflag:s7] =	ssyncpa.u1 $0x0;
	s7 =	sor.u32 $0x1, s6  }
.LBB1_4:
0xd: {  	v5 =	vld [tilespmem:s18+$0xFFFFFFD0]  }
0xe: {  	[tilespmem:s19+$0x2040 ss:$0x81] =	vst.msk $0xffff, v1;
	v58 =	vld [tilespmem:s18+$0xFFFFFFE0]  }
0xf: {  	[tilespmem:s19+$0x2850 ss:$0x81] =	vst.msk $0xffff, v2;
	v59 =	vld [tilespmem:s18+$0xFFFFFFF0]  }
0x10: {  	s20 =	sshra.s32 s20, $0x2;
	[tilespmem:s19+$0x3060 ss:$0x81] =	vst.msk $0xffff, v3;
	v60 =	vld [tilespmem:s18+$0x0]  }
0x11: {  	[tilespmem:s19+$0x0 ss:$0x81] =	vst.msk $0xffff, v0;
	v61 =	vld [tilespmem:s18+$0x10];
	s17 =	sadd.s32 s20, s17  }
0x12: {  	s26 =	sshll.u32 s15, $0xC;
	v62 =	vld [tilespmem:s18+$0x20];
	[tilespmem:s17+$0x3870 ss:$0x81] =	vst.msk $0xffff, v4  }
0x13: {  	s27 =	sand.u32 $0x78, s13;
	s21 =	sshll.u32 s13, $0x3;
	v63 =	vld [tilespmem:s18+$0xFFFFFFC0];
	s29 =	sshll.u32 s15, $0x7;
	[tilespmem:s17+$0x810 ss:$0x81] =	vst.msk $0xffff, v5  }
0x14: {  	s14 =	sshll.u32 s14, $0x13;
	s19 =	sand.u32 $0x3F8000, s26;
	s28 =	sand.u32 $0x3FFC00, s21;
	[tilespmem:s17+$0x1020 ss:$0x81] =	vst.msk $0xffff, v58  }
0x15: {  	s31 =	sand.u32 $0x7, s13;
	s21 =	sand.u32 $0xC00, s21;
	s18 =	sadd.s32 s28, s19;
	[tilespmem:s17+$0x1830 ss:$0x81] =	vst.msk $0xffff, v59  }
0x16: {  	s15 =	sand.u32 $0x380, s29;
	s30 =	sor.u32 s27, s21;
	s18 =	sshrl.u32 s18, $0x3;
	[tilespmem:s17+$0x2040 ss:$0x81] =	vst.msk $0xffff, v60  }
0x17: {  	s14 =	sadd.s32 s5, s14;
	s15 =	sor.u32 s15, s30;
	s18 =	sand.u32 $0x7FE00, s18;
	[tilespmem:s17+$0x2850 ss:$0x81] =	vst.msk $0xffff, v61  }
0x18: {  	s13 =	sshll.u32 s31, $0x12;
	s15 =	sshrl.u32 s15, $0x3;
	[tilespmem:s17+$0x3060 ss:$0x81] =	vst.msk $0xffff, v62;
	s14 =	sadd.s32 s18, s14  }
0x19: {  	s13 =	sor.u32 $0x400, s13;
	[tilespmem:s17+$0x0 ss:$0x81] =	vst.msk $0xffff, v63;
	s14 =	sadd.s32 s15, s14  }
0x1a: {  	[hbm4b:s14+s13] =	stream.strided.scatter [tilespmem:s16], [sflag:$0x2], $0x4000, s8, s13, $0x20;
	[tilespmem:$0x10100] =	vst v63  }
.LBB1_5:
0x1b: {  	s16 =	sadd.s32 $0x80, s9  }
0x1c: {  	s13 =	simm.s32 $0x1;
	p2 =	sgt.s32 s16, $0x3FF  }
0x1d: {  	s13 =	simm.s32 @!p2 $0x0  }
0x1e: {  	s17 =	sadd.s32 s13, s10  }
0x1f: {  	s19 =	smov.u32 s11;
	s13 =	sadd.s32 $0x1000, s11;
	p3 =	sgt.s32 s17, $0x3  }
0x20: {  	s19 =	smov.u32 @p3 s13  }
0x21: {  	s16 =	simm.s32 @p2 $0x0;
	p2 =	sgt.s32 s19, $0xFFF  }
0x22: {  	p1 =	slt.u32 s12, $0x2;
	s19 =	smov.u32 @p2 s2;
	p2 =	sne.s32 s12, s7  }
.Ltmp1:
0x23: {  	s18 =	simm.s32 @!p1 $0x2;
	(pc) =	sbr.rel @!p2 .LBB1_6-.Ltmp1, $4  }
0x24: {  	s15 =	smov.u32 s9;
	s14 =	smov.u32 s10;
	_ =	swait.ge @!p1 [sflag:s18], $0x4000  }
0x25: {  	p0 =	por !p0, !p0;
	[sflag:s18] =	ssyncset.done @!p1 $0x0;
	s9 =	smov.u32 s16  }
0x26: {  	[sflag:s18] =	ssyncadd.s32 @!p1 $0xFFFFC000;
	s17 =	simm.s32 @p3 $0x0;
	s13 =	smov.u32 s11  }
0x27: {  	s10 =	smov.u32 s17;
	s12 =	sadd.s32 $0x1, s12;
	s11 =	smov.u32 s19  }
.LBB1_1:
0x28: {  	p1 =	sge.u32 s12, s6  }
0x29: {  	s16 =	sshll.u32 @!p1 s10, $0x7  }
0x2a: {  	s17 =	sand.u32 @!p1 $0x78, s9;
	s18 =	sshll.u32 @!p1 s9, $0x2;
	s16 =	sand.u32 @!p1 $0x180, s16  }
0x2b: {  	s31 =	sadd.s32 $0xFFFFFFFF, s12;
	s18 =	sand.u32 @!p1 $0x200, s18;
	s16 =	sor.u32 @!p1 s16, s17  }
0x2c: {  	s17 =	sshll.u32 @!p1 s11, $0x9;
	s16 =	sor.u32 @!p1 s18, s16;
	s18 =	sshrl.u32 @!p1 s9, $0x1  }
0x2d: {  	s19 =	sxor.u32 @!p1 $0xFFFFFFFF, s12;
	s17 =	sadd.s32 @!p1 s3, s17;
	s18 =	sand.u32 @!p1 $0x180, s18  }
0x2e: {  	s19 =	sshll.u32 @!p1 s19, $0xE;
	s17 =	sadd.s32 @!p1 s18, s17;
	s18 =	sand.u32 @!p1 $0x7, s9  }
0x2f: {  	s19 =	sand.u32 @!p1 $0x4000, s19;
	s16 =	sshrl.u32 @!p1 s16, $0x3;
	s18 =	sshll.u32 @!p1 s18, $0x12  }
0x30: {  	s16 =	sadd.s32 @!p1 s16, s17;
	s17 =	sor.u32 @!p1 $0x80, s18;
	s18 =	simm.s32 @!p1 $0x1000  }
0x31: {  	[tilespmem:s19], [sflag:$0x1] =	stream.strided.gather @!p1 [hbm4b:s16+s17], $0x4000, s18, s17, $0x38;
	[tilespmem:$0x10100] =	vst v63  }
0x32: {  	p1 =	sge.u32 s31, s6  }
.Ltmp2:
0x33: {  	_ = 	snop;
	(pc) =	sbr.rel @p1 .LBB1_5-.Ltmp2, $1  }
0x34: {  	_ =	sdelay $0x3  }
0x35: {  	s16 =	simm.s32 $0x1  }
0x36: {  	_ =	swait.ge [sflag:s4], $0x4000;
	s16 =	simm.s32 @!p0 $0x0  }
0x37: {  	[sflag:s4] =	ssyncset.done $0x0;
	s17 =	sshll.u32 s16, $0xE  }
0x38: {  	[sflag:s4] =	ssyncadd.s32 $0xFFFFC000;
	s18 =	sor.u32 $0x40, s17  }
0x39: {  	s16 =	smul.u32 $0x10200, s16;
	v0 =	vld [tilespmem:s18+$0x30]  }
0x3a: {  	v3 =	vld [tilespmem:s18+$0xFFFFFFD0]  }
0x3b: {  	s16 =	sshrl.u32 s16, $0x2;
	v4 =	vld [tilespmem:s18+$0xFFFFFFE0]  }
0x3c: {  	v5 =	vld [tilespmem:s18+$0xFFFFFFF0];
	s17 =	sor.u32 $0x8000, s16  }
0x3d: {  	s31 =	sand.u32 $0x1, s12;
	v1 =	vld [tilespmem:s18+$0x0];
	s19 =	sadd.s32 $0x0, s17  }
0x3e: {  	v2 =	vld [tilespmem:s18+$0x10];
	s16 =	smul.u32 $0x10200, s31;
	[tilespmem:s19+$0x3870 ss:$0x81] =	vst.msk $0xffff, v0  }
0x3f: {  	[tilespmem:s19+$0x810 ss:$0x81] =	vst.msk $0xffff, v3;
	v3 =	vld [tilespmem:s18+$0x20]  }
0x40: {  	s16 =	sshrl.u32 s16, $0x2;
	v0 =	vld [tilespmem:s18+$0xFFFFFFC0];
	[tilespmem:s19+$0x1020 ss:$0x81] =	vst.msk $0xffff, v4;
	s18 =	sadd.s32 $0x80, s18  }
0x41: {  	s20 =	simm.s32 $0x4;
	s21 =	simm.s32 $0x8;
	s16 =	sor.u32 $0x8000, s16;
	[tilespmem:s19+$0x1830 ss:$0x81] =	vst.msk $0xffff, v5;
	v4 =	vld [tilespmem:s18+$0x30]  }
.LBB1_3:
0x42: {  	p1 =	sne.s32 s21, $0x1FC;
	v5 =	vld [tilespmem:s18+$0xFFFFFFD0];
	[tilespmem:s19+$0x2040 ss:$0x81] =	vst.msk $0xffff, v1  }
0x43: {  	v6 =	vld [tilespmem:s18+$0xFFFFFFE0];
	[tilespmem:s19+$0x2850 ss:$0x81] =	vst.msk $0xffff, v2  }
0x44: {  	s22 =	sshra.s32 s20, $0x2;
	s20 =	smov.u32 s21;
	v7 =	vld [tilespmem:s18+$0xFFFFFFF0];
	[tilespmem:s19+$0x3060 ss:$0x81] =	vst.msk $0xffff, v3  }
.Ltmp3:
0x45: {  	v1 =	vld [tilespmem:s18+$0x0];
	[tilespmem:s19+$0x0 ss:$0x81] =	vst.msk $0xffff, v0;
	s19 =	sadd.s32 s22, s17;
	(pc) =	sbr.rel @p1 .LBB1_3-.Ltmp3, $4  }
0x46: {  	v2 =	vld [tilespmem:s18+$0x10];
	[tilespmem:s19+$0x3870 ss:$0x81] =	vst.msk $0xffff, v4  }
0x47: {  	[tilespmem:s19+$0x810 ss:$0x81] =	vst.msk $0xffff, v5;
	v3 =	vld [tilespmem:s18+$0x20]  }
0x48: {  	v0 =	vld [tilespmem:s18+$0xFFFFFFC0];
	[tilespmem:s19+$0x1020 ss:$0x81] =	vst.msk $0xffff, v6;
	s18 =	sadd.s32 $0x80, s18  }
0x49: {  	s21 =	sadd.s32 $0x4, s21;
	v4 =	vld [tilespmem:s18+$0x30];
	[tilespmem:s19+$0x1830 ss:$0x81] =	vst.msk $0xffff, v7  }
.Ltmp4:
0x4a: {  	_ = 	snop;
	(pc) =	sbr.rel .LBB1_4-.Ltmp4, $1  }
0x4b: {  	_ =	sdelay $0x3  }
.LBB1_6:
0x4c: {  	_ =	sfence.sel $0x180000  }
0x4d: {  	s2 =	simm.s32 $0x1;
	[bflag:$0x0] =	sbarrier.arrive $0xFFFF  }
0x4e: {  	s31 =	simm.s32 $0x2;
	[sflag:s2] =	ssyncpa.u1 $0x1  }
0x4f: {  	[sflag:s31] =	ssyncpa.u1 $0x1  }
0x50: {  	p0 =	sne.s32 s0, $0x0;
	_ =	strace $0x90000047  }
0x51: {  	s0 =	sadd.s32 @!p0 $0x100000, s1;
	[bflag:$0x2] =	sbarrier.arrive $0xFFFF  }
0x52: {  	[sflag:s0] =	ssyncadd.tile.s32 @!p0 $0x1;
	_ =	shalt  }
.Lfunc_end1:
_tile_overlayer_lowered:
.L_overlay_start_2:
0x53: {  	(tag) =	ssettag $0x2  }
0x54: {  	s0 =	rddreg [dreg:$0x0];
	s2 =	stileid.u32  }
0x55: {  	s1 =	rddreg [dreg:$0x1];
	p0 =	sne.s32 s2, $0x0  }
0x56: {  	s3 =	rddreg [dreg:$0x2];
	[bflag:$0x3] =	sbarrier.arrive $0xFFFF;
	s2 =	simm.s32 @!p0 $0x1C01  }
0x57: {  	[timem:s3], [sflag:s2] =	dma.local @!p0 [hbm:s0], s1  }
0x58: {  	s0 =	simm.s32 @!p0 $0x1  }
0x59: {  	_ =	swait.ge @!p0 [sflag:s0], s1  }
0x5a: {  	s1 =	ssub.s32 @!p0 $0x0, s1;
	[sflag:s0] =	ssyncset.done @!p0 $0x0  }
0x5b: {  	[sflag:s0] =	ssyncadd.s32 @!p0 s1  }
0x5c: {  	[bflag:$0x3] =	sbarrier.arrive $0xFFFF  }
0x5d: {  	_ =	shalt  }

// kernel: sparse-core-data-format-call.cloned.1.call-start
scs
called_computation.1_lowered:
.L_overlay_start_0:
0x0: {  	s2 =	sld [smem:$0x3FD9]  }
0x1: {  	s3 =	sld [smem:$0x3FFE];
	_ =	sdelay $0x1  }
0x2: {  	s1 =	srdreg.scid  }
0x3: {  	s0 =	sand.u32 $0x1, s1  }
0x4: {  	s18 =	sshll.u32 s0, $0xA;
	s2 =	sadd.s32 s3, s2  }
0x5: {  	s2 =	sadd.s32 s2, s18  }
0x6: {  	[smem:$0x3FC5] =	sst s2  }
0x7: {  	_ = 	snop  }
0x8: {  	(tm) =	ssettm $0x1  }
0x9: {  	s19 =	sld [smem:$0x3FFB];
	_ =	sdelay $0x3  }
0xa: {  	_ =	strace s19  }
0xb: {  	s2 =	sld [smem:$0x3FFC];
	_ =	sdelay $0x3  }
0xc: {  	_ =	strace s2  }
0xd: {  	s2 =	sld [smem:$0x3FFD];
	_ =	sdelay $0x3  }
0xe: {  	_ =	strace s2  }
0xf: {  	_ =	strace $0x8FFFFFFF  }
0x10: {  	s20 =	sld [smem:$0x3FDB];
	_ =	sdelay $0x1  }
0x11: {  	s21 =	simm.s32 $_scs_section_size  }
0x12: {  	s4 =	simm.s32 $_size__tile_overlayer_lowered;
	s5 =	simm.s32 $_tile_overlayer_lowered  }
0x13: {  	s6 =	simm.s32 $0x1BFF;
	s22 =	sshll.u32 s5, $0x1;
	s3 =	sadd.s32 s21, s20  }
0x14: {  	s23 =	simm.s32 $0x0;
	s4 =	sshll.u32 s4, $0x1;
	s5 =	sadd.s32 s22, s3  }
0x15: {  	[timem:s23], [sflag:s6] =	dma.local [hbm:s5], s4  }
0x16: {  	_ =	swait.ge [sflag:s6], s4  }
0x17: {  	s4 =	ssub.s32 $0x0, s4;
	[sflag:s6] =	ssyncset.done $0x0  }
0x18: {  	[sflag:s6] =	ssyncadd.s32 s4;
	_ =	sdelay $0x1  }
0x19: {  	s24 =	simm.s32 $0x1B8B  }
0x1a: {  	_ =	swait.ge [sflag:s24], $0x1  }
0x1b: {  	[sflag:s24] =	ssyncset.done $0x0  }
0x1c: {  	[sflag:s24] =	ssyncadd.s32 $0xFFFFFFFF  }
0x1d: {  	s4 =	sld [smem:$0x0]  }
0x1e: {  	s5 =	sand.u32 $0xFFFFFFFE, s1  }
0x1f: {  	p0 =	sne.s32 s1, s5  }
0x20: {  	s5 =	sshll.u32 @p0 s5, $0xE  }
0x21: {  	s5 =	sadd.s32 @p0 $0x11B8D, s5;
	s6 =	sshll.u32 @p0 s4, $0x11  }
0x22: {  	s5 =	sor.u32 @p0 s6, s5  }
0x23: {  	[sflag:s5] =	ssyncadd.remote.s32 @p0 $0x1;
	_ =	sdelay $0x1  }
0x24: {  	s5 =	simm.s32 @p0 $0x1B8D  }
0x25: {  	_ =	swait.eq @p0 [sflag:s5], $0x1  }
0x26: {  	[sflag:s5] =	ssyncadd.s32 @p0 $0xFFFFFFFF  }
0x27: {  	s6 =	sshll.u32 @!p0 s1, $0xE  }
0x28: {  	s6 =	sor.u32 @!p0 $0x4000, s6;
	s5 =	simm.s32 @!p0 $0x1B8D  }
0x29: {  	s4 =	sshll.u32 @!p0 s4, $0x11;
	s6 =	sadd.s32 @!p0 $0x11B8D, s6;
	_ =	swait.eq @!p0 [sflag:s5], $0x1  }
0x2a: {  	s4 =	sor.u32 @!p0 s4, s6;
	[sflag:s5] =	ssyncadd.s32 @!p0 $0xFFFFFFFF  }
0x2b: {  	s26 =	simm.s32 $0x1B8E;
	s25 =	sld [smem:$0x3FFE];
	[sflag:s4] =	ssyncadd.remote.s32 @!p0 $0x1  }
0x2c: {  	s27 =	simm.s32 $execute0_lowered;
	[smem:$0x3FD2] =	sst s26  }
0x2d: {  	s5 =	sshll.u32 s27, $0x1;
	_ =	strace $0x8000004C;
	[dreg:$0x1] =	wrdreg $0xFFFFFFFF  }
0x2e: {  	s28 =	simm.s32 $_size_execute0_lowered;
	s3 =	sadd.s32 s3, s5;
	[dreg:$0x0] =	wrdreg $0x0  }
0x2f: {  	s5 =	sshll.u32 s28, $0x1;
	[dreg:$0x2] =	wrdreg s3  }
0x30: {  	[dreg:$0x3] =	wrdreg s5  }
0x31: {  	[dreg:$0x4] =	wrdreg $0xC0  }
0x32: {  	_ =	task [dreg:s23], $0x5FFFF  }
0x33: {  	[dreg:$0x1] =	wrdreg $0xFFFFFFFF  }
0x34: {  	[dreg:$0x0] =	wrdreg $0x60  }
0x35: {  	[dreg:$0x2] =	wrdreg s25  }
0x36: {  	[dreg:$0x3] =	wrdreg $0xA  }
0x37: {  	_ =	task.clear_ibuf [dreg:s23], $0x4FFFF;
	_ =	strace $0x9000004C  }
0x38: {  	s29 =	simm.s32 $0xA;
	_ =	strace $0x8000004E  }
0x39: {  	_ =	swait.ge [sflag:s29], $0x1  }
0x3a: {  	[sflag:s29] =	ssyncadd.s32 $0xFFFFFFFF  }
0x3b: {  	_ =	strace $0x9000004E  }
0x3c: {  	_ =	sfence  }
0x3d: {  	s30 =	sld [smem:$0x0];
	_ =	sdelay $0x2  }
0x3e: {  	s31 =	sshll.u32 s1, $0xD;
	s1 =	sshrl.u32 s1, $0x2  }
0x3f: {  	s4 =	sand.u32 $0x4000, s31;
	s1 =	sadd.s32 s1, s30  }
0x40: {  	s0 =	sor.u32 s4, s0;
	s1 =	sshll.u32 s1, $0x11  }
0x41: {  	s0 =	sor.u32 s1, s0  }
0x42: {  	s0 =	sadd.s32 $0x8F2B, s0  }
0x43: {  	[sflag:s0] =	ssyncadd.remote.s32 $0x1  }
0x44: {  	_ =	sfence.sel $0xFFFF  }
0x45: {  	[dreg:$0x0] =	wrdreg $0xFFFFFFFF;
	(pc) =	sbr.abs _section_cstart, $3  }
0x46: {  	[dreg:$0x1] =	wrdreg $0xFFFFFFFF  }
0x47: {  	_ =	task.clear_ibuf [dreg:s23], $0x2FFFF;
	_ =	strace $0x9FFFFFFF  }
0x48: {  	(tm) =	ssettm $0x7FFFFFFF  }
0x49: {  	_ =	shalt  }
tec
execute0_lowered:
.L_overlay_start_1:
0x0: {  	(tag) =	ssettag $0x1  }
0x1: {  	s2 =	rddreg [dreg:$0x0]  }
0x2: {  	s0 =	rddreg [dreg:$0x1];
	_ =	strace $0x8000004D;
	s4 =	srdreg.scid  }
0x3: {  	s1 =	stileid.u32;
	s6 =	simm.s32 $0x2;
	s11 =	simm.s32 $0x0  }
.Ltmp0:
0x4: {  	p0 =	por $0x0, $0x0;
	s7 =	simm.s32 $0x1000;
	(pc) =	sbr.rel .LBB1_1-.Ltmp0, $4  }
0x5: {  	s12 =	simm.s32 $0x0;
	s9 =	simm.s32 $0x0;
	s5 =	sshll.u32 s4, $0x4  }
0x6: {  	s8 =	simm.s32 $0x0;
	s4 =	simm.s32 $0x1;
	s5 =	sand.u32 $0x10, s5  }
0x7: {  	s3 =	sadd.s32 $0x200000, s2;
	[sflag:s4] =	ssyncpa.u1 $0x0;
	s5 =	sor.u32 s1, s5  }
0x8: {  	[sflag:s6] =	ssyncpa.u1 $0x0;
	s6 =	simm.s32 $0x800;
	s10 =	smov.u32 s5  }
.LBB1_7:
0x9: {  	s13 =	sadd.s32 $0x10, s9  }
0xa: {  	s11 =	sadd.s32 $0x20, s10;
	s15 =	smov.u32 s10;
	p2 =	sgt.s32 s13, $0x1F  }
0xb: {  	p1 =	slt.u32 s8, $0x2;
	s15 =	smov.u32 @p2 s11  }
0xc: {  	s8 =	sadd.s32 $0x1, s8;
	s13 =	simm.s32 @p2 $0x0;
	p2 =	sgt.s32 s15, $0x1FF  }
0xd: {  	s15 =	smov.u32 @p2 s5;
	p2 =	sne.s32 s8, $0x22  }
.Ltmp1:
0xe: {  	_ = 	snop;
	(pc) =	sbr.rel @!p2 .LBB1_8-.Ltmp1, $4  }
0xf: {  	s14 =	simm.s32 @!p1 $0x2  }
0x10: {  	s12 =	smov.u32 s10;
	_ =	swait.ge @!p1 [sflag:s14], $0x4000  }
0x11: {  	p0 =	por !p0, !p0;
	s11 =	smov.u32 s9;
	[sflag:s14] =	ssyncset.done @!p1 $0x0  }
0x12: {  	s9 =	smov.u32 s13;
	[sflag:s14] =	ssyncadd.s32 @!p1 $0xFFFFC000;
	s10 =	smov.u32 s15  }
.LBB1_1:
0x13: {  	p1 =	sgt.u32 s8, $0x1F  }
0x14: {  	s13 =	sxor.u32 @!p1 $0xFFFFFFFF, s8;
	s14 =	sshll.u32 @!p1 s10, $0xC  }
0x15: {  	s15 =	sshll.u32 @!p1 s9, $0x7;
	s13 =	sshll.u32 @!p1 s13, $0xE;
	s14 =	sadd.s32 @!p1 s3, s14  }
0x16: {  	s13 =	sand.u32 @!p1 $0x4000, s13;
	s14 =	sadd.s32 @!p1 s15, s14;
	s15 =	simm.s32 @!p1 $0x0  }
0x17: {  	[tilespmem:s13], [sflag:$0x1] =	stream.linear.gather @!p1 [hbm4b:s14+s15], $0x4000, $0x38;
	[tilespmem:$0x10000] =	vst v63  }
0x18: {  	p1 =	seq.s32 s8, $0x0  }
0x19: {  	p2 =	seq.s32 @!p1 s8, $0x21  }
0x1a: {  	p1 =	por p1, p2  }
.Ltmp2:
0x1b: {  	_ = 	snop;
	(pc) =	sbr.rel @p1 .LBB1_7-.Ltmp2, $1  }
0x1c: {  	_ =	sdelay $0x3  }
0x1d: {  	s13 =	simm.s32 $0x1;
	_ =	swait.ge [sflag:s4], $0x4000;
	s16 =	sshll.u32 s8, $0xE  }
0x1e: {  	s13 =	simm.s32 @!p0 $0x0;
	[sflag:s4] =	ssyncset.done $0x0;
	s31 =	sand.u32 $0x4000, s16  }
0x1f: {  	s16 =	simm.s32 $0x0;
	s14 =	sshll.u32 s13, $0xE;
	[sflag:s4] =	ssyncadd.s32 $0xFFFFC000  }
0x20: {  	s13 =	sor.u32 $0x8040, s14;
	s15 =	sor.u32 $0x40, s14;
	s14 =	sor.u32 $0x8000, s31  }
.LBB1_3:
0x21: {  	v0 =	vmov s15;
	_ =	sdelay $0x3  }
0x22: {  	s18 =	simm.s32 $0x0  }
0x23: {  	v6 =	vld.idx.msk [tilespmem:v0+s18+$0x30 ss:$0x1], $0xffff  }
0x24: {  	v7 =	vld.idx.msk [tilespmem:v0+s18+$0xFFFFFFC0 ss:$0x1], $0xffff  }
0x25: {  	v5 =	vld.idx.msk [tilespmem:v0+s18+$0xFFFFFFD0 ss:$0x1], $0xffff  }
0x26: {  	v4 =	vld.idx.msk [tilespmem:v0+s18+$0xFFFFFFE0 ss:$0x1], $0xffff  }
0x27: {  	v3 =	vld.idx.msk [tilespmem:v0+s18+$0xFFFFFFF0 ss:$0x1], $0xffff  }
0x28: {  	v1 =	vld.idx.msk [tilespmem:v0+s18+$0x0 ss:$0x1], $0xffff  }
0x29: {  	v2 =	vld.idx.msk [tilespmem:v0+s18+$0x10 ss:$0x1], $0xffff;
	[tilespmem:s13+$0x30] =	vst v6  }
0x2a: {  	s17 =	simm.s32 $0x80;
	s19 =	simm.s32 $0x400;
	[tilespmem:s13+$0xFFFFFFC0] =	vst v7;
	v6 =	vld.idx.msk [tilespmem:v0+s18+$0x20 ss:$0x1], $0xffff;
	s18 =	smov.u32 s13  }
.LBB1_4:
0x2b: {  	p1 =	sne.s32 s19, $0xE00;
	v7 =	vld.idx.msk [tilespmem:v0+s17+$0x30 ss:$0x1], $0xffff;
	[tilespmem:s18+$0xFFFFFFD0] =	vst v5  }
0x2c: {  	v8 =	vld.idx.msk [tilespmem:v0+s17+$0xFFFFFFC0 ss:$0x1], $0xffff;
	[tilespmem:s18+$0xFFFFFFE0] =	vst v4  }
0x2d: {  	v5 =	vld.idx.msk [tilespmem:v0+s17+$0xFFFFFFD0 ss:$0x1], $0xffff;
	[tilespmem:s18+$0xFFFFFFF0] =	vst v3  }
.Ltmp3:
0x2e: {  	v4 =	vld.idx.msk [tilespmem:v0+s17+$0xFFFFFFE0 ss:$0x1], $0xffff;
	[tilespmem:s18+$0x0] =	vst v1;
	(pc) =	sbr.rel @p1 .LBB1_4-.Ltmp3, $4  }
0x2f: {  	v3 =	vld.idx.msk [tilespmem:v0+s17+$0xFFFFFFF0 ss:$0x1], $0xffff;
	[tilespmem:s18+$0x10] =	vst v2  }
0x30: {  	v1 =	vld.idx.msk [tilespmem:v0+s17+$0x0 ss:$0x1], $0xffff;
	[tilespmem:s18+$0x20] =	vst v6;
	s18 =	sadd.s32 $0x800, s18  }
0x31: {  	v2 =	vld.idx.msk [tilespmem:v0+s17+$0x10 ss:$0x1], $0xffff;
	[tilespmem:s18+$0x30] =	vst v7  }
0x32: {  	[tilespmem:s18+$0xFFFFFFC0] =	vst v8;
	v6 =	vld.idx.msk [tilespmem:v0+s17+$0x20 ss:$0x1], $0xffff;
	s17 =	sshra.s32 s19, $0x2;
	s19 =	sadd.s32 $0x200, s19  }
0x33: {  	_ =	sdelay $0x2  }
0x34: {  	[tilespmem:s18+$0xFFFFFFD0] =	vst v5  }
0x35: {  	v56 =	vld.idx.msk [tilespmem:v0+s17+$0x30 ss:$0x1], $0xffff;
	[tilespmem:s18+$0xFFFFFFE0] =	vst v4  }
0x36: {  	v57 =	vld.idx.msk [tilespmem:v0+s17+$0xFFFFFFC0 ss:$0x1], $0xffff;
	[tilespmem:s18+$0xFFFFFFF0] =	vst v3  }
0x37: {  	v58 =	vld.idx.msk [tilespmem:v0+s17+$0xFFFFFFD0 ss:$0x1], $0xffff;
	[tilespmem:s18+$0x0] =	vst v1  }
0x38: {  	v59 =	vld.idx.msk [tilespmem:v0+s17+$0xFFFFFFE0 ss:$0x1], $0xffff;
	[tilespmem:s18+$0x10] =	vst v2  }
0x39: {  	v60 =	vld.idx.msk [tilespmem:v0+s17+$0xFFFFFFF0 ss:$0x1], $0xffff;
	s31 =	sadd.s32 $0x800, s18;
	[tilespmem:s18+$0x20] =	vst v6  }
0x3a: {  	v61 =	vld.idx.msk [tilespmem:v0+s17+$0x0 ss:$0x1], $0xffff;
	[tilespmem:s31+$0x30] =	vst v56  }
0x3b: {  	v62 =	vld.idx.msk [tilespmem:v0+s17+$0x10 ss:$0x1], $0xffff;
	s16 =	sadd.s32 $0x1, s16;
	[tilespmem:s31+$0xFFFFFFC0] =	vst v57  }
0x3c: {  	v63 =	vld.idx.msk [tilespmem:v0+s17+$0x20 ss:$0x1], $0xffff;
	p1 =	sne.s32 s16, $0x10;
	[tilespmem:s31+$0xFFFFFFD0] =	vst v58  }
.Ltmp4:
0x3d: {  	[tilespmem:s31+$0xFFFFFFE0] =	vst v59;
	(pc) =	sbr.rel @p1 .LBB1_3-.Ltmp4, $4  }
0x3e: {  	[tilespmem:s31+$0xFFFFFFF0] =	vst v60  }
0x3f: {  	[tilespmem:s31+$0x0] =	vst v61  }
0x40: {  	[tilespmem:s31+$0x10] =	vst v62  }
0x41: {  	s13 =	sadd.s32 $0x80, s13;
	s15 =	sadd.s32 $0x400, s15;
	[tilespmem:s31+$0x20] =	vst v63  }
.Ltmp5:
0x42: {  	(pc) =	sbr.rel .LBB1_7-.Ltmp5, $4  }
0x43: {  	s12 =	sshll.u32 s12, $0xC;
	s11 =	sshll.u32 s11, $0x4  }
0x44: {  	s11 =	sand.u32 $0x1F0, s11;
	s12 =	sadd.s32 s2, s12  }
0x45: {  	s11 =	sadd.s32 s11, s12  }
0x46: {  	[hbm4b:s11+s6] =	stream.strided.scatter [tilespmem:s14], [sflag:$0x2], $0x4000, s7, s6, $0x38;
	[tilespmem:$0x10000] =	vst v63  }
.LBB1_8:
0x47: {  	_ =	sfence.sel $0x180000  }
0x48: {  	s2 =	simm.s32 $0x1;
	[bflag:$0x0] =	sbarrier.arrive $0xFFFF  }
0x49: {  	s31 =	simm.s32 $0x2;
	[sflag:s2] =	ssyncpa.u1 $0x1  }
0x4a: {  	[sflag:s31] =	ssyncpa.u1 $0x1  }
0x4b: {  	p0 =	sne.s32 s1, $0x0;
	_ =	strace $0x9000004D  }
0x4c: {  	s0 =	sadd.s32 @!p0 $0x100000, s0;
	[bflag:$0x2] =	sbarrier.arrive $0xFFFF  }
0x4d: {  	[sflag:s0] =	ssyncadd.tile.s32 @!p0 $0x1;
	_ =	shalt  }
.Lfunc_end1:
_tile_overlayer_lowered:
.L_overlay_start_2:
0x4e: {  	(tag) =	ssettag $0x2  }
0x4f: {  	s0 =	rddreg [dreg:$0x0];
	s2 =	stileid.u32  }
0x50: {  	s1 =	rddreg [dreg:$0x1];
	p0 =	sne.s32 s2, $0x0  }
0x51: {  	s3 =	rddreg [dreg:$0x2];
	[bflag:$0x3] =	sbarrier.arrive $0xFFFF;
	s2 =	simm.s32 @!p0 $0x1C01  }
0x52: {  	[timem:s3], [sflag:s2] =	dma.local @!p0 [hbm:s0], s1  }
0x53: {  	s0 =	simm.s32 @!p0 $0x1  }
0x54: {  	_ =	swait.ge @!p0 [sflag:s0], s1  }
0x55: {  	s1 =	ssub.s32 @!p0 $0x0, s1;
	[sflag:s0] =	ssyncset.done @!p0 $0x0  }
0x56: {  	[sflag:s0] =	ssyncadd.s32 @!p0 s1  }
0x57: {  	[bflag:$0x3] =	sbarrier.arrive $0xFFFF  }
0x58: {  	_ =	shalt  }

</sc_bundles>
